<compile_context>
chip_gen: v7x
topology: tpu7x:2x2x1
jax: 0.10.2.dev20260603
libtpu: 0.0.44.dev20260713+nightly
codegen_flags: <defaults>
</compile_context>

<pallas_src>
import functools

import jax
import jax.numpy as jnp
from jax import lax
from jax.experimental import pallas as pl
from jax.experimental.pallas import tpu as pltpu
from jax.experimental.pallas import tpu_sc as plsc

_N = 10000
_E = 320000
_H = 128
_I = 16

_NC = 2
_NS = 16
_NW = _NC * _NS
_PARTS = (122880, 122880, 74240)
_NP = 10240
_NROWS = _NP // _NS

_mesh = functools.partial(
    plsc.VectorSubcoreMesh, core_axis_name="c", subcore_axis_name="s"
)


def _silu(x):
    h = x * 0.5
    return h * (1.0 + jnp.tanh(h))


def _sigmoid(x):
    return 0.5 * (1.0 + jnp.tanh(x * 0.5))


def _chunking(epw):
    ch = 128 if epw % 128 == 0 else 80
    return ch, epw // ch


def _proj_body(x_ref, wab_ref, ps_ref, pr_ref):
    ps_ref[...] = jnp.dot(x_ref[0], wab_ref[0], preferred_element_type=jnp.float32)
    pr_ref[...] = jnp.dot(x_ref[1], wab_ref[1], preferred_element_type=jnp.float32)


def _project_nodes(x, wab):
    nb = 2000
    return pl.pallas_call(
        _proj_body,
        grid=(_N // nb,),
        in_specs=[
            pl.BlockSpec((2, nb, _H), lambda i: (0, i, 0)),
            pl.BlockSpec((2, _H, _H), lambda i: (0, 0, 0)),
        ],
        out_specs=[
            pl.BlockSpec((nb, _H), lambda i: (i, 0)),
            pl.BlockSpec((nb, _H), lambda i: (i, 0)),
        ],
        out_shape=[
            jax.ShapeDtypeStruct((_N, _H), jnp.float32),
            jax.ShapeDtypeStruct((_N, _H), jnp.float32),
        ],
    )(x, wab)


def _make_gather(ne):
    epw = ne // _NW
    ch, nchunk = _chunking(epw)
    runt = epw - nchunk * ch

    def _gather_body(ps_hbm, pr_hbm, is_hbm, ir_hbm, g_hbm,
                     idxs_v, idxr_v, rows,
                     sem_is, sem_ir, sem_g1, sem_g2, sem_w,
                     idxs_t=None, idxr_t=None, rows_t=None):
        c = lax.axis_index("c")
        s = lax.axis_index("s")
        base0 = (c * _NS + s) * epw

        def idx_fire(k, p):
            base = base0 + k * ch
            pltpu.async_copy(is_hbm.at[pl.ds(base, ch)], idxs_v.at[p], sem_is.at[p])
            pltpu.async_copy(ir_hbm.at[pl.ds(base, ch)], idxr_v.at[p], sem_ir.at[p])

        def idx_wait(p):
            pltpu.make_async_copy(is_hbm.at[pl.ds(base0, ch)], idxs_v.at[p], sem_is.at[p]).wait()
            pltpu.make_async_copy(ir_hbm.at[pl.ds(base0, ch)], idxr_v.at[p], sem_ir.at[p]).wait()

        def g1_fire(p):
            pltpu.async_copy(ps_hbm.at[idxs_v.at[p]], rows.at[p], sem_g1.at[p])

        def g1_wait(p):
            pltpu.make_async_copy(ps_hbm.at[idxs_v.at[p]], rows.at[p], sem_g1.at[p]).wait()

        def g2_fire(p):
            pltpu.async_copy(pr_hbm.at[idxr_v.at[p]], rows.at[p], sem_g2.at[p], add=True)

        def g2_wait(p):
            pltpu.make_async_copy(pr_hbm.at[idxr_v.at[p]], rows.at[p], sem_g2.at[p]).wait()

        def write_fire(k, p):
            base = base0 + k * ch
            pltpu.async_copy(rows.at[p], g_hbm.at[pl.ds(base, ch)], sem_w.at[p])

        def write_wait(p):
            pltpu.make_async_copy(rows.at[p], g_hbm.at[pl.ds(base0, ch)], sem_w.at[p]).wait()

        idx_fire(0, 0)
        idx_fire(1, 1)
        idx_fire(2, 2)
        idx_fire(3, 3)
        idx_wait(0)
        g1_fire(0)

        def body(k, carry):
            p = lax.rem(k, 4)
            q = lax.rem(k + 1, 4)

            @pl.when(k + 1 < nchunk)
            def _():
                @pl.when(k >= 3)
                def _():
                    write_wait(q)
                idx_wait(q)
                g1_fire(q)

            g1_wait(p)
            g2_fire(p)
            g2_wait(p)
            write_fire(k, p)

            @pl.when(k + 4 < nchunk)
            def _():
                idx_fire(k + 4, p)

            return carry

        lax.fori_loop(0, nchunk, body, 0)
        write_wait(0)
        write_wait(1)
        write_wait(2)
        write_wait(3)

        if runt > 0:
            rbase = base0 + nchunk * ch
            pltpu.sync_copy(is_hbm.at[pl.ds(rbase, runt)], idxs_t)
            pltpu.sync_copy(ir_hbm.at[pl.ds(rbase, runt)], idxr_t)
            pltpu.async_copy(ps_hbm.at[idxs_t], rows_t, sem_g1.at[0]).wait()
            pltpu.async_copy(pr_hbm.at[idxr_t], rows_t, sem_g2.at[0], add=True).wait()
            pltpu.sync_copy(rows_t, g_hbm.at[pl.ds(rbase, runt)])

    scratch = [
        pltpu.VMEM((4, ch), jnp.int32),
        pltpu.VMEM((4, ch), jnp.int32),
        pltpu.VMEM((4, ch, _H), jnp.float32),
        pltpu.SemaphoreType.DMA((4,)),
        pltpu.SemaphoreType.DMA((4,)),
        pltpu.SemaphoreType.DMA((4,)),
        pltpu.SemaphoreType.DMA((4,)),
        pltpu.SemaphoreType.DMA((4,)),
    ]
    if runt > 0:
        scratch += [
            pltpu.VMEM((runt,), jnp.int32),
            pltpu.VMEM((runt,), jnp.int32),
            pltpu.VMEM((runt, _H), jnp.float32),
        ]

    return pl.kernel(
        _gather_body,
        out_type=jax.ShapeDtypeStruct((ne, _H), jnp.float32),
        mesh=_mesh(),
        scratch_types=scratch,
    )


_gathers = [_make_gather(p) for p in _PARTS]


def _mlp_body(g_ref, eat_ref, w1c_ref, b1_ref, w2_ref, b2_ref,
              w3_ref, b3_ref, out_ref):
    ea_proj = lax.dot_general(
        eat_ref[...], w1c_ref[...],
        dimension_numbers=(((0,), (0,)), ((), ())),
        preferred_element_type=jnp.float32,
    )
    pre1 = g_ref[...] + ea_proj + b1_ref[...]
    h = _silu(pre1)
    pre2 = jnp.dot(h, w2_ref[...], preferred_element_type=jnp.float32) + b2_ref[...]
    m = _silu(pre2)
    z = jnp.sum(m * w3_ref[...], axis=1, keepdims=True) + b3_ref[...]
    out_ref[...] = m * _sigmoid(z)


def _pick_eb(ne):
    for m in range(64, 0, -1):
        if ne % (128 * m) == 0:
            return 128 * m
    raise ValueError(ne)


def _edge_mlp(g, eat, w1c, b1, w2, b2, w3row, b3):
    ne = g.shape[0]
    eb = _pick_eb(ne)
    return pl.pallas_call(
        _mlp_body,
        grid=(ne // eb,),
        in_specs=[
            pl.BlockSpec((eb, _H), lambda i: (i, 0)),
            pl.BlockSpec((_I, eb), lambda i: (0, i)),
            pl.BlockSpec((_I, _H), lambda i: (0, 0)),
            pl.BlockSpec((1, _H), lambda i: (0, 0)),
            pl.BlockSpec((_H, _H), lambda i: (0, 0)),
            pl.BlockSpec((1, _H), lambda i: (0, 0)),
            pl.BlockSpec((1, _H), lambda i: (0, 0)),
            pl.BlockSpec((1, 1), lambda i: (0, 0)),
        ],
        out_specs=pl.BlockSpec((eb, _H), lambda i: (i, 0)),
        out_shape=jax.ShapeDtypeStruct((ne, _H), jnp.float32),
    )(g, eat, w1c, b1, w2, b2, w3row, b3)


def _make_scatter(ne):
    epw = ne // _NW
    ch = 80
    nchunk = epw // ch

    def _scatter_body(w_hbm, ir_hbm, zeros_hbm, out_hbm, idx_v, rows_v, acc,
                      sem_i, sem_r, sem_s):
        c = lax.axis_index("c")
        s = lax.axis_index("s")
        row0 = s * _NROWS
        pltpu.sync_copy(zeros_hbm.at[pl.ds(row0, _NROWS)], acc.at[pl.ds(row0, _NROWS)])
        plsc.subcore_barrier()

        base0 = (c * _NS + s) * epw

        def load_fire(k, p):
            base = base0 + k * ch
            pltpu.async_copy(ir_hbm.at[pl.ds(base, ch)], idx_v.at[p], sem_i.at[p])
            pltpu.async_copy(w_hbm.at[pl.ds(base, ch)], rows_v.at[p], sem_r.at[p])

        def load_wait(p):
            pltpu.make_async_copy(ir_hbm.at[pl.ds(base0, ch)], idx_v.at[p], sem_i.at[p]).wait()
            pltpu.make_async_copy(w_hbm.at[pl.ds(base0, ch)], rows_v.at[p], sem_r.at[p]).wait()

        def scat_fire(p):
            pltpu.async_copy(rows_v.at[p], acc.at[idx_v.at[p]], sem_s.at[p], add=True)

        def scat_wait(p):
            pltpu.make_async_copy(rows_v.at[p], acc.at[idx_v.at[p]], sem_s.at[p]).wait()

        load_fire(0, 0)
        load_fire(1, 1)

        def body(k, carry):
            p = lax.rem(k, 3)
            r = lax.rem(k + 2, 3)
            load_wait(p)
            scat_fire(p)

            @pl.when(k + 2 < nchunk)
            def _():
                @pl.when(k >= 1)
                def _():
                    scat_wait(r)
                load_fire(k + 2, r)

            return carry

        lax.fori_loop(0, nchunk, body, 0)
        scat_wait(0)
        scat_wait(1)
        scat_wait(2)
        plsc.subcore_barrier()
        pltpu.sync_copy(acc.at[pl.ds(row0, _NROWS)], out_hbm.at[c, pl.ds(row0, _NROWS)])

    return pl.kernel(
        _scatter_body,
        out_type=jax.ShapeDtypeStruct((_NC, _NP, _H), jnp.float32),
        mesh=_mesh(),
        scratch_types=[
            pltpu.VMEM((3, ch), jnp.int32),
            pltpu.VMEM((3, ch, _H), jnp.float32),
            pltpu.VMEM_SHARED((_NP, _H), jnp.float32),
            pltpu.SemaphoreType.DMA((3,)),
            pltpu.SemaphoreType.DMA((3,)),
            pltpu.SemaphoreType.DMA((3,)),
        ],
    )


_scatters = [_make_scatter(p) for p in _PARTS]


def _add_body(p0_ref, p1_ref, p2_ref, o_ref):
    o_ref[...] = ((p0_ref[0] + p0_ref[1]) + (p1_ref[0] + p1_ref[1])
                  + (p2_ref[0] + p2_ref[1]))


def _sum_partials(parts0, parts1, parts2):
    nb = 2000
    return pl.pallas_call(
        _add_body,
        grid=(_N // nb,),
        in_specs=[
            pl.BlockSpec((2, nb, _H), lambda i: (0, i, 0)),
            pl.BlockSpec((2, nb, _H), lambda i: (0, i, 0)),
            pl.BlockSpec((2, nb, _H), lambda i: (0, i, 0)),
        ],
        out_specs=pl.BlockSpec((nb, _H), lambda i: (i, 0)),
        out_shape=jax.ShapeDtypeStruct((_N, _H), jnp.float32),
    )(parts0, parts1, parts2)


def kernel(x, index, edge_attr, W1, b1, W2, b2, W3, b3):
    idx = index.astype(jnp.int32)
    idx_send = idx[0]
    idx_rec = idx[1]

    wab = jnp.stack([W1[:_H], W1[_H:2 * _H]])
    w1c = W1[2 * _H:]
    b1r = b1.reshape(1, _H)
    b2r = b2.reshape(1, _H)
    w3row = W3.reshape(1, _H)
    b3r = b3.reshape(1, 1)

    ps, pr = _project_nodes(x, wab)
    zeros = jnp.zeros((_NP, _H), jnp.float32)

    eat = edge_attr.T
    bounds = []
    lo = 0
    for p in _PARTS:
        bounds.append((lo, lo + p))
        lo += p
    iss = [idx_send[a:b] for a, b in bounds]
    irs = [idx_rec[a:b] for a, b in bounds]
    eats = [eat[:, a:b] for a, b in bounds]

    gs = [gk(ps, pr, i_s, i_r) for gk, i_s, i_r in zip(_gathers, iss, irs)]
    ws = [_edge_mlp(g, ea, w1c, b1r, W2, b2r, w3row, b3r)
          for g, ea in zip(gs, eats)]
    parts = [sk(w, i_r, zeros) for sk, w, i_r in zip(_scatters, ws, irs)]
    return _sum_partials(*parts)

# --- scband reference (transcript-rebuilt; emitter-appended) ---
"""Pipeline reference for scband-message-layer-82274393522811 (READ-ONLY COPY).

The authoritative reference and input builder live on the scoring server;
editing this copy changes nothing except your own understanding.
"""

import jax, jax.numpy as jnp
import numpy as np

N = 10000
E = 320000
H = 128
I = 16

def _linear_init(key, fan_in, fan_out):
    k1, k2 = jax.random.split(key)
    bound = 1.0 / np.sqrt(fan_in)
    W = jax.random.uniform(k1, (fan_in, fan_out), jnp.float32, -bound, bound)
    b = jax.random.uniform(k2, (fan_out,), jnp.float32, -bound, bound)
    return W, b

def setup_inputs(seed: int = 0) -> dict:
    key = jax.random.key(seed)
    ks = jax.random.split(key, 6)
    x = jax.random.normal(ks[0], (2, N, H), jnp.float32)
    index = jax.random.randint(ks[1], (2, E), 0, N, dtype=jnp.int64)
    edge_attr = jax.random.normal(ks[2], (E, I), jnp.float32)
    W1, b1 = _linear_init(ks[3], 2 * H + I, H)
    W2, b2 = _linear_init(ks[4], H, H)
    W3, b3 = _linear_init(ks[5], H, 1)
    return {"x": x, "index": index, "edge_attr": edge_attr,
            "W1": W1, "b1": b1, "W2": W2, "b2": b2, "W3": W3, "b3": b3}

def reference(x, index, edge_attr, W1, b1, W2, b2, W3, b3):
    index_send = index[0]
    index_rec = index[1]
    x_send = x[0]
    x_rec = x[1]
    sim_send = jnp.take(x_send, index_send, axis=0)
    sim_rec = jnp.take(x_rec, index_rec, axis=0)
    state = jnp.concatenate([sim_send, sim_rec, edge_attr], axis=1)
    h = jax.nn.silu(state @ W1 + b1)
    messages = jax.nn.silu(h @ W2 + b2)
    edge_weights = jax.nn.sigmoid(messages @ W3 + b3)
    weighted = messages * edge_weights
    messages_aggr = jnp.zeros((x_rec.shape[0], weighted.shape[1]), dtype=weighted.dtype).at[index_rec].add(weighted)
    return messages_aggr

if __name__ == "__main__":
    import jax
    _d = setup_inputs()
    print(jax.jit(kernel)(*tuple(_d.values())))

</pallas_src>

<mosaic_0001>
#map = affine_map<(d0, d1) -> (0, 0)>
#map1 = affine_map<(d0, d1) -> (0)>
module attributes {stable_mosaic.version = 14 : i64} {
  func.func @_gather_body(%arg0: i32, %arg1: i32, %arg2: memref<10000x128xf32, #tpu.memory_space<hbm>>, %arg3: memref<10000x128xf32, #tpu.memory_space<hbm>>, %arg4: memref<122880xi32, #tpu.memory_space<hbm>>, %arg5: memref<122880xi32, #tpu.memory_space<hbm>>, %arg6: memref<122880x128xf32, #tpu.memory_space<hbm>>, %arg7: memref<4x128xi32, #tpu.memory_space<vmem>>, %arg8: memref<4x128xi32, #tpu.memory_space<vmem>>, %arg9: memref<4x128x128xf32, #tpu.memory_space<vmem>>, %arg10: memref<4x!tpu.dma_semaphore, #tpu.memory_space<semaphore_mem>>, %arg11: memref<4x!tpu.dma_semaphore, #tpu.memory_space<semaphore_mem>>, %arg12: memref<4x!tpu.dma_semaphore, #tpu.memory_space<semaphore_mem>>, %arg13: memref<4x!tpu.dma_semaphore, #tpu.memory_space<semaphore_mem>>, %arg14: memref<4x!tpu.dma_semaphore, #tpu.memory_space<semaphore_mem>>) attributes {dimension_semantics = [#tpu.dimension_semantics<core_parallel>, #tpu.dimension_semantics<subcore_parallel>], iteration_bounds = array<i64: 2, 16>, scalar_prefetch = 0 : i64, scratch_operands = 8 : i64, tpu.core_type = #tpu.core_type<sc_vector_subcore>, window_params = [{transform_indices = #map}, {transform_indices = #map}, {transform_indices = #map1}, {transform_indices = #map1}, {transform_indices = #map}]} {
    %mul3A = arith.constant 16 : i32
    %mul3A_0 = arith.muli %arg0, %mul3A : i32
    %add3A = arith.addi %mul3A_0, %arg1 : i32
    %mul3A_1 = arith.constant 3840 : i32
    %mul3A_2 = arith.muli %add3A, %mul3A_1 : i32
    %add3A_3 = arith.constant 0 : i32
    %add3A_4 = arith.addi %mul3A_2, %add3A_3 : i32
    %dma_start3A = arith.constant 0 : i32
    %dma_start3A_5 = arith.constant 0 : i32
    %dma_start3A_6 = arith.constant 0 : i32
    %dma_start3A_7 = tpu.memref_slice %arg7[%dma_start3A, %dma_start3A_6] : memref<4x128xi32, #tpu.memory_space<vmem>> -> memref<1x128xi32, #tpu.memory_space<vmem>>
    %dma_start3A_8 = tpu.memref_squeeze %dma_start3A_7 : memref<1x128xi32, #tpu.memory_space<vmem>> -> memref<128xi32, #tpu.memory_space<vmem>>
    %dma_start3A_9 = tpu.memref_slice %arg4[%add3A_4] : memref<122880xi32, #tpu.memory_space<hbm>> -> memref<128xi32, #tpu.memory_space<hbm>>
    %dma_start3A_10 = tpu.memref_slice %arg10[%dma_start3A_5] : memref<4x!tpu.dma_semaphore, #tpu.memory_space<semaphore_mem>> -> memref<1x!tpu.dma_semaphore, #tpu.memory_space<semaphore_mem>>
    %dma_start3A_11 = tpu.memref_squeeze %dma_start3A_10 : memref<1x!tpu.dma_semaphore, #tpu.memory_space<semaphore_mem>> -> memref<!tpu.dma_semaphore, #tpu.memory_space<semaphore_mem>>
    %dma_start3A_12 = arith.constant 0 : i32
    %dma_start3A_13 = tpu.memref_slice %arg7[%dma_start3A, %dma_start3A_12] : memref<4x128xi32, #tpu.memory_space<vmem>> -> memref<1x128xi32, #tpu.memory_space<vmem>>
    %dma_start3A_14 = tpu.memref_squeeze %dma_start3A_13 : memref<1x128xi32, #tpu.memory_space<vmem>> -> memref<128xi32, #tpu.memory_space<vmem>>
    %dma_start3A_15 = tpu.memref_slice %arg4[%add3A_4] : memref<122880xi32, #tpu.memory_space<hbm>> -> memref<128xi32, #tpu.memory_space<hbm>>
    tpu.enqueue_dma source(%dma_start3A_15 : memref<128xi32, #tpu.memory_space<hbm>>) target(%dma_start3A_14 : memref<128xi32, #tpu.memory_space<vmem>>) target_semaphore(%dma_start3A_11 : memref<!tpu.dma_semaphore, #tpu.memory_space<semaphore_mem>>)
    %dma_start3A_16 = arith.constant 0 : i32
    %dma_start3A_17 = arith.constant 0 : i32
    %dma_start3A_18 = arith.constant 0 : i32
    %dma_start3A_19 = tpu.memref_slice %arg8[%dma_start3A_16, %dma_start3A_18] : memref<4x128xi32, #tpu.memory_space<vmem>> -> memref<1x128xi32, #tpu.memory_space<vmem>>
    %dma_start3A_20 = tpu.memref_squeeze %dma_start3A_19 : memref<1x128xi32, #tpu.memory_space<vmem>> -> memref<128xi32, #tpu.memory_space<vmem>>
    %dma_start3A_21 = tpu.memref_slice %arg5[%add3A_4] : memref<122880xi32, #tpu.memory_space<hbm>> -> memref<128xi32, #tpu.memory_space<hbm>>
    %dma_start3A_22 = tpu.memref_slice %arg11[%dma_start3A_17] : memref<4x!tpu.dma_semaphore, #tpu.memory_space<semaphore_mem>> -> memref<1x!tpu.dma_semaphore, #tpu.memory_space<semaphore_mem>>
    %dma_start3A_23 = tpu.memref_squeeze %dma_start3A_22 : memref<1x!tpu.dma_semaphore, #tpu.memory_space<semaphore_mem>> -> memref<!tpu.dma_semaphore, #tpu.memory_space<semaphore_mem>>
    %dma_start3A_24 = arith.constant 0 : i32
    %dma_start3A_25 = tpu.memref_slice %arg8[%dma_start3A_16, %dma_start3A_24] : memref<4x128xi32, #tpu.memory_space<vmem>> -> memref<1x128xi32, #tpu.memory_space<vmem>>
    %dma_start3A_26 = tpu.memref_squeeze %dma_start3A_25 : memref<1x128xi32, #tpu.memory_space<vmem>> -> memref<128xi32, #tpu.memory_space<vmem>>
    %dma_start3A_27 = tpu.memref_slice %arg5[%add3A_4] : memref<122880xi32, #tpu.memory_space<hbm>> -> memref<128xi32, #tpu.memory_space<hbm>>
    tpu.enqueue_dma source(%dma_start3A_27 : memref<128xi32, #tpu.memory_space<hbm>>) target(%dma_start3A_26 : memref<128xi32, #tpu.memory_space<vmem>>) target_semaphore(%dma_start3A_23 : memref<!tpu.dma_semaphore, #tpu.memory_space<semaphore_mem>>)
    %add3A_28 = arith.constant 128 : i32
    %add3A_29 = arith.addi %mul3A_2, %add3A_28 : i32
    %dma_start3A_30 = arith.constant 1 : i32
    %dma_start3A_31 = arith.constant 1 : i32
    %dma_start3A_32 = arith.constant 0 : i32
    %dma_start3A_33 = tpu.memref_slice %arg7[%dma_start3A_30, %dma_start3A_32] : memref<4x128xi32, #tpu.memory_space<vmem>> -> memref<1x128xi32, #tpu.memory_space<vmem>>
    %dma_start3A_34 = tpu.memref_squeeze %dma_start3A_33 : memref<1x128xi32, #tpu.memory_space<vmem>> -> memref<128xi32, #tpu.memory_space<vmem>>
    %dma_start3A_35 = tpu.memref_slice %arg4[%add3A_29] : memref<122880xi32, #tpu.memory_space<hbm>> -> memref<128xi32, #tpu.memory_space<hbm>>
    %dma_start3A_36 = tpu.memref_slice %arg10[%dma_start3A_31] : memref<4x!tpu.dma_semaphore, #tpu.memory_space<semaphore_mem>> -> memref<1x!tpu.dma_semaphore, #tpu.memory_space<semaphore_mem>>
    %dma_start3A_37 = tpu.memref_squeeze %dma_start3A_36 : memref<1x!tpu.dma_semaphore, #tpu.memory_space<semaphore_mem>> -> memref<!tpu.dma_semaphore, #tpu.memory_space<semaphore_mem>>
    %dma_start3A_38 = arith.constant 0 : i32
    %dma_start3A_39 = tpu.memref_slice %arg7[%dma_start3A_30, %dma_start3A_38] : memref<4x128xi32, #tpu.memory_space<vmem>> -> memref<1x128xi32, #tpu.memory_space<vmem>>
    %dma_start3A_40 = tpu.memref_squeeze %dma_start3A_39 : memref<1x128xi32, #tpu.memory_space<vmem>> -> memref<128xi32, #tpu.memory_space<vmem>>
    %dma_start3A_41 = tpu.memref_slice %arg4[%add3A_29] : memref<122880xi32, #tpu.memory_space<hbm>> -> memref<128xi32, #tpu.memory_space<hbm>>
    tpu.enqueue_dma source(%dma_start3A_41 : memref<128xi32, #tpu.memory_space<hbm>>) target(%dma_start3A_40 : memref<128xi32, #tpu.memory_space<vmem>>) target_semaphore(%dma_start3A_37 : memref<!tpu.dma_semaphore, #tpu.memory_space<semaphore_mem>>)
    %dma_start3A_42 = arith.constant 1 : i32
    %dma_start3A_43 = arith.constant 1 : i32
    %dma_start3A_44 = arith.constant 0 : i32
    %dma_start3A_45 = tpu.memref_slice %arg8[%dma_start3A_42, %dma_start3A_44] : memref<4x128xi32, #tpu.memory_space<vmem>> -> memref<1x128xi32, #tpu.memory_space<vmem>>
    %dma_start3A_46 = tpu.memref_squeeze %dma_start3A_45 : memref<1x128xi32, #tpu.memory_space<vmem>> -> memref<128xi32, #tpu.memory_space<vmem>>
    %dma_start3A_47 = tpu.memref_slice %arg5[%add3A_29] : memref<122880xi32, #tpu.memory_space<hbm>> -> memref<128xi32, #tpu.memory_space<hbm>>
    %dma_start3A_48 = tpu.memref_slice %arg11[%dma_start3A_43] : memref<4x!tpu.dma_semaphore, #tpu.memory_space<semaphore_mem>> -> memref<1x!tpu.dma_semaphore, #tpu.memory_space<semaphore_mem>>
    %dma_start3A_49 = tpu.memref_squeeze %dma_start3A_48 : memref<1x!tpu.dma_semaphore, #tpu.memory_space<semaphore_mem>> -> memref<!tpu.dma_semaphore, #tpu.memory_space<semaphore_mem>>
    %dma_start3A_50 = arith.constant 0 : i32
    %dma_start3A_51 = tpu.memref_slice %arg8[%dma_start3A_42, %dma_start3A_50] : memref<4x128xi32, #tpu.memory_space<vmem>> -> memref<1x128xi32, #tpu.memory_space<vmem>>
    %dma_start3A_52 = tpu.memref_squeeze %dma_start3A_51 : memref<1x128xi32, #tpu.memory_space<vmem>> -> memref<128xi32, #tpu.memory_space<vmem>>
    %dma_start3A_53 = tpu.memref_slice %arg5[%add3A_29] : memref<122880xi32, #tpu.memory_space<hbm>> -> memref<128xi32, #tpu.memory_space<hbm>>
    tpu.enqueue_dma source(%dma_start3A_53 : memref<128xi32, #tpu.memory_space<hbm>>) target(%dma_start3A_52 : memref<128xi32, #tpu.memory_space<vmem>>) target_semaphore(%dma_start3A_49 : memref<!tpu.dma_semaphore, #tpu.memory_space<semaphore_mem>>)
    %add3A_54 = arith.constant 256 : i32
    %add3A_55 = arith.addi %mul3A_2, %add3A_54 : i32
    %dma_start3A_56 = arith.constant 2 : i32
    %dma_start3A_57 = arith.constant 2 : i32
    %dma_start3A_58 = arith.constant 0 : i32
    %dma_start3A_59 = tpu.memref_slice %arg7[%dma_start3A_56, %dma_start3A_58] : memref<4x128xi32, #tpu.memory_space<vmem>> -> memref<1x128xi32, #tpu.memory_space<vmem>>
    %dma_start3A_60 = tpu.memref_squeeze %dma_start3A_59 : memref<1x128xi32, #tpu.memory_space<vmem>> -> memref<128xi32, #tpu.memory_space<vmem>>
    %dma_start3A_61 = tpu.memref_slice %arg4[%add3A_55] : memref<122880xi32, #tpu.memory_space<hbm>> -> memref<128xi32, #tpu.memory_space<hbm>>
    %dma_start3A_62 = tpu.memref_slice %arg10[%dma_start3A_57] : memref<4x!tpu.dma_semaphore, #tpu.memory_space<semaphore_mem>> -> memref<1x!tpu.dma_semaphore, #tpu.memory_space<semaphore_mem>>
    %dma_start3A_63 = tpu.memref_squeeze %dma_start3A_62 : memref<1x!tpu.dma_semaphore, #tpu.memory_space<semaphore_mem>> -> memref<!tpu.dma_semaphore, #tpu.memory_space<semaphore_mem>>
    %dma_start3A_64 = arith.constant 0 : i32
    %dma_start3A_65 = tpu.memref_slice %arg7[%dma_start3A_56, %dma_start3A_64] : memref<4x128xi32, #tpu.memory_space<vmem>> -> memref<1x128xi32, #tpu.memory_space<vmem>>
    %dma_start3A_66 = tpu.memref_squeeze %dma_start3A_65 : memref<1x128xi32, #tpu.memory_space<vmem>> -> memref<128xi32, #tpu.memory_space<vmem>>
    %dma_start3A_67 = tpu.memref_slice %arg4[%add3A_55] : memref<122880xi32, #tpu.memory_space<hbm>> -> memref<128xi32, #tpu.memory_space<hbm>>
    tpu.enqueue_dma source(%dma_start3A_67 : memref<128xi32, #tpu.memory_space<hbm>>) target(%dma_start3A_66 : memref<128xi32, #tpu.memory_space<vmem>>) target_semaphore(%dma_start3A_63 : memref<!tpu.dma_semaphore, #tpu.memory_space<semaphore_mem>>)
    %dma_start3A_68 = arith.constant 2 : i32
    %dma_start3A_69 = arith.constant 2 : i32
    %dma_start3A_70 = arith.constant 0 : i32
    %dma_start3A_71 = tpu.memref_slice %arg8[%dma_start3A_68, %dma_start3A_70] : memref<4x128xi32, #tpu.memory_space<vmem>> -> memref<1x128xi32, #tpu.memory_space<vmem>>
    %dma_start3A_72 = tpu.memref_squeeze %dma_start3A_71 : memref<1x128xi32, #tpu.memory_space<vmem>> -> memref<128xi32, #tpu.memory_space<vmem>>
    %dma_start3A_73 = tpu.memref_slice %arg5[%add3A_55] : memref<122880xi32, #tpu.memory_space<hbm>> -> memref<128xi32, #tpu.memory_space<hbm>>
    %dma_start3A_74 = tpu.memref_slice %arg11[%dma_start3A_69] : memref<4x!tpu.dma_semaphore, #tpu.memory_space<semaphore_mem>> -> memref<1x!tpu.dma_semaphore, #tpu.memory_space<semaphore_mem>>
    %dma_start3A_75 = tpu.memref_squeeze %dma_start3A_74 : memref<1x!tpu.dma_semaphore, #tpu.memory_space<semaphore_mem>> -> memref<!tpu.dma_semaphore, #tpu.memory_space<semaphore_mem>>
    %dma_start3A_76 = arith.constant 0 : i32
    %dma_start3A_77 = tpu.memref_slice %arg8[%dma_start3A_68, %dma_start3A_76] : memref<4x128xi32, #tpu.memory_space<vmem>> -> memref<1x128xi32, #tpu.memory_space<vmem>>
    %dma_start3A_78 = tpu.memref_squeeze %dma_start3A_77 : memref<1x128xi32, #tpu.memory_space<vmem>> -> memref<128xi32, #tpu.memory_space<vmem>>
    %dma_start3A_79 = tpu.memref_slice %arg5[%add3A_55] : memref<122880xi32, #tpu.memory_space<hbm>> -> memref<128xi32, #tpu.memory_space<hbm>>
    tpu.enqueue_dma source(%dma_start3A_79 : memref<128xi32, #tpu.memory_space<hbm>>) target(%dma_start3A_78 : memref<128xi32, #tpu.memory_space<vmem>>) target_semaphore(%dma_start3A_75 : memref<!tpu.dma_semaphore, #tpu.memory_space<semaphore_mem>>)
    %add3A_80 = arith.constant 384 : i32
    %add3A_81 = arith.addi %mul3A_2, %add3A_80 : i32
    %dma_start3A_82 = arith.constant 3 : i32
    %dma_start3A_83 = arith.constant 3 : i32
    %dma_start3A_84 = arith.constant 0 : i32
    %dma_start3A_85 = tpu.memref_slice %arg7[%dma_start3A_82, %dma_start3A_84] : memref<4x128xi32, #tpu.memory_space<vmem>> -> memref<1x128xi32, #tpu.memory_space<vmem>>
    %dma_start3A_86 = tpu.memref_squeeze %dma_start3A_85 : memref<1x128xi32, #tpu.memory_space<vmem>> -> memref<128xi32, #tpu.memory_space<vmem>>
    %dma_start3A_87 = tpu.memref_slice %arg4[%add3A_81] : memref<122880xi32, #tpu.memory_space<hbm>> -> memref<128xi32, #tpu.memory_space<hbm>>
    %dma_start3A_88 = tpu.memref_slice %arg10[%dma_start3A_83] : memref<4x!tpu.dma_semaphore, #tpu.memory_space<semaphore_mem>> -> memref<1x!tpu.dma_semaphore, #tpu.memory_space<semaphore_mem>>
    %dma_start3A_89 = tpu.memref_squeeze %dma_start3A_88 : memref<1x!tpu.dma_semaphore, #tpu.memory_space<semaphore_mem>> -> memref<!tpu.dma_semaphore, #tpu.memory_space<semaphore_mem>>
    %dma_start3A_90 = arith.constant 0 : i32
    %dma_start3A_91 = tpu.memref_slice %arg7[%dma_start3A_82, %dma_start3A_90] : memref<4x128xi32, #tpu.memory_space<vmem>> -> memref<1x128xi32, #tpu.memory_space<vmem>>
    %dma_start3A_92 = tpu.memref_squeeze %dma_start3A_91 : memref<1x128xi32, #tpu.memory_space<vmem>> -> memref<128xi32, #tpu.memory_space<vmem>>
    %dma_start3A_93 = tpu.memref_slice %arg4[%add3A_81] : memref<122880xi32, #tpu.memory_space<hbm>> -> memref<128xi32, #tpu.memory_space<hbm>>
    tpu.enqueue_dma source(%dma_start3A_93 : memref<128xi32, #tpu.memory_space<hbm>>) target(%dma_start3A_92 : memref<128xi32, #tpu.memory_space<vmem>>) target_semaphore(%dma_start3A_89 : memref<!tpu.dma_semaphore, #tpu.memory_space<semaphore_mem>>)
    %dma_start3A_94 = arith.constant 3 : i32
    %dma_start3A_95 = arith.constant 3 : i32
    %dma_start3A_96 = arith.constant 0 : i32
    %dma_start3A_97 = tpu.memref_slice %arg8[%dma_start3A_94, %dma_start3A_96] : memref<4x128xi32, #tpu.memory_space<vmem>> -> memref<1x128xi32, #tpu.memory_space<vmem>>
    %dma_start3A_98 = tpu.memref_squeeze %dma_start3A_97 : memref<1x128xi32, #tpu.memory_space<vmem>> -> memref<128xi32, #tpu.memory_space<vmem>>
    %dma_start3A_99 = tpu.memref_slice %arg5[%add3A_81] : memref<122880xi32, #tpu.memory_space<hbm>> -> memref<128xi32, #tpu.memory_space<hbm>>
    %dma_start3A_100 = tpu.memref_slice %arg11[%dma_start3A_95] : memref<4x!tpu.dma_semaphore, #tpu.memory_space<semaphore_mem>> -> memref<1x!tpu.dma_semaphore, #tpu.memory_space<semaphore_mem>>
    %dma_start3A_101 = tpu.memref_squeeze %dma_start3A_100 : memref<1x!tpu.dma_semaphore, #tpu.memory_space<semaphore_mem>> -> memref<!tpu.dma_semaphore, #tpu.memory_space<semaphore_mem>>
    %dma_start3A_102 = arith.constant 0 : i32
    %dma_start3A_103 = tpu.memref_slice %arg8[%dma_start3A_94, %dma_start3A_102] : memref<4x128xi32, #tpu.memory_space<vmem>> -> memref<1x128xi32, #tpu.memory_space<vmem>>
    %dma_start3A_104 = tpu.memref_squeeze %dma_start3A_103 : memref<1x128xi32, #tpu.memory_space<vmem>> -> memref<128xi32, #tpu.memory_space<vmem>>
    %dma_start3A_105 = tpu.memref_slice %arg5[%add3A_81] : memref<122880xi32, #tpu.memory_space<hbm>> -> memref<128xi32, #tpu.memory_space<hbm>>
    tpu.enqueue_dma source(%dma_start3A_105 : memref<128xi32, #tpu.memory_space<hbm>>) target(%dma_start3A_104 : memref<128xi32, #tpu.memory_space<vmem>>) target_semaphore(%dma_start3A_101 : memref<!tpu.dma_semaphore, #tpu.memory_space<semaphore_mem>>)
    %dma_wait3A = arith.constant 0 : i32
    %dma_wait3A_106 = arith.constant 0 : i32
    %dma_wait3A_107 = arith.constant 0 : i32
    %dma_wait3A_108 = tpu.memref_slice %arg7[%dma_wait3A, %dma_wait3A_107] : memref<4x128xi32, #tpu.memory_space<vmem>> -> memref<1x128xi32, #tpu.memory_space<vmem>>
    %dma_wait3A_109 = tpu.memref_squeeze %dma_wait3A_108 : memref<1x128xi32, #tpu.memory_space<vmem>> -> memref<128xi32, #tpu.memory_space<vmem>>
    %dma_wait3A_110 = tpu.memref_slice %arg4[%mul3A_2] : memref<122880xi32, #tpu.memory_space<hbm>> -> memref<128xi32, #tpu.memory_space<hbm>>
    %dma_wait3A_111 = tpu.memref_slice %arg10[%dma_wait3A_106] : memref<4x!tpu.dma_semaphore, #tpu.memory_space<semaphore_mem>> -> memref<1x!tpu.dma_semaphore, #tpu.memory_space<semaphore_mem>>
    %dma_wait3A_112 = tpu.memref_squeeze %dma_wait3A_111 : memref<1x!tpu.dma_semaphore, #tpu.memory_space<semaphore_mem>> -> memref<!tpu.dma_semaphore, #tpu.memory_space<semaphore_mem>>
    %dma_wait3A_113 = arith.constant 0 : i32
    %dma_wait3A_114 = tpu.memref_slice %arg7[%dma_wait3A, %dma_wait3A_113] : memref<4x128xi32, #tpu.memory_space<vmem>> -> memref<1x128xi32, #tpu.memory_space<vmem>>
    %dma_wait3A_115 = tpu.memref_squeeze %dma_wait3A_114 : memref<1x128xi32, #tpu.memory_space<vmem>> -> memref<128xi32, #tpu.memory_space<vmem>>
    %dma_wait3A_116 = tpu.memref_slice %arg4[%mul3A_2] : memref<122880xi32, #tpu.memory_space<hbm>> -> memref<128xi32, #tpu.memory_space<hbm>>
    tpu.wait_dma2 semaphore(%dma_wait3A_112 : memref<!tpu.dma_semaphore, #tpu.memory_space<semaphore_mem>>) src(%dma_wait3A_116 : memref<128xi32, #tpu.memory_space<hbm>>) dst(%dma_wait3A_115 : memref<128xi32, #tpu.memory_space<vmem>>)
    %dma_wait3A_117 = arith.constant 0 : i32
    %dma_wait3A_118 = arith.constant 0 : i32
    %dma_wait3A_119 = arith.constant 0 : i32
    %dma_wait3A_120 = tpu.memref_slice %arg8[%dma_wait3A_117, %dma_wait3A_119] : memref<4x128xi32, #tpu.memory_space<vmem>> -> memref<1x128xi32, #tpu.memory_space<vmem>>
    %dma_wait3A_121 = tpu.memref_squeeze %dma_wait3A_120 : memref<1x128xi32, #tpu.memory_space<vmem>> -> memref<128xi32, #tpu.memory_space<vmem>>
    %dma_wait3A_122 = tpu.memref_slice %arg5[%mul3A_2] : memref<122880xi32, #tpu.memory_space<hbm>> -> memref<128xi32, #tpu.memory_space<hbm>>
    %dma_wait3A_123 = tpu.memref_slice %arg11[%dma_wait3A_118] : memref<4x!tpu.dma_semaphore, #tpu.memory_space<semaphore_mem>> -> memref<1x!tpu.dma_semaphore, #tpu.memory_space<semaphore_mem>>
    %dma_wait3A_124 = tpu.memref_squeeze %dma_wait3A_123 : memref<1x!tpu.dma_semaphore, #tpu.memory_space<semaphore_mem>> -> memref<!tpu.dma_semaphore, #tpu.memory_space<semaphore_mem>>
    %dma_wait3A_125 = arith.constant 0 : i32
    %dma_wait3A_126 = tpu.memref_slice %arg8[%dma_wait3A_117, %dma_wait3A_125] : memref<4x128xi32, #tpu.memory_space<vmem>> -> memref<1x128xi32, #tpu.memory_space<vmem>>
    %dma_wait3A_127 = tpu.memref_squeeze %dma_wait3A_126 : memref<1x128xi32, #tpu.memory_space<vmem>> -> memref<128xi32, #tpu.memory_space<vmem>>
    %dma_wait3A_128 = tpu.memref_slice %arg5[%mul3A_2] : memref<122880xi32, #tpu.memory_space<hbm>> -> memref<128xi32, #tpu.memory_space<hbm>>
    tpu.wait_dma2 semaphore(%dma_wait3A_124 : memref<!tpu.dma_semaphore, #tpu.memory_space<semaphore_mem>>) src(%dma_wait3A_128 : memref<128xi32, #tpu.memory_space<hbm>>) dst(%dma_wait3A_127 : memref<128xi32, #tpu.memory_space<vmem>>)
    %dma_start3A_129 = arith.constant 0 : i32
    %dma_start3A_130 = arith.constant 0 : i32
    %dma_start3A_131 = arith.constant 0 : i32
    %dma_start3A_132 = arith.constant 0 : i32
    %dma_start3A_133 = arith.constant 0 : i32
    %dma_start3A_134 = tpu.memref_slice %arg9[%dma_start3A_130, %dma_start3A_132, %dma_start3A_133] : memref<4x128x128xf32, #tpu.memory_space<vmem>> -> memref<1x128x128xf32, #tpu.memory_space<vmem>>
    %dma_start3A_135 = tpu.memref_squeeze %dma_start3A_134 : memref<1x128x128xf32, #tpu.memory_space<vmem>> -> memref<128x128xf32, #tpu.memory_space<vmem>>
    %dma_start3A_136 = arith.constant 0 : i32
    %dma_start3A_137 = tpu.memref_slice %arg7[%dma_start3A_129, %dma_start3A_136] : memref<4x128xi32, #tpu.memory_space<vmem>> -> memref<1x128xi32, #tpu.memory_space<vmem>>
    %dma_start3A_138 = tpu.memref_squeeze %dma_start3A_137 : memref<1x128xi32, #tpu.memory_space<vmem>> -> memref<128xi32, #tpu.memory_space<vmem>>
    %dma_start3A_139 = arith.constant 0 : i32
    %dma_start3A_140 = arith.constant 0 : i32
    %dma_start3A_141 = tpu.memref_slice %arg2[%dma_start3A_139, %dma_start3A_140] : memref<10000x128xf32, #tpu.memory_space<hbm>> -> memref<10000x128xf32, #tpu.memory_space<hbm>>
    %dma_start3A_142 = tpu.memref_slice %arg12[%dma_start3A_131] : memref<4x!tpu.dma_semaphore, #tpu.memory_space<semaphore_mem>> -> memref<1x!tpu.dma_semaphore, #tpu.memory_space<semaphore_mem>>
    %dma_start3A_143 = tpu.memref_squeeze %dma_start3A_142 : memref<1x!tpu.dma_semaphore, #tpu.memory_space<semaphore_mem>> -> memref<!tpu.dma_semaphore, #tpu.memory_space<semaphore_mem>>
    tpu.enqueue_indirect_dma source(%dma_start3A_141 : memref<10000x128xf32, #tpu.memory_space<hbm>>) target(%dma_start3A_135 : memref<128x128xf32, #tpu.memory_space<vmem>>) offsets(%dma_start3A_138 : memref<128xi32, #tpu.memory_space<vmem>>) semaphore(%dma_start3A_143 : memref<!tpu.dma_semaphore, #tpu.memory_space<semaphore_mem>>)
    %scan3A = arith.constant 0 : i32
    %scan3A_144 = arith.constant 0 : i32
    %scan3A_145 = arith.constant 30 : i32
    %scan3A_146 = arith.addi %scan3A_144, %scan3A_145 : i32
    %scan3A_147 = arith.constant 1 : i32
    scf.for %scan3A_213 = %scan3A_144 to %scan3A_146 step %scan3A_147  : i32 {
      %rem3A = arith.constant 4 : i32
      %rem3A_214 = arith.remsi %scan3A_213, %rem3A : i32
      %add3A_215 = arith.constant 1 : i32
      %add3A_216 = arith.addi %scan3A_213, %add3A_215 : i32
      %rem3A_217 = arith.constant 4 : i32
      %rem3A_218 = arith.remsi %add3A_216, %rem3A_217 : i32
      %add3A_219 = arith.constant 1 : i32
      %add3A_220 = arith.addi %scan3A_213, %add3A_219 : i32
      %lt3A = arith.constant 30 : i32
      %lt3A_221 = arith.cmpi slt, %add3A_220, %lt3A : i32
      %convert_element_type3A = arith.extui %lt3A_221 : i1 to i32
      %cond3A = arith.constant 0 : i32
      %cond3A_222 = arith.cmpi ne, %convert_element_type3A, %cond3A : i32
      scf.if %cond3A_222 {
        %ge3A = arith.constant 3 : i32
        %ge3A_283 = arith.cmpi sge, %scan3A_213, %ge3A : i32
        %convert_element_type3A_284 = arith.extui %ge3A_283 : i1 to i32
        %cond3A_285 = arith.constant 0 : i32
        %cond3A_286 = arith.cmpi ne, %convert_element_type3A_284, %cond3A_285 : i32
        scf.if %cond3A_286 {
          %dma_wait3A_319 = arith.constant 0 : i32
          %dma_wait3A_320 = arith.constant 0 : i32
          %dma_wait3A_321 = tpu.memref_slice %arg9[%rem3A_218, %dma_wait3A_319, %dma_wait3A_320] : memref<4x128x128xf32, #tpu.memory_space<vmem>> -> memref<1x128x128xf32, #tpu.memory_space<vmem>>
          %dma_wait3A_322 = tpu.memref_squeeze %dma_wait3A_321 : memref<1x128x128xf32, #tpu.memory_space<vmem>> -> memref<128x128xf32, #tpu.memory_space<vmem>>
          %dma_wait3A_323 = arith.constant 0 : i32
          %dma_wait3A_324 = tpu.memref_slice %arg6[%mul3A_2, %dma_wait3A_323] : memref<122880x128xf32, #tpu.memory_space<hbm>> -> memref<128x128xf32, #tpu.memory_space<hbm>>
          %dma_wait3A_325 = tpu.memref_slice %arg14[%rem3A_218] : memref<4x!tpu.dma_semaphore, #tpu.memory_space<semaphore_mem>> -> memref<1x!tpu.dma_semaphore, #tpu.memory_space<semaphore_mem>>
          %dma_wait3A_326 = tpu.memref_squeeze %dma_wait3A_325 : memref<1x!tpu.dma_semaphore, #tpu.memory_space<semaphore_mem>> -> memref<!tpu.dma_semaphore, #tpu.memory_space<semaphore_mem>>
          %dma_wait3A_327 = arith.constant 0 : i32
          %dma_wait3A_328 = tpu.memref_slice %arg6[%mul3A_2, %dma_wait3A_327] : memref<122880x128xf32, #tpu.memory_space<hbm>> -> memref<128x128xf32, #tpu.memory_space<hbm>>
          %dma_wait3A_329 = arith.constant 0 : i32
          %dma_wait3A_330 = arith.constant 0 : i32
          %dma_wait3A_331 = tpu.memref_slice %arg9[%rem3A_218, %dma_wait3A_329, %dma_wait3A_330] : memref<4x128x128xf32, #tpu.memory_space<vmem>> -> memref<1x128x128xf32, #tpu.memory_space<vmem>>
          %dma_wait3A_332 = tpu.memref_squeeze %dma_wait3A_331 : memref<1x128x128xf32, #tpu.memory_space<vmem>> -> memref<128x128xf32, #tpu.memory_space<vmem>>
          tpu.wait_dma2 semaphore(%dma_wait3A_326 : memref<!tpu.dma_semaphore, #tpu.memory_space<semaphore_mem>>) src(%dma_wait3A_332 : memref<128x128xf32, #tpu.memory_space<vmem>>) dst(%dma_wait3A_328 : memref<128x128xf32, #tpu.memory_space<hbm>>)
        } else {
        }
        %dma_wait3A_287 = arith.constant 0 : i32
        %dma_wait3A_288 = tpu.memref_slice %arg7[%rem3A_218, %dma_wait3A_287] : memref<4x128xi32, #tpu.memory_space<vmem>> -> memref<1x128xi32, #tpu.memory_space<vmem>>
        %dma_wait3A_289 = tpu.memref_squeeze %dma_wait3A_288 : memref<1x128xi32, #tpu.memory_space<vmem>> -> memref<128xi32, #tpu.memory_space<vmem>>
        %dma_wait3A_290 = tpu.memref_slice %arg4[%mul3A_2] : memref<122880xi32, #tpu.memory_space<hbm>> -> memref<128xi32, #tpu.memory_space<hbm>>
        %dma_wait3A_291 = tpu.memref_slice %arg10[%rem3A_218] : memref<4x!tpu.dma_semaphore, #tpu.memory_space<semaphore_mem>> -> memref<1x!tpu.dma_semaphore, #tpu.memory_space<semaphore_mem>>
        %dma_wait3A_292 = tpu.memref_squeeze %dma_wait3A_291 : memref<1x!tpu.dma_semaphore, #tpu.memory_space<semaphore_mem>> -> memref<!tpu.dma_semaphore, #tpu.memory_space<semaphore_mem>>
        %dma_wait3A_293 = arith.constant 0 : i32
        %dma_wait3A_294 = tpu.memref_slice %arg7[%rem3A_218, %dma_wait3A_293] : memref<4x128xi32, #tpu.memory_space<vmem>> -> memref<1x128xi32, #tpu.memory_space<vmem>>
        %dma_wait3A_295 = tpu.memref_squeeze %dma_wait3A_294 : memref<1x128xi32, #tpu.memory_space<vmem>> -> memref<128xi32, #tpu.memory_space<vmem>>
        %dma_wait3A_296 = tpu.memref_slice %arg4[%mul3A_2] : memref<122880xi32, #tpu.memory_space<hbm>> -> memref<128xi32, #tpu.memory_space<hbm>>
        tpu.wait_dma2 semaphore(%dma_wait3A_292 : memref<!tpu.dma_semaphore, #tpu.memory_space<semaphore_mem>>) src(%dma_wait3A_296 : memref<128xi32, #tpu.memory_space<hbm>>) dst(%dma_wait3A_295 : memref<128xi32, #tpu.memory_space<vmem>>)
        %dma_wait3A_297 = arith.constant 0 : i32
        %dma_wait3A_298 = tpu.memref_slice %arg8[%rem3A_218, %dma_wait3A_297] : memref<4x128xi32, #tpu.memory_space<vmem>> -> memref<1x128xi32, #tpu.memory_space<vmem>>
        %dma_wait3A_299 = tpu.memref_squeeze %dma_wait3A_298 : memref<1x128xi32, #tpu.memory_space<vmem>> -> memref<128xi32, #tpu.memory_space<vmem>>
        %dma_wait3A_300 = tpu.memref_slice %arg5[%mul3A_2] : memref<122880xi32, #tpu.memory_space<hbm>> -> memref<128xi32, #tpu.memory_space<hbm>>
        %dma_wait3A_301 = tpu.memref_slice %arg11[%rem3A_218] : memref<4x!tpu.dma_semaphore, #tpu.memory_space<semaphore_mem>> -> memref<1x!tpu.dma_semaphore, #tpu.memory_space<semaphore_mem>>
        %dma_wait3A_302 = tpu.memref_squeeze %dma_wait3A_301 : memref<1x!tpu.dma_semaphore, #tpu.memory_space<semaphore_mem>> -> memref<!tpu.dma_semaphore, #tpu.memory_space<semaphore_mem>>
        %dma_wait3A_303 = arith.constant 0 : i32
        %dma_wait3A_304 = tpu.memref_slice %arg8[%rem3A_218, %dma_wait3A_303] : memref<4x128xi32, #tpu.memory_space<vmem>> -> memref<1x128xi32, #tpu.memory_space<vmem>>
        %dma_wait3A_305 = tpu.memref_squeeze %dma_wait3A_304 : memref<1x128xi32, #tpu.memory_space<vmem>> -> memref<128xi32, #tpu.memory_space<vmem>>
        %dma_wait3A_306 = tpu.memref_slice %arg5[%mul3A_2] : memref<122880xi32, #tpu.memory_space<hbm>> -> memref<128xi32, #tpu.memory_space<hbm>>
        tpu.wait_dma2 semaphore(%dma_wait3A_302 : memref<!tpu.dma_semaphore, #tpu.memory_space<semaphore_mem>>) src(%dma_wait3A_306 : memref<128xi32, #tpu.memory_space<hbm>>) dst(%dma_wait3A_305 : memref<128xi32, #tpu.memory_space<vmem>>)
        %dma_start3A_307 = arith.constant 0 : i32
        %dma_start3A_308 = arith.constant 0 : i32
        %dma_start3A_309 = tpu.memref_slice %arg9[%rem3A_218, %dma_start3A_307, %dma_start3A_308] : memref<4x128x128xf32, #tpu.memory_space<vmem>> -> memref<1x128x128xf32, #tpu.memory_space<vmem>>
        %dma_start3A_310 = tpu.memref_squeeze %dma_start3A_309 : memref<1x128x128xf32, #tpu.memory_space<vmem>> -> memref<128x128xf32, #tpu.memory_space<vmem>>
        %dma_start3A_311 = arith.constant 0 : i32
        %dma_start3A_312 = tpu.memref_slice %arg7[%rem3A_218, %dma_start3A_311] : memref<4x128xi32, #tpu.memory_space<vmem>> -> memref<1x128xi32, #tpu.memory_space<vmem>>
        %dma_start3A_313 = tpu.memref_squeeze %dma_start3A_312 : memref<1x128xi32, #tpu.memory_space<vmem>> -> memref<128xi32, #tpu.memory_space<vmem>>
        %dma_start3A_314 = arith.constant 0 : i32
        %dma_start3A_315 = arith.constant 0 : i32
        %dma_start3A_316 = tpu.memref_slice %arg2[%dma_start3A_314, %dma_start3A_315] : memref<10000x128xf32, #tpu.memory_space<hbm>> -> memref<10000x128xf32, #tpu.memory_space<hbm>>
        %dma_start3A_317 = tpu.memref_slice %arg12[%rem3A_218] : memref<4x!tpu.dma_semaphore, #tpu.memory_space<semaphore_mem>> -> memref<1x!tpu.dma_semaphore, #tpu.memory_space<semaphore_mem>>
        %dma_start3A_318 = tpu.memref_squeeze %dma_start3A_317 : memref<1x!tpu.dma_semaphore, #tpu.memory_space<semaphore_mem>> -> memref<!tpu.dma_semaphore, #tpu.memory_space<semaphore_mem>>
        tpu.enqueue_indirect_dma source(%dma_start3A_316 : memref<10000x128xf32, #tpu.memory_space<hbm>>) target(%dma_start3A_310 : memref<128x128xf32, #tpu.memory_space<vmem>>) offsets(%dma_start3A_313 : memref<128xi32, #tpu.memory_space<vmem>>) semaphore(%dma_start3A_318 : memref<!tpu.dma_semaphore, #tpu.memory_space<semaphore_mem>>)
      } else {
      }
      %dma_wait3A_223 = arith.constant 0 : i32
      %dma_wait3A_224 = arith.constant 0 : i32
      %dma_wait3A_225 = tpu.memref_slice %arg9[%rem3A_214, %dma_wait3A_223, %dma_wait3A_224] : memref<4x128x128xf32, #tpu.memory_space<vmem>> -> memref<1x128x128xf32, #tpu.memory_space<vmem>>
      %dma_wait3A_226 = tpu.memref_squeeze %dma_wait3A_225 : memref<1x128x128xf32, #tpu.memory_space<vmem>> -> memref<128x128xf32, #tpu.memory_space<vmem>>
      %dma_wait3A_227 = arith.constant 0 : i32
      %dma_wait3A_228 = tpu.memref_slice %arg7[%rem3A_214, %dma_wait3A_227] : memref<4x128xi32, #tpu.memory_space<vmem>> -> memref<1x128xi32, #tpu.memory_space<vmem>>
      %dma_wait3A_229 = tpu.memref_squeeze %dma_wait3A_228 : memref<1x128xi32, #tpu.memory_space<vmem>> -> memref<128xi32, #tpu.memory_space<vmem>>
      %dma_wait3A_230 = arith.constant 0 : i32
      %dma_wait3A_231 = arith.constant 0 : i32
      %dma_wait3A_232 = tpu.memref_slice %arg2[%dma_wait3A_230, %dma_wait3A_231] : memref<10000x128xf32, #tpu.memory_space<hbm>> -> memref<10000x128xf32, #tpu.memory_space<hbm>>
      %dma_wait3A_233 = tpu.memref_slice %arg12[%rem3A_214] : memref<4x!tpu.dma_semaphore, #tpu.memory_space<semaphore_mem>> -> memref<1x!tpu.dma_semaphore, #tpu.memory_space<semaphore_mem>>
      %dma_wait3A_234 = tpu.memref_squeeze %dma_wait3A_233 : memref<1x!tpu.dma_semaphore, #tpu.memory_space<semaphore_mem>> -> memref<!tpu.dma_semaphore, #tpu.memory_space<semaphore_mem>>
      tpu.wait_indirect_dma semaphore(%dma_wait3A_234 : memref<!tpu.dma_semaphore, #tpu.memory_space<semaphore_mem>>) src(%dma_wait3A_232 : memref<10000x128xf32, #tpu.memory_space<hbm>>) dst(%dma_wait3A_226 : memref<128x128xf32, #tpu.memory_space<vmem>>)
      %dma_start3A_235 = arith.constant 0 : i32
      %dma_start3A_236 = arith.constant 0 : i32
      %dma_start3A_237 = tpu.memref_slice %arg9[%rem3A_214, %dma_start3A_235, %dma_start3A_236] : memref<4x128x128xf32, #tpu.memory_space<vmem>> -> memref<1x128x128xf32, #tpu.memory_space<vmem>>
      %dma_start3A_238 = tpu.memref_squeeze %dma_start3A_237 : memref<1x128x128xf32, #tpu.memory_space<vmem>> -> memref<128x128xf32, #tpu.memory_space<vmem>>
      %dma_start3A_239 = arith.constant 0 : i32
      %dma_start3A_240 = tpu.memref_slice %arg8[%rem3A_214, %dma_start3A_239] : memref<4x128xi32, #tpu.memory_space<vmem>> -> memref<1x128xi32, #tpu.memory_space<vmem>>
      %dma_start3A_241 = tpu.memref_squeeze %dma_start3A_240 : memref<1x128xi32, #tpu.memory_space<vmem>> -> memref<128xi32, #tpu.memory_space<vmem>>
      %dma_start3A_242 = arith.constant 0 : i32
      %dma_start3A_243 = arith.constant 0 : i32
      %dma_start3A_244 = tpu.memref_slice %arg3[%dma_start3A_242, %dma_start3A_243] : memref<10000x128xf32, #tpu.memory_space<hbm>> -> memref<10000x128xf32, #tpu.memory_space<hbm>>
      %dma_start3A_245 = tpu.memref_slice %arg13[%rem3A_214] : memref<4x!tpu.dma_semaphore, #tpu.memory_space<semaphore_mem>> -> memref<1x!tpu.dma_semaphore, #tpu.memory_space<semaphore_mem>>
      %dma_start3A_246 = tpu.memref_squeeze %dma_start3A_245 : memref<1x!tpu.dma_semaphore, #tpu.memory_space<semaphore_mem>> -> memref<!tpu.dma_semaphore, #tpu.memory_space<semaphore_mem>>
      tpu.enqueue_indirect_dma source(%dma_start3A_244 : memref<10000x128xf32, #tpu.memory_space<hbm>>) target(%dma_start3A_238 : memref<128x128xf32, #tpu.memory_space<vmem>>) offsets(%dma_start3A_241 : memref<128xi32, #tpu.memory_space<vmem>>) semaphore(%dma_start3A_246 : memref<!tpu.dma_semaphore, #tpu.memory_space<semaphore_mem>>) {add = true}
      %dma_wait3A_247 = arith.constant 0 : i32
      %dma_wait3A_248 = arith.constant 0 : i32
      %dma_wait3A_249 = tpu.memref_slice %arg9[%rem3A_214, %dma_wait3A_247, %dma_wait3A_248] : memref<4x128x128xf32, #tpu.memory_space<vmem>> -> memref<1x128x128xf32, #tpu.memory_space<vmem>>
      %dma_wait3A_250 = tpu.memref_squeeze %dma_wait3A_249 : memref<1x128x128xf32, #tpu.memory_space<vmem>> -> memref<128x128xf32, #tpu.memory_space<vmem>>
      %dma_wait3A_251 = arith.constant 0 : i32
      %dma_wait3A_252 = tpu.memref_slice %arg8[%rem3A_214, %dma_wait3A_251] : memref<4x128xi32, #tpu.memory_space<vmem>> -> memref<1x128xi32, #tpu.memory_space<vmem>>
      %dma_wait3A_253 = tpu.memref_squeeze %dma_wait3A_252 : memref<1x128xi32, #tpu.memory_space<vmem>> -> memref<128xi32, #tpu.memory_space<vmem>>
      %dma_wait3A_254 = arith.constant 0 : i32
      %dma_wait3A_255 = arith.constant 0 : i32
      %dma_wait3A_256 = tpu.memref_slice %arg3[%dma_wait3A_254, %dma_wait3A_255] : memref<10000x128xf32, #tpu.memory_space<hbm>> -> memref<10000x128xf32, #tpu.memory_space<hbm>>
      %dma_wait3A_257 = tpu.memref_slice %arg13[%rem3A_214] : memref<4x!tpu.dma_semaphore, #tpu.memory_space<semaphore_mem>> -> memref<1x!tpu.dma_semaphore, #tpu.memory_space<semaphore_mem>>
      %dma_wait3A_258 = tpu.memref_squeeze %dma_wait3A_257 : memref<1x!tpu.dma_semaphore, #tpu.memory_space<semaphore_mem>> -> memref<!tpu.dma_semaphore, #tpu.memory_space<semaphore_mem>>
      tpu.wait_indirect_dma semaphore(%dma_wait3A_258 : memref<!tpu.dma_semaphore, #tpu.memory_space<semaphore_mem>>) src(%dma_wait3A_256 : memref<10000x128xf32, #tpu.memory_space<hbm>>) dst(%dma_wait3A_250 : memref<128x128xf32, #tpu.memory_space<vmem>>)
      %mul3A_259 = arith.constant 128 : i32
      %mul3A_260 = arith.muli %scan3A_213, %mul3A_259 : i32
      %add3A_261 = arith.addi %mul3A_2, %mul3A_260 : i32
      %dma_start3A_262 = arith.constant 0 : i32
      %dma_start3A_263 = arith.constant 0 : i32
      %dma_start3A_264 = tpu.memref_slice %arg9[%rem3A_214, %dma_start3A_262, %dma_start3A_263] : memref<4x128x128xf32, #tpu.memory_space<vmem>> -> memref<1x128x128xf32, #tpu.memory_space<vmem>>
      %dma_start3A_265 = tpu.memref_squeeze %dma_start3A_264 : memref<1x128x128xf32, #tpu.memory_space<vmem>> -> memref<128x128xf32, #tpu.memory_space<vmem>>
      %dma_start3A_266 = arith.constant 0 : i32
      %dma_start3A_267 = tpu.memref_slice %arg6[%add3A_261, %dma_start3A_266] : memref<122880x128xf32, #tpu.memory_space<hbm>> -> memref<128x128xf32, #tpu.memory_space<hbm>>
      %dma_start3A_268 = tpu.memref_slice %arg14[%rem3A_214] : memref<4x!tpu.dma_semaphore, #tpu.memory_space<semaphore_mem>> -> memref<1x!tpu.dma_semaphore, #tpu.memory_space<semaphore_mem>>
      %dma_start3A_269 = tpu.memref_squeeze %dma_start3A_268 : memref<1x!tpu.dma_semaphore, #tpu.memory_space<semaphore_mem>> -> memref<!tpu.dma_semaphore, #tpu.memory_space<semaphore_mem>>
      %dma_start3A_270 = arith.constant 0 : i32
      %dma_start3A_271 = tpu.memref_slice %arg6[%add3A_261, %dma_start3A_270] : memref<122880x128xf32, #tpu.memory_space<hbm>> -> memref<128x128xf32, #tpu.memory_space<hbm>>
      %dma_start3A_272 = arith.constant 0 : i32
      %dma_start3A_273 = arith.constant 0 : i32
      %dma_start3A_274 = tpu.memref_slice %arg9[%rem3A_214, %dma_start3A_272, %dma_start3A_273] : memref<4x128x128xf32, #tpu.memory_space<vmem>> -> memref<1x128x128xf32, #tpu.memory_space<vmem>>
      %dma_start3A_275 = tpu.memref_squeeze %dma_start3A_274 : memref<1x128x128xf32, #tpu.memory_space<vmem>> -> memref<128x128xf32, #tpu.memory_space<vmem>>
      tpu.enqueue_dma source(%dma_start3A_275 : memref<128x128xf32, #tpu.memory_space<vmem>>) target(%dma_start3A_271 : memref<128x128xf32, #tpu.memory_space<hbm>>) target_semaphore(%dma_start3A_269 : memref<!tpu.dma_semaphore, #tpu.memory_space<semaphore_mem>>)
      %add3A_276 = arith.constant 4 : i32
      %add3A_277 = arith.addi %scan3A_213, %add3A_276 : i32
      %lt3A_278 = arith.constant 30 : i32
      %lt3A_279 = arith.cmpi slt, %add3A_277, %lt3A_278 : i32
      %convert_element_type3A_280 = arith.extui %lt3A_279 : i1 to i32
      %cond3A_281 = arith.constant 0 : i32
      %cond3A_282 = arith.cmpi ne, %convert_element_type3A_280, %cond3A_281 : i32
      scf.if %cond3A_282 {
        %add3A_283 = arith.constant 4 : i32
        %add3A_284 = arith.addi %scan3A_213, %add3A_283 : i32
        %mul3A_285 = arith.constant 128 : i32
        %mul3A_286 = arith.muli %add3A_284, %mul3A_285 : i32
        %add3A_287 = arith.addi %mul3A_2, %mul3A_286 : i32
        %dma_start3A_288 = arith.constant 0 : i32
        %dma_start3A_289 = tpu.memref_slice %arg7[%rem3A_214, %dma_start3A_288] : memref<4x128xi32, #tpu.memory_space<vmem>> -> memref<1x128xi32, #tpu.memory_space<vmem>>
        %dma_start3A_290 = tpu.memref_squeeze %dma_start3A_289 : memref<1x128xi32, #tpu.memory_space<vmem>> -> memref<128xi32, #tpu.memory_space<vmem>>
        %dma_start3A_291 = tpu.memref_slice %arg4[%add3A_287] : memref<122880xi32, #tpu.memory_space<hbm>> -> memref<128xi32, #tpu.memory_space<hbm>>
        %dma_start3A_292 = tpu.memref_slice %arg10[%rem3A_214] : memref<4x!tpu.dma_semaphore, #tpu.memory_space<semaphore_mem>> -> memref<1x!tpu.dma_semaphore, #tpu.memory_space<semaphore_mem>>
        %dma_start3A_293 = tpu.memref_squeeze %dma_start3A_292 : memref<1x!tpu.dma_semaphore, #tpu.memory_space<semaphore_mem>> -> memref<!tpu.dma_semaphore, #tpu.memory_space<semaphore_mem>>
        %dma_start3A_294 = arith.constant 0 : i32
        %dma_start3A_295 = tpu.memref_slice %arg7[%rem3A_214, %dma_start3A_294] : memref<4x128xi32, #tpu.memory_space<vmem>> -> memref<1x128xi32, #tpu.memory_space<vmem>>
        %dma_start3A_296 = tpu.memref_squeeze %dma_start3A_295 : memref<1x128xi32, #tpu.memory_space<vmem>> -> memref<128xi32, #tpu.memory_space<vmem>>
        %dma_start3A_297 = tpu.memref_slice %arg4[%add3A_287] : memref<122880xi32, #tpu.memory_space<hbm>> -> memref<128xi32, #tpu.memory_space<hbm>>
        tpu.enqueue_dma source(%dma_start3A_297 : memref<128xi32, #tpu.memory_space<hbm>>) target(%dma_start3A_296 : memref<128xi32, #tpu.memory_space<vmem>>) target_semaphore(%dma_start3A_293 : memref<!tpu.dma_semaphore, #tpu.memory_space<semaphore_mem>>)
        %dma_start3A_298 = arith.constant 0 : i32
        %dma_start3A_299 = tpu.memref_slice %arg8[%rem3A_214, %dma_start3A_298] : memref<4x128xi32, #tpu.memory_space<vmem>> -> memref<1x128xi32, #tpu.memory_space<vmem>>
        %dma_start3A_300 = tpu.memref_squeeze %dma_start3A_299 : memref<1x128xi32, #tpu.memory_space<vmem>> -> memref<128xi32, #tpu.memory_space<vmem>>
        %dma_start3A_301 = tpu.memref_slice %arg5[%add3A_287] : memref<122880xi32, #tpu.memory_space<hbm>> -> memref<128xi32, #tpu.memory_space<hbm>>
        %dma_start3A_302 = tpu.memref_slice %arg11[%rem3A_214] : memref<4x!tpu.dma_semaphore, #tpu.memory_space<semaphore_mem>> -> memref<1x!tpu.dma_semaphore, #tpu.memory_space<semaphore_mem>>
        %dma_start3A_303 = tpu.memref_squeeze %dma_start3A_302 : memref<1x!tpu.dma_semaphore, #tpu.memory_space<semaphore_mem>> -> memref<!tpu.dma_semaphore, #tpu.memory_space<semaphore_mem>>
        %dma_start3A_304 = arith.constant 0 : i32
        %dma_start3A_305 = tpu.memref_slice %arg8[%rem3A_214, %dma_start3A_304] : memref<4x128xi32, #tpu.memory_space<vmem>> -> memref<1x128xi32, #tpu.memory_space<vmem>>
        %dma_start3A_306 = tpu.memref_squeeze %dma_start3A_305 : memref<1x128xi32, #tpu.memory_space<vmem>> -> memref<128xi32, #tpu.memory_space<vmem>>
        %dma_start3A_307 = tpu.memref_slice %arg5[%add3A_287] : memref<122880xi32, #tpu.memory_space<hbm>> -> memref<128xi32, #tpu.memory_space<hbm>>
        tpu.enqueue_dma source(%dma_start3A_307 : memref<128xi32, #tpu.memory_space<hbm>>) target(%dma_start3A_306 : memref<128xi32, #tpu.memory_space<vmem>>) target_semaphore(%dma_start3A_303 : memref<!tpu.dma_semaphore, #tpu.memory_space<semaphore_mem>>)
      } else {
      }
    }
    %scan3A_148 = arith.constant 30 : i32
    %dma_wait3A_149 = arith.constant 0 : i32
    %dma_wait3A_150 = arith.constant 0 : i32
    %dma_wait3A_151 = arith.constant 0 : i32
    %dma_wait3A_152 = arith.constant 0 : i32
    %dma_wait3A_153 = tpu.memref_slice %arg9[%dma_wait3A_149, %dma_wait3A_151, %dma_wait3A_152] : memref<4x128x128xf32, #tpu.memory_space<vmem>> -> memref<1x128x128xf32, #tpu.memory_space<vmem>>
    %dma_wait3A_154 = tpu.memref_squeeze %dma_wait3A_153 : memref<1x128x128xf32, #tpu.memory_space<vmem>> -> memref<128x128xf32, #tpu.memory_space<vmem>>
    %dma_wait3A_155 = arith.constant 0 : i32
    %dma_wait3A_156 = tpu.memref_slice %arg6[%mul3A_2, %dma_wait3A_155] : memref<122880x128xf32, #tpu.memory_space<hbm>> -> memref<128x128xf32, #tpu.memory_space<hbm>>
    %dma_wait3A_157 = tpu.memref_slice %arg14[%dma_wait3A_150] : memref<4x!tpu.dma_semaphore, #tpu.memory_space<semaphore_mem>> -> memref<1x!tpu.dma_semaphore, #tpu.memory_space<semaphore_mem>>
    %dma_wait3A_158 = tpu.memref_squeeze %dma_wait3A_157 : memref<1x!tpu.dma_semaphore, #tpu.memory_space<semaphore_mem>> -> memref<!tpu.dma_semaphore, #tpu.memory_space<semaphore_mem>>
    %dma_wait3A_159 = arith.constant 0 : i32
    %dma_wait3A_160 = tpu.memref_slice %arg6[%mul3A_2, %dma_wait3A_159] : memref<122880x128xf32, #tpu.memory_space<hbm>> -> memref<128x128xf32, #tpu.memory_space<hbm>>
    %dma_wait3A_161 = arith.constant 0 : i32
    %dma_wait3A_162 = arith.constant 0 : i32
    %dma_wait3A_163 = tpu.memref_slice %arg9[%dma_wait3A_149, %dma_wait3A_161, %dma_wait3A_162] : memref<4x128x128xf32, #tpu.memory_space<vmem>> -> memref<1x128x128xf32, #tpu.memory_space<vmem>>
    %dma_wait3A_164 = tpu.memref_squeeze %dma_wait3A_163 : memref<1x128x128xf32, #tpu.memory_space<vmem>> -> memref<128x128xf32, #tpu.memory_space<vmem>>
    tpu.wait_dma2 semaphore(%dma_wait3A_158 : memref<!tpu.dma_semaphore, #tpu.memory_space<semaphore_mem>>) src(%dma_wait3A_164 : memref<128x128xf32, #tpu.memory_space<vmem>>) dst(%dma_wait3A_160 : memref<128x128xf32, #tpu.memory_space<hbm>>)
    %dma_wait3A_165 = arith.constant 1 : i32
    %dma_wait3A_166 = arith.constant 1 : i32
    %dma_wait3A_167 = arith.constant 0 : i32
    %dma_wait3A_168 = arith.constant 0 : i32
    %dma_wait3A_169 = tpu.memref_slice %arg9[%dma_wait3A_165, %dma_wait3A_167, %dma_wait3A_168] : memref<4x128x128xf32, #tpu.memory_space<vmem>> -> memref<1x128x128xf32, #tpu.memory_space<vmem>>
    %dma_wait3A_170 = tpu.memref_squeeze %dma_wait3A_169 : memref<1x128x128xf32, #tpu.memory_space<vmem>> -> memref<128x128xf32, #tpu.memory_space<vmem>>
    %dma_wait3A_171 = arith.constant 0 : i32
    %dma_wait3A_172 = tpu.memref_slice %arg6[%mul3A_2, %dma_wait3A_171] : memref<122880x128xf32, #tpu.memory_space<hbm>> -> memref<128x128xf32, #tpu.memory_space<hbm>>
    %dma_wait3A_173 = tpu.memref_slice %arg14[%dma_wait3A_166] : memref<4x!tpu.dma_semaphore, #tpu.memory_space<semaphore_mem>> -> memref<1x!tpu.dma_semaphore, #tpu.memory_space<semaphore_mem>>
    %dma_wait3A_174 = tpu.memref_squeeze %dma_wait3A_173 : memref<1x!tpu.dma_semaphore, #tpu.memory_space<semaphore_mem>> -> memref<!tpu.dma_semaphore, #tpu.memory_space<semaphore_mem>>
    %dma_wait3A_175 = arith.constant 0 : i32
    %dma_wait3A_176 = tpu.memref_slice %arg6[%mul3A_2, %dma_wait3A_175] : memref<122880x128xf32, #tpu.memory_space<hbm>> -> memref<128x128xf32, #tpu.memory_space<hbm>>
    %dma_wait3A_177 = arith.constant 0 : i32
    %dma_wait3A_178 = arith.constant 0 : i32
    %dma_wait3A_179 = tpu.memref_slice %arg9[%dma_wait3A_165, %dma_wait3A_177, %dma_wait3A_178] : memref<4x128x128xf32, #tpu.memory_space<vmem>> -> memref<1x128x128xf32, #tpu.memory_space<vmem>>
    %dma_wait3A_180 = tpu.memref_squeeze %dma_wait3A_179 : memref<1x128x128xf32, #tpu.memory_space<vmem>> -> memref<128x128xf32, #tpu.memory_space<vmem>>
    tpu.wait_dma2 semaphore(%dma_wait3A_174 : memref<!tpu.dma_semaphore, #tpu.memory_space<semaphore_mem>>) src(%dma_wait3A_180 : memref<128x128xf32, #tpu.memory_space<vmem>>) dst(%dma_wait3A_176 : memref<128x128xf32, #tpu.memory_space<hbm>>)
    %dma_wait3A_181 = arith.constant 2 : i32
    %dma_wait3A_182 = arith.constant 2 : i32
    %dma_wait3A_183 = arith.constant 0 : i32
    %dma_wait3A_184 = arith.constant 0 : i32
    %dma_wait3A_185 = tpu.memref_slice %arg9[%dma_wait3A_181, %dma_wait3A_183, %dma_wait3A_184] : memref<4x128x128xf32, #tpu.memory_space<vmem>> -> memref<1x128x128xf32, #tpu.memory_space<vmem>>
    %dma_wait3A_186 = tpu.memref_squeeze %dma_wait3A_185 : memref<1x128x128xf32, #tpu.memory_space<vmem>> -> memref<128x128xf32, #tpu.memory_space<vmem>>
    %dma_wait3A_187 = arith.constant 0 : i32
    %dma_wait3A_188 = tpu.memref_slice %arg6[%mul3A_2, %dma_wait3A_187] : memref<122880x128xf32, #tpu.memory_space<hbm>> -> memref<128x128xf32, #tpu.memory_space<hbm>>
    %dma_wait3A_189 = tpu.memref_slice %arg14[%dma_wait3A_182] : memref<4x!tpu.dma_semaphore, #tpu.memory_space<semaphore_mem>> -> memref<1x!tpu.dma_semaphore, #tpu.memory_space<semaphore_mem>>
    %dma_wait3A_190 = tpu.memref_squeeze %dma_wait3A_189 : memref<1x!tpu.dma_semaphore, #tpu.memory_space<semaphore_mem>> -> memref<!tpu.dma_semaphore, #tpu.memory_space<semaphore_mem>>
    %dma_wait3A_191 = arith.constant 0 : i32
    %dma_wait3A_192 = tpu.memref_slice %arg6[%mul3A_2, %dma_wait3A_191] : memref<122880x128xf32, #tpu.memory_space<hbm>> -> memref<128x128xf32, #tpu.memory_space<hbm>>
    %dma_wait3A_193 = arith.constant 0 : i32
    %dma_wait3A_194 = arith.constant 0 : i32
    %dma_wait3A_195 = tpu.memref_slice %arg9[%dma_wait3A_181, %dma_wait3A_193, %dma_wait3A_194] : memref<4x128x128xf32, #tpu.memory_space<vmem>> -> memref<1x128x128xf32, #tpu.memory_space<vmem>>
    %dma_wait3A_196 = tpu.memref_squeeze %dma_wait3A_195 : memref<1x128x128xf32, #tpu.memory_space<vmem>> -> memref<128x128xf32, #tpu.memory_space<vmem>>
    tpu.wait_dma2 semaphore(%dma_wait3A_190 : memref<!tpu.dma_semaphore, #tpu.memory_space<semaphore_mem>>) src(%dma_wait3A_196 : memref<128x128xf32, #tpu.memory_space<vmem>>) dst(%dma_wait3A_192 : memref<128x128xf32, #tpu.memory_space<hbm>>)
    %dma_wait3A_197 = arith.constant 3 : i32
    %dma_wait3A_198 = arith.constant 3 : i32
    %dma_wait3A_199 = arith.constant 0 : i32
    %dma_wait3A_200 = arith.constant 0 : i32
    %dma_wait3A_201 = tpu.memref_slice %arg9[%dma_wait3A_197, %dma_wait3A_199, %dma_wait3A_200] : memref<4x128x128xf32, #tpu.memory_space<vmem>> -> memref<1x128x128xf32, #tpu.memory_space<vmem>>
    %dma_wait3A_202 = tpu.memref_squeeze %dma_wait3A_201 : memref<1x128x128xf32, #tpu.memory_space<vmem>> -> memref<128x128xf32, #tpu.memory_space<vmem>>
    %dma_wait3A_203 = arith.constant 0 : i32
    %dma_wait3A_204 = tpu.memref_slice %arg6[%mul3A_2, %dma_wait3A_203] : memref<122880x128xf32, #tpu.memory_space<hbm>> -> memref<128x128xf32, #tpu.memory_space<hbm>>
    %dma_wait3A_205 = tpu.memref_slice %arg14[%dma_wait3A_198] : memref<4x!tpu.dma_semaphore, #tpu.memory_space<semaphore_mem>> -> memref<1x!tpu.dma_semaphore, #tpu.memory_space<semaphore_mem>>
    %dma_wait3A_206 = tpu.memref_squeeze %dma_wait3A_205 : memref<1x!tpu.dma_semaphore, #tpu.memory_space<semaphore_mem>> -> memref<!tpu.dma_semaphore, #tpu.memory_space<semaphore_mem>>
    %dma_wait3A_207 = arith.constant 0 : i32
    %dma_wait3A_208 = tpu.memref_slice %arg6[%mul3A_2, %dma_wait3A_207] : memref<122880x128xf32, #tpu.memory_space<hbm>> -> memref<128x128xf32, #tpu.memory_space<hbm>>
    %dma_wait3A_209 = arith.constant 0 : i32
    %dma_wait3A_210 = arith.constant 0 : i32
    %dma_wait3A_211 = tpu.memref_slice %arg9[%dma_wait3A_197, %dma_wait3A_209, %dma_wait3A_210] : memref<4x128x128xf32, #tpu.memory_space<vmem>> -> memref<1x128x128xf32, #tpu.memory_space<vmem>>
    %dma_wait3A_212 = tpu.memref_squeeze %dma_wait3A_211 : memref<1x128x128xf32, #tpu.memory_space<vmem>> -> memref<128x128xf32, #tpu.memory_space<vmem>>
    tpu.wait_dma2 semaphore(%dma_wait3A_206 : memref<!tpu.dma_semaphore, #tpu.memory_space<semaphore_mem>>) src(%dma_wait3A_212 : memref<128x128xf32, #tpu.memory_space<vmem>>) dst(%dma_wait3A_208 : memref<128x128xf32, #tpu.memory_space<hbm>>)
    return
  }
}

#map = affine_map<(d0, d1) -> (0, 0)>
#map1 = affine_map<(d0, d1) -> (0)>
module attributes {stable_mosaic.version = 14 : i64} {
  func.func @_gather_body(%arg0: i32, %arg1: i32, %arg2: memref<10000x128xf32, #tpu.memory_space<hbm>>, %arg3: memref<10000x128xf32, #tpu.memory_space<hbm>>, %arg4: memref<74240xi32, #tpu.memory_space<hbm>>, %arg5: memref<74240xi32, #tpu.memory_space<hbm>>, %arg6: memref<74240x128xf32, #tpu.memory_space<hbm>>, %arg7: memref<4x80xi32, #tpu.memory_space<vmem>>, %arg8: memref<4x80xi32, #tpu.memory_space<vmem>>, %arg9: memref<4x80x128xf32, #tpu.memory_space<vmem>>, %arg10: memref<4x!tpu.dma_semaphore, #tpu.memory_space<semaphore_mem>>, %arg11: memref<4x!tpu.dma_semaphore, #tpu.memory_space<semaphore_mem>>, %arg12: memref<4x!tpu.dma_semaphore, #tpu.memory_space<semaphore_mem>>, %arg13: memref<4x!tpu.dma_semaphore, #tpu.memory_space<semaphore_mem>>, %arg14: memref<4x!tpu.dma_semaphore, #tpu.memory_space<semaphore_mem>>) attributes {dimension_semantics = [#tpu.dimension_semantics<core_parallel>, #tpu.dimension_semantics<subcore_parallel>], iteration_bounds = array<i64: 2, 16>, scalar_prefetch = 0 : i64, scratch_operands = 8 : i64, tpu.core_type = #tpu.core_type<sc_vector_subcore>, window_params = [{transform_indices = #map}, {transform_indices = #map}, {transform_indices = #map1}, {transform_indices = #map1}, {transform_indices = #map}]} {
    %mul3A = arith.constant 16 : i32
    %mul3A_0 = arith.muli %arg0, %mul3A : i32
    %add3A = arith.addi %mul3A_0, %arg1 : i32
    %mul3A_1 = arith.constant 2320 : i32
    %mul3A_2 = arith.muli %add3A, %mul3A_1 : i32
    %add3A_3 = arith.constant 0 : i32
    %add3A_4 = arith.addi %mul3A_2, %add3A_3 : i32
    %dma_start3A = arith.constant 0 : i32
    %dma_start3A_5 = arith.constant 0 : i32
    %dma_start3A_6 = arith.constant 0 : i32
    %dma_start3A_7 = tpu.memref_slice %arg7[%dma_start3A, %dma_start3A_6] : memref<4x80xi32, #tpu.memory_space<vmem>> -> memref<1x80xi32, #tpu.memory_space<vmem>>
    %dma_start3A_8 = tpu.memref_squeeze %dma_start3A_7 : memref<1x80xi32, #tpu.memory_space<vmem>> -> memref<80xi32, #tpu.memory_space<vmem>>
    %dma_start3A_9 = tpu.memref_slice %arg4[%add3A_4] : memref<74240xi32, #tpu.memory_space<hbm>> -> memref<80xi32, #tpu.memory_space<hbm>>
    %dma_start3A_10 = tpu.memref_slice %arg10[%dma_start3A_5] : memref<4x!tpu.dma_semaphore, #tpu.memory_space<semaphore_mem>> -> memref<1x!tpu.dma_semaphore, #tpu.memory_space<semaphore_mem>>
    %dma_start3A_11 = tpu.memref_squeeze %dma_start3A_10 : memref<1x!tpu.dma_semaphore, #tpu.memory_space<semaphore_mem>> -> memref<!tpu.dma_semaphore, #tpu.memory_space<semaphore_mem>>
    %dma_start3A_12 = arith.constant 0 : i32
    %dma_start3A_13 = tpu.memref_slice %arg7[%dma_start3A, %dma_start3A_12] : memref<4x80xi32, #tpu.memory_space<vmem>> -> memref<1x80xi32, #tpu.memory_space<vmem>>
    %dma_start3A_14 = tpu.memref_squeeze %dma_start3A_13 : memref<1x80xi32, #tpu.memory_space<vmem>> -> memref<80xi32, #tpu.memory_space<vmem>>
    %dma_start3A_15 = tpu.memref_slice %arg4[%add3A_4] : memref<74240xi32, #tpu.memory_space<hbm>> -> memref<80xi32, #tpu.memory_space<hbm>>
    tpu.enqueue_dma source(%dma_start3A_15 : memref<80xi32, #tpu.memory_space<hbm>>) target(%dma_start3A_14 : memref<80xi32, #tpu.memory_space<vmem>>) target_semaphore(%dma_start3A_11 : memref<!tpu.dma_semaphore, #tpu.memory_space<semaphore_mem>>)
    %dma_start3A_16 = arith.constant 0 : i32
    %dma_start3A_17 = arith.constant 0 : i32
    %dma_start3A_18 = arith.constant 0 : i32
    %dma_start3A_19 = tpu.memref_slice %arg8[%dma_start3A_16, %dma_start3A_18] : memref<4x80xi32, #tpu.memory_space<vmem>> -> memref<1x80xi32, #tpu.memory_space<vmem>>
    %dma_start3A_20 = tpu.memref_squeeze %dma_start3A_19 : memref<1x80xi32, #tpu.memory_space<vmem>> -> memref<80xi32, #tpu.memory_space<vmem>>
    %dma_start3A_21 = tpu.memref_slice %arg5[%add3A_4] : memref<74240xi32, #tpu.memory_space<hbm>> -> memref<80xi32, #tpu.memory_space<hbm>>
    %dma_start3A_22 = tpu.memref_slice %arg11[%dma_start3A_17] : memref<4x!tpu.dma_semaphore, #tpu.memory_space<semaphore_mem>> -> memref<1x!tpu.dma_semaphore, #tpu.memory_space<semaphore_mem>>
    %dma_start3A_23 = tpu.memref_squeeze %dma_start3A_22 : memref<1x!tpu.dma_semaphore, #tpu.memory_space<semaphore_mem>> -> memref<!tpu.dma_semaphore, #tpu.memory_space<semaphore_mem>>
    %dma_start3A_24 = arith.constant 0 : i32
    %dma_start3A_25 = tpu.memref_slice %arg8[%dma_start3A_16, %dma_start3A_24] : memref<4x80xi32, #tpu.memory_space<vmem>> -> memref<1x80xi32, #tpu.memory_space<vmem>>
    %dma_start3A_26 = tpu.memref_squeeze %dma_start3A_25 : memref<1x80xi32, #tpu.memory_space<vmem>> -> memref<80xi32, #tpu.memory_space<vmem>>
    %dma_start3A_27 = tpu.memref_slice %arg5[%add3A_4] : memref<74240xi32, #tpu.memory_space<hbm>> -> memref<80xi32, #tpu.memory_space<hbm>>
    tpu.enqueue_dma source(%dma_start3A_27 : memref<80xi32, #tpu.memory_space<hbm>>) target(%dma_start3A_26 : memref<80xi32, #tpu.memory_space<vmem>>) target_semaphore(%dma_start3A_23 : memref<!tpu.dma_semaphore, #tpu.memory_space<semaphore_mem>>)
    %add3A_28 = arith.constant 80 : i32
    %add3A_29 = arith.addi %mul3A_2, %add3A_28 : i32
    %dma_start3A_30 = arith.constant 1 : i32
    %dma_start3A_31 = arith.constant 1 : i32
    %dma_start3A_32 = arith.constant 0 : i32
    %dma_start3A_33 = tpu.memref_slice %arg7[%dma_start3A_30, %dma_start3A_32] : memref<4x80xi32, #tpu.memory_space<vmem>> -> memref<1x80xi32, #tpu.memory_space<vmem>>
    %dma_start3A_34 = tpu.memref_squeeze %dma_start3A_33 : memref<1x80xi32, #tpu.memory_space<vmem>> -> memref<80xi32, #tpu.memory_space<vmem>>
    %dma_start3A_35 = tpu.memref_slice %arg4[%add3A_29] : memref<74240xi32, #tpu.memory_space<hbm>> -> memref<80xi32, #tpu.memory_space<hbm>>
    %dma_start3A_36 = tpu.memref_slice %arg10[%dma_start3A_31] : memref<4x!tpu.dma_semaphore, #tpu.memory_space<semaphore_mem>> -> memref<1x!tpu.dma_semaphore, #tpu.memory_space<semaphore_mem>>
    %dma_start3A_37 = tpu.memref_squeeze %dma_start3A_36 : memref<1x!tpu.dma_semaphore, #tpu.memory_space<semaphore_mem>> -> memref<!tpu.dma_semaphore, #tpu.memory_space<semaphore_mem>>
    %dma_start3A_38 = arith.constant 0 : i32
    %dma_start3A_39 = tpu.memref_slice %arg7[%dma_start3A_30, %dma_start3A_38] : memref<4x80xi32, #tpu.memory_space<vmem>> -> memref<1x80xi32, #tpu.memory_space<vmem>>
    %dma_start3A_40 = tpu.memref_squeeze %dma_start3A_39 : memref<1x80xi32, #tpu.memory_space<vmem>> -> memref<80xi32, #tpu.memory_space<vmem>>
    %dma_start3A_41 = tpu.memref_slice %arg4[%add3A_29] : memref<74240xi32, #tpu.memory_space<hbm>> -> memref<80xi32, #tpu.memory_space<hbm>>
    tpu.enqueue_dma source(%dma_start3A_41 : memref<80xi32, #tpu.memory_space<hbm>>) target(%dma_start3A_40 : memref<80xi32, #tpu.memory_space<vmem>>) target_semaphore(%dma_start3A_37 : memref<!tpu.dma_semaphore, #tpu.memory_space<semaphore_mem>>)
    %dma_start3A_42 = arith.constant 1 : i32
    %dma_start3A_43 = arith.constant 1 : i32
    %dma_start3A_44 = arith.constant 0 : i32
    %dma_start3A_45 = tpu.memref_slice %arg8[%dma_start3A_42, %dma_start3A_44] : memref<4x80xi32, #tpu.memory_space<vmem>> -> memref<1x80xi32, #tpu.memory_space<vmem>>
    %dma_start3A_46 = tpu.memref_squeeze %dma_start3A_45 : memref<1x80xi32, #tpu.memory_space<vmem>> -> memref<80xi32, #tpu.memory_space<vmem>>
    %dma_start3A_47 = tpu.memref_slice %arg5[%add3A_29] : memref<74240xi32, #tpu.memory_space<hbm>> -> memref<80xi32, #tpu.memory_space<hbm>>
    %dma_start3A_48 = tpu.memref_slice %arg11[%dma_start3A_43] : memref<4x!tpu.dma_semaphore, #tpu.memory_space<semaphore_mem>> -> memref<1x!tpu.dma_semaphore, #tpu.memory_space<semaphore_mem>>
    %dma_start3A_49 = tpu.memref_squeeze %dma_start3A_48 : memref<1x!tpu.dma_semaphore, #tpu.memory_space<semaphore_mem>> -> memref<!tpu.dma_semaphore, #tpu.memory_space<semaphore_mem>>
    %dma_start3A_50 = arith.constant 0 : i32
    %dma_start3A_51 = tpu.memref_slice %arg8[%dma_start3A_42, %dma_start3A_50] : memref<4x80xi32, #tpu.memory_space<vmem>> -> memref<1x80xi32, #tpu.memory_space<vmem>>
    %dma_start3A_52 = tpu.memref_squeeze %dma_start3A_51 : memref<1x80xi32, #tpu.memory_space<vmem>> -> memref<80xi32, #tpu.memory_space<vmem>>
    %dma_start3A_53 = tpu.memref_slice %arg5[%add3A_29] : memref<74240xi32, #tpu.memory_space<hbm>> -> memref<80xi32, #tpu.memory_space<hbm>>
    tpu.enqueue_dma source(%dma_start3A_53 : memref<80xi32, #tpu.memory_space<hbm>>) target(%dma_start3A_52 : memref<80xi32, #tpu.memory_space<vmem>>) target_semaphore(%dma_start3A_49 : memref<!tpu.dma_semaphore, #tpu.memory_space<semaphore_mem>>)
    %add3A_54 = arith.constant 160 : i32
    %add3A_55 = arith.addi %mul3A_2, %add3A_54 : i32
    %dma_start3A_56 = arith.constant 2 : i32
    %dma_start3A_57 = arith.constant 2 : i32
    %dma_start3A_58 = arith.constant 0 : i32
    %dma_start3A_59 = tpu.memref_slice %arg7[%dma_start3A_56, %dma_start3A_58] : memref<4x80xi32, #tpu.memory_space<vmem>> -> memref<1x80xi32, #tpu.memory_space<vmem>>
    %dma_start3A_60 = tpu.memref_squeeze %dma_start3A_59 : memref<1x80xi32, #tpu.memory_space<vmem>> -> memref<80xi32, #tpu.memory_space<vmem>>
    %dma_start3A_61 = tpu.memref_slice %arg4[%add3A_55] : memref<74240xi32, #tpu.memory_space<hbm>> -> memref<80xi32, #tpu.memory_space<hbm>>
    %dma_start3A_62 = tpu.memref_slice %arg10[%dma_start3A_57] : memref<4x!tpu.dma_semaphore, #tpu.memory_space<semaphore_mem>> -> memref<1x!tpu.dma_semaphore, #tpu.memory_space<semaphore_mem>>
    %dma_start3A_63 = tpu.memref_squeeze %dma_start3A_62 : memref<1x!tpu.dma_semaphore, #tpu.memory_space<semaphore_mem>> -> memref<!tpu.dma_semaphore, #tpu.memory_space<semaphore_mem>>
    %dma_start3A_64 = arith.constant 0 : i32
    %dma_start3A_65 = tpu.memref_slice %arg7[%dma_start3A_56, %dma_start3A_64] : memref<4x80xi32, #tpu.memory_space<vmem>> -> memref<1x80xi32, #tpu.memory_space<vmem>>
    %dma_start3A_66 = tpu.memref_squeeze %dma_start3A_65 : memref<1x80xi32, #tpu.memory_space<vmem>> -> memref<80xi32, #tpu.memory_space<vmem>>
    %dma_start3A_67 = tpu.memref_slice %arg4[%add3A_55] : memref<74240xi32, #tpu.memory_space<hbm>> -> memref<80xi32, #tpu.memory_space<hbm>>
    tpu.enqueue_dma source(%dma_start3A_67 : memref<80xi32, #tpu.memory_space<hbm>>) target(%dma_start3A_66 : memref<80xi32, #tpu.memory_space<vmem>>) target_semaphore(%dma_start3A_63 : memref<!tpu.dma_semaphore, #tpu.memory_space<semaphore_mem>>)
    %dma_start3A_68 = arith.constant 2 : i32
    %dma_start3A_69 = arith.constant 2 : i32
    %dma_start3A_70 = arith.constant 0 : i32
    %dma_start3A_71 = tpu.memref_slice %arg8[%dma_start3A_68, %dma_start3A_70] : memref<4x80xi32, #tpu.memory_space<vmem>> -> memref<1x80xi32, #tpu.memory_space<vmem>>
    %dma_start3A_72 = tpu.memref_squeeze %dma_start3A_71 : memref<1x80xi32, #tpu.memory_space<vmem>> -> memref<80xi32, #tpu.memory_space<vmem>>
    %dma_start3A_73 = tpu.memref_slice %arg5[%add3A_55] : memref<74240xi32, #tpu.memory_space<hbm>> -> memref<80xi32, #tpu.memory_space<hbm>>
    %dma_start3A_74 = tpu.memref_slice %arg11[%dma_start3A_69] : memref<4x!tpu.dma_semaphore, #tpu.memory_space<semaphore_mem>> -> memref<1x!tpu.dma_semaphore, #tpu.memory_space<semaphore_mem>>
    %dma_start3A_75 = tpu.memref_squeeze %dma_start3A_74 : memref<1x!tpu.dma_semaphore, #tpu.memory_space<semaphore_mem>> -> memref<!tpu.dma_semaphore, #tpu.memory_space<semaphore_mem>>
    %dma_start3A_76 = arith.constant 0 : i32
    %dma_start3A_77 = tpu.memref_slice %arg8[%dma_start3A_68, %dma_start3A_76] : memref<4x80xi32, #tpu.memory_space<vmem>> -> memref<1x80xi32, #tpu.memory_space<vmem>>
    %dma_start3A_78 = tpu.memref_squeeze %dma_start3A_77 : memref<1x80xi32, #tpu.memory_space<vmem>> -> memref<80xi32, #tpu.memory_space<vmem>>
    %dma_start3A_79 = tpu.memref_slice %arg5[%add3A_55] : memref<74240xi32, #tpu.memory_space<hbm>> -> memref<80xi32, #tpu.memory_space<hbm>>
    tpu.enqueue_dma source(%dma_start3A_79 : memref<80xi32, #tpu.memory_space<hbm>>) target(%dma_start3A_78 : memref<80xi32, #tpu.memory_space<vmem>>) target_semaphore(%dma_start3A_75 : memref<!tpu.dma_semaphore, #tpu.memory_space<semaphore_mem>>)
    %add3A_80 = arith.constant 240 : i32
    %add3A_81 = arith.addi %mul3A_2, %add3A_80 : i32
    %dma_start3A_82 = arith.constant 3 : i32
    %dma_start3A_83 = arith.constant 3 : i32
    %dma_start3A_84 = arith.constant 0 : i32
    %dma_start3A_85 = tpu.memref_slice %arg7[%dma_start3A_82, %dma_start3A_84] : memref<4x80xi32, #tpu.memory_space<vmem>> -> memref<1x80xi32, #tpu.memory_space<vmem>>
    %dma_start3A_86 = tpu.memref_squeeze %dma_start3A_85 : memref<1x80xi32, #tpu.memory_space<vmem>> -> memref<80xi32, #tpu.memory_space<vmem>>
    %dma_start3A_87 = tpu.memref_slice %arg4[%add3A_81] : memref<74240xi32, #tpu.memory_space<hbm>> -> memref<80xi32, #tpu.memory_space<hbm>>
    %dma_start3A_88 = tpu.memref_slice %arg10[%dma_start3A_83] : memref<4x!tpu.dma_semaphore, #tpu.memory_space<semaphore_mem>> -> memref<1x!tpu.dma_semaphore, #tpu.memory_space<semaphore_mem>>
    %dma_start3A_89 = tpu.memref_squeeze %dma_start3A_88 : memref<1x!tpu.dma_semaphore, #tpu.memory_space<semaphore_mem>> -> memref<!tpu.dma_semaphore, #tpu.memory_space<semaphore_mem>>
    %dma_start3A_90 = arith.constant 0 : i32
    %dma_start3A_91 = tpu.memref_slice %arg7[%dma_start3A_82, %dma_start3A_90] : memref<4x80xi32, #tpu.memory_space<vmem>> -> memref<1x80xi32, #tpu.memory_space<vmem>>
    %dma_start3A_92 = tpu.memref_squeeze %dma_start3A_91 : memref<1x80xi32, #tpu.memory_space<vmem>> -> memref<80xi32, #tpu.memory_space<vmem>>
    %dma_start3A_93 = tpu.memref_slice %arg4[%add3A_81] : memref<74240xi32, #tpu.memory_space<hbm>> -> memref<80xi32, #tpu.memory_space<hbm>>
    tpu.enqueue_dma source(%dma_start3A_93 : memref<80xi32, #tpu.memory_space<hbm>>) target(%dma_start3A_92 : memref<80xi32, #tpu.memory_space<vmem>>) target_semaphore(%dma_start3A_89 : memref<!tpu.dma_semaphore, #tpu.memory_space<semaphore_mem>>)
    %dma_start3A_94 = arith.constant 3 : i32
    %dma_start3A_95 = arith.constant 3 : i32
    %dma_start3A_96 = arith.constant 0 : i32
    %dma_start3A_97 = tpu.memref_slice %arg8[%dma_start3A_94, %dma_start3A_96] : memref<4x80xi32, #tpu.memory_space<vmem>> -> memref<1x80xi32, #tpu.memory_space<vmem>>
    %dma_start3A_98 = tpu.memref_squeeze %dma_start3A_97 : memref<1x80xi32, #tpu.memory_space<vmem>> -> memref<80xi32, #tpu.memory_space<vmem>>
    %dma_start3A_99 = tpu.memref_slice %arg5[%add3A_81] : memref<74240xi32, #tpu.memory_space<hbm>> -> memref<80xi32, #tpu.memory_space<hbm>>
    %dma_start3A_100 = tpu.memref_slice %arg11[%dma_start3A_95] : memref<4x!tpu.dma_semaphore, #tpu.memory_space<semaphore_mem>> -> memref<1x!tpu.dma_semaphore, #tpu.memory_space<semaphore_mem>>
    %dma_start3A_101 = tpu.memref_squeeze %dma_start3A_100 : memref<1x!tpu.dma_semaphore, #tpu.memory_space<semaphore_mem>> -> memref<!tpu.dma_semaphore, #tpu.memory_space<semaphore_mem>>
    %dma_start3A_102 = arith.constant 0 : i32
    %dma_start3A_103 = tpu.memref_slice %arg8[%dma_start3A_94, %dma_start3A_102] : memref<4x80xi32, #tpu.memory_space<vmem>> -> memref<1x80xi32, #tpu.memory_space<vmem>>
    %dma_start3A_104 = tpu.memref_squeeze %dma_start3A_103 : memref<1x80xi32, #tpu.memory_space<vmem>> -> memref<80xi32, #tpu.memory_space<vmem>>
    %dma_start3A_105 = tpu.memref_slice %arg5[%add3A_81] : memref<74240xi32, #tpu.memory_space<hbm>> -> memref<80xi32, #tpu.memory_space<hbm>>
    tpu.enqueue_dma source(%dma_start3A_105 : memref<80xi32, #tpu.memory_space<hbm>>) target(%dma_start3A_104 : memref<80xi32, #tpu.memory_space<vmem>>) target_semaphore(%dma_start3A_101 : memref<!tpu.dma_semaphore, #tpu.memory_space<semaphore_mem>>)
    %dma_wait3A = arith.constant 0 : i32
    %dma_wait3A_106 = arith.constant 0 : i32
    %dma_wait3A_107 = arith.constant 0 : i32
    %dma_wait3A_108 = tpu.memref_slice %arg7[%dma_wait3A, %dma_wait3A_107] : memref<4x80xi32, #tpu.memory_space<vmem>> -> memref<1x80xi32, #tpu.memory_space<vmem>>
    %dma_wait3A_109 = tpu.memref_squeeze %dma_wait3A_108 : memref<1x80xi32, #tpu.memory_space<vmem>> -> memref<80xi32, #tpu.memory_space<vmem>>
    %dma_wait3A_110 = tpu.memref_slice %arg4[%mul3A_2] : memref<74240xi32, #tpu.memory_space<hbm>> -> memref<80xi32, #tpu.memory_space<hbm>>
    %dma_wait3A_111 = tpu.memref_slice %arg10[%dma_wait3A_106] : memref<4x!tpu.dma_semaphore, #tpu.memory_space<semaphore_mem>> -> memref<1x!tpu.dma_semaphore, #tpu.memory_space<semaphore_mem>>
    %dma_wait3A_112 = tpu.memref_squeeze %dma_wait3A_111 : memref<1x!tpu.dma_semaphore, #tpu.memory_space<semaphore_mem>> -> memref<!tpu.dma_semaphore, #tpu.memory_space<semaphore_mem>>
    %dma_wait3A_113 = arith.constant 0 : i32
    %dma_wait3A_114 = tpu.memref_slice %arg7[%dma_wait3A, %dma_wait3A_113] : memref<4x80xi32, #tpu.memory_space<vmem>> -> memref<1x80xi32, #tpu.memory_space<vmem>>
    %dma_wait3A_115 = tpu.memref_squeeze %dma_wait3A_114 : memref<1x80xi32, #tpu.memory_space<vmem>> -> memref<80xi32, #tpu.memory_space<vmem>>
    %dma_wait3A_116 = tpu.memref_slice %arg4[%mul3A_2] : memref<74240xi32, #tpu.memory_space<hbm>> -> memref<80xi32, #tpu.memory_space<hbm>>
    tpu.wait_dma2 semaphore(%dma_wait3A_112 : memref<!tpu.dma_semaphore, #tpu.memory_space<semaphore_mem>>) src(%dma_wait3A_116 : memref<80xi32, #tpu.memory_space<hbm>>) dst(%dma_wait3A_115 : memref<80xi32, #tpu.memory_space<vmem>>)
    %dma_wait3A_117 = arith.constant 0 : i32
    %dma_wait3A_118 = arith.constant 0 : i32
    %dma_wait3A_119 = arith.constant 0 : i32
    %dma_wait3A_120 = tpu.memref_slice %arg8[%dma_wait3A_117, %dma_wait3A_119] : memref<4x80xi32, #tpu.memory_space<vmem>> -> memref<1x80xi32, #tpu.memory_space<vmem>>
    %dma_wait3A_121 = tpu.memref_squeeze %dma_wait3A_120 : memref<1x80xi32, #tpu.memory_space<vmem>> -> memref<80xi32, #tpu.memory_space<vmem>>
    %dma_wait3A_122 = tpu.memref_slice %arg5[%mul3A_2] : memref<74240xi32, #tpu.memory_space<hbm>> -> memref<80xi32, #tpu.memory_space<hbm>>
    %dma_wait3A_123 = tpu.memref_slice %arg11[%dma_wait3A_118] : memref<4x!tpu.dma_semaphore, #tpu.memory_space<semaphore_mem>> -> memref<1x!tpu.dma_semaphore, #tpu.memory_space<semaphore_mem>>
    %dma_wait3A_124 = tpu.memref_squeeze %dma_wait3A_123 : memref<1x!tpu.dma_semaphore, #tpu.memory_space<semaphore_mem>> -> memref<!tpu.dma_semaphore, #tpu.memory_space<semaphore_mem>>
    %dma_wait3A_125 = arith.constant 0 : i32
    %dma_wait3A_126 = tpu.memref_slice %arg8[%dma_wait3A_117, %dma_wait3A_125] : memref<4x80xi32, #tpu.memory_space<vmem>> -> memref<1x80xi32, #tpu.memory_space<vmem>>
    %dma_wait3A_127 = tpu.memref_squeeze %dma_wait3A_126 : memref<1x80xi32, #tpu.memory_space<vmem>> -> memref<80xi32, #tpu.memory_space<vmem>>
    %dma_wait3A_128 = tpu.memref_slice %arg5[%mul3A_2] : memref<74240xi32, #tpu.memory_space<hbm>> -> memref<80xi32, #tpu.memory_space<hbm>>
    tpu.wait_dma2 semaphore(%dma_wait3A_124 : memref<!tpu.dma_semaphore, #tpu.memory_space<semaphore_mem>>) src(%dma_wait3A_128 : memref<80xi32, #tpu.memory_space<hbm>>) dst(%dma_wait3A_127 : memref<80xi32, #tpu.memory_space<vmem>>)
    %dma_start3A_129 = arith.constant 0 : i32
    %dma_start3A_130 = arith.constant 0 : i32
    %dma_start3A_131 = arith.constant 0 : i32
    %dma_start3A_132 = arith.constant 0 : i32
    %dma_start3A_133 = arith.constant 0 : i32
    %dma_start3A_134 = tpu.memref_slice %arg9[%dma_start3A_130, %dma_start3A_132, %dma_start3A_133] : memref<4x80x128xf32, #tpu.memory_space<vmem>> -> memref<1x80x128xf32, #tpu.memory_space<vmem>>
    %dma_start3A_135 = tpu.memref_squeeze %dma_start3A_134 : memref<1x80x128xf32, #tpu.memory_space<vmem>> -> memref<80x128xf32, #tpu.memory_space<vmem>>
    %dma_start3A_136 = arith.constant 0 : i32
    %dma_start3A_137 = tpu.memref_slice %arg7[%dma_start3A_129, %dma_start3A_136] : memref<4x80xi32, #tpu.memory_space<vmem>> -> memref<1x80xi32, #tpu.memory_space<vmem>>
    %dma_start3A_138 = tpu.memref_squeeze %dma_start3A_137 : memref<1x80xi32, #tpu.memory_space<vmem>> -> memref<80xi32, #tpu.memory_space<vmem>>
    %dma_start3A_139 = arith.constant 0 : i32
    %dma_start3A_140 = arith.constant 0 : i32
    %dma_start3A_141 = tpu.memref_slice %arg2[%dma_start3A_139, %dma_start3A_140] : memref<10000x128xf32, #tpu.memory_space<hbm>> -> memref<10000x128xf32, #tpu.memory_space<hbm>>
    %dma_start3A_142 = tpu.memref_slice %arg12[%dma_start3A_131] : memref<4x!tpu.dma_semaphore, #tpu.memory_space<semaphore_mem>> -> memref<1x!tpu.dma_semaphore, #tpu.memory_space<semaphore_mem>>
    %dma_start3A_143 = tpu.memref_squeeze %dma_start3A_142 : memref<1x!tpu.dma_semaphore, #tpu.memory_space<semaphore_mem>> -> memref<!tpu.dma_semaphore, #tpu.memory_space<semaphore_mem>>
    tpu.enqueue_indirect_dma source(%dma_start3A_141 : memref<10000x128xf32, #tpu.memory_space<hbm>>) target(%dma_start3A_135 : memref<80x128xf32, #tpu.memory_space<vmem>>) offsets(%dma_start3A_138 : memref<80xi32, #tpu.memory_space<vmem>>) semaphore(%dma_start3A_143 : memref<!tpu.dma_semaphore, #tpu.memory_space<semaphore_mem>>)
    %scan3A = arith.constant 0 : i32
    %scan3A_144 = arith.constant 0 : i32
    %scan3A_145 = arith.constant 29 : i32
    %scan3A_146 = arith.addi %scan3A_144, %scan3A_145 : i32
    %scan3A_147 = arith.constant 1 : i32
    scf.for %scan3A_213 = %scan3A_144 to %scan3A_146 step %scan3A_147  : i32 {
      %rem3A = arith.constant 4 : i32
      %rem3A_214 = arith.remsi %scan3A_213, %rem3A : i32
      %add3A_215 = arith.constant 1 : i32
      %add3A_216 = arith.addi %scan3A_213, %add3A_215 : i32
      %rem3A_217 = arith.constant 4 : i32
      %rem3A_218 = arith.remsi %add3A_216, %rem3A_217 : i32
      %add3A_219 = arith.constant 1 : i32
      %add3A_220 = arith.addi %scan3A_213, %add3A_219 : i32
      %lt3A = arith.constant 29 : i32
      %lt3A_221 = arith.cmpi slt, %add3A_220, %lt3A : i32
      %convert_element_type3A = arith.extui %lt3A_221 : i1 to i32
      %cond3A = arith.constant 0 : i32
      %cond3A_222 = arith.cmpi ne, %convert_element_type3A, %cond3A : i32
      scf.if %cond3A_222 {
        %ge3A = arith.constant 3 : i32
        %ge3A_283 = arith.cmpi sge, %scan3A_213, %ge3A : i32
        %convert_element_type3A_284 = arith.extui %ge3A_283 : i1 to i32
        %cond3A_285 = arith.constant 0 : i32
        %cond3A_286 = arith.cmpi ne, %convert_element_type3A_284, %cond3A_285 : i32
        scf.if %cond3A_286 {
          %dma_wait3A_319 = arith.constant 0 : i32
          %dma_wait3A_320 = arith.constant 0 : i32
          %dma_wait3A_321 = tpu.memref_slice %arg9[%rem3A_218, %dma_wait3A_319, %dma_wait3A_320] : memref<4x80x128xf32, #tpu.memory_space<vmem>> -> memref<1x80x128xf32, #tpu.memory_space<vmem>>
          %dma_wait3A_322 = tpu.memref_squeeze %dma_wait3A_321 : memref<1x80x128xf32, #tpu.memory_space<vmem>> -> memref<80x128xf32, #tpu.memory_space<vmem>>
          %dma_wait3A_323 = arith.constant 0 : i32
          %dma_wait3A_324 = tpu.memref_slice %arg6[%mul3A_2, %dma_wait3A_323] : memref<74240x128xf32, #tpu.memory_space<hbm>> -> memref<80x128xf32, #tpu.memory_space<hbm>>
          %dma_wait3A_325 = tpu.memref_slice %arg14[%rem3A_218] : memref<4x!tpu.dma_semaphore, #tpu.memory_space<semaphore_mem>> -> memref<1x!tpu.dma_semaphore, #tpu.memory_space<semaphore_mem>>
          %dma_wait3A_326 = tpu.memref_squeeze %dma_wait3A_325 : memref<1x!tpu.dma_semaphore, #tpu.memory_space<semaphore_mem>> -> memref<!tpu.dma_semaphore, #tpu.memory_space<semaphore_mem>>
          %dma_wait3A_327 = arith.constant 0 : i32
          %dma_wait3A_328 = tpu.memref_slice %arg6[%mul3A_2, %dma_wait3A_327] : memref<74240x128xf32, #tpu.memory_space<hbm>> -> memref<80x128xf32, #tpu.memory_space<hbm>>
          %dma_wait3A_329 = arith.constant 0 : i32
          %dma_wait3A_330 = arith.constant 0 : i32
          %dma_wait3A_331 = tpu.memref_slice %arg9[%rem3A_218, %dma_wait3A_329, %dma_wait3A_330] : memref<4x80x128xf32, #tpu.memory_space<vmem>> -> memref<1x80x128xf32, #tpu.memory_space<vmem>>
          %dma_wait3A_332 = tpu.memref_squeeze %dma_wait3A_331 : memref<1x80x128xf32, #tpu.memory_space<vmem>> -> memref<80x128xf32, #tpu.memory_space<vmem>>
          tpu.wait_dma2 semaphore(%dma_wait3A_326 : memref<!tpu.dma_semaphore, #tpu.memory_space<semaphore_mem>>) src(%dma_wait3A_332 : memref<80x128xf32, #tpu.memory_space<vmem>>) dst(%dma_wait3A_328 : memref<80x128xf32, #tpu.memory_space<hbm>>)
        } else {
        }
        %dma_wait3A_287 = arith.constant 0 : i32
        %dma_wait3A_288 = tpu.memref_slice %arg7[%rem3A_218, %dma_wait3A_287] : memref<4x80xi32, #tpu.memory_space<vmem>> -> memref<1x80xi32, #tpu.memory_space<vmem>>
        %dma_wait3A_289 = tpu.memref_squeeze %dma_wait3A_288 : memref<1x80xi32, #tpu.memory_space<vmem>> -> memref<80xi32, #tpu.memory_space<vmem>>
        %dma_wait3A_290 = tpu.memref_slice %arg4[%mul3A_2] : memref<74240xi32, #tpu.memory_space<hbm>> -> memref<80xi32, #tpu.memory_space<hbm>>
        %dma_wait3A_291 = tpu.memref_slice %arg10[%rem3A_218] : memref<4x!tpu.dma_semaphore, #tpu.memory_space<semaphore_mem>> -> memref<1x!tpu.dma_semaphore, #tpu.memory_space<semaphore_mem>>
        %dma_wait3A_292 = tpu.memref_squeeze %dma_wait3A_291 : memref<1x!tpu.dma_semaphore, #tpu.memory_space<semaphore_mem>> -> memref<!tpu.dma_semaphore, #tpu.memory_space<semaphore_mem>>
        %dma_wait3A_293 = arith.constant 0 : i32
        %dma_wait3A_294 = tpu.memref_slice %arg7[%rem3A_218, %dma_wait3A_293] : memref<4x80xi32, #tpu.memory_space<vmem>> -> memref<1x80xi32, #tpu.memory_space<vmem>>
        %dma_wait3A_295 = tpu.memref_squeeze %dma_wait3A_294 : memref<1x80xi32, #tpu.memory_space<vmem>> -> memref<80xi32, #tpu.memory_space<vmem>>
        %dma_wait3A_296 = tpu.memref_slice %arg4[%mul3A_2] : memref<74240xi32, #tpu.memory_space<hbm>> -> memref<80xi32, #tpu.memory_space<hbm>>
        tpu.wait_dma2 semaphore(%dma_wait3A_292 : memref<!tpu.dma_semaphore, #tpu.memory_space<semaphore_mem>>) src(%dma_wait3A_296 : memref<80xi32, #tpu.memory_space<hbm>>) dst(%dma_wait3A_295 : memref<80xi32, #tpu.memory_space<vmem>>)
        %dma_wait3A_297 = arith.constant 0 : i32
        %dma_wait3A_298 = tpu.memref_slice %arg8[%rem3A_218, %dma_wait3A_297] : memref<4x80xi32, #tpu.memory_space<vmem>> -> memref<1x80xi32, #tpu.memory_space<vmem>>
        %dma_wait3A_299 = tpu.memref_squeeze %dma_wait3A_298 : memref<1x80xi32, #tpu.memory_space<vmem>> -> memref<80xi32, #tpu.memory_space<vmem>>
        %dma_wait3A_300 = tpu.memref_slice %arg5[%mul3A_2] : memref<74240xi32, #tpu.memory_space<hbm>> -> memref<80xi32, #tpu.memory_space<hbm>>
        %dma_wait3A_301 = tpu.memref_slice %arg11[%rem3A_218] : memref<4x!tpu.dma_semaphore, #tpu.memory_space<semaphore_mem>> -> memref<1x!tpu.dma_semaphore, #tpu.memory_space<semaphore_mem>>
        %dma_wait3A_302 = tpu.memref_squeeze %dma_wait3A_301 : memref<1x!tpu.dma_semaphore, #tpu.memory_space<semaphore_mem>> -> memref<!tpu.dma_semaphore, #tpu.memory_space<semaphore_mem>>
        %dma_wait3A_303 = arith.constant 0 : i32
        %dma_wait3A_304 = tpu.memref_slice %arg8[%rem3A_218, %dma_wait3A_303] : memref<4x80xi32, #tpu.memory_space<vmem>> -> memref<1x80xi32, #tpu.memory_space<vmem>>
        %dma_wait3A_305 = tpu.memref_squeeze %dma_wait3A_304 : memref<1x80xi32, #tpu.memory_space<vmem>> -> memref<80xi32, #tpu.memory_space<vmem>>
        %dma_wait3A_306 = tpu.memref_slice %arg5[%mul3A_2] : memref<74240xi32, #tpu.memory_space<hbm>> -> memref<80xi32, #tpu.memory_space<hbm>>
        tpu.wait_dma2 semaphore(%dma_wait3A_302 : memref<!tpu.dma_semaphore, #tpu.memory_space<semaphore_mem>>) src(%dma_wait3A_306 : memref<80xi32, #tpu.memory_space<hbm>>) dst(%dma_wait3A_305 : memref<80xi32, #tpu.memory_space<vmem>>)
        %dma_start3A_307 = arith.constant 0 : i32
        %dma_start3A_308 = arith.constant 0 : i32
        %dma_start3A_309 = tpu.memref_slice %arg9[%rem3A_218, %dma_start3A_307, %dma_start3A_308] : memref<4x80x128xf32, #tpu.memory_space<vmem>> -> memref<1x80x128xf32, #tpu.memory_space<vmem>>
        %dma_start3A_310 = tpu.memref_squeeze %dma_start3A_309 : memref<1x80x128xf32, #tpu.memory_space<vmem>> -> memref<80x128xf32, #tpu.memory_space<vmem>>
        %dma_start3A_311 = arith.constant 0 : i32
        %dma_start3A_312 = tpu.memref_slice %arg7[%rem3A_218, %dma_start3A_311] : memref<4x80xi32, #tpu.memory_space<vmem>> -> memref<1x80xi32, #tpu.memory_space<vmem>>
        %dma_start3A_313 = tpu.memref_squeeze %dma_start3A_312 : memref<1x80xi32, #tpu.memory_space<vmem>> -> memref<80xi32, #tpu.memory_space<vmem>>
        %dma_start3A_314 = arith.constant 0 : i32
        %dma_start3A_315 = arith.constant 0 : i32
        %dma_start3A_316 = tpu.memref_slice %arg2[%dma_start3A_314, %dma_start3A_315] : memref<10000x128xf32, #tpu.memory_space<hbm>> -> memref<10000x128xf32, #tpu.memory_space<hbm>>
        %dma_start3A_317 = tpu.memref_slice %arg12[%rem3A_218] : memref<4x!tpu.dma_semaphore, #tpu.memory_space<semaphore_mem>> -> memref<1x!tpu.dma_semaphore, #tpu.memory_space<semaphore_mem>>
        %dma_start3A_318 = tpu.memref_squeeze %dma_start3A_317 : memref<1x!tpu.dma_semaphore, #tpu.memory_space<semaphore_mem>> -> memref<!tpu.dma_semaphore, #tpu.memory_space<semaphore_mem>>
        tpu.enqueue_indirect_dma source(%dma_start3A_316 : memref<10000x128xf32, #tpu.memory_space<hbm>>) target(%dma_start3A_310 : memref<80x128xf32, #tpu.memory_space<vmem>>) offsets(%dma_start3A_313 : memref<80xi32, #tpu.memory_space<vmem>>) semaphore(%dma_start3A_318 : memref<!tpu.dma_semaphore, #tpu.memory_space<semaphore_mem>>)
      } else {
      }
      %dma_wait3A_223 = arith.constant 0 : i32
      %dma_wait3A_224 = arith.constant 0 : i32
      %dma_wait3A_225 = tpu.memref_slice %arg9[%rem3A_214, %dma_wait3A_223, %dma_wait3A_224] : memref<4x80x128xf32, #tpu.memory_space<vmem>> -> memref<1x80x128xf32, #tpu.memory_space<vmem>>
      %dma_wait3A_226 = tpu.memref_squeeze %dma_wait3A_225 : memref<1x80x128xf32, #tpu.memory_space<vmem>> -> memref<80x128xf32, #tpu.memory_space<vmem>>
      %dma_wait3A_227 = arith.constant 0 : i32
      %dma_wait3A_228 = tpu.memref_slice %arg7[%rem3A_214, %dma_wait3A_227] : memref<4x80xi32, #tpu.memory_space<vmem>> -> memref<1x80xi32, #tpu.memory_space<vmem>>
      %dma_wait3A_229 = tpu.memref_squeeze %dma_wait3A_228 : memref<1x80xi32, #tpu.memory_space<vmem>> -> memref<80xi32, #tpu.memory_space<vmem>>
      %dma_wait3A_230 = arith.constant 0 : i32
      %dma_wait3A_231 = arith.constant 0 : i32
      %dma_wait3A_232 = tpu.memref_slice %arg2[%dma_wait3A_230, %dma_wait3A_231] : memref<10000x128xf32, #tpu.memory_space<hbm>> -> memref<10000x128xf32, #tpu.memory_space<hbm>>
      %dma_wait3A_233 = tpu.memref_slice %arg12[%rem3A_214] : memref<4x!tpu.dma_semaphore, #tpu.memory_space<semaphore_mem>> -> memref<1x!tpu.dma_semaphore, #tpu.memory_space<semaphore_mem>>
      %dma_wait3A_234 = tpu.memref_squeeze %dma_wait3A_233 : memref<1x!tpu.dma_semaphore, #tpu.memory_space<semaphore_mem>> -> memref<!tpu.dma_semaphore, #tpu.memory_space<semaphore_mem>>
      tpu.wait_indirect_dma semaphore(%dma_wait3A_234 : memref<!tpu.dma_semaphore, #tpu.memory_space<semaphore_mem>>) src(%dma_wait3A_232 : memref<10000x128xf32, #tpu.memory_space<hbm>>) dst(%dma_wait3A_226 : memref<80x128xf32, #tpu.memory_space<vmem>>)
      %dma_start3A_235 = arith.constant 0 : i32
      %dma_start3A_236 = arith.constant 0 : i32
      %dma_start3A_237 = tpu.memref_slice %arg9[%rem3A_214, %dma_start3A_235, %dma_start3A_236] : memref<4x80x128xf32, #tpu.memory_space<vmem>> -> memref<1x80x128xf32, #tpu.memory_space<vmem>>
      %dma_start3A_238 = tpu.memref_squeeze %dma_start3A_237 : memref<1x80x128xf32, #tpu.memory_space<vmem>> -> memref<80x128xf32, #tpu.memory_space<vmem>>
      %dma_start3A_239 = arith.constant 0 : i32
      %dma_start3A_240 = tpu.memref_slice %arg8[%rem3A_214, %dma_start3A_239] : memref<4x80xi32, #tpu.memory_space<vmem>> -> memref<1x80xi32, #tpu.memory_space<vmem>>
      %dma_start3A_241 = tpu.memref_squeeze %dma_start3A_240 : memref<1x80xi32, #tpu.memory_space<vmem>> -> memref<80xi32, #tpu.memory_space<vmem>>
      %dma_start3A_242 = arith.constant 0 : i32
      %dma_start3A_243 = arith.constant 0 : i32
      %dma_start3A_244 = tpu.memref_slice %arg3[%dma_start3A_242, %dma_start3A_243] : memref<10000x128xf32, #tpu.memory_space<hbm>> -> memref<10000x128xf32, #tpu.memory_space<hbm>>
      %dma_start3A_245 = tpu.memref_slice %arg13[%rem3A_214] : memref<4x!tpu.dma_semaphore, #tpu.memory_space<semaphore_mem>> -> memref<1x!tpu.dma_semaphore, #tpu.memory_space<semaphore_mem>>
      %dma_start3A_246 = tpu.memref_squeeze %dma_start3A_245 : memref<1x!tpu.dma_semaphore, #tpu.memory_space<semaphore_mem>> -> memref<!tpu.dma_semaphore, #tpu.memory_space<semaphore_mem>>
      tpu.enqueue_indirect_dma source(%dma_start3A_244 : memref<10000x128xf32, #tpu.memory_space<hbm>>) target(%dma_start3A_238 : memref<80x128xf32, #tpu.memory_space<vmem>>) offsets(%dma_start3A_241 : memref<80xi32, #tpu.memory_space<vmem>>) semaphore(%dma_start3A_246 : memref<!tpu.dma_semaphore, #tpu.memory_space<semaphore_mem>>) {add = true}
      %dma_wait3A_247 = arith.constant 0 : i32
      %dma_wait3A_248 = arith.constant 0 : i32
      %dma_wait3A_249 = tpu.memref_slice %arg9[%rem3A_214, %dma_wait3A_247, %dma_wait3A_248] : memref<4x80x128xf32, #tpu.memory_space<vmem>> -> memref<1x80x128xf32, #tpu.memory_space<vmem>>
      %dma_wait3A_250 = tpu.memref_squeeze %dma_wait3A_249 : memref<1x80x128xf32, #tpu.memory_space<vmem>> -> memref<80x128xf32, #tpu.memory_space<vmem>>
      %dma_wait3A_251 = arith.constant 0 : i32
      %dma_wait3A_252 = tpu.memref_slice %arg8[%rem3A_214, %dma_wait3A_251] : memref<4x80xi32, #tpu.memory_space<vmem>> -> memref<1x80xi32, #tpu.memory_space<vmem>>
      %dma_wait3A_253 = tpu.memref_squeeze %dma_wait3A_252 : memref<1x80xi32, #tpu.memory_space<vmem>> -> memref<80xi32, #tpu.memory_space<vmem>>
      %dma_wait3A_254 = arith.constant 0 : i32
      %dma_wait3A_255 = arith.constant 0 : i32
      %dma_wait3A_256 = tpu.memref_slice %arg3[%dma_wait3A_254, %dma_wait3A_255] : memref<10000x128xf32, #tpu.memory_space<hbm>> -> memref<10000x128xf32, #tpu.memory_space<hbm>>
      %dma_wait3A_257 = tpu.memref_slice %arg13[%rem3A_214] : memref<4x!tpu.dma_semaphore, #tpu.memory_space<semaphore_mem>> -> memref<1x!tpu.dma_semaphore, #tpu.memory_space<semaphore_mem>>
      %dma_wait3A_258 = tpu.memref_squeeze %dma_wait3A_257 : memref<1x!tpu.dma_semaphore, #tpu.memory_space<semaphore_mem>> -> memref<!tpu.dma_semaphore, #tpu.memory_space<semaphore_mem>>
      tpu.wait_indirect_dma semaphore(%dma_wait3A_258 : memref<!tpu.dma_semaphore, #tpu.memory_space<semaphore_mem>>) src(%dma_wait3A_256 : memref<10000x128xf32, #tpu.memory_space<hbm>>) dst(%dma_wait3A_250 : memref<80x128xf32, #tpu.memory_space<vmem>>)
      %mul3A_259 = arith.constant 80 : i32
      %mul3A_260 = arith.muli %scan3A_213, %mul3A_259 : i32
      %add3A_261 = arith.addi %mul3A_2, %mul3A_260 : i32
      %dma_start3A_262 = arith.constant 0 : i32
      %dma_start3A_263 = arith.constant 0 : i32
      %dma_start3A_264 = tpu.memref_slice %arg9[%rem3A_214, %dma_start3A_262, %dma_start3A_263] : memref<4x80x128xf32, #tpu.memory_space<vmem>> -> memref<1x80x128xf32, #tpu.memory_space<vmem>>
      %dma_start3A_265 = tpu.memref_squeeze %dma_start3A_264 : memref<1x80x128xf32, #tpu.memory_space<vmem>> -> memref<80x128xf32, #tpu.memory_space<vmem>>
      %dma_start3A_266 = arith.constant 0 : i32
      %dma_start3A_267 = tpu.memref_slice %arg6[%add3A_261, %dma_start3A_266] : memref<74240x128xf32, #tpu.memory_space<hbm>> -> memref<80x128xf32, #tpu.memory_space<hbm>>
      %dma_start3A_268 = tpu.memref_slice %arg14[%rem3A_214] : memref<4x!tpu.dma_semaphore, #tpu.memory_space<semaphore_mem>> -> memref<1x!tpu.dma_semaphore, #tpu.memory_space<semaphore_mem>>
      %dma_start3A_269 = tpu.memref_squeeze %dma_start3A_268 : memref<1x!tpu.dma_semaphore, #tpu.memory_space<semaphore_mem>> -> memref<!tpu.dma_semaphore, #tpu.memory_space<semaphore_mem>>
      %dma_start3A_270 = arith.constant 0 : i32
      %dma_start3A_271 = tpu.memref_slice %arg6[%add3A_261, %dma_start3A_270] : memref<74240x128xf32, #tpu.memory_space<hbm>> -> memref<80x128xf32, #tpu.memory_space<hbm>>
      %dma_start3A_272 = arith.constant 0 : i32
      %dma_start3A_273 = arith.constant 0 : i32
      %dma_start3A_274 = tpu.memref_slice %arg9[%rem3A_214, %dma_start3A_272, %dma_start3A_273] : memref<4x80x128xf32, #tpu.memory_space<vmem>> -> memref<1x80x128xf32, #tpu.memory_space<vmem>>
      %dma_start3A_275 = tpu.memref_squeeze %dma_start3A_274 : memref<1x80x128xf32, #tpu.memory_space<vmem>> -> memref<80x128xf32, #tpu.memory_space<vmem>>
      tpu.enqueue_dma source(%dma_start3A_275 : memref<80x128xf32, #tpu.memory_space<vmem>>) target(%dma_start3A_271 : memref<80x128xf32, #tpu.memory_space<hbm>>) target_semaphore(%dma_start3A_269 : memref<!tpu.dma_semaphore, #tpu.memory_space<semaphore_mem>>)
      %add3A_276 = arith.constant 4 : i32
      %add3A_277 = arith.addi %scan3A_213, %add3A_276 : i32
      %lt3A_278 = arith.constant 29 : i32
      %lt3A_279 = arith.cmpi slt, %add3A_277, %lt3A_278 : i32
      %convert_element_type3A_280 = arith.extui %lt3A_279 : i1 to i32
      %cond3A_281 = arith.constant 0 : i32
      %cond3A_282 = arith.cmpi ne, %convert_element_type3A_280, %cond3A_281 : i32
      scf.if %cond3A_282 {
        %add3A_283 = arith.constant 4 : i32
        %add3A_284 = arith.addi %scan3A_213, %add3A_283 : i32
        %mul3A_285 = arith.constant 80 : i32
        %mul3A_286 = arith.muli %add3A_284, %mul3A_285 : i32
        %add3A_287 = arith.addi %mul3A_2, %mul3A_286 : i32
        %dma_start3A_288 = arith.constant 0 : i32
        %dma_start3A_289 = tpu.memref_slice %arg7[%rem3A_214, %dma_start3A_288] : memref<4x80xi32, #tpu.memory_space<vmem>> -> memref<1x80xi32, #tpu.memory_space<vmem>>
        %dma_start3A_290 = tpu.memref_squeeze %dma_start3A_289 : memref<1x80xi32, #tpu.memory_space<vmem>> -> memref<80xi32, #tpu.memory_space<vmem>>
        %dma_start3A_291 = tpu.memref_slice %arg4[%add3A_287] : memref<74240xi32, #tpu.memory_space<hbm>> -> memref<80xi32, #tpu.memory_space<hbm>>
        %dma_start3A_292 = tpu.memref_slice %arg10[%rem3A_214] : memref<4x!tpu.dma_semaphore, #tpu.memory_space<semaphore_mem>> -> memref<1x!tpu.dma_semaphore, #tpu.memory_space<semaphore_mem>>
        %dma_start3A_293 = tpu.memref_squeeze %dma_start3A_292 : memref<1x!tpu.dma_semaphore, #tpu.memory_space<semaphore_mem>> -> memref<!tpu.dma_semaphore, #tpu.memory_space<semaphore_mem>>
        %dma_start3A_294 = arith.constant 0 : i32
        %dma_start3A_295 = tpu.memref_slice %arg7[%rem3A_214, %dma_start3A_294] : memref<4x80xi32, #tpu.memory_space<vmem>> -> memref<1x80xi32, #tpu.memory_space<vmem>>
        %dma_start3A_296 = tpu.memref_squeeze %dma_start3A_295 : memref<1x80xi32, #tpu.memory_space<vmem>> -> memref<80xi32, #tpu.memory_space<vmem>>
        %dma_start3A_297 = tpu.memref_slice %arg4[%add3A_287] : memref<74240xi32, #tpu.memory_space<hbm>> -> memref<80xi32, #tpu.memory_space<hbm>>
        tpu.enqueue_dma source(%dma_start3A_297 : memref<80xi32, #tpu.memory_space<hbm>>) target(%dma_start3A_296 : memref<80xi32, #tpu.memory_space<vmem>>) target_semaphore(%dma_start3A_293 : memref<!tpu.dma_semaphore, #tpu.memory_space<semaphore_mem>>)
        %dma_start3A_298 = arith.constant 0 : i32
        %dma_start3A_299 = tpu.memref_slice %arg8[%rem3A_214, %dma_start3A_298] : memref<4x80xi32, #tpu.memory_space<vmem>> -> memref<1x80xi32, #tpu.memory_space<vmem>>
        %dma_start3A_300 = tpu.memref_squeeze %dma_start3A_299 : memref<1x80xi32, #tpu.memory_space<vmem>> -> memref<80xi32, #tpu.memory_space<vmem>>
        %dma_start3A_301 = tpu.memref_slice %arg5[%add3A_287] : memref<74240xi32, #tpu.memory_space<hbm>> -> memref<80xi32, #tpu.memory_space<hbm>>
        %dma_start3A_302 = tpu.memref_slice %arg11[%rem3A_214] : memref<4x!tpu.dma_semaphore, #tpu.memory_space<semaphore_mem>> -> memref<1x!tpu.dma_semaphore, #tpu.memory_space<semaphore_mem>>
        %dma_start3A_303 = tpu.memref_squeeze %dma_start3A_302 : memref<1x!tpu.dma_semaphore, #tpu.memory_space<semaphore_mem>> -> memref<!tpu.dma_semaphore, #tpu.memory_space<semaphore_mem>>
        %dma_start3A_304 = arith.constant 0 : i32
        %dma_start3A_305 = tpu.memref_slice %arg8[%rem3A_214, %dma_start3A_304] : memref<4x80xi32, #tpu.memory_space<vmem>> -> memref<1x80xi32, #tpu.memory_space<vmem>>
        %dma_start3A_306 = tpu.memref_squeeze %dma_start3A_305 : memref<1x80xi32, #tpu.memory_space<vmem>> -> memref<80xi32, #tpu.memory_space<vmem>>
        %dma_start3A_307 = tpu.memref_slice %arg5[%add3A_287] : memref<74240xi32, #tpu.memory_space<hbm>> -> memref<80xi32, #tpu.memory_space<hbm>>
        tpu.enqueue_dma source(%dma_start3A_307 : memref<80xi32, #tpu.memory_space<hbm>>) target(%dma_start3A_306 : memref<80xi32, #tpu.memory_space<vmem>>) target_semaphore(%dma_start3A_303 : memref<!tpu.dma_semaphore, #tpu.memory_space<semaphore_mem>>)
      } else {
      }
    }
    %scan3A_148 = arith.constant 29 : i32
    %dma_wait3A_149 = arith.constant 0 : i32
    %dma_wait3A_150 = arith.constant 0 : i32
    %dma_wait3A_151 = arith.constant 0 : i32
    %dma_wait3A_152 = arith.constant 0 : i32
    %dma_wait3A_153 = tpu.memref_slice %arg9[%dma_wait3A_149, %dma_wait3A_151, %dma_wait3A_152] : memref<4x80x128xf32, #tpu.memory_space<vmem>> -> memref<1x80x128xf32, #tpu.memory_space<vmem>>
    %dma_wait3A_154 = tpu.memref_squeeze %dma_wait3A_153 : memref<1x80x128xf32, #tpu.memory_space<vmem>> -> memref<80x128xf32, #tpu.memory_space<vmem>>
    %dma_wait3A_155 = arith.constant 0 : i32
    %dma_wait3A_156 = tpu.memref_slice %arg6[%mul3A_2, %dma_wait3A_155] : memref<74240x128xf32, #tpu.memory_space<hbm>> -> memref<80x128xf32, #tpu.memory_space<hbm>>
    %dma_wait3A_157 = tpu.memref_slice %arg14[%dma_wait3A_150] : memref<4x!tpu.dma_semaphore, #tpu.memory_space<semaphore_mem>> -> memref<1x!tpu.dma_semaphore, #tpu.memory_space<semaphore_mem>>
    %dma_wait3A_158 = tpu.memref_squeeze %dma_wait3A_157 : memref<1x!tpu.dma_semaphore, #tpu.memory_space<semaphore_mem>> -> memref<!tpu.dma_semaphore, #tpu.memory_space<semaphore_mem>>
    %dma_wait3A_159 = arith.constant 0 : i32
    %dma_wait3A_160 = tpu.memref_slice %arg6[%mul3A_2, %dma_wait3A_159] : memref<74240x128xf32, #tpu.memory_space<hbm>> -> memref<80x128xf32, #tpu.memory_space<hbm>>
    %dma_wait3A_161 = arith.constant 0 : i32
    %dma_wait3A_162 = arith.constant 0 : i32
    %dma_wait3A_163 = tpu.memref_slice %arg9[%dma_wait3A_149, %dma_wait3A_161, %dma_wait3A_162] : memref<4x80x128xf32, #tpu.memory_space<vmem>> -> memref<1x80x128xf32, #tpu.memory_space<vmem>>
    %dma_wait3A_164 = tpu.memref_squeeze %dma_wait3A_163 : memref<1x80x128xf32, #tpu.memory_space<vmem>> -> memref<80x128xf32, #tpu.memory_space<vmem>>
    tpu.wait_dma2 semaphore(%dma_wait3A_158 : memref<!tpu.dma_semaphore, #tpu.memory_space<semaphore_mem>>) src(%dma_wait3A_164 : memref<80x128xf32, #tpu.memory_space<vmem>>) dst(%dma_wait3A_160 : memref<80x128xf32, #tpu.memory_space<hbm>>)
    %dma_wait3A_165 = arith.constant 1 : i32
    %dma_wait3A_166 = arith.constant 1 : i32
    %dma_wait3A_167 = arith.constant 0 : i32
    %dma_wait3A_168 = arith.constant 0 : i32
    %dma_wait3A_169 = tpu.memref_slice %arg9[%dma_wait3A_165, %dma_wait3A_167, %dma_wait3A_168] : memref<4x80x128xf32, #tpu.memory_space<vmem>> -> memref<1x80x128xf32, #tpu.memory_space<vmem>>
    %dma_wait3A_170 = tpu.memref_squeeze %dma_wait3A_169 : memref<1x80x128xf32, #tpu.memory_space<vmem>> -> memref<80x128xf32, #tpu.memory_space<vmem>>
    %dma_wait3A_171 = arith.constant 0 : i32
    %dma_wait3A_172 = tpu.memref_slice %arg6[%mul3A_2, %dma_wait3A_171] : memref<74240x128xf32, #tpu.memory_space<hbm>> -> memref<80x128xf32, #tpu.memory_space<hbm>>
    %dma_wait3A_173 = tpu.memref_slice %arg14[%dma_wait3A_166] : memref<4x!tpu.dma_semaphore, #tpu.memory_space<semaphore_mem>> -> memref<1x!tpu.dma_semaphore, #tpu.memory_space<semaphore_mem>>
    %dma_wait3A_174 = tpu.memref_squeeze %dma_wait3A_173 : memref<1x!tpu.dma_semaphore, #tpu.memory_space<semaphore_mem>> -> memref<!tpu.dma_semaphore, #tpu.memory_space<semaphore_mem>>
    %dma_wait3A_175 = arith.constant 0 : i32
    %dma_wait3A_176 = tpu.memref_slice %arg6[%mul3A_2, %dma_wait3A_175] : memref<74240x128xf32, #tpu.memory_space<hbm>> -> memref<80x128xf32, #tpu.memory_space<hbm>>
    %dma_wait3A_177 = arith.constant 0 : i32
    %dma_wait3A_178 = arith.constant 0 : i32
    %dma_wait3A_179 = tpu.memref_slice %arg9[%dma_wait3A_165, %dma_wait3A_177, %dma_wait3A_178] : memref<4x80x128xf32, #tpu.memory_space<vmem>> -> memref<1x80x128xf32, #tpu.memory_space<vmem>>
    %dma_wait3A_180 = tpu.memref_squeeze %dma_wait3A_179 : memref<1x80x128xf32, #tpu.memory_space<vmem>> -> memref<80x128xf32, #tpu.memory_space<vmem>>
    tpu.wait_dma2 semaphore(%dma_wait3A_174 : memref<!tpu.dma_semaphore, #tpu.memory_space<semaphore_mem>>) src(%dma_wait3A_180 : memref<80x128xf32, #tpu.memory_space<vmem>>) dst(%dma_wait3A_176 : memref<80x128xf32, #tpu.memory_space<hbm>>)
    %dma_wait3A_181 = arith.constant 2 : i32
    %dma_wait3A_182 = arith.constant 2 : i32
    %dma_wait3A_183 = arith.constant 0 : i32
    %dma_wait3A_184 = arith.constant 0 : i32
    %dma_wait3A_185 = tpu.memref_slice %arg9[%dma_wait3A_181, %dma_wait3A_183, %dma_wait3A_184] : memref<4x80x128xf32, #tpu.memory_space<vmem>> -> memref<1x80x128xf32, #tpu.memory_space<vmem>>
    %dma_wait3A_186 = tpu.memref_squeeze %dma_wait3A_185 : memref<1x80x128xf32, #tpu.memory_space<vmem>> -> memref<80x128xf32, #tpu.memory_space<vmem>>
    %dma_wait3A_187 = arith.constant 0 : i32
    %dma_wait3A_188 = tpu.memref_slice %arg6[%mul3A_2, %dma_wait3A_187] : memref<74240x128xf32, #tpu.memory_space<hbm>> -> memref<80x128xf32, #tpu.memory_space<hbm>>
    %dma_wait3A_189 = tpu.memref_slice %arg14[%dma_wait3A_182] : memref<4x!tpu.dma_semaphore, #tpu.memory_space<semaphore_mem>> -> memref<1x!tpu.dma_semaphore, #tpu.memory_space<semaphore_mem>>
    %dma_wait3A_190 = tpu.memref_squeeze %dma_wait3A_189 : memref<1x!tpu.dma_semaphore, #tpu.memory_space<semaphore_mem>> -> memref<!tpu.dma_semaphore, #tpu.memory_space<semaphore_mem>>
    %dma_wait3A_191 = arith.constant 0 : i32
    %dma_wait3A_192 = tpu.memref_slice %arg6[%mul3A_2, %dma_wait3A_191] : memref<74240x128xf32, #tpu.memory_space<hbm>> -> memref<80x128xf32, #tpu.memory_space<hbm>>
    %dma_wait3A_193 = arith.constant 0 : i32
    %dma_wait3A_194 = arith.constant 0 : i32
    %dma_wait3A_195 = tpu.memref_slice %arg9[%dma_wait3A_181, %dma_wait3A_193, %dma_wait3A_194] : memref<4x80x128xf32, #tpu.memory_space<vmem>> -> memref<1x80x128xf32, #tpu.memory_space<vmem>>
    %dma_wait3A_196 = tpu.memref_squeeze %dma_wait3A_195 : memref<1x80x128xf32, #tpu.memory_space<vmem>> -> memref<80x128xf32, #tpu.memory_space<vmem>>
    tpu.wait_dma2 semaphore(%dma_wait3A_190 : memref<!tpu.dma_semaphore, #tpu.memory_space<semaphore_mem>>) src(%dma_wait3A_196 : memref<80x128xf32, #tpu.memory_space<vmem>>) dst(%dma_wait3A_192 : memref<80x128xf32, #tpu.memory_space<hbm>>)
    %dma_wait3A_197 = arith.constant 3 : i32
    %dma_wait3A_198 = arith.constant 3 : i32
    %dma_wait3A_199 = arith.constant 0 : i32
    %dma_wait3A_200 = arith.constant 0 : i32
    %dma_wait3A_201 = tpu.memref_slice %arg9[%dma_wait3A_197, %dma_wait3A_199, %dma_wait3A_200] : memref<4x80x128xf32, #tpu.memory_space<vmem>> -> memref<1x80x128xf32, #tpu.memory_space<vmem>>
    %dma_wait3A_202 = tpu.memref_squeeze %dma_wait3A_201 : memref<1x80x128xf32, #tpu.memory_space<vmem>> -> memref<80x128xf32, #tpu.memory_space<vmem>>
    %dma_wait3A_203 = arith.constant 0 : i32
    %dma_wait3A_204 = tpu.memref_slice %arg6[%mul3A_2, %dma_wait3A_203] : memref<74240x128xf32, #tpu.memory_space<hbm>> -> memref<80x128xf32, #tpu.memory_space<hbm>>
    %dma_wait3A_205 = tpu.memref_slice %arg14[%dma_wait3A_198] : memref<4x!tpu.dma_semaphore, #tpu.memory_space<semaphore_mem>> -> memref<1x!tpu.dma_semaphore, #tpu.memory_space<semaphore_mem>>
    %dma_wait3A_206 = tpu.memref_squeeze %dma_wait3A_205 : memref<1x!tpu.dma_semaphore, #tpu.memory_space<semaphore_mem>> -> memref<!tpu.dma_semaphore, #tpu.memory_space<semaphore_mem>>
    %dma_wait3A_207 = arith.constant 0 : i32
    %dma_wait3A_208 = tpu.memref_slice %arg6[%mul3A_2, %dma_wait3A_207] : memref<74240x128xf32, #tpu.memory_space<hbm>> -> memref<80x128xf32, #tpu.memory_space<hbm>>
    %dma_wait3A_209 = arith.constant 0 : i32
    %dma_wait3A_210 = arith.constant 0 : i32
    %dma_wait3A_211 = tpu.memref_slice %arg9[%dma_wait3A_197, %dma_wait3A_209, %dma_wait3A_210] : memref<4x80x128xf32, #tpu.memory_space<vmem>> -> memref<1x80x128xf32, #tpu.memory_space<vmem>>
    %dma_wait3A_212 = tpu.memref_squeeze %dma_wait3A_211 : memref<1x80x128xf32, #tpu.memory_space<vmem>> -> memref<80x128xf32, #tpu.memory_space<vmem>>
    tpu.wait_dma2 semaphore(%dma_wait3A_206 : memref<!tpu.dma_semaphore, #tpu.memory_space<semaphore_mem>>) src(%dma_wait3A_212 : memref<80x128xf32, #tpu.memory_space<vmem>>) dst(%dma_wait3A_208 : memref<80x128xf32, #tpu.memory_space<hbm>>)
    return
  }
}

#map = affine_map<(d0, d1) -> (0, 0)>
#map1 = affine_map<(d0, d1) -> (0)>
#map2 = affine_map<(d0, d1) -> (0, 0, 0)>
module attributes {stable_mosaic.version = 14 : i64} {
  func.func @_scatter_body(%arg0: i32, %arg1: i32, %arg2: memref<122880x128xf32, #tpu.memory_space<hbm>>, %arg3: memref<122880xi32, #tpu.memory_space<hbm>>, %arg4: memref<10240x128xf32, #tpu.memory_space<hbm>>, %arg5: memref<2x10240x128xf32, #tpu.memory_space<hbm>>, %arg6: memref<3x80xi32, #tpu.memory_space<vmem>>, %arg7: memref<3x80x128xf32, #tpu.memory_space<vmem>>, %arg8: memref<10240x128xf32, #tpu.memory_space<vmem_shared>>, %arg9: memref<3x!tpu.dma_semaphore, #tpu.memory_space<semaphore_mem>>, %arg10: memref<3x!tpu.dma_semaphore, #tpu.memory_space<semaphore_mem>>, %arg11: memref<3x!tpu.dma_semaphore, #tpu.memory_space<semaphore_mem>>) attributes {dimension_semantics = [#tpu.dimension_semantics<core_parallel>, #tpu.dimension_semantics<subcore_parallel>], iteration_bounds = array<i64: 2, 16>, scalar_prefetch = 0 : i64, scratch_operands = 6 : i64, tpu.core_type = #tpu.core_type<sc_vector_subcore>, window_params = [{transform_indices = #map}, {transform_indices = #map1}, {transform_indices = #map}, {transform_indices = #map2}]} {
    %mul3A = arith.constant 640 : i32
    %mul3A_0 = arith.muli %arg1, %mul3A : i32
    "tpu.region"() ({
      %run_scoped3A = tpu.sem_alloc : memref<!tpu.dma_semaphore, #tpu.memory_space<semaphore_mem>>
      %dma_start3A_114 = arith.constant 0 : i32
      %dma_start3A_115 = tpu.memref_slice %arg8[%mul3A_0, %dma_start3A_114] : memref<10240x128xf32, #tpu.memory_space<vmem_shared>> -> memref<640x128xf32, #tpu.memory_space<vmem_shared>>
      %dma_start3A_116 = arith.constant 0 : i32
      %dma_start3A_117 = tpu.memref_slice %arg4[%mul3A_0, %dma_start3A_116] : memref<10240x128xf32, #tpu.memory_space<hbm>> -> memref<640x128xf32, #tpu.memory_space<hbm>>
      tpu.enqueue_dma source(%dma_start3A_117 : memref<640x128xf32, #tpu.memory_space<hbm>>) target(%dma_start3A_115 : memref<640x128xf32, #tpu.memory_space<vmem_shared>>) target_semaphore(%run_scoped3A : memref<!tpu.dma_semaphore, #tpu.memory_space<semaphore_mem>>)
      %dma_wait3A_118 = arith.constant 0 : i32
      %dma_wait3A_119 = tpu.memref_slice %arg8[%mul3A_0, %dma_wait3A_118] : memref<10240x128xf32, #tpu.memory_space<vmem_shared>> -> memref<640x128xf32, #tpu.memory_space<vmem_shared>>
      %dma_wait3A_120 = arith.constant 0 : i32
      %dma_wait3A_121 = tpu.memref_slice %arg4[%mul3A_0, %dma_wait3A_120] : memref<10240x128xf32, #tpu.memory_space<hbm>> -> memref<640x128xf32, #tpu.memory_space<hbm>>
      tpu.wait_dma2 semaphore(%run_scoped3A : memref<!tpu.dma_semaphore, #tpu.memory_space<semaphore_mem>>) src(%dma_wait3A_121 : memref<640x128xf32, #tpu.memory_space<hbm>>) dst(%dma_wait3A_119 : memref<640x128xf32, #tpu.memory_space<vmem_shared>>)
      tpu.yield
    }) : () -> ()
    %barrier3A = arith.constant 0 : index
    tpu.barrier barrier_id(%barrier3A)
    %mul3A_1 = arith.constant 16 : i32
    %mul3A_2 = arith.muli %arg0, %mul3A_1 : i32
    %add3A = arith.addi %mul3A_2, %arg1 : i32
    %mul3A_3 = arith.constant 3840 : i32
    %mul3A_4 = arith.muli %add3A, %mul3A_3 : i32
    %add3A_5 = arith.constant 0 : i32
    %add3A_6 = arith.addi %mul3A_4, %add3A_5 : i32
    %dma_start3A = arith.constant 0 : i32
    %dma_start3A_7 = arith.constant 0 : i32
    %dma_start3A_8 = arith.constant 0 : i32
    %dma_start3A_9 = tpu.memref_slice %arg6[%dma_start3A, %dma_start3A_8] : memref<3x80xi32, #tpu.memory_space<vmem>> -> memref<1x80xi32, #tpu.memory_space<vmem>>
    %dma_start3A_10 = tpu.memref_squeeze %dma_start3A_9 : memref<1x80xi32, #tpu.memory_space<vmem>> -> memref<80xi32, #tpu.memory_space<vmem>>
    %dma_start3A_11 = tpu.memref_slice %arg3[%add3A_6] : memref<122880xi32, #tpu.memory_space<hbm>> -> memref<80xi32, #tpu.memory_space<hbm>>
    %dma_start3A_12 = tpu.memref_slice %arg9[%dma_start3A_7] : memref<3x!tpu.dma_semaphore, #tpu.memory_space<semaphore_mem>> -> memref<1x!tpu.dma_semaphore, #tpu.memory_space<semaphore_mem>>
    %dma_start3A_13 = tpu.memref_squeeze %dma_start3A_12 : memref<1x!tpu.dma_semaphore, #tpu.memory_space<semaphore_mem>> -> memref<!tpu.dma_semaphore, #tpu.memory_space<semaphore_mem>>
    %dma_start3A_14 = arith.constant 0 : i32
    %dma_start3A_15 = tpu.memref_slice %arg6[%dma_start3A, %dma_start3A_14] : memref<3x80xi32, #tpu.memory_space<vmem>> -> memref<1x80xi32, #tpu.memory_space<vmem>>
    %dma_start3A_16 = tpu.memref_squeeze %dma_start3A_15 : memref<1x80xi32, #tpu.memory_space<vmem>> -> memref<80xi32, #tpu.memory_space<vmem>>
    %dma_start3A_17 = tpu.memref_slice %arg3[%add3A_6] : memref<122880xi32, #tpu.memory_space<hbm>> -> memref<80xi32, #tpu.memory_space<hbm>>
    tpu.enqueue_dma source(%dma_start3A_17 : memref<80xi32, #tpu.memory_space<hbm>>) target(%dma_start3A_16 : memref<80xi32, #tpu.memory_space<vmem>>) target_semaphore(%dma_start3A_13 : memref<!tpu.dma_semaphore, #tpu.memory_space<semaphore_mem>>)
    %dma_start3A_18 = arith.constant 0 : i32
    %dma_start3A_19 = arith.constant 0 : i32
    %dma_start3A_20 = arith.constant 0 : i32
    %dma_start3A_21 = arith.constant 0 : i32
    %dma_start3A_22 = tpu.memref_slice %arg7[%dma_start3A_18, %dma_start3A_20, %dma_start3A_21] : memref<3x80x128xf32, #tpu.memory_space<vmem>> -> memref<1x80x128xf32, #tpu.memory_space<vmem>>
    %dma_start3A_23 = tpu.memref_squeeze %dma_start3A_22 : memref<1x80x128xf32, #tpu.memory_space<vmem>> -> memref<80x128xf32, #tpu.memory_space<vmem>>
    %dma_start3A_24 = arith.constant 0 : i32
    %dma_start3A_25 = tpu.memref_slice %arg2[%add3A_6, %dma_start3A_24] : memref<122880x128xf32, #tpu.memory_space<hbm>> -> memref<80x128xf32, #tpu.memory_space<hbm>>
    %dma_start3A_26 = tpu.memref_slice %arg10[%dma_start3A_19] : memref<3x!tpu.dma_semaphore, #tpu.memory_space<semaphore_mem>> -> memref<1x!tpu.dma_semaphore, #tpu.memory_space<semaphore_mem>>
    %dma_start3A_27 = tpu.memref_squeeze %dma_start3A_26 : memref<1x!tpu.dma_semaphore, #tpu.memory_space<semaphore_mem>> -> memref<!tpu.dma_semaphore, #tpu.memory_space<semaphore_mem>>
    %dma_start3A_28 = arith.constant 0 : i32
    %dma_start3A_29 = arith.constant 0 : i32
    %dma_start3A_30 = tpu.memref_slice %arg7[%dma_start3A_18, %dma_start3A_28, %dma_start3A_29] : memref<3x80x128xf32, #tpu.memory_space<vmem>> -> memref<1x80x128xf32, #tpu.memory_space<vmem>>
    %dma_start3A_31 = tpu.memref_squeeze %dma_start3A_30 : memref<1x80x128xf32, #tpu.memory_space<vmem>> -> memref<80x128xf32, #tpu.memory_space<vmem>>
    %dma_start3A_32 = arith.constant 0 : i32
    %dma_start3A_33 = tpu.memref_slice %arg2[%add3A_6, %dma_start3A_32] : memref<122880x128xf32, #tpu.memory_space<hbm>> -> memref<80x128xf32, #tpu.memory_space<hbm>>
    tpu.enqueue_dma source(%dma_start3A_33 : memref<80x128xf32, #tpu.memory_space<hbm>>) target(%dma_start3A_31 : memref<80x128xf32, #tpu.memory_space<vmem>>) target_semaphore(%dma_start3A_27 : memref<!tpu.dma_semaphore, #tpu.memory_space<semaphore_mem>>)
    %add3A_34 = arith.constant 80 : i32
    %add3A_35 = arith.addi %mul3A_4, %add3A_34 : i32
    %dma_start3A_36 = arith.constant 1 : i32
    %dma_start3A_37 = arith.constant 1 : i32
    %dma_start3A_38 = arith.constant 0 : i32
    %dma_start3A_39 = tpu.memref_slice %arg6[%dma_start3A_36, %dma_start3A_38] : memref<3x80xi32, #tpu.memory_space<vmem>> -> memref<1x80xi32, #tpu.memory_space<vmem>>
    %dma_start3A_40 = tpu.memref_squeeze %dma_start3A_39 : memref<1x80xi32, #tpu.memory_space<vmem>> -> memref<80xi32, #tpu.memory_space<vmem>>
    %dma_start3A_41 = tpu.memref_slice %arg3[%add3A_35] : memref<122880xi32, #tpu.memory_space<hbm>> -> memref<80xi32, #tpu.memory_space<hbm>>
    %dma_start3A_42 = tpu.memref_slice %arg9[%dma_start3A_37] : memref<3x!tpu.dma_semaphore, #tpu.memory_space<semaphore_mem>> -> memref<1x!tpu.dma_semaphore, #tpu.memory_space<semaphore_mem>>
    %dma_start3A_43 = tpu.memref_squeeze %dma_start3A_42 : memref<1x!tpu.dma_semaphore, #tpu.memory_space<semaphore_mem>> -> memref<!tpu.dma_semaphore, #tpu.memory_space<semaphore_mem>>
    %dma_start3A_44 = arith.constant 0 : i32
    %dma_start3A_45 = tpu.memref_slice %arg6[%dma_start3A_36, %dma_start3A_44] : memref<3x80xi32, #tpu.memory_space<vmem>> -> memref<1x80xi32, #tpu.memory_space<vmem>>
    %dma_start3A_46 = tpu.memref_squeeze %dma_start3A_45 : memref<1x80xi32, #tpu.memory_space<vmem>> -> memref<80xi32, #tpu.memory_space<vmem>>
    %dma_start3A_47 = tpu.memref_slice %arg3[%add3A_35] : memref<122880xi32, #tpu.memory_space<hbm>> -> memref<80xi32, #tpu.memory_space<hbm>>
    tpu.enqueue_dma source(%dma_start3A_47 : memref<80xi32, #tpu.memory_space<hbm>>) target(%dma_start3A_46 : memref<80xi32, #tpu.memory_space<vmem>>) target_semaphore(%dma_start3A_43 : memref<!tpu.dma_semaphore, #tpu.memory_space<semaphore_mem>>)
    %dma_start3A_48 = arith.constant 1 : i32
    %dma_start3A_49 = arith.constant 1 : i32
    %dma_start3A_50 = arith.constant 0 : i32
    %dma_start3A_51 = arith.constant 0 : i32
    %dma_start3A_52 = tpu.memref_slice %arg7[%dma_start3A_48, %dma_start3A_50, %dma_start3A_51] : memref<3x80x128xf32, #tpu.memory_space<vmem>> -> memref<1x80x128xf32, #tpu.memory_space<vmem>>
    %dma_start3A_53 = tpu.memref_squeeze %dma_start3A_52 : memref<1x80x128xf32, #tpu.memory_space<vmem>> -> memref<80x128xf32, #tpu.memory_space<vmem>>
    %dma_start3A_54 = arith.constant 0 : i32
    %dma_start3A_55 = tpu.memref_slice %arg2[%add3A_35, %dma_start3A_54] : memref<122880x128xf32, #tpu.memory_space<hbm>> -> memref<80x128xf32, #tpu.memory_space<hbm>>
    %dma_start3A_56 = tpu.memref_slice %arg10[%dma_start3A_49] : memref<3x!tpu.dma_semaphore, #tpu.memory_space<semaphore_mem>> -> memref<1x!tpu.dma_semaphore, #tpu.memory_space<semaphore_mem>>
    %dma_start3A_57 = tpu.memref_squeeze %dma_start3A_56 : memref<1x!tpu.dma_semaphore, #tpu.memory_space<semaphore_mem>> -> memref<!tpu.dma_semaphore, #tpu.memory_space<semaphore_mem>>
    %dma_start3A_58 = arith.constant 0 : i32
    %dma_start3A_59 = arith.constant 0 : i32
    %dma_start3A_60 = tpu.memref_slice %arg7[%dma_start3A_48, %dma_start3A_58, %dma_start3A_59] : memref<3x80x128xf32, #tpu.memory_space<vmem>> -> memref<1x80x128xf32, #tpu.memory_space<vmem>>
    %dma_start3A_61 = tpu.memref_squeeze %dma_start3A_60 : memref<1x80x128xf32, #tpu.memory_space<vmem>> -> memref<80x128xf32, #tpu.memory_space<vmem>>
    %dma_start3A_62 = arith.constant 0 : i32
    %dma_start3A_63 = tpu.memref_slice %arg2[%add3A_35, %dma_start3A_62] : memref<122880x128xf32, #tpu.memory_space<hbm>> -> memref<80x128xf32, #tpu.memory_space<hbm>>
    tpu.enqueue_dma source(%dma_start3A_63 : memref<80x128xf32, #tpu.memory_space<hbm>>) target(%dma_start3A_61 : memref<80x128xf32, #tpu.memory_space<vmem>>) target_semaphore(%dma_start3A_57 : memref<!tpu.dma_semaphore, #tpu.memory_space<semaphore_mem>>)
    %scan3A = arith.constant 0 : i32
    %scan3A_64 = arith.constant 0 : i32
    %scan3A_65 = arith.constant 48 : i32
    %scan3A_66 = arith.addi %scan3A_64, %scan3A_65 : i32
    %scan3A_67 = arith.constant 1 : i32
    scf.for %scan3A_114 = %scan3A_64 to %scan3A_66 step %scan3A_67  : i32 {
      %rem3A = arith.constant 3 : i32
      %rem3A_115 = arith.remsi %scan3A_114, %rem3A : i32
      %add3A_116 = arith.constant 2 : i32
      %add3A_117 = arith.addi %scan3A_114, %add3A_116 : i32
      %rem3A_118 = arith.constant 3 : i32
      %rem3A_119 = arith.remsi %add3A_117, %rem3A_118 : i32
      %dma_wait3A_120 = arith.constant 0 : i32
      %dma_wait3A_121 = tpu.memref_slice %arg6[%rem3A_115, %dma_wait3A_120] : memref<3x80xi32, #tpu.memory_space<vmem>> -> memref<1x80xi32, #tpu.memory_space<vmem>>
      %dma_wait3A_122 = tpu.memref_squeeze %dma_wait3A_121 : memref<1x80xi32, #tpu.memory_space<vmem>> -> memref<80xi32, #tpu.memory_space<vmem>>
      %dma_wait3A_123 = tpu.memref_slice %arg3[%mul3A_4] : memref<122880xi32, #tpu.memory_space<hbm>> -> memref<80xi32, #tpu.memory_space<hbm>>
      %dma_wait3A_124 = tpu.memref_slice %arg9[%rem3A_115] : memref<3x!tpu.dma_semaphore, #tpu.memory_space<semaphore_mem>> -> memref<1x!tpu.dma_semaphore, #tpu.memory_space<semaphore_mem>>
      %dma_wait3A_125 = tpu.memref_squeeze %dma_wait3A_124 : memref<1x!tpu.dma_semaphore, #tpu.memory_space<semaphore_mem>> -> memref<!tpu.dma_semaphore, #tpu.memory_space<semaphore_mem>>
      %dma_wait3A_126 = arith.constant 0 : i32
      %dma_wait3A_127 = tpu.memref_slice %arg6[%rem3A_115, %dma_wait3A_126] : memref<3x80xi32, #tpu.memory_space<vmem>> -> memref<1x80xi32, #tpu.memory_space<vmem>>
      %dma_wait3A_128 = tpu.memref_squeeze %dma_wait3A_127 : memref<1x80xi32, #tpu.memory_space<vmem>> -> memref<80xi32, #tpu.memory_space<vmem>>
      %dma_wait3A_129 = tpu.memref_slice %arg3[%mul3A_4] : memref<122880xi32, #tpu.memory_space<hbm>> -> memref<80xi32, #tpu.memory_space<hbm>>
      tpu.wait_dma2 semaphore(%dma_wait3A_125 : memref<!tpu.dma_semaphore, #tpu.memory_space<semaphore_mem>>) src(%dma_wait3A_129 : memref<80xi32, #tpu.memory_space<hbm>>) dst(%dma_wait3A_128 : memref<80xi32, #tpu.memory_space<vmem>>)
      %dma_wait3A_130 = arith.constant 0 : i32
      %dma_wait3A_131 = arith.constant 0 : i32
      %dma_wait3A_132 = tpu.memref_slice %arg7[%rem3A_115, %dma_wait3A_130, %dma_wait3A_131] : memref<3x80x128xf32, #tpu.memory_space<vmem>> -> memref<1x80x128xf32, #tpu.memory_space<vmem>>
      %dma_wait3A_133 = tpu.memref_squeeze %dma_wait3A_132 : memref<1x80x128xf32, #tpu.memory_space<vmem>> -> memref<80x128xf32, #tpu.memory_space<vmem>>
      %dma_wait3A_134 = arith.constant 0 : i32
      %dma_wait3A_135 = tpu.memref_slice %arg2[%mul3A_4, %dma_wait3A_134] : memref<122880x128xf32, #tpu.memory_space<hbm>> -> memref<80x128xf32, #tpu.memory_space<hbm>>
      %dma_wait3A_136 = tpu.memref_slice %arg10[%rem3A_115] : memref<3x!tpu.dma_semaphore, #tpu.memory_space<semaphore_mem>> -> memref<1x!tpu.dma_semaphore, #tpu.memory_space<semaphore_mem>>
      %dma_wait3A_137 = tpu.memref_squeeze %dma_wait3A_136 : memref<1x!tpu.dma_semaphore, #tpu.memory_space<semaphore_mem>> -> memref<!tpu.dma_semaphore, #tpu.memory_space<semaphore_mem>>
      %dma_wait3A_138 = arith.constant 0 : i32
      %dma_wait3A_139 = arith.constant 0 : i32
      %dma_wait3A_140 = tpu.memref_slice %arg7[%rem3A_115, %dma_wait3A_138, %dma_wait3A_139] : memref<3x80x128xf32, #tpu.memory_space<vmem>> -> memref<1x80x128xf32, #tpu.memory_space<vmem>>
      %dma_wait3A_141 = tpu.memref_squeeze %dma_wait3A_140 : memref<1x80x128xf32, #tpu.memory_space<vmem>> -> memref<80x128xf32, #tpu.memory_space<vmem>>
      %dma_wait3A_142 = arith.constant 0 : i32
      %dma_wait3A_143 = tpu.memref_slice %arg2[%mul3A_4, %dma_wait3A_142] : memref<122880x128xf32, #tpu.memory_space<hbm>> -> memref<80x128xf32, #tpu.memory_space<hbm>>
      tpu.wait_dma2 semaphore(%dma_wait3A_137 : memref<!tpu.dma_semaphore, #tpu.memory_space<semaphore_mem>>) src(%dma_wait3A_143 : memref<80x128xf32, #tpu.memory_space<hbm>>) dst(%dma_wait3A_141 : memref<80x128xf32, #tpu.memory_space<vmem>>)
      %dma_start3A_144 = arith.constant 0 : i32
      %dma_start3A_145 = arith.constant 0 : i32
      %dma_start3A_146 = tpu.memref_slice %arg7[%rem3A_115, %dma_start3A_144, %dma_start3A_145] : memref<3x80x128xf32, #tpu.memory_space<vmem>> -> memref<1x80x128xf32, #tpu.memory_space<vmem>>
      %dma_start3A_147 = tpu.memref_squeeze %dma_start3A_146 : memref<1x80x128xf32, #tpu.memory_space<vmem>> -> memref<80x128xf32, #tpu.memory_space<vmem>>
      %dma_start3A_148 = arith.constant 0 : i32
      %dma_start3A_149 = tpu.memref_slice %arg6[%rem3A_115, %dma_start3A_148] : memref<3x80xi32, #tpu.memory_space<vmem>> -> memref<1x80xi32, #tpu.memory_space<vmem>>
      %dma_start3A_150 = tpu.memref_squeeze %dma_start3A_149 : memref<1x80xi32, #tpu.memory_space<vmem>> -> memref<80xi32, #tpu.memory_space<vmem>>
      %dma_start3A_151 = arith.constant 0 : i32
      %dma_start3A_152 = arith.constant 0 : i32
      %dma_start3A_153 = tpu.memref_slice %arg8[%dma_start3A_151, %dma_start3A_152] : memref<10240x128xf32, #tpu.memory_space<vmem_shared>> -> memref<10240x128xf32, #tpu.memory_space<vmem_shared>>
      %dma_start3A_154 = tpu.memref_slice %arg11[%rem3A_115] : memref<3x!tpu.dma_semaphore, #tpu.memory_space<semaphore_mem>> -> memref<1x!tpu.dma_semaphore, #tpu.memory_space<semaphore_mem>>
      %dma_start3A_155 = tpu.memref_squeeze %dma_start3A_154 : memref<1x!tpu.dma_semaphore, #tpu.memory_space<semaphore_mem>> -> memref<!tpu.dma_semaphore, #tpu.memory_space<semaphore_mem>>
      tpu.enqueue_indirect_dma source(%dma_start3A_147 : memref<80x128xf32, #tpu.memory_space<vmem>>) target(%dma_start3A_153 : memref<10240x128xf32, #tpu.memory_space<vmem_shared>>) offsets(%dma_start3A_150 : memref<80xi32, #tpu.memory_space<vmem>>) semaphore(%dma_start3A_155 : memref<!tpu.dma_semaphore, #tpu.memory_space<semaphore_mem>>) {add = true}
      %add3A_156 = arith.constant 2 : i32
      %add3A_157 = arith.addi %scan3A_114, %add3A_156 : i32
      %lt3A = arith.constant 48 : i32
      %lt3A_158 = arith.cmpi slt, %add3A_157, %lt3A : i32
      %convert_element_type3A = arith.extui %lt3A_158 : i1 to i32
      %cond3A = arith.constant 0 : i32
      %cond3A_159 = arith.cmpi ne, %convert_element_type3A, %cond3A : i32
      scf.if %cond3A_159 {
        %ge3A = arith.constant 1 : i32
        %ge3A_160 = arith.cmpi sge, %scan3A_114, %ge3A : i32
        %convert_element_type3A_161 = arith.extui %ge3A_160 : i1 to i32
        %cond3A_162 = arith.constant 0 : i32
        %cond3A_163 = arith.cmpi ne, %convert_element_type3A_161, %cond3A_162 : i32
        scf.if %cond3A_163 {
          %dma_wait3A_193 = arith.constant 0 : i32
          %dma_wait3A_194 = arith.constant 0 : i32
          %dma_wait3A_195 = tpu.memref_slice %arg7[%rem3A_119, %dma_wait3A_193, %dma_wait3A_194] : memref<3x80x128xf32, #tpu.memory_space<vmem>> -> memref<1x80x128xf32, #tpu.memory_space<vmem>>
          %dma_wait3A_196 = tpu.memref_squeeze %dma_wait3A_195 : memref<1x80x128xf32, #tpu.memory_space<vmem>> -> memref<80x128xf32, #tpu.memory_space<vmem>>
          %dma_wait3A_197 = arith.constant 0 : i32
          %dma_wait3A_198 = tpu.memref_slice %arg6[%rem3A_119, %dma_wait3A_197] : memref<3x80xi32, #tpu.memory_space<vmem>> -> memref<1x80xi32, #tpu.memory_space<vmem>>
          %dma_wait3A_199 = tpu.memref_squeeze %dma_wait3A_198 : memref<1x80xi32, #tpu.memory_space<vmem>> -> memref<80xi32, #tpu.memory_space<vmem>>
          %dma_wait3A_200 = arith.constant 0 : i32
          %dma_wait3A_201 = arith.constant 0 : i32
          %dma_wait3A_202 = tpu.memref_slice %arg8[%dma_wait3A_200, %dma_wait3A_201] : memref<10240x128xf32, #tpu.memory_space<vmem_shared>> -> memref<10240x128xf32, #tpu.memory_space<vmem_shared>>
          %dma_wait3A_203 = tpu.memref_slice %arg11[%rem3A_119] : memref<3x!tpu.dma_semaphore, #tpu.memory_space<semaphore_mem>> -> memref<1x!tpu.dma_semaphore, #tpu.memory_space<semaphore_mem>>
          %dma_wait3A_204 = tpu.memref_squeeze %dma_wait3A_203 : memref<1x!tpu.dma_semaphore, #tpu.memory_space<semaphore_mem>> -> memref<!tpu.dma_semaphore, #tpu.memory_space<semaphore_mem>>
          tpu.wait_indirect_dma semaphore(%dma_wait3A_204 : memref<!tpu.dma_semaphore, #tpu.memory_space<semaphore_mem>>) src(%dma_wait3A_196 : memref<80x128xf32, #tpu.memory_space<vmem>>) dst(%dma_wait3A_202 : memref<10240x128xf32, #tpu.memory_space<vmem_shared>>)
        } else {
        }
        %add3A_164 = arith.constant 2 : i32
        %add3A_165 = arith.addi %scan3A_114, %add3A_164 : i32
        %mul3A_166 = arith.constant 80 : i32
        %mul3A_167 = arith.muli %add3A_165, %mul3A_166 : i32
        %add3A_168 = arith.addi %mul3A_4, %mul3A_167 : i32
        %dma_start3A_169 = arith.constant 0 : i32
        %dma_start3A_170 = tpu.memref_slice %arg6[%rem3A_119, %dma_start3A_169] : memref<3x80xi32, #tpu.memory_space<vmem>> -> memref<1x80xi32, #tpu.memory_space<vmem>>
        %dma_start3A_171 = tpu.memref_squeeze %dma_start3A_170 : memref<1x80xi32, #tpu.memory_space<vmem>> -> memref<80xi32, #tpu.memory_space<vmem>>
        %dma_start3A_172 = tpu.memref_slice %arg3[%add3A_168] : memref<122880xi32, #tpu.memory_space<hbm>> -> memref<80xi32, #tpu.memory_space<hbm>>
        %dma_start3A_173 = tpu.memref_slice %arg9[%rem3A_119] : memref<3x!tpu.dma_semaphore, #tpu.memory_space<semaphore_mem>> -> memref<1x!tpu.dma_semaphore, #tpu.memory_space<semaphore_mem>>
        %dma_start3A_174 = tpu.memref_squeeze %dma_start3A_173 : memref<1x!tpu.dma_semaphore, #tpu.memory_space<semaphore_mem>> -> memref<!tpu.dma_semaphore, #tpu.memory_space<semaphore_mem>>
        %dma_start3A_175 = arith.constant 0 : i32
        %dma_start3A_176 = tpu.memref_slice %arg6[%rem3A_119, %dma_start3A_175] : memref<3x80xi32, #tpu.memory_space<vmem>> -> memref<1x80xi32, #tpu.memory_space<vmem>>
        %dma_start3A_177 = tpu.memref_squeeze %dma_start3A_176 : memref<1x80xi32, #tpu.memory_space<vmem>> -> memref<80xi32, #tpu.memory_space<vmem>>
        %dma_start3A_178 = tpu.memref_slice %arg3[%add3A_168] : memref<122880xi32, #tpu.memory_space<hbm>> -> memref<80xi32, #tpu.memory_space<hbm>>
        tpu.enqueue_dma source(%dma_start3A_178 : memref<80xi32, #tpu.memory_space<hbm>>) target(%dma_start3A_177 : memref<80xi32, #tpu.memory_space<vmem>>) target_semaphore(%dma_start3A_174 : memref<!tpu.dma_semaphore, #tpu.memory_space<semaphore_mem>>)
        %dma_start3A_179 = arith.constant 0 : i32
        %dma_start3A_180 = arith.constant 0 : i32
        %dma_start3A_181 = tpu.memref_slice %arg7[%rem3A_119, %dma_start3A_179, %dma_start3A_180] : memref<3x80x128xf32, #tpu.memory_space<vmem>> -> memref<1x80x128xf32, #tpu.memory_space<vmem>>
        %dma_start3A_182 = tpu.memref_squeeze %dma_start3A_181 : memref<1x80x128xf32, #tpu.memory_space<vmem>> -> memref<80x128xf32, #tpu.memory_space<vmem>>
        %dma_start3A_183 = arith.constant 0 : i32
        %dma_start3A_184 = tpu.memref_slice %arg2[%add3A_168, %dma_start3A_183] : memref<122880x128xf32, #tpu.memory_space<hbm>> -> memref<80x128xf32, #tpu.memory_space<hbm>>
        %dma_start3A_185 = tpu.memref_slice %arg10[%rem3A_119] : memref<3x!tpu.dma_semaphore, #tpu.memory_space<semaphore_mem>> -> memref<1x!tpu.dma_semaphore, #tpu.memory_space<semaphore_mem>>
        %dma_start3A_186 = tpu.memref_squeeze %dma_start3A_185 : memref<1x!tpu.dma_semaphore, #tpu.memory_space<semaphore_mem>> -> memref<!tpu.dma_semaphore, #tpu.memory_space<semaphore_mem>>
        %dma_start3A_187 = arith.constant 0 : i32
        %dma_start3A_188 = arith.constant 0 : i32
        %dma_start3A_189 = tpu.memref_slice %arg7[%rem3A_119, %dma_start3A_187, %dma_start3A_188] : memref<3x80x128xf32, #tpu.memory_space<vmem>> -> memref<1x80x128xf32, #tpu.memory_space<vmem>>
        %dma_start3A_190 = tpu.memref_squeeze %dma_start3A_189 : memref<1x80x128xf32, #tpu.memory_space<vmem>> -> memref<80x128xf32, #tpu.memory_space<vmem>>
        %dma_start3A_191 = arith.constant 0 : i32
        %dma_start3A_192 = tpu.memref_slice %arg2[%add3A_168, %dma_start3A_191] : memref<122880x128xf32, #tpu.memory_space<hbm>> -> memref<80x128xf32, #tpu.memory_space<hbm>>
        tpu.enqueue_dma source(%dma_start3A_192 : memref<80x128xf32, #tpu.memory_space<hbm>>) target(%dma_start3A_190 : memref<80x128xf32, #tpu.memory_space<vmem>>) target_semaphore(%dma_start3A_186 : memref<!tpu.dma_semaphore, #tpu.memory_space<semaphore_mem>>)
      } else {
      }
    }
    %scan3A_68 = arith.constant 48 : i32
    %dma_wait3A = arith.constant 0 : i32
    %dma_wait3A_69 = arith.constant 0 : i32
    %dma_wait3A_70 = arith.constant 0 : i32
    %dma_wait3A_71 = arith.constant 0 : i32
    %dma_wait3A_72 = arith.constant 0 : i32
    %dma_wait3A_73 = tpu.memref_slice %arg7[%dma_wait3A, %dma_wait3A_71, %dma_wait3A_72] : memref<3x80x128xf32, #tpu.memory_space<vmem>> -> memref<1x80x128xf32, #tpu.memory_space<vmem>>
    %dma_wait3A_74 = tpu.memref_squeeze %dma_wait3A_73 : memref<1x80x128xf32, #tpu.memory_space<vmem>> -> memref<80x128xf32, #tpu.memory_space<vmem>>
    %dma_wait3A_75 = arith.constant 0 : i32
    %dma_wait3A_76 = tpu.memref_slice %arg6[%dma_wait3A_69, %dma_wait3A_75] : memref<3x80xi32, #tpu.memory_space<vmem>> -> memref<1x80xi32, #tpu.memory_space<vmem>>
    %dma_wait3A_77 = tpu.memref_squeeze %dma_wait3A_76 : memref<1x80xi32, #tpu.memory_space<vmem>> -> memref<80xi32, #tpu.memory_space<vmem>>
    %dma_wait3A_78 = arith.constant 0 : i32
    %dma_wait3A_79 = arith.constant 0 : i32
    %dma_wait3A_80 = tpu.memref_slice %arg8[%dma_wait3A_78, %dma_wait3A_79] : memref<10240x128xf32, #tpu.memory_space<vmem_shared>> -> memref<10240x128xf32, #tpu.memory_space<vmem_shared>>
    %dma_wait3A_81 = tpu.memref_slice %arg11[%dma_wait3A_70] : memref<3x!tpu.dma_semaphore, #tpu.memory_space<semaphore_mem>> -> memref<1x!tpu.dma_semaphore, #tpu.memory_space<semaphore_mem>>
    %dma_wait3A_82 = tpu.memref_squeeze %dma_wait3A_81 : memref<1x!tpu.dma_semaphore, #tpu.memory_space<semaphore_mem>> -> memref<!tpu.dma_semaphore, #tpu.memory_space<semaphore_mem>>
    tpu.wait_indirect_dma semaphore(%dma_wait3A_82 : memref<!tpu.dma_semaphore, #tpu.memory_space<semaphore_mem>>) src(%dma_wait3A_74 : memref<80x128xf32, #tpu.memory_space<vmem>>) dst(%dma_wait3A_80 : memref<10240x128xf32, #tpu.memory_space<vmem_shared>>)
    %dma_wait3A_83 = arith.constant 1 : i32
    %dma_wait3A_84 = arith.constant 1 : i32
    %dma_wait3A_85 = arith.constant 1 : i32
    %dma_wait3A_86 = arith.constant 0 : i32
    %dma_wait3A_87 = arith.constant 0 : i32
    %dma_wait3A_88 = tpu.memref_slice %arg7[%dma_wait3A_83, %dma_wait3A_86, %dma_wait3A_87] : memref<3x80x128xf32, #tpu.memory_space<vmem>> -> memref<1x80x128xf32, #tpu.memory_space<vmem>>
    %dma_wait3A_89 = tpu.memref_squeeze %dma_wait3A_88 : memref<1x80x128xf32, #tpu.memory_space<vmem>> -> memref<80x128xf32, #tpu.memory_space<vmem>>
    %dma_wait3A_90 = arith.constant 0 : i32
    %dma_wait3A_91 = tpu.memref_slice %arg6[%dma_wait3A_84, %dma_wait3A_90] : memref<3x80xi32, #tpu.memory_space<vmem>> -> memref<1x80xi32, #tpu.memory_space<vmem>>
    %dma_wait3A_92 = tpu.memref_squeeze %dma_wait3A_91 : memref<1x80xi32, #tpu.memory_space<vmem>> -> memref<80xi32, #tpu.memory_space<vmem>>
    %dma_wait3A_93 = arith.constant 0 : i32
    %dma_wait3A_94 = arith.constant 0 : i32
    %dma_wait3A_95 = tpu.memref_slice %arg8[%dma_wait3A_93, %dma_wait3A_94] : memref<10240x128xf32, #tpu.memory_space<vmem_shared>> -> memref<10240x128xf32, #tpu.memory_space<vmem_shared>>
    %dma_wait3A_96 = tpu.memref_slice %arg11[%dma_wait3A_85] : memref<3x!tpu.dma_semaphore, #tpu.memory_space<semaphore_mem>> -> memref<1x!tpu.dma_semaphore, #tpu.memory_space<semaphore_mem>>
    %dma_wait3A_97 = tpu.memref_squeeze %dma_wait3A_96 : memref<1x!tpu.dma_semaphore, #tpu.memory_space<semaphore_mem>> -> memref<!tpu.dma_semaphore, #tpu.memory_space<semaphore_mem>>
    tpu.wait_indirect_dma semaphore(%dma_wait3A_97 : memref<!tpu.dma_semaphore, #tpu.memory_space<semaphore_mem>>) src(%dma_wait3A_89 : memref<80x128xf32, #tpu.memory_space<vmem>>) dst(%dma_wait3A_95 : memref<10240x128xf32, #tpu.memory_space<vmem_shared>>)
    %dma_wait3A_98 = arith.constant 2 : i32
    %dma_wait3A_99 = arith.constant 2 : i32
    %dma_wait3A_100 = arith.constant 2 : i32
    %dma_wait3A_101 = arith.constant 0 : i32
    %dma_wait3A_102 = arith.constant 0 : i32
    %dma_wait3A_103 = tpu.memref_slice %arg7[%dma_wait3A_98, %dma_wait3A_101, %dma_wait3A_102] : memref<3x80x128xf32, #tpu.memory_space<vmem>> -> memref<1x80x128xf32, #tpu.memory_space<vmem>>
    %dma_wait3A_104 = tpu.memref_squeeze %dma_wait3A_103 : memref<1x80x128xf32, #tpu.memory_space<vmem>> -> memref<80x128xf32, #tpu.memory_space<vmem>>
    %dma_wait3A_105 = arith.constant 0 : i32
    %dma_wait3A_106 = tpu.memref_slice %arg6[%dma_wait3A_99, %dma_wait3A_105] : memref<3x80xi32, #tpu.memory_space<vmem>> -> memref<1x80xi32, #tpu.memory_space<vmem>>
    %dma_wait3A_107 = tpu.memref_squeeze %dma_wait3A_106 : memref<1x80xi32, #tpu.memory_space<vmem>> -> memref<80xi32, #tpu.memory_space<vmem>>
    %dma_wait3A_108 = arith.constant 0 : i32
    %dma_wait3A_109 = arith.constant 0 : i32
    %dma_wait3A_110 = tpu.memref_slice %arg8[%dma_wait3A_108, %dma_wait3A_109] : memref<10240x128xf32, #tpu.memory_space<vmem_shared>> -> memref<10240x128xf32, #tpu.memory_space<vmem_shared>>
    %dma_wait3A_111 = tpu.memref_slice %arg11[%dma_wait3A_100] : memref<3x!tpu.dma_semaphore, #tpu.memory_space<semaphore_mem>> -> memref<1x!tpu.dma_semaphore, #tpu.memory_space<semaphore_mem>>
    %dma_wait3A_112 = tpu.memref_squeeze %dma_wait3A_111 : memref<1x!tpu.dma_semaphore, #tpu.memory_space<semaphore_mem>> -> memref<!tpu.dma_semaphore, #tpu.memory_space<semaphore_mem>>
    tpu.wait_indirect_dma semaphore(%dma_wait3A_112 : memref<!tpu.dma_semaphore, #tpu.memory_space<semaphore_mem>>) src(%dma_wait3A_104 : memref<80x128xf32, #tpu.memory_space<vmem>>) dst(%dma_wait3A_110 : memref<10240x128xf32, #tpu.memory_space<vmem_shared>>)
    %barrier3A_113 = arith.constant 0 : index
    tpu.barrier barrier_id(%barrier3A_113)
    "tpu.region"() ({
      %run_scoped3A = tpu.sem_alloc : memref<!tpu.dma_semaphore, #tpu.memory_space<semaphore_mem>>
      %dma_start3A_114 = arith.constant 0 : i32
      %dma_start3A_115 = tpu.memref_slice %arg5[%arg0, %mul3A_0, %dma_start3A_114] : memref<2x10240x128xf32, #tpu.memory_space<hbm>> -> memref<1x640x128xf32, #tpu.memory_space<hbm>>
      %dma_start3A_116 = tpu.memref_squeeze %dma_start3A_115 : memref<1x640x128xf32, #tpu.memory_space<hbm>> -> memref<640x128xf32, #tpu.memory_space<hbm>>
      %dma_start3A_117 = arith.constant 0 : i32
      %dma_start3A_118 = tpu.memref_slice %arg8[%mul3A_0, %dma_start3A_117] : memref<10240x128xf32, #tpu.memory_space<vmem_shared>> -> memref<640x128xf32, #tpu.memory_space<vmem_shared>>
      tpu.enqueue_dma source(%dma_start3A_118 : memref<640x128xf32, #tpu.memory_space<vmem_shared>>) target(%dma_start3A_116 : memref<640x128xf32, #tpu.memory_space<hbm>>) target_semaphore(%run_scoped3A : memref<!tpu.dma_semaphore, #tpu.memory_space<semaphore_mem>>)
      %dma_wait3A_119 = arith.constant 0 : i32
      %dma_wait3A_120 = tpu.memref_slice %arg5[%arg0, %mul3A_0, %dma_wait3A_119] : memref<2x10240x128xf32, #tpu.memory_space<hbm>> -> memref<1x640x128xf32, #tpu.memory_space<hbm>>
      %dma_wait3A_121 = tpu.memref_squeeze %dma_wait3A_120 : memref<1x640x128xf32, #tpu.memory_space<hbm>> -> memref<640x128xf32, #tpu.memory_space<hbm>>
      %dma_wait3A_122 = arith.constant 0 : i32
      %dma_wait3A_123 = tpu.memref_slice %arg8[%mul3A_0, %dma_wait3A_122] : memref<10240x128xf32, #tpu.memory_space<vmem_shared>> -> memref<640x128xf32, #tpu.memory_space<vmem_shared>>
      tpu.wait_dma2 semaphore(%run_scoped3A : memref<!tpu.dma_semaphore, #tpu.memory_space<semaphore_mem>>) src(%dma_wait3A_123 : memref<640x128xf32, #tpu.memory_space<vmem_shared>>) dst(%dma_wait3A_121 : memref<640x128xf32, #tpu.memory_space<hbm>>)
      tpu.yield
    }) : () -> ()
    return
  }
}

#map = affine_map<(d0, d1) -> (0, 0)>
#map1 = affine_map<(d0, d1) -> (0)>
module attributes {stable_mosaic.version = 14 : i64} {
  func.func @_gather_body(%arg0: i32, %arg1: i32, %arg2: memref<10000x128xf32, #tpu.memory_space<hbm>>, %arg3: memref<10000x128xf32, #tpu.memory_space<hbm>>, %arg4: memref<122880xi32, #tpu.memory_space<hbm>>, %arg5: memref<122880xi32, #tpu.memory_space<hbm>>, %arg6: memref<122880x128xf32, #tpu.memory_space<hbm>>, %arg7: memref<4x128xi32, #tpu.memory_space<vmem>>, %arg8: memref<4x128xi32, #tpu.memory_space<vmem>>, %arg9: memref<4x128x128xf32, #tpu.memory_space<vmem>>, %arg10: memref<4x!tpu.dma_semaphore, #tpu.memory_space<semaphore_mem>>, %arg11: memref<4x!tpu.dma_semaphore, #tpu.memory_space<semaphore_mem>>, %arg12: memref<4x!tpu.dma_semaphore, #tpu.memory_space<semaphore_mem>>, %arg13: memref<4x!tpu.dma_semaphore, #tpu.memory_space<semaphore_mem>>, %arg14: memref<4x!tpu.dma_semaphore, #tpu.memory_space<semaphore_mem>>) attributes {dimension_semantics = [#tpu.dimension_semantics<core_parallel>, #tpu.dimension_semantics<subcore_parallel>], iteration_bounds = array<i64: 2, 16>, scalar_prefetch = 0 : i64, scratch_operands = 8 : i64, tpu.core_type = #tpu.core_type<sc_vector_subcore>, window_params = [{transform_indices = #map}, {transform_indices = #map}, {transform_indices = #map1}, {transform_indices = #map1}, {transform_indices = #map}]} {
    %mul3A = arith.constant 16 : i32
    %mul3A_0 = arith.muli %arg0, %mul3A : i32
    %add3A = arith.addi %mul3A_0, %arg1 : i32
    %mul3A_1 = arith.constant 3840 : i32
    %mul3A_2 = arith.muli %add3A, %mul3A_1 : i32
    %add3A_3 = arith.constant 0 : i32
    %add3A_4 = arith.addi %mul3A_2, %add3A_3 : i32
    %dma_start3A = arith.constant 0 : i32
    %dma_start3A_5 = arith.constant 0 : i32
    %dma_start3A_6 = arith.constant 0 : i32
    %dma_start3A_7 = tpu.memref_slice %arg7[%dma_start3A, %dma_start3A_6] : memref<4x128xi32, #tpu.memory_space<vmem>> -> memref<1x128xi32, #tpu.memory_space<vmem>>
    %dma_start3A_8 = tpu.memref_squeeze %dma_start3A_7 : memref<1x128xi32, #tpu.memory_space<vmem>> -> memref<128xi32, #tpu.memory_space<vmem>>
    %dma_start3A_9 = tpu.memref_slice %arg4[%add3A_4] : memref<122880xi32, #tpu.memory_space<hbm>> -> memref<128xi32, #tpu.memory_space<hbm>>
    %dma_start3A_10 = tpu.memref_slice %arg10[%dma_start3A_5] : memref<4x!tpu.dma_semaphore, #tpu.memory_space<semaphore_mem>> -> memref<1x!tpu.dma_semaphore, #tpu.memory_space<semaphore_mem>>
    %dma_start3A_11 = tpu.memref_squeeze %dma_start3A_10 : memref<1x!tpu.dma_semaphore, #tpu.memory_space<semaphore_mem>> -> memref<!tpu.dma_semaphore, #tpu.memory_space<semaphore_mem>>
    %dma_start3A_12 = arith.constant 0 : i32
    %dma_start3A_13 = tpu.memref_slice %arg7[%dma_start3A, %dma_start3A_12] : memref<4x128xi32, #tpu.memory_space<vmem>> -> memref<1x128xi32, #tpu.memory_space<vmem>>
    %dma_start3A_14 = tpu.memref_squeeze %dma_start3A_13 : memref<1x128xi32, #tpu.memory_space<vmem>> -> memref<128xi32, #tpu.memory_space<vmem>>
    %dma_start3A_15 = tpu.memref_slice %arg4[%add3A_4] : memref<122880xi32, #tpu.memory_space<hbm>> -> memref<128xi32, #tpu.memory_space<hbm>>
    tpu.enqueue_dma source(%dma_start3A_15 : memref<128xi32, #tpu.memory_space<hbm>>) target(%dma_start3A_14 : memref<128xi32, #tpu.memory_space<vmem>>) target_semaphore(%dma_start3A_11 : memref<!tpu.dma_semaphore, #tpu.memory_space<semaphore_mem>>)
    %dma_start3A_16 = arith.constant 0 : i32
    %dma_start3A_17 = arith.constant 0 : i32
    %dma_start3A_18 = arith.constant 0 : i32
    %dma_start3A_19 = tpu.memref_slice %arg8[%dma_start3A_16, %dma_start3A_18] : memref<4x128xi32, #tpu.memory_space<vmem>> -> memref<1x128xi32, #tpu.memory_space<vmem>>
    %dma_start3A_20 = tpu.memref_squeeze %dma_start3A_19 : memref<1x128xi32, #tpu.memory_space<vmem>> -> memref<128xi32, #tpu.memory_space<vmem>>
    %dma_start3A_21 = tpu.memref_slice %arg5[%add3A_4] : memref<122880xi32, #tpu.memory_space<hbm>> -> memref<128xi32, #tpu.memory_space<hbm>>
    %dma_start3A_22 = tpu.memref_slice %arg11[%dma_start3A_17] : memref<4x!tpu.dma_semaphore, #tpu.memory_space<semaphore_mem>> -> memref<1x!tpu.dma_semaphore, #tpu.memory_space<semaphore_mem>>
    %dma_start3A_23 = tpu.memref_squeeze %dma_start3A_22 : memref<1x!tpu.dma_semaphore, #tpu.memory_space<semaphore_mem>> -> memref<!tpu.dma_semaphore, #tpu.memory_space<semaphore_mem>>
    %dma_start3A_24 = arith.constant 0 : i32
    %dma_start3A_25 = tpu.memref_slice %arg8[%dma_start3A_16, %dma_start3A_24] : memref<4x128xi32, #tpu.memory_space<vmem>> -> memref<1x128xi32, #tpu.memory_space<vmem>>
    %dma_start3A_26 = tpu.memref_squeeze %dma_start3A_25 : memref<1x128xi32, #tpu.memory_space<vmem>> -> memref<128xi32, #tpu.memory_space<vmem>>
    %dma_start3A_27 = tpu.memref_slice %arg5[%add3A_4] : memref<122880xi32, #tpu.memory_space<hbm>> -> memref<128xi32, #tpu.memory_space<hbm>>
    tpu.enqueue_dma source(%dma_start3A_27 : memref<128xi32, #tpu.memory_space<hbm>>) target(%dma_start3A_26 : memref<128xi32, #tpu.memory_space<vmem>>) target_semaphore(%dma_start3A_23 : memref<!tpu.dma_semaphore, #tpu.memory_space<semaphore_mem>>)
    %add3A_28 = arith.constant 128 : i32
    %add3A_29 = arith.addi %mul3A_2, %add3A_28 : i32
    %dma_start3A_30 = arith.constant 1 : i32
    %dma_start3A_31 = arith.constant 1 : i32
    %dma_start3A_32 = arith.constant 0 : i32
    %dma_start3A_33 = tpu.memref_slice %arg7[%dma_start3A_30, %dma_start3A_32] : memref<4x128xi32, #tpu.memory_space<vmem>> -> memref<1x128xi32, #tpu.memory_space<vmem>>
    %dma_start3A_34 = tpu.memref_squeeze %dma_start3A_33 : memref<1x128xi32, #tpu.memory_space<vmem>> -> memref<128xi32, #tpu.memory_space<vmem>>
    %dma_start3A_35 = tpu.memref_slice %arg4[%add3A_29] : memref<122880xi32, #tpu.memory_space<hbm>> -> memref<128xi32, #tpu.memory_space<hbm>>
    %dma_start3A_36 = tpu.memref_slice %arg10[%dma_start3A_31] : memref<4x!tpu.dma_semaphore, #tpu.memory_space<semaphore_mem>> -> memref<1x!tpu.dma_semaphore, #tpu.memory_space<semaphore_mem>>
    %dma_start3A_37 = tpu.memref_squeeze %dma_start3A_36 : memref<1x!tpu.dma_semaphore, #tpu.memory_space<semaphore_mem>> -> memref<!tpu.dma_semaphore, #tpu.memory_space<semaphore_mem>>
    %dma_start3A_38 = arith.constant 0 : i32
    %dma_start3A_39 = tpu.memref_slice %arg7[%dma_start3A_30, %dma_start3A_38] : memref<4x128xi32, #tpu.memory_space<vmem>> -> memref<1x128xi32, #tpu.memory_space<vmem>>
    %dma_start3A_40 = tpu.memref_squeeze %dma_start3A_39 : memref<1x128xi32, #tpu.memory_space<vmem>> -> memref<128xi32, #tpu.memory_space<vmem>>
    %dma_start3A_41 = tpu.memref_slice %arg4[%add3A_29] : memref<122880xi32, #tpu.memory_space<hbm>> -> memref<128xi32, #tpu.memory_space<hbm>>
    tpu.enqueue_dma source(%dma_start3A_41 : memref<128xi32, #tpu.memory_space<hbm>>) target(%dma_start3A_40 : memref<128xi32, #tpu.memory_space<vmem>>) target_semaphore(%dma_start3A_37 : memref<!tpu.dma_semaphore, #tpu.memory_space<semaphore_mem>>)
    %dma_start3A_42 = arith.constant 1 : i32
    %dma_start3A_43 = arith.constant 1 : i32
    %dma_start3A_44 = arith.constant 0 : i32
    %dma_start3A_45 = tpu.memref_slice %arg8[%dma_start3A_42, %dma_start3A_44] : memref<4x128xi32, #tpu.memory_space<vmem>> -> memref<1x128xi32, #tpu.memory_space<vmem>>
    %dma_start3A_46 = tpu.memref_squeeze %dma_start3A_45 : memref<1x128xi32, #tpu.memory_space<vmem>> -> memref<128xi32, #tpu.memory_space<vmem>>
    %dma_start3A_47 = tpu.memref_slice %arg5[%add3A_29] : memref<122880xi32, #tpu.memory_space<hbm>> -> memref<128xi32, #tpu.memory_space<hbm>>
    %dma_start3A_48 = tpu.memref_slice %arg11[%dma_start3A_43] : memref<4x!tpu.dma_semaphore, #tpu.memory_space<semaphore_mem>> -> memref<1x!tpu.dma_semaphore, #tpu.memory_space<semaphore_mem>>
    %dma_start3A_49 = tpu.memref_squeeze %dma_start3A_48 : memref<1x!tpu.dma_semaphore, #tpu.memory_space<semaphore_mem>> -> memref<!tpu.dma_semaphore, #tpu.memory_space<semaphore_mem>>
    %dma_start3A_50 = arith.constant 0 : i32
    %dma_start3A_51 = tpu.memref_slice %arg8[%dma_start3A_42, %dma_start3A_50] : memref<4x128xi32, #tpu.memory_space<vmem>> -> memref<1x128xi32, #tpu.memory_space<vmem>>
    %dma_start3A_52 = tpu.memref_squeeze %dma_start3A_51 : memref<1x128xi32, #tpu.memory_space<vmem>> -> memref<128xi32, #tpu.memory_space<vmem>>
    %dma_start3A_53 = tpu.memref_slice %arg5[%add3A_29] : memref<122880xi32, #tpu.memory_space<hbm>> -> memref<128xi32, #tpu.memory_space<hbm>>
    tpu.enqueue_dma source(%dma_start3A_53 : memref<128xi32, #tpu.memory_space<hbm>>) target(%dma_start3A_52 : memref<128xi32, #tpu.memory_space<vmem>>) target_semaphore(%dma_start3A_49 : memref<!tpu.dma_semaphore, #tpu.memory_space<semaphore_mem>>)
    %add3A_54 = arith.constant 256 : i32
    %add3A_55 = arith.addi %mul3A_2, %add3A_54 : i32
    %dma_start3A_56 = arith.constant 2 : i32
    %dma_start3A_57 = arith.constant 2 : i32
    %dma_start3A_58 = arith.constant 0 : i32
    %dma_start3A_59 = tpu.memref_slice %arg7[%dma_start3A_56, %dma_start3A_58] : memref<4x128xi32, #tpu.memory_space<vmem>> -> memref<1x128xi32, #tpu.memory_space<vmem>>
    %dma_start3A_60 = tpu.memref_squeeze %dma_start3A_59 : memref<1x128xi32, #tpu.memory_space<vmem>> -> memref<128xi32, #tpu.memory_space<vmem>>
    %dma_start3A_61 = tpu.memref_slice %arg4[%add3A_55] : memref<122880xi32, #tpu.memory_space<hbm>> -> memref<128xi32, #tpu.memory_space<hbm>>
    %dma_start3A_62 = tpu.memref_slice %arg10[%dma_start3A_57] : memref<4x!tpu.dma_semaphore, #tpu.memory_space<semaphore_mem>> -> memref<1x!tpu.dma_semaphore, #tpu.memory_space<semaphore_mem>>
    %dma_start3A_63 = tpu.memref_squeeze %dma_start3A_62 : memref<1x!tpu.dma_semaphore, #tpu.memory_space<semaphore_mem>> -> memref<!tpu.dma_semaphore, #tpu.memory_space<semaphore_mem>>
    %dma_start3A_64 = arith.constant 0 : i32
    %dma_start3A_65 = tpu.memref_slice %arg7[%dma_start3A_56, %dma_start3A_64] : memref<4x128xi32, #tpu.memory_space<vmem>> -> memref<1x128xi32, #tpu.memory_space<vmem>>
    %dma_start3A_66 = tpu.memref_squeeze %dma_start3A_65 : memref<1x128xi32, #tpu.memory_space<vmem>> -> memref<128xi32, #tpu.memory_space<vmem>>
    %dma_start3A_67 = tpu.memref_slice %arg4[%add3A_55] : memref<122880xi32, #tpu.memory_space<hbm>> -> memref<128xi32, #tpu.memory_space<hbm>>
    tpu.enqueue_dma source(%dma_start3A_67 : memref<128xi32, #tpu.memory_space<hbm>>) target(%dma_start3A_66 : memref<128xi32, #tpu.memory_space<vmem>>) target_semaphore(%dma_start3A_63 : memref<!tpu.dma_semaphore, #tpu.memory_space<semaphore_mem>>)
    %dma_start3A_68 = arith.constant 2 : i32
    %dma_start3A_69 = arith.constant 2 : i32
    %dma_start3A_70 = arith.constant 0 : i32
    %dma_start3A_71 = tpu.memref_slice %arg8[%dma_start3A_68, %dma_start3A_70] : memref<4x128xi32, #tpu.memory_space<vmem>> -> memref<1x128xi32, #tpu.memory_space<vmem>>
    %dma_start3A_72 = tpu.memref_squeeze %dma_start3A_71 : memref<1x128xi32, #tpu.memory_space<vmem>> -> memref<128xi32, #tpu.memory_space<vmem>>
    %dma_start3A_73 = tpu.memref_slice %arg5[%add3A_55] : memref<122880xi32, #tpu.memory_space<hbm>> -> memref<128xi32, #tpu.memory_space<hbm>>
    %dma_start3A_74 = tpu.memref_slice %arg11[%dma_start3A_69] : memref<4x!tpu.dma_semaphore, #tpu.memory_space<semaphore_mem>> -> memref<1x!tpu.dma_semaphore, #tpu.memory_space<semaphore_mem>>
    %dma_start3A_75 = tpu.memref_squeeze %dma_start3A_74 : memref<1x!tpu.dma_semaphore, #tpu.memory_space<semaphore_mem>> -> memref<!tpu.dma_semaphore, #tpu.memory_space<semaphore_mem>>
    %dma_start3A_76 = arith.constant 0 : i32
    %dma_start3A_77 = tpu.memref_slice %arg8[%dma_start3A_68, %dma_start3A_76] : memref<4x128xi32, #tpu.memory_space<vmem>> -> memref<1x128xi32, #tpu.memory_space<vmem>>
    %dma_start3A_78 = tpu.memref_squeeze %dma_start3A_77 : memref<1x128xi32, #tpu.memory_space<vmem>> -> memref<128xi32, #tpu.memory_space<vmem>>
    %dma_start3A_79 = tpu.memref_slice %arg5[%add3A_55] : memref<122880xi32, #tpu.memory_space<hbm>> -> memref<128xi32, #tpu.memory_space<hbm>>
    tpu.enqueue_dma source(%dma_start3A_79 : memref<128xi32, #tpu.memory_space<hbm>>) target(%dma_start3A_78 : memref<128xi32, #tpu.memory_space<vmem>>) target_semaphore(%dma_start3A_75 : memref<!tpu.dma_semaphore, #tpu.memory_space<semaphore_mem>>)
    %add3A_80 = arith.constant 384 : i32
    %add3A_81 = arith.addi %mul3A_2, %add3A_80 : i32
    %dma_start3A_82 = arith.constant 3 : i32
    %dma_start3A_83 = arith.constant 3 : i32
    %dma_start3A_84 = arith.constant 0 : i32
    %dma_start3A_85 = tpu.memref_slice %arg7[%dma_start3A_82, %dma_start3A_84] : memref<4x128xi32, #tpu.memory_space<vmem>> -> memref<1x128xi32, #tpu.memory_space<vmem>>
    %dma_start3A_86 = tpu.memref_squeeze %dma_start3A_85 : memref<1x128xi32, #tpu.memory_space<vmem>> -> memref<128xi32, #tpu.memory_space<vmem>>
    %dma_start3A_87 = tpu.memref_slice %arg4[%add3A_81] : memref<122880xi32, #tpu.memory_space<hbm>> -> memref<128xi32, #tpu.memory_space<hbm>>
    %dma_start3A_88 = tpu.memref_slice %arg10[%dma_start3A_83] : memref<4x!tpu.dma_semaphore, #tpu.memory_space<semaphore_mem>> -> memref<1x!tpu.dma_semaphore, #tpu.memory_space<semaphore_mem>>
    %dma_start3A_89 = tpu.memref_squeeze %dma_start3A_88 : memref<1x!tpu.dma_semaphore, #tpu.memory_space<semaphore_mem>> -> memref<!tpu.dma_semaphore, #tpu.memory_space<semaphore_mem>>
    %dma_start3A_90 = arith.constant 0 : i32
    %dma_start3A_91 = tpu.memref_slice %arg7[%dma_start3A_82, %dma_start3A_90] : memref<4x128xi32, #tpu.memory_space<vmem>> -> memref<1x128xi32, #tpu.memory_space<vmem>>
    %dma_start3A_92 = tpu.memref_squeeze %dma_start3A_91 : memref<1x128xi32, #tpu.memory_space<vmem>> -> memref<128xi32, #tpu.memory_space<vmem>>
    %dma_start3A_93 = tpu.memref_slice %arg4[%add3A_81] : memref<122880xi32, #tpu.memory_space<hbm>> -> memref<128xi32, #tpu.memory_space<hbm>>
    tpu.enqueue_dma source(%dma_start3A_93 : memref<128xi32, #tpu.memory_space<hbm>>) target(%dma_start3A_92 : memref<128xi32, #tpu.memory_space<vmem>>) target_semaphore(%dma_start3A_89 : memref<!tpu.dma_semaphore, #tpu.memory_space<semaphore_mem>>)
    %dma_start3A_94 = arith.constant 3 : i32
    %dma_start3A_95 = arith.constant 3 : i32
    %dma_start3A_96 = arith.constant 0 : i32
    %dma_start3A_97 = tpu.memref_slice %arg8[%dma_start3A_94, %dma_start3A_96] : memref<4x128xi32, #tpu.memory_space<vmem>> -> memref<1x128xi32, #tpu.memory_space<vmem>>
    %dma_start3A_98 = tpu.memref_squeeze %dma_start3A_97 : memref<1x128xi32, #tpu.memory_space<vmem>> -> memref<128xi32, #tpu.memory_space<vmem>>
    %dma_start3A_99 = tpu.memref_slice %arg5[%add3A_81] : memref<122880xi32, #tpu.memory_space<hbm>> -> memref<128xi32, #tpu.memory_space<hbm>>
    %dma_start3A_100 = tpu.memref_slice %arg11[%dma_start3A_95] : memref<4x!tpu.dma_semaphore, #tpu.memory_space<semaphore_mem>> -> memref<1x!tpu.dma_semaphore, #tpu.memory_space<semaphore_mem>>
    %dma_start3A_101 = tpu.memref_squeeze %dma_start3A_100 : memref<1x!tpu.dma_semaphore, #tpu.memory_space<semaphore_mem>> -> memref<!tpu.dma_semaphore, #tpu.memory_space<semaphore_mem>>
    %dma_start3A_102 = arith.constant 0 : i32
    %dma_start3A_103 = tpu.memref_slice %arg8[%dma_start3A_94, %dma_start3A_102] : memref<4x128xi32, #tpu.memory_space<vmem>> -> memref<1x128xi32, #tpu.memory_space<vmem>>
    %dma_start3A_104 = tpu.memref_squeeze %dma_start3A_103 : memref<1x128xi32, #tpu.memory_space<vmem>> -> memref<128xi32, #tpu.memory_space<vmem>>
    %dma_start3A_105 = tpu.memref_slice %arg5[%add3A_81] : memref<122880xi32, #tpu.memory_space<hbm>> -> memref<128xi32, #tpu.memory_space<hbm>>
    tpu.enqueue_dma source(%dma_start3A_105 : memref<128xi32, #tpu.memory_space<hbm>>) target(%dma_start3A_104 : memref<128xi32, #tpu.memory_space<vmem>>) target_semaphore(%dma_start3A_101 : memref<!tpu.dma_semaphore, #tpu.memory_space<semaphore_mem>>)
    %dma_wait3A = arith.constant 0 : i32
    %dma_wait3A_106 = arith.constant 0 : i32
    %dma_wait3A_107 = arith.constant 0 : i32
    %dma_wait3A_108 = tpu.memref_slice %arg7[%dma_wait3A, %dma_wait3A_107] : memref<4x128xi32, #tpu.memory_space<vmem>> -> memref<1x128xi32, #tpu.memory_space<vmem>>
    %dma_wait3A_109 = tpu.memref_squeeze %dma_wait3A_108 : memref<1x128xi32, #tpu.memory_space<vmem>> -> memref<128xi32, #tpu.memory_space<vmem>>
    %dma_wait3A_110 = tpu.memref_slice %arg4[%mul3A_2] : memref<122880xi32, #tpu.memory_space<hbm>> -> memref<128xi32, #tpu.memory_space<hbm>>
    %dma_wait3A_111 = tpu.memref_slice %arg10[%dma_wait3A_106] : memref<4x!tpu.dma_semaphore, #tpu.memory_space<semaphore_mem>> -> memref<1x!tpu.dma_semaphore, #tpu.memory_space<semaphore_mem>>
    %dma_wait3A_112 = tpu.memref_squeeze %dma_wait3A_111 : memref<1x!tpu.dma_semaphore, #tpu.memory_space<semaphore_mem>> -> memref<!tpu.dma_semaphore, #tpu.memory_space<semaphore_mem>>
    %dma_wait3A_113 = arith.constant 0 : i32
    %dma_wait3A_114 = tpu.memref_slice %arg7[%dma_wait3A, %dma_wait3A_113] : memref<4x128xi32, #tpu.memory_space<vmem>> -> memref<1x128xi32, #tpu.memory_space<vmem>>
    %dma_wait3A_115 = tpu.memref_squeeze %dma_wait3A_114 : memref<1x128xi32, #tpu.memory_space<vmem>> -> memref<128xi32, #tpu.memory_space<vmem>>
    %dma_wait3A_116 = tpu.memref_slice %arg4[%mul3A_2] : memref<122880xi32, #tpu.memory_space<hbm>> -> memref<128xi32, #tpu.memory_space<hbm>>
    tpu.wait_dma2 semaphore(%dma_wait3A_112 : memref<!tpu.dma_semaphore, #tpu.memory_space<semaphore_mem>>) src(%dma_wait3A_116 : memref<128xi32, #tpu.memory_space<hbm>>) dst(%dma_wait3A_115 : memref<128xi32, #tpu.memory_space<vmem>>)
    %dma_wait3A_117 = arith.constant 0 : i32
    %dma_wait3A_118 = arith.constant 0 : i32
    %dma_wait3A_119 = arith.constant 0 : i32
    %dma_wait3A_120 = tpu.memref_slice %arg8[%dma_wait3A_117, %dma_wait3A_119] : memref<4x128xi32, #tpu.memory_space<vmem>> -> memref<1x128xi32, #tpu.memory_space<vmem>>
    %dma_wait3A_121 = tpu.memref_squeeze %dma_wait3A_120 : memref<1x128xi32, #tpu.memory_space<vmem>> -> memref<128xi32, #tpu.memory_space<vmem>>
    %dma_wait3A_122 = tpu.memref_slice %arg5[%mul3A_2] : memref<122880xi32, #tpu.memory_space<hbm>> -> memref<128xi32, #tpu.memory_space<hbm>>
    %dma_wait3A_123 = tpu.memref_slice %arg11[%dma_wait3A_118] : memref<4x!tpu.dma_semaphore, #tpu.memory_space<semaphore_mem>> -> memref<1x!tpu.dma_semaphore, #tpu.memory_space<semaphore_mem>>
    %dma_wait3A_124 = tpu.memref_squeeze %dma_wait3A_123 : memref<1x!tpu.dma_semaphore, #tpu.memory_space<semaphore_mem>> -> memref<!tpu.dma_semaphore, #tpu.memory_space<semaphore_mem>>
    %dma_wait3A_125 = arith.constant 0 : i32
    %dma_wait3A_126 = tpu.memref_slice %arg8[%dma_wait3A_117, %dma_wait3A_125] : memref<4x128xi32, #tpu.memory_space<vmem>> -> memref<1x128xi32, #tpu.memory_space<vmem>>
    %dma_wait3A_127 = tpu.memref_squeeze %dma_wait3A_126 : memref<1x128xi32, #tpu.memory_space<vmem>> -> memref<128xi32, #tpu.memory_space<vmem>>
    %dma_wait3A_128 = tpu.memref_slice %arg5[%mul3A_2] : memref<122880xi32, #tpu.memory_space<hbm>> -> memref<128xi32, #tpu.memory_space<hbm>>
    tpu.wait_dma2 semaphore(%dma_wait3A_124 : memref<!tpu.dma_semaphore, #tpu.memory_space<semaphore_mem>>) src(%dma_wait3A_128 : memref<128xi32, #tpu.memory_space<hbm>>) dst(%dma_wait3A_127 : memref<128xi32, #tpu.memory_space<vmem>>)
    %dma_start3A_129 = arith.constant 0 : i32
    %dma_start3A_130 = arith.constant 0 : i32
    %dma_start3A_131 = arith.constant 0 : i32
    %dma_start3A_132 = arith.constant 0 : i32
    %dma_start3A_133 = arith.constant 0 : i32
    %dma_start3A_134 = tpu.memref_slice %arg9[%dma_start3A_130, %dma_start3A_132, %dma_start3A_133] : memref<4x128x128xf32, #tpu.memory_space<vmem>> -> memref<1x128x128xf32, #tpu.memory_space<vmem>>
    %dma_start3A_135 = tpu.memref_squeeze %dma_start3A_134 : memref<1x128x128xf32, #tpu.memory_space<vmem>> -> memref<128x128xf32, #tpu.memory_space<vmem>>
    %dma_start3A_136 = arith.constant 0 : i32
    %dma_start3A_137 = tpu.memref_slice %arg7[%dma_start3A_129, %dma_start3A_136] : memref<4x128xi32, #tpu.memory_space<vmem>> -> memref<1x128xi32, #tpu.memory_space<vmem>>
    %dma_start3A_138 = tpu.memref_squeeze %dma_start3A_137 : memref<1x128xi32, #tpu.memory_space<vmem>> -> memref<128xi32, #tpu.memory_space<vmem>>
    %dma_start3A_139 = arith.constant 0 : i32
    %dma_start3A_140 = arith.constant 0 : i32
    %dma_start3A_141 = tpu.memref_slice %arg2[%dma_start3A_139, %dma_start3A_140] : memref<10000x128xf32, #tpu.memory_space<hbm>> -> memref<10000x128xf32, #tpu.memory_space<hbm>>
    %dma_start3A_142 = tpu.memref_slice %arg12[%dma_start3A_131] : memref<4x!tpu.dma_semaphore, #tpu.memory_space<semaphore_mem>> -> memref<1x!tpu.dma_semaphore, #tpu.memory_space<semaphore_mem>>
    %dma_start3A_143 = tpu.memref_squeeze %dma_start3A_142 : memref<1x!tpu.dma_semaphore, #tpu.memory_space<semaphore_mem>> -> memref<!tpu.dma_semaphore, #tpu.memory_space<semaphore_mem>>
    tpu.enqueue_indirect_dma source(%dma_start3A_141 : memref<10000x128xf32, #tpu.memory_space<hbm>>) target(%dma_start3A_135 : memref<128x128xf32, #tpu.memory_space<vmem>>) offsets(%dma_start3A_138 : memref<128xi32, #tpu.memory_space<vmem>>) semaphore(%dma_start3A_143 : memref<!tpu.dma_semaphore, #tpu.memory_space<semaphore_mem>>)
    %scan3A = arith.constant 0 : i32
    %scan3A_144 = arith.constant 0 : i32
    %scan3A_145 = arith.constant 30 : i32
    %scan3A_146 = arith.addi %scan3A_144, %scan3A_145 : i32
    %scan3A_147 = arith.constant 1 : i32
    scf.for %scan3A_213 = %scan3A_144 to %scan3A_146 step %scan3A_147  : i32 {
      %rem3A = arith.constant 4 : i32
      %rem3A_214 = arith.remsi %scan3A_213, %rem3A : i32
      %add3A_215 = arith.constant 1 : i32
      %add3A_216 = arith.addi %scan3A_213, %add3A_215 : i32
      %rem3A_217 = arith.constant 4 : i32
      %rem3A_218 = arith.remsi %add3A_216, %rem3A_217 : i32
      %add3A_219 = arith.constant 1 : i32
      %add3A_220 = arith.addi %scan3A_213, %add3A_219 : i32
      %lt3A = arith.constant 30 : i32
      %lt3A_221 = arith.cmpi slt, %add3A_220, %lt3A : i32
      %convert_element_type3A = arith.extui %lt3A_221 : i1 to i32
      %cond3A = arith.constant 0 : i32
      %cond3A_222 = arith.cmpi ne, %convert_element_type3A, %cond3A : i32
      scf.if %cond3A_222 {
        %ge3A = arith.constant 3 : i32
        %ge3A_283 = arith.cmpi sge, %scan3A_213, %ge3A : i32
        %convert_element_type3A_284 = arith.extui %ge3A_283 : i1 to i32
        %cond3A_285 = arith.constant 0 : i32
        %cond3A_286 = arith.cmpi ne, %convert_element_type3A_284, %cond3A_285 : i32
        scf.if %cond3A_286 {
          %dma_wait3A_319 = arith.constant 0 : i32
          %dma_wait3A_320 = arith.constant 0 : i32
          %dma_wait3A_321 = tpu.memref_slice %arg9[%rem3A_218, %dma_wait3A_319, %dma_wait3A_320] : memref<4x128x128xf32, #tpu.memory_space<vmem>> -> memref<1x128x128xf32, #tpu.memory_space<vmem>>
          %dma_wait3A_322 = tpu.memref_squeeze %dma_wait3A_321 : memref<1x128x128xf32, #tpu.memory_space<vmem>> -> memref<128x128xf32, #tpu.memory_space<vmem>>
          %dma_wait3A_323 = arith.constant 0 : i32
          %dma_wait3A_324 = tpu.memref_slice %arg6[%mul3A_2, %dma_wait3A_323] : memref<122880x128xf32, #tpu.memory_space<hbm>> -> memref<128x128xf32, #tpu.memory_space<hbm>>
          %dma_wait3A_325 = tpu.memref_slice %arg14[%rem3A_218] : memref<4x!tpu.dma_semaphore, #tpu.memory_space<semaphore_mem>> -> memref<1x!tpu.dma_semaphore, #tpu.memory_space<semaphore_mem>>
          %dma_wait3A_326 = tpu.memref_squeeze %dma_wait3A_325 : memref<1x!tpu.dma_semaphore, #tpu.memory_space<semaphore_mem>> -> memref<!tpu.dma_semaphore, #tpu.memory_space<semaphore_mem>>
          %dma_wait3A_327 = arith.constant 0 : i32
          %dma_wait3A_328 = tpu.memref_slice %arg6[%mul3A_2, %dma_wait3A_327] : memref<122880x128xf32, #tpu.memory_space<hbm>> -> memref<128x128xf32, #tpu.memory_space<hbm>>
          %dma_wait3A_329 = arith.constant 0 : i32
          %dma_wait3A_330 = arith.constant 0 : i32
          %dma_wait3A_331 = tpu.memref_slice %arg9[%rem3A_218, %dma_wait3A_329, %dma_wait3A_330] : memref<4x128x128xf32, #tpu.memory_space<vmem>> -> memref<1x128x128xf32, #tpu.memory_space<vmem>>
          %dma_wait3A_332 = tpu.memref_squeeze %dma_wait3A_331 : memref<1x128x128xf32, #tpu.memory_space<vmem>> -> memref<128x128xf32, #tpu.memory_space<vmem>>
          tpu.wait_dma2 semaphore(%dma_wait3A_326 : memref<!tpu.dma_semaphore, #tpu.memory_space<semaphore_mem>>) src(%dma_wait3A_332 : memref<128x128xf32, #tpu.memory_space<vmem>>) dst(%dma_wait3A_328 : memref<128x128xf32, #tpu.memory_space<hbm>>)
        } else {
        }
        %dma_wait3A_287 = arith.constant 0 : i32
        %dma_wait3A_288 = tpu.memref_slice %arg7[%rem3A_218, %dma_wait3A_287] : memref<4x128xi32, #tpu.memory_space<vmem>> -> memref<1x128xi32, #tpu.memory_space<vmem>>
        %dma_wait3A_289 = tpu.memref_squeeze %dma_wait3A_288 : memref<1x128xi32, #tpu.memory_space<vmem>> -> memref<128xi32, #tpu.memory_space<vmem>>
        %dma_wait3A_290 = tpu.memref_slice %arg4[%mul3A_2] : memref<122880xi32, #tpu.memory_space<hbm>> -> memref<128xi32, #tpu.memory_space<hbm>>
        %dma_wait3A_291 = tpu.memref_slice %arg10[%rem3A_218] : memref<4x!tpu.dma_semaphore, #tpu.memory_space<semaphore_mem>> -> memref<1x!tpu.dma_semaphore, #tpu.memory_space<semaphore_mem>>
        %dma_wait3A_292 = tpu.memref_squeeze %dma_wait3A_291 : memref<1x!tpu.dma_semaphore, #tpu.memory_space<semaphore_mem>> -> memref<!tpu.dma_semaphore, #tpu.memory_space<semaphore_mem>>
        %dma_wait3A_293 = arith.constant 0 : i32
        %dma_wait3A_294 = tpu.memref_slice %arg7[%rem3A_218, %dma_wait3A_293] : memref<4x128xi32, #tpu.memory_space<vmem>> -> memref<1x128xi32, #tpu.memory_space<vmem>>
        %dma_wait3A_295 = tpu.memref_squeeze %dma_wait3A_294 : memref<1x128xi32, #tpu.memory_space<vmem>> -> memref<128xi32, #tpu.memory_space<vmem>>
        %dma_wait3A_296 = tpu.memref_slice %arg4[%mul3A_2] : memref<122880xi32, #tpu.memory_space<hbm>> -> memref<128xi32, #tpu.memory_space<hbm>>
        tpu.wait_dma2 semaphore(%dma_wait3A_292 : memref<!tpu.dma_semaphore, #tpu.memory_space<semaphore_mem>>) src(%dma_wait3A_296 : memref<128xi32, #tpu.memory_space<hbm>>) dst(%dma_wait3A_295 : memref<128xi32, #tpu.memory_space<vmem>>)
        %dma_wait3A_297 = arith.constant 0 : i32
        %dma_wait3A_298 = tpu.memref_slice %arg8[%rem3A_218, %dma_wait3A_297] : memref<4x128xi32, #tpu.memory_space<vmem>> -> memref<1x128xi32, #tpu.memory_space<vmem>>
        %dma_wait3A_299 = tpu.memref_squeeze %dma_wait3A_298 : memref<1x128xi32, #tpu.memory_space<vmem>> -> memref<128xi32, #tpu.memory_space<vmem>>
        %dma_wait3A_300 = tpu.memref_slice %arg5[%mul3A_2] : memref<122880xi32, #tpu.memory_space<hbm>> -> memref<128xi32, #tpu.memory_space<hbm>>
        %dma_wait3A_301 = tpu.memref_slice %arg11[%rem3A_218] : memref<4x!tpu.dma_semaphore, #tpu.memory_space<semaphore_mem>> -> memref<1x!tpu.dma_semaphore, #tpu.memory_space<semaphore_mem>>
        %dma_wait3A_302 = tpu.memref_squeeze %dma_wait3A_301 : memref<1x!tpu.dma_semaphore, #tpu.memory_space<semaphore_mem>> -> memref<!tpu.dma_semaphore, #tpu.memory_space<semaphore_mem>>
        %dma_wait3A_303 = arith.constant 0 : i32
        %dma_wait3A_304 = tpu.memref_slice %arg8[%rem3A_218, %dma_wait3A_303] : memref<4x128xi32, #tpu.memory_space<vmem>> -> memref<1x128xi32, #tpu.memory_space<vmem>>
        %dma_wait3A_305 = tpu.memref_squeeze %dma_wait3A_304 : memref<1x128xi32, #tpu.memory_space<vmem>> -> memref<128xi32, #tpu.memory_space<vmem>>
        %dma_wait3A_306 = tpu.memref_slice %arg5[%mul3A_2] : memref<122880xi32, #tpu.memory_space<hbm>> -> memref<128xi32, #tpu.memory_space<hbm>>
        tpu.wait_dma2 semaphore(%dma_wait3A_302 : memref<!tpu.dma_semaphore, #tpu.memory_space<semaphore_mem>>) src(%dma_wait3A_306 : memref<128xi32, #tpu.memory_space<hbm>>) dst(%dma_wait3A_305 : memref<128xi32, #tpu.memory_space<vmem>>)
        %dma_start3A_307 = arith.constant 0 : i32
        %dma_start3A_308 = arith.constant 0 : i32
        %dma_start3A_309 = tpu.memref_slice %arg9[%rem3A_218, %dma_start3A_307, %dma_start3A_308] : memref<4x128x128xf32, #tpu.memory_space<vmem>> -> memref<1x128x128xf32, #tpu.memory_space<vmem>>
        %dma_start3A_310 = tpu.memref_squeeze %dma_start3A_309 : memref<1x128x128xf32, #tpu.memory_space<vmem>> -> memref<128x128xf32, #tpu.memory_space<vmem>>
        %dma_start3A_311 = arith.constant 0 : i32
        %dma_start3A_312 = tpu.memref_slice %arg7[%rem3A_218, %dma_start3A_311] : memref<4x128xi32, #tpu.memory_space<vmem>> -> memref<1x128xi32, #tpu.memory_space<vmem>>
        %dma_start3A_313 = tpu.memref_squeeze %dma_start3A_312 : memref<1x128xi32, #tpu.memory_space<vmem>> -> memref<128xi32, #tpu.memory_space<vmem>>
        %dma_start3A_314 = arith.constant 0 : i32
        %dma_start3A_315 = arith.constant 0 : i32
        %dma_start3A_316 = tpu.memref_slice %arg2[%dma_start3A_314, %dma_start3A_315] : memref<10000x128xf32, #tpu.memory_space<hbm>> -> memref<10000x128xf32, #tpu.memory_space<hbm>>
        %dma_start3A_317 = tpu.memref_slice %arg12[%rem3A_218] : memref<4x!tpu.dma_semaphore, #tpu.memory_space<semaphore_mem>> -> memref<1x!tpu.dma_semaphore, #tpu.memory_space<semaphore_mem>>
        %dma_start3A_318 = tpu.memref_squeeze %dma_start3A_317 : memref<1x!tpu.dma_semaphore, #tpu.memory_space<semaphore_mem>> -> memref<!tpu.dma_semaphore, #tpu.memory_space<semaphore_mem>>
        tpu.enqueue_indirect_dma source(%dma_start3A_316 : memref<10000x128xf32, #tpu.memory_space<hbm>>) target(%dma_start3A_310 : memref<128x128xf32, #tpu.memory_space<vmem>>) offsets(%dma_start3A_313 : memref<128xi32, #tpu.memory_space<vmem>>) semaphore(%dma_start3A_318 : memref<!tpu.dma_semaphore, #tpu.memory_space<semaphore_mem>>)
      } else {
      }
      %dma_wait3A_223 = arith.constant 0 : i32
      %dma_wait3A_224 = arith.constant 0 : i32
      %dma_wait3A_225 = tpu.memref_slice %arg9[%rem3A_214, %dma_wait3A_223, %dma_wait3A_224] : memref<4x128x128xf32, #tpu.memory_space<vmem>> -> memref<1x128x128xf32, #tpu.memory_space<vmem>>
      %dma_wait3A_226 = tpu.memref_squeeze %dma_wait3A_225 : memref<1x128x128xf32, #tpu.memory_space<vmem>> -> memref<128x128xf32, #tpu.memory_space<vmem>>
      %dma_wait3A_227 = arith.constant 0 : i32
      %dma_wait3A_228 = tpu.memref_slice %arg7[%rem3A_214, %dma_wait3A_227] : memref<4x128xi32, #tpu.memory_space<vmem>> -> memref<1x128xi32, #tpu.memory_space<vmem>>
      %dma_wait3A_229 = tpu.memref_squeeze %dma_wait3A_228 : memref<1x128xi32, #tpu.memory_space<vmem>> -> memref<128xi32, #tpu.memory_space<vmem>>
      %dma_wait3A_230 = arith.constant 0 : i32
      %dma_wait3A_231 = arith.constant 0 : i32
      %dma_wait3A_232 = tpu.memref_slice %arg2[%dma_wait3A_230, %dma_wait3A_231] : memref<10000x128xf32, #tpu.memory_space<hbm>> -> memref<10000x128xf32, #tpu.memory_space<hbm>>
      %dma_wait3A_233 = tpu.memref_slice %arg12[%rem3A_214] : memref<4x!tpu.dma_semaphore, #tpu.memory_space<semaphore_mem>> -> memref<1x!tpu.dma_semaphore, #tpu.memory_space<semaphore_mem>>
      %dma_wait3A_234 = tpu.memref_squeeze %dma_wait3A_233 : memref<1x!tpu.dma_semaphore, #tpu.memory_space<semaphore_mem>> -> memref<!tpu.dma_semaphore, #tpu.memory_space<semaphore_mem>>
      tpu.wait_indirect_dma semaphore(%dma_wait3A_234 : memref<!tpu.dma_semaphore, #tpu.memory_space<semaphore_mem>>) src(%dma_wait3A_232 : memref<10000x128xf32, #tpu.memory_space<hbm>>) dst(%dma_wait3A_226 : memref<128x128xf32, #tpu.memory_space<vmem>>)
      %dma_start3A_235 = arith.constant 0 : i32
      %dma_start3A_236 = arith.constant 0 : i32
      %dma_start3A_237 = tpu.memref_slice %arg9[%rem3A_214, %dma_start3A_235, %dma_start3A_236] : memref<4x128x128xf32, #tpu.memory_space<vmem>> -> memref<1x128x128xf32, #tpu.memory_space<vmem>>
      %dma_start3A_238 = tpu.memref_squeeze %dma_start3A_237 : memref<1x128x128xf32, #tpu.memory_space<vmem>> -> memref<128x128xf32, #tpu.memory_space<vmem>>
      %dma_start3A_239 = arith.constant 0 : i32
      %dma_start3A_240 = tpu.memref_slice %arg8[%rem3A_214, %dma_start3A_239] : memref<4x128xi32, #tpu.memory_space<vmem>> -> memref<1x128xi32, #tpu.memory_space<vmem>>
      %dma_start3A_241 = tpu.memref_squeeze %dma_start3A_240 : memref<1x128xi32, #tpu.memory_space<vmem>> -> memref<128xi32, #tpu.memory_space<vmem>>
      %dma_start3A_242 = arith.constant 0 : i32
      %dma_start3A_243 = arith.constant 0 : i32
      %dma_start3A_244 = tpu.memref_slice %arg3[%dma_start3A_242, %dma_start3A_243] : memref<10000x128xf32, #tpu.memory_space<hbm>> -> memref<10000x128xf32, #tpu.memory_space<hbm>>
      %dma_start3A_245 = tpu.memref_slice %arg13[%rem3A_214] : memref<4x!tpu.dma_semaphore, #tpu.memory_space<semaphore_mem>> -> memref<1x!tpu.dma_semaphore, #tpu.memory_space<semaphore_mem>>
      %dma_start3A_246 = tpu.memref_squeeze %dma_start3A_245 : memref<1x!tpu.dma_semaphore, #tpu.memory_space<semaphore_mem>> -> memref<!tpu.dma_semaphore, #tpu.memory_space<semaphore_mem>>
      tpu.enqueue_indirect_dma source(%dma_start3A_244 : memref<10000x128xf32, #tpu.memory_space<hbm>>) target(%dma_start3A_238 : memref<128x128xf32, #tpu.memory_space<vmem>>) offsets(%dma_start3A_241 : memref<128xi32, #tpu.memory_space<vmem>>) semaphore(%dma_start3A_246 : memref<!tpu.dma_semaphore, #tpu.memory_space<semaphore_mem>>) {add = true}
      %dma_wait3A_247 = arith.constant 0 : i32
      %dma_wait3A_248 = arith.constant 0 : i32
      %dma_wait3A_249 = tpu.memref_slice %arg9[%rem3A_214, %dma_wait3A_247, %dma_wait3A_248] : memref<4x128x128xf32, #tpu.memory_space<vmem>> -> memref<1x128x128xf32, #tpu.memory_space<vmem>>
      %dma_wait3A_250 = tpu.memref_squeeze %dma_wait3A_249 : memref<1x128x128xf32, #tpu.memory_space<vmem>> -> memref<128x128xf32, #tpu.memory_space<vmem>>
      %dma_wait3A_251 = arith.constant 0 : i32
      %dma_wait3A_252 = tpu.memref_slice %arg8[%rem3A_214, %dma_wait3A_251] : memref<4x128xi32, #tpu.memory_space<vmem>> -> memref<1x128xi32, #tpu.memory_space<vmem>>
      %dma_wait3A_253 = tpu.memref_squeeze %dma_wait3A_252 : memref<1x128xi32, #tpu.memory_space<vmem>> -> memref<128xi32, #tpu.memory_space<vmem>>
      %dma_wait3A_254 = arith.constant 0 : i32
      %dma_wait3A_255 = arith.constant 0 : i32
      %dma_wait3A_256 = tpu.memref_slice %arg3[%dma_wait3A_254, %dma_wait3A_255] : memref<10000x128xf32, #tpu.memory_space<hbm>> -> memref<10000x128xf32, #tpu.memory_space<hbm>>
      %dma_wait3A_257 = tpu.memref_slice %arg13[%rem3A_214] : memref<4x!tpu.dma_semaphore, #tpu.memory_space<semaphore_mem>> -> memref<1x!tpu.dma_semaphore, #tpu.memory_space<semaphore_mem>>
      %dma_wait3A_258 = tpu.memref_squeeze %dma_wait3A_257 : memref<1x!tpu.dma_semaphore, #tpu.memory_space<semaphore_mem>> -> memref<!tpu.dma_semaphore, #tpu.memory_space<semaphore_mem>>
      tpu.wait_indirect_dma semaphore(%dma_wait3A_258 : memref<!tpu.dma_semaphore, #tpu.memory_space<semaphore_mem>>) src(%dma_wait3A_256 : memref<10000x128xf32, #tpu.memory_space<hbm>>) dst(%dma_wait3A_250 : memref<128x128xf32, #tpu.memory_space<vmem>>)
      %mul3A_259 = arith.constant 128 : i32
      %mul3A_260 = arith.muli %scan3A_213, %mul3A_259 : i32
      %add3A_261 = arith.addi %mul3A_2, %mul3A_260 : i32
      %dma_start3A_262 = arith.constant 0 : i32
      %dma_start3A_263 = arith.constant 0 : i32
      %dma_start3A_264 = tpu.memref_slice %arg9[%rem3A_214, %dma_start3A_262, %dma_start3A_263] : memref<4x128x128xf32, #tpu.memory_space<vmem>> -> memref<1x128x128xf32, #tpu.memory_space<vmem>>
      %dma_start3A_265 = tpu.memref_squeeze %dma_start3A_264 : memref<1x128x128xf32, #tpu.memory_space<vmem>> -> memref<128x128xf32, #tpu.memory_space<vmem>>
      %dma_start3A_266 = arith.constant 0 : i32
      %dma_start3A_267 = tpu.memref_slice %arg6[%add3A_261, %dma_start3A_266] : memref<122880x128xf32, #tpu.memory_space<hbm>> -> memref<128x128xf32, #tpu.memory_space<hbm>>
      %dma_start3A_268 = tpu.memref_slice %arg14[%rem3A_214] : memref<4x!tpu.dma_semaphore, #tpu.memory_space<semaphore_mem>> -> memref<1x!tpu.dma_semaphore, #tpu.memory_space<semaphore_mem>>
      %dma_start3A_269 = tpu.memref_squeeze %dma_start3A_268 : memref<1x!tpu.dma_semaphore, #tpu.memory_space<semaphore_mem>> -> memref<!tpu.dma_semaphore, #tpu.memory_space<semaphore_mem>>
      %dma_start3A_270 = arith.constant 0 : i32
      %dma_start3A_271 = tpu.memref_slice %arg6[%add3A_261, %dma_start3A_270] : memref<122880x128xf32, #tpu.memory_space<hbm>> -> memref<128x128xf32, #tpu.memory_space<hbm>>
      %dma_start3A_272 = arith.constant 0 : i32
      %dma_start3A_273 = arith.constant 0 : i32
      %dma_start3A_274 = tpu.memref_slice %arg9[%rem3A_214, %dma_start3A_272, %dma_start3A_273] : memref<4x128x128xf32, #tpu.memory_space<vmem>> -> memref<1x128x128xf32, #tpu.memory_space<vmem>>
      %dma_start3A_275 = tpu.memref_squeeze %dma_start3A_274 : memref<1x128x128xf32, #tpu.memory_space<vmem>> -> memref<128x128xf32, #tpu.memory_space<vmem>>
      tpu.enqueue_dma source(%dma_start3A_275 : memref<128x128xf32, #tpu.memory_space<vmem>>) target(%dma_start3A_271 : memref<128x128xf32, #tpu.memory_space<hbm>>) target_semaphore(%dma_start3A_269 : memref<!tpu.dma_semaphore, #tpu.memory_space<semaphore_mem>>)
      %add3A_276 = arith.constant 4 : i32
      %add3A_277 = arith.addi %scan3A_213, %add3A_276 : i32
      %lt3A_278 = arith.constant 30 : i32
      %lt3A_279 = arith.cmpi slt, %add3A_277, %lt3A_278 : i32
      %convert_element_type3A_280 = arith.extui %lt3A_279 : i1 to i32
      %cond3A_281 = arith.constant 0 : i32
      %cond3A_282 = arith.cmpi ne, %convert_element_type3A_280, %cond3A_281 : i32
      scf.if %cond3A_282 {
        %add3A_283 = arith.constant 4 : i32
        %add3A_284 = arith.addi %scan3A_213, %add3A_283 : i32
        %mul3A_285 = arith.constant 128 : i32
        %mul3A_286 = arith.muli %add3A_284, %mul3A_285 : i32
        %add3A_287 = arith.addi %mul3A_2, %mul3A_286 : i32
        %dma_start3A_288 = arith.constant 0 : i32
        %dma_start3A_289 = tpu.memref_slice %arg7[%rem3A_214, %dma_start3A_288] : memref<4x128xi32, #tpu.memory_space<vmem>> -> memref<1x128xi32, #tpu.memory_space<vmem>>
        %dma_start3A_290 = tpu.memref_squeeze %dma_start3A_289 : memref<1x128xi32, #tpu.memory_space<vmem>> -> memref<128xi32, #tpu.memory_space<vmem>>
        %dma_start3A_291 = tpu.memref_slice %arg4[%add3A_287] : memref<122880xi32, #tpu.memory_space<hbm>> -> memref<128xi32, #tpu.memory_space<hbm>>
        %dma_start3A_292 = tpu.memref_slice %arg10[%rem3A_214] : memref<4x!tpu.dma_semaphore, #tpu.memory_space<semaphore_mem>> -> memref<1x!tpu.dma_semaphore, #tpu.memory_space<semaphore_mem>>
        %dma_start3A_293 = tpu.memref_squeeze %dma_start3A_292 : memref<1x!tpu.dma_semaphore, #tpu.memory_space<semaphore_mem>> -> memref<!tpu.dma_semaphore, #tpu.memory_space<semaphore_mem>>
        %dma_start3A_294 = arith.constant 0 : i32
        %dma_start3A_295 = tpu.memref_slice %arg7[%rem3A_214, %dma_start3A_294] : memref<4x128xi32, #tpu.memory_space<vmem>> -> memref<1x128xi32, #tpu.memory_space<vmem>>
        %dma_start3A_296 = tpu.memref_squeeze %dma_start3A_295 : memref<1x128xi32, #tpu.memory_space<vmem>> -> memref<128xi32, #tpu.memory_space<vmem>>
        %dma_start3A_297 = tpu.memref_slice %arg4[%add3A_287] : memref<122880xi32, #tpu.memory_space<hbm>> -> memref<128xi32, #tpu.memory_space<hbm>>
        tpu.enqueue_dma source(%dma_start3A_297 : memref<128xi32, #tpu.memory_space<hbm>>) target(%dma_start3A_296 : memref<128xi32, #tpu.memory_space<vmem>>) target_semaphore(%dma_start3A_293 : memref<!tpu.dma_semaphore, #tpu.memory_space<semaphore_mem>>)
        %dma_start3A_298 = arith.constant 0 : i32
        %dma_start3A_299 = tpu.memref_slice %arg8[%rem3A_214, %dma_start3A_298] : memref<4x128xi32, #tpu.memory_space<vmem>> -> memref<1x128xi32, #tpu.memory_space<vmem>>
        %dma_start3A_300 = tpu.memref_squeeze %dma_start3A_299 : memref<1x128xi32, #tpu.memory_space<vmem>> -> memref<128xi32, #tpu.memory_space<vmem>>
        %dma_start3A_301 = tpu.memref_slice %arg5[%add3A_287] : memref<122880xi32, #tpu.memory_space<hbm>> -> memref<128xi32, #tpu.memory_space<hbm>>
        %dma_start3A_302 = tpu.memref_slice %arg11[%rem3A_214] : memref<4x!tpu.dma_semaphore, #tpu.memory_space<semaphore_mem>> -> memref<1x!tpu.dma_semaphore, #tpu.memory_space<semaphore_mem>>
        %dma_start3A_303 = tpu.memref_squeeze %dma_start3A_302 : memref<1x!tpu.dma_semaphore, #tpu.memory_space<semaphore_mem>> -> memref<!tpu.dma_semaphore, #tpu.memory_space<semaphore_mem>>
        %dma_start3A_304 = arith.constant 0 : i32
        %dma_start3A_305 = tpu.memref_slice %arg8[%rem3A_214, %dma_start3A_304] : memref<4x128xi32, #tpu.memory_space<vmem>> -> memref<1x128xi32, #tpu.memory_space<vmem>>
        %dma_start3A_306 = tpu.memref_squeeze %dma_start3A_305 : memref<1x128xi32, #tpu.memory_space<vmem>> -> memref<128xi32, #tpu.memory_space<vmem>>
        %dma_start3A_307 = tpu.memref_slice %arg5[%add3A_287] : memref<122880xi32, #tpu.memory_space<hbm>> -> memref<128xi32, #tpu.memory_space<hbm>>
        tpu.enqueue_dma source(%dma_start3A_307 : memref<128xi32, #tpu.memory_space<hbm>>) target(%dma_start3A_306 : memref<128xi32, #tpu.memory_space<vmem>>) target_semaphore(%dma_start3A_303 : memref<!tpu.dma_semaphore, #tpu.memory_space<semaphore_mem>>)
      } else {
      }
    }
    %scan3A_148 = arith.constant 30 : i32
    %dma_wait3A_149 = arith.constant 0 : i32
    %dma_wait3A_150 = arith.constant 0 : i32
    %dma_wait3A_151 = arith.constant 0 : i32
    %dma_wait3A_152 = arith.constant 0 : i32
    %dma_wait3A_153 = tpu.memref_slice %arg9[%dma_wait3A_149, %dma_wait3A_151, %dma_wait3A_152] : memref<4x128x128xf32, #tpu.memory_space<vmem>> -> memref<1x128x128xf32, #tpu.memory_space<vmem>>
    %dma_wait3A_154 = tpu.memref_squeeze %dma_wait3A_153 : memref<1x128x128xf32, #tpu.memory_space<vmem>> -> memref<128x128xf32, #tpu.memory_space<vmem>>
    %dma_wait3A_155 = arith.constant 0 : i32
    %dma_wait3A_156 = tpu.memref_slice %arg6[%mul3A_2, %dma_wait3A_155] : memref<122880x128xf32, #tpu.memory_space<hbm>> -> memref<128x128xf32, #tpu.memory_space<hbm>>
    %dma_wait3A_157 = tpu.memref_slice %arg14[%dma_wait3A_150] : memref<4x!tpu.dma_semaphore, #tpu.memory_space<semaphore_mem>> -> memref<1x!tpu.dma_semaphore, #tpu.memory_space<semaphore_mem>>
    %dma_wait3A_158 = tpu.memref_squeeze %dma_wait3A_157 : memref<1x!tpu.dma_semaphore, #tpu.memory_space<semaphore_mem>> -> memref<!tpu.dma_semaphore, #tpu.memory_space<semaphore_mem>>
    %dma_wait3A_159 = arith.constant 0 : i32
    %dma_wait3A_160 = tpu.memref_slice %arg6[%mul3A_2, %dma_wait3A_159] : memref<122880x128xf32, #tpu.memory_space<hbm>> -> memref<128x128xf32, #tpu.memory_space<hbm>>
    %dma_wait3A_161 = arith.constant 0 : i32
    %dma_wait3A_162 = arith.constant 0 : i32
    %dma_wait3A_163 = tpu.memref_slice %arg9[%dma_wait3A_149, %dma_wait3A_161, %dma_wait3A_162] : memref<4x128x128xf32, #tpu.memory_space<vmem>> -> memref<1x128x128xf32, #tpu.memory_space<vmem>>
    %dma_wait3A_164 = tpu.memref_squeeze %dma_wait3A_163 : memref<1x128x128xf32, #tpu.memory_space<vmem>> -> memref<128x128xf32, #tpu.memory_space<vmem>>
    tpu.wait_dma2 semaphore(%dma_wait3A_158 : memref<!tpu.dma_semaphore, #tpu.memory_space<semaphore_mem>>) src(%dma_wait3A_164 : memref<128x128xf32, #tpu.memory_space<vmem>>) dst(%dma_wait3A_160 : memref<128x128xf32, #tpu.memory_space<hbm>>)
    %dma_wait3A_165 = arith.constant 1 : i32
    %dma_wait3A_166 = arith.constant 1 : i32
    %dma_wait3A_167 = arith.constant 0 : i32
    %dma_wait3A_168 = arith.constant 0 : i32
    %dma_wait3A_169 = tpu.memref_slice %arg9[%dma_wait3A_165, %dma_wait3A_167, %dma_wait3A_168] : memref<4x128x128xf32, #tpu.memory_space<vmem>> -> memref<1x128x128xf32, #tpu.memory_space<vmem>>
    %dma_wait3A_170 = tpu.memref_squeeze %dma_wait3A_169 : memref<1x128x128xf32, #tpu.memory_space<vmem>> -> memref<128x128xf32, #tpu.memory_space<vmem>>
    %dma_wait3A_171 = arith.constant 0 : i32
    %dma_wait3A_172 = tpu.memref_slice %arg6[%mul3A_2, %dma_wait3A_171] : memref<122880x128xf32, #tpu.memory_space<hbm>> -> memref<128x128xf32, #tpu.memory_space<hbm>>
    %dma_wait3A_173 = tpu.memref_slice %arg14[%dma_wait3A_166] : memref<4x!tpu.dma_semaphore, #tpu.memory_space<semaphore_mem>> -> memref<1x!tpu.dma_semaphore, #tpu.memory_space<semaphore_mem>>
    %dma_wait3A_174 = tpu.memref_squeeze %dma_wait3A_173 : memref<1x!tpu.dma_semaphore, #tpu.memory_space<semaphore_mem>> -> memref<!tpu.dma_semaphore, #tpu.memory_space<semaphore_mem>>
    %dma_wait3A_175 = arith.constant 0 : i32
    %dma_wait3A_176 = tpu.memref_slice %arg6[%mul3A_2, %dma_wait3A_175] : memref<122880x128xf32, #tpu.memory_space<hbm>> -> memref<128x128xf32, #tpu.memory_space<hbm>>
    %dma_wait3A_177 = arith.constant 0 : i32
    %dma_wait3A_178 = arith.constant 0 : i32
    %dma_wait3A_179 = tpu.memref_slice %arg9[%dma_wait3A_165, %dma_wait3A_177, %dma_wait3A_178] : memref<4x128x128xf32, #tpu.memory_space<vmem>> -> memref<1x128x128xf32, #tpu.memory_space<vmem>>
    %dma_wait3A_180 = tpu.memref_squeeze %dma_wait3A_179 : memref<1x128x128xf32, #tpu.memory_space<vmem>> -> memref<128x128xf32, #tpu.memory_space<vmem>>
    tpu.wait_dma2 semaphore(%dma_wait3A_174 : memref<!tpu.dma_semaphore, #tpu.memory_space<semaphore_mem>>) src(%dma_wait3A_180 : memref<128x128xf32, #tpu.memory_space<vmem>>) dst(%dma_wait3A_176 : memref<128x128xf32, #tpu.memory_space<hbm>>)
    %dma_wait3A_181 = arith.constant 2 : i32
    %dma_wait3A_182 = arith.constant 2 : i32
    %dma_wait3A_183 = arith.constant 0 : i32
    %dma_wait3A_184 = arith.constant 0 : i32
    %dma_wait3A_185 = tpu.memref_slice %arg9[%dma_wait3A_181, %dma_wait3A_183, %dma_wait3A_184] : memref<4x128x128xf32, #tpu.memory_space<vmem>> -> memref<1x128x128xf32, #tpu.memory_space<vmem>>
    %dma_wait3A_186 = tpu.memref_squeeze %dma_wait3A_185 : memref<1x128x128xf32, #tpu.memory_space<vmem>> -> memref<128x128xf32, #tpu.memory_space<vmem>>
    %dma_wait3A_187 = arith.constant 0 : i32
    %dma_wait3A_188 = tpu.memref_slice %arg6[%mul3A_2, %dma_wait3A_187] : memref<122880x128xf32, #tpu.memory_space<hbm>> -> memref<128x128xf32, #tpu.memory_space<hbm>>
    %dma_wait3A_189 = tpu.memref_slice %arg14[%dma_wait3A_182] : memref<4x!tpu.dma_semaphore, #tpu.memory_space<semaphore_mem>> -> memref<1x!tpu.dma_semaphore, #tpu.memory_space<semaphore_mem>>
    %dma_wait3A_190 = tpu.memref_squeeze %dma_wait3A_189 : memref<1x!tpu.dma_semaphore, #tpu.memory_space<semaphore_mem>> -> memref<!tpu.dma_semaphore, #tpu.memory_space<semaphore_mem>>
    %dma_wait3A_191 = arith.constant 0 : i32
    %dma_wait3A_192 = tpu.memref_slice %arg6[%mul3A_2, %dma_wait3A_191] : memref<122880x128xf32, #tpu.memory_space<hbm>> -> memref<128x128xf32, #tpu.memory_space<hbm>>
    %dma_wait3A_193 = arith.constant 0 : i32
    %dma_wait3A_194 = arith.constant 0 : i32
    %dma_wait3A_195 = tpu.memref_slice %arg9[%dma_wait3A_181, %dma_wait3A_193, %dma_wait3A_194] : memref<4x128x128xf32, #tpu.memory_space<vmem>> -> memref<1x128x128xf32, #tpu.memory_space<vmem>>
    %dma_wait3A_196 = tpu.memref_squeeze %dma_wait3A_195 : memref<1x128x128xf32, #tpu.memory_space<vmem>> -> memref<128x128xf32, #tpu.memory_space<vmem>>
    tpu.wait_dma2 semaphore(%dma_wait3A_190 : memref<!tpu.dma_semaphore, #tpu.memory_space<semaphore_mem>>) src(%dma_wait3A_196 : memref<128x128xf32, #tpu.memory_space<vmem>>) dst(%dma_wait3A_192 : memref<128x128xf32, #tpu.memory_space<hbm>>)
    %dma_wait3A_197 = arith.constant 3 : i32
    %dma_wait3A_198 = arith.constant 3 : i32
    %dma_wait3A_199 = arith.constant 0 : i32
    %dma_wait3A_200 = arith.constant 0 : i32
    %dma_wait3A_201 = tpu.memref_slice %arg9[%dma_wait3A_197, %dma_wait3A_199, %dma_wait3A_200] : memref<4x128x128xf32, #tpu.memory_space<vmem>> -> memref<1x128x128xf32, #tpu.memory_space<vmem>>
    %dma_wait3A_202 = tpu.memref_squeeze %dma_wait3A_201 : memref<1x128x128xf32, #tpu.memory_space<vmem>> -> memref<128x128xf32, #tpu.memory_space<vmem>>
    %dma_wait3A_203 = arith.constant 0 : i32
    %dma_wait3A_204 = tpu.memref_slice %arg6[%mul3A_2, %dma_wait3A_203] : memref<122880x128xf32, #tpu.memory_space<hbm>> -> memref<128x128xf32, #tpu.memory_space<hbm>>
    %dma_wait3A_205 = tpu.memref_slice %arg14[%dma_wait3A_198] : memref<4x!tpu.dma_semaphore, #tpu.memory_space<semaphore_mem>> -> memref<1x!tpu.dma_semaphore, #tpu.memory_space<semaphore_mem>>
    %dma_wait3A_206 = tpu.memref_squeeze %dma_wait3A_205 : memref<1x!tpu.dma_semaphore, #tpu.memory_space<semaphore_mem>> -> memref<!tpu.dma_semaphore, #tpu.memory_space<semaphore_mem>>
    %dma_wait3A_207 = arith.constant 0 : i32
    %dma_wait3A_208 = tpu.memref_slice %arg6[%mul3A_2, %dma_wait3A_207] : memref<122880x128xf32, #tpu.memory_space<hbm>> -> memref<128x128xf32, #tpu.memory_space<hbm>>
    %dma_wait3A_209 = arith.constant 0 : i32
    %dma_wait3A_210 = arith.constant 0 : i32
    %dma_wait3A_211 = tpu.memref_slice %arg9[%dma_wait3A_197, %dma_wait3A_209, %dma_wait3A_210] : memref<4x128x128xf32, #tpu.memory_space<vmem>> -> memref<1x128x128xf32, #tpu.memory_space<vmem>>
    %dma_wait3A_212 = tpu.memref_squeeze %dma_wait3A_211 : memref<1x128x128xf32, #tpu.memory_space<vmem>> -> memref<128x128xf32, #tpu.memory_space<vmem>>
    tpu.wait_dma2 semaphore(%dma_wait3A_206 : memref<!tpu.dma_semaphore, #tpu.memory_space<semaphore_mem>>) src(%dma_wait3A_212 : memref<128x128xf32, #tpu.memory_space<vmem>>) dst(%dma_wait3A_208 : memref<128x128xf32, #tpu.memory_space<hbm>>)
    return
  }
}

#map = affine_map<(d0, d1) -> (0, 0)>
#map1 = affine_map<(d0, d1) -> (0)>
#map2 = affine_map<(d0, d1) -> (0, 0, 0)>
module attributes {stable_mosaic.version = 14 : i64} {
  func.func @_scatter_body(%arg0: i32, %arg1: i32, %arg2: memref<74240x128xf32, #tpu.memory_space<hbm>>, %arg3: memref<74240xi32, #tpu.memory_space<hbm>>, %arg4: memref<10240x128xf32, #tpu.memory_space<hbm>>, %arg5: memref<2x10240x128xf32, #tpu.memory_space<hbm>>, %arg6: memref<3x80xi32, #tpu.memory_space<vmem>>, %arg7: memref<3x80x128xf32, #tpu.memory_space<vmem>>, %arg8: memref<10240x128xf32, #tpu.memory_space<vmem_shared>>, %arg9: memref<3x!tpu.dma_semaphore, #tpu.memory_space<semaphore_mem>>, %arg10: memref<3x!tpu.dma_semaphore, #tpu.memory_space<semaphore_mem>>, %arg11: memref<3x!tpu.dma_semaphore, #tpu.memory_space<semaphore_mem>>) attributes {dimension_semantics = [#tpu.dimension_semantics<core_parallel>, #tpu.dimension_semantics<subcore_parallel>], iteration_bounds = array<i64: 2, 16>, scalar_prefetch = 0 : i64, scratch_operands = 6 : i64, tpu.core_type = #tpu.core_type<sc_vector_subcore>, window_params = [{transform_indices = #map}, {transform_indices = #map1}, {transform_indices = #map}, {transform_indices = #map2}]} {
    %mul3A = arith.constant 640 : i32
    %mul3A_0 = arith.muli %arg1, %mul3A : i32
    "tpu.region"() ({
      %run_scoped3A = tpu.sem_alloc : memref<!tpu.dma_semaphore, #tpu.memory_space<semaphore_mem>>
      %dma_start3A_114 = arith.constant 0 : i32
      %dma_start3A_115 = tpu.memref_slice %arg8[%mul3A_0, %dma_start3A_114] : memref<10240x128xf32, #tpu.memory_space<vmem_shared>> -> memref<640x128xf32, #tpu.memory_space<vmem_shared>>
      %dma_start3A_116 = arith.constant 0 : i32
      %dma_start3A_117 = tpu.memref_slice %arg4[%mul3A_0, %dma_start3A_116] : memref<10240x128xf32, #tpu.memory_space<hbm>> -> memref<640x128xf32, #tpu.memory_space<hbm>>
      tpu.enqueue_dma source(%dma_start3A_117 : memref<640x128xf32, #tpu.memory_space<hbm>>) target(%dma_start3A_115 : memref<640x128xf32, #tpu.memory_space<vmem_shared>>) target_semaphore(%run_scoped3A : memref<!tpu.dma_semaphore, #tpu.memory_space<semaphore_mem>>)
      %dma_wait3A_118 = arith.constant 0 : i32
      %dma_wait3A_119 = tpu.memref_slice %arg8[%mul3A_0, %dma_wait3A_118] : memref<10240x128xf32, #tpu.memory_space<vmem_shared>> -> memref<640x128xf32, #tpu.memory_space<vmem_shared>>
      %dma_wait3A_120 = arith.constant 0 : i32
      %dma_wait3A_121 = tpu.memref_slice %arg4[%mul3A_0, %dma_wait3A_120] : memref<10240x128xf32, #tpu.memory_space<hbm>> -> memref<640x128xf32, #tpu.memory_space<hbm>>
      tpu.wait_dma2 semaphore(%run_scoped3A : memref<!tpu.dma_semaphore, #tpu.memory_space<semaphore_mem>>) src(%dma_wait3A_121 : memref<640x128xf32, #tpu.memory_space<hbm>>) dst(%dma_wait3A_119 : memref<640x128xf32, #tpu.memory_space<vmem_shared>>)
      tpu.yield
    }) : () -> ()
    %barrier3A = arith.constant 0 : index
    tpu.barrier barrier_id(%barrier3A)
    %mul3A_1 = arith.constant 16 : i32
    %mul3A_2 = arith.muli %arg0, %mul3A_1 : i32
    %add3A = arith.addi %mul3A_2, %arg1 : i32
    %mul3A_3 = arith.constant 2320 : i32
    %mul3A_4 = arith.muli %add3A, %mul3A_3 : i32
    %add3A_5 = arith.constant 0 : i32
    %add3A_6 = arith.addi %mul3A_4, %add3A_5 : i32
    %dma_start3A = arith.constant 0 : i32
    %dma_start3A_7 = arith.constant 0 : i32
    %dma_start3A_8 = arith.constant 0 : i32
    %dma_start3A_9 = tpu.memref_slice %arg6[%dma_start3A, %dma_start3A_8] : memref<3x80xi32, #tpu.memory_space<vmem>> -> memref<1x80xi32, #tpu.memory_space<vmem>>
    %dma_start3A_10 = tpu.memref_squeeze %dma_start3A_9 : memref<1x80xi32, #tpu.memory_space<vmem>> -> memref<80xi32, #tpu.memory_space<vmem>>
    %dma_start3A_11 = tpu.memref_slice %arg3[%add3A_6] : memref<74240xi32, #tpu.memory_space<hbm>> -> memref<80xi32, #tpu.memory_space<hbm>>
    %dma_start3A_12 = tpu.memref_slice %arg9[%dma_start3A_7] : memref<3x!tpu.dma_semaphore, #tpu.memory_space<semaphore_mem>> -> memref<1x!tpu.dma_semaphore, #tpu.memory_space<semaphore_mem>>
    %dma_start3A_13 = tpu.memref_squeeze %dma_start3A_12 : memref<1x!tpu.dma_semaphore, #tpu.memory_space<semaphore_mem>> -> memref<!tpu.dma_semaphore, #tpu.memory_space<semaphore_mem>>
    %dma_start3A_14 = arith.constant 0 : i32
    %dma_start3A_15 = tpu.memref_slice %arg6[%dma_start3A, %dma_start3A_14] : memref<3x80xi32, #tpu.memory_space<vmem>> -> memref<1x80xi32, #tpu.memory_space<vmem>>
    %dma_start3A_16 = tpu.memref_squeeze %dma_start3A_15 : memref<1x80xi32, #tpu.memory_space<vmem>> -> memref<80xi32, #tpu.memory_space<vmem>>
    %dma_start3A_17 = tpu.memref_slice %arg3[%add3A_6] : memref<74240xi32, #tpu.memory_space<hbm>> -> memref<80xi32, #tpu.memory_space<hbm>>
    tpu.enqueue_dma source(%dma_start3A_17 : memref<80xi32, #tpu.memory_space<hbm>>) target(%dma_start3A_16 : memref<80xi32, #tpu.memory_space<vmem>>) target_semaphore(%dma_start3A_13 : memref<!tpu.dma_semaphore, #tpu.memory_space<semaphore_mem>>)
    %dma_start3A_18 = arith.constant 0 : i32
    %dma_start3A_19 = arith.constant 0 : i32
    %dma_start3A_20 = arith.constant 0 : i32
    %dma_start3A_21 = arith.constant 0 : i32
    %dma_start3A_22 = tpu.memref_slice %arg7[%dma_start3A_18, %dma_start3A_20, %dma_start3A_21] : memref<3x80x128xf32, #tpu.memory_space<vmem>> -> memref<1x80x128xf32, #tpu.memory_space<vmem>>
    %dma_start3A_23 = tpu.memref_squeeze %dma_start3A_22 : memref<1x80x128xf32, #tpu.memory_space<vmem>> -> memref<80x128xf32, #tpu.memory_space<vmem>>
    %dma_start3A_24 = arith.constant 0 : i32
    %dma_start3A_25 = tpu.memref_slice %arg2[%add3A_6, %dma_start3A_24] : memref<74240x128xf32, #tpu.memory_space<hbm>> -> memref<80x128xf32, #tpu.memory_space<hbm>>
    %dma_start3A_26 = tpu.memref_slice %arg10[%dma_start3A_19] : memref<3x!tpu.dma_semaphore, #tpu.memory_space<semaphore_mem>> -> memref<1x!tpu.dma_semaphore, #tpu.memory_space<semaphore_mem>>
    %dma_start3A_27 = tpu.memref_squeeze %dma_start3A_26 : memref<1x!tpu.dma_semaphore, #tpu.memory_space<semaphore_mem>> -> memref<!tpu.dma_semaphore, #tpu.memory_space<semaphore_mem>>
    %dma_start3A_28 = arith.constant 0 : i32
    %dma_start3A_29 = arith.constant 0 : i32
    %dma_start3A_30 = tpu.memref_slice %arg7[%dma_start3A_18, %dma_start3A_28, %dma_start3A_29] : memref<3x80x128xf32, #tpu.memory_space<vmem>> -> memref<1x80x128xf32, #tpu.memory_space<vmem>>
    %dma_start3A_31 = tpu.memref_squeeze %dma_start3A_30 : memref<1x80x128xf32, #tpu.memory_space<vmem>> -> memref<80x128xf32, #tpu.memory_space<vmem>>
    %dma_start3A_32 = arith.constant 0 : i32
    %dma_start3A_33 = tpu.memref_slice %arg2[%add3A_6, %dma_start3A_32] : memref<74240x128xf32, #tpu.memory_space<hbm>> -> memref<80x128xf32, #tpu.memory_space<hbm>>
    tpu.enqueue_dma source(%dma_start3A_33 : memref<80x128xf32, #tpu.memory_space<hbm>>) target(%dma_start3A_31 : memref<80x128xf32, #tpu.memory_space<vmem>>) target_semaphore(%dma_start3A_27 : memref<!tpu.dma_semaphore, #tpu.memory_space<semaphore_mem>>)
    %add3A_34 = arith.constant 80 : i32
    %add3A_35 = arith.addi %mul3A_4, %add3A_34 : i32
    %dma_start3A_36 = arith.constant 1 : i32
    %dma_start3A_37 = arith.constant 1 : i32
    %dma_start3A_38 = arith.constant 0 : i32
    %dma_start3A_39 = tpu.memref_slice %arg6[%dma_start3A_36, %dma_start3A_38] : memref<3x80xi32, #tpu.memory_space<vmem>> -> memref<1x80xi32, #tpu.memory_space<vmem>>
    %dma_start3A_40 = tpu.memref_squeeze %dma_start3A_39 : memref<1x80xi32, #tpu.memory_space<vmem>> -> memref<80xi32, #tpu.memory_space<vmem>>
    %dma_start3A_41 = tpu.memref_slice %arg3[%add3A_35] : memref<74240xi32, #tpu.memory_space<hbm>> -> memref<80xi32, #tpu.memory_space<hbm>>
    %dma_start3A_42 = tpu.memref_slice %arg9[%dma_start3A_37] : memref<3x!tpu.dma_semaphore, #tpu.memory_space<semaphore_mem>> -> memref<1x!tpu.dma_semaphore, #tpu.memory_space<semaphore_mem>>
    %dma_start3A_43 = tpu.memref_squeeze %dma_start3A_42 : memref<1x!tpu.dma_semaphore, #tpu.memory_space<semaphore_mem>> -> memref<!tpu.dma_semaphore, #tpu.memory_space<semaphore_mem>>
    %dma_start3A_44 = arith.constant 0 : i32
    %dma_start3A_45 = tpu.memref_slice %arg6[%dma_start3A_36, %dma_start3A_44] : memref<3x80xi32, #tpu.memory_space<vmem>> -> memref<1x80xi32, #tpu.memory_space<vmem>>
    %dma_start3A_46 = tpu.memref_squeeze %dma_start3A_45 : memref<1x80xi32, #tpu.memory_space<vmem>> -> memref<80xi32, #tpu.memory_space<vmem>>
    %dma_start3A_47 = tpu.memref_slice %arg3[%add3A_35] : memref<74240xi32, #tpu.memory_space<hbm>> -> memref<80xi32, #tpu.memory_space<hbm>>
    tpu.enqueue_dma source(%dma_start3A_47 : memref<80xi32, #tpu.memory_space<hbm>>) target(%dma_start3A_46 : memref<80xi32, #tpu.memory_space<vmem>>) target_semaphore(%dma_start3A_43 : memref<!tpu.dma_semaphore, #tpu.memory_space<semaphore_mem>>)
    %dma_start3A_48 = arith.constant 1 : i32
    %dma_start3A_49 = arith.constant 1 : i32
    %dma_start3A_50 = arith.constant 0 : i32
    %dma_start3A_51 = arith.constant 0 : i32
    %dma_start3A_52 = tpu.memref_slice %arg7[%dma_start3A_48, %dma_start3A_50, %dma_start3A_51] : memref<3x80x128xf32, #tpu.memory_space<vmem>> -> memref<1x80x128xf32, #tpu.memory_space<vmem>>
    %dma_start3A_53 = tpu.memref_squeeze %dma_start3A_52 : memref<1x80x128xf32, #tpu.memory_space<vmem>> -> memref<80x128xf32, #tpu.memory_space<vmem>>
    %dma_start3A_54 = arith.constant 0 : i32
    %dma_start3A_55 = tpu.memref_slice %arg2[%add3A_35, %dma_start3A_54] : memref<74240x128xf32, #tpu.memory_space<hbm>> -> memref<80x128xf32, #tpu.memory_space<hbm>>
    %dma_start3A_56 = tpu.memref_slice %arg10[%dma_start3A_49] : memref<3x!tpu.dma_semaphore, #tpu.memory_space<semaphore_mem>> -> memref<1x!tpu.dma_semaphore, #tpu.memory_space<semaphore_mem>>
    %dma_start3A_57 = tpu.memref_squeeze %dma_start3A_56 : memref<1x!tpu.dma_semaphore, #tpu.memory_space<semaphore_mem>> -> memref<!tpu.dma_semaphore, #tpu.memory_space<semaphore_mem>>
    %dma_start3A_58 = arith.constant 0 : i32
    %dma_start3A_59 = arith.constant 0 : i32
    %dma_start3A_60 = tpu.memref_slice %arg7[%dma_start3A_48, %dma_start3A_58, %dma_start3A_59] : memref<3x80x128xf32, #tpu.memory_space<vmem>> -> memref<1x80x128xf32, #tpu.memory_space<vmem>>
    %dma_start3A_61 = tpu.memref_squeeze %dma_start3A_60 : memref<1x80x128xf32, #tpu.memory_space<vmem>> -> memref<80x128xf32, #tpu.memory_space<vmem>>
    %dma_start3A_62 = arith.constant 0 : i32
    %dma_start3A_63 = tpu.memref_slice %arg2[%add3A_35, %dma_start3A_62] : memref<74240x128xf32, #tpu.memory_space<hbm>> -> memref<80x128xf32, #tpu.memory_space<hbm>>
    tpu.enqueue_dma source(%dma_start3A_63 : memref<80x128xf32, #tpu.memory_space<hbm>>) target(%dma_start3A_61 : memref<80x128xf32, #tpu.memory_space<vmem>>) target_semaphore(%dma_start3A_57 : memref<!tpu.dma_semaphore, #tpu.memory_space<semaphore_mem>>)
    %scan3A = arith.constant 0 : i32
    %scan3A_64 = arith.constant 0 : i32
    %scan3A_65 = arith.constant 29 : i32
    %scan3A_66 = arith.addi %scan3A_64, %scan3A_65 : i32
    %scan3A_67 = arith.constant 1 : i32
    scf.for %scan3A_114 = %scan3A_64 to %scan3A_66 step %scan3A_67  : i32 {
      %rem3A = arith.constant 3 : i32
      %rem3A_115 = arith.remsi %scan3A_114, %rem3A : i32
      %add3A_116 = arith.constant 2 : i32
      %add3A_117 = arith.addi %scan3A_114, %add3A_116 : i32
      %rem3A_118 = arith.constant 3 : i32
      %rem3A_119 = arith.remsi %add3A_117, %rem3A_118 : i32
      %dma_wait3A_120 = arith.constant 0 : i32
      %dma_wait3A_121 = tpu.memref_slice %arg6[%rem3A_115, %dma_wait3A_120] : memref<3x80xi32, #tpu.memory_space<vmem>> -> memref<1x80xi32, #tpu.memory_space<vmem>>
      %dma_wait3A_122 = tpu.memref_squeeze %dma_wait3A_121 : memref<1x80xi32, #tpu.memory_space<vmem>> -> memref<80xi32, #tpu.memory_space<vmem>>
      %dma_wait3A_123 = tpu.memref_slice %arg3[%mul3A_4] : memref<74240xi32, #tpu.memory_space<hbm>> -> memref<80xi32, #tpu.memory_space<hbm>>
      %dma_wait3A_124 = tpu.memref_slice %arg9[%rem3A_115] : memref<3x!tpu.dma_semaphore, #tpu.memory_space<semaphore_mem>> -> memref<1x!tpu.dma_semaphore, #tpu.memory_space<semaphore_mem>>
      %dma_wait3A_125 = tpu.memref_squeeze %dma_wait3A_124 : memref<1x!tpu.dma_semaphore, #tpu.memory_space<semaphore_mem>> -> memref<!tpu.dma_semaphore, #tpu.memory_space<semaphore_mem>>
      %dma_wait3A_126 = arith.constant 0 : i32
      %dma_wait3A_127 = tpu.memref_slice %arg6[%rem3A_115, %dma_wait3A_126] : memref<3x80xi32, #tpu.memory_space<vmem>> -> memref<1x80xi32, #tpu.memory_space<vmem>>
      %dma_wait3A_128 = tpu.memref_squeeze %dma_wait3A_127 : memref<1x80xi32, #tpu.memory_space<vmem>> -> memref<80xi32, #tpu.memory_space<vmem>>
      %dma_wait3A_129 = tpu.memref_slice %arg3[%mul3A_4] : memref<74240xi32, #tpu.memory_space<hbm>> -> memref<80xi32, #tpu.memory_space<hbm>>
      tpu.wait_dma2 semaphore(%dma_wait3A_125 : memref<!tpu.dma_semaphore, #tpu.memory_space<semaphore_mem>>) src(%dma_wait3A_129 : memref<80xi32, #tpu.memory_space<hbm>>) dst(%dma_wait3A_128 : memref<80xi32, #tpu.memory_space<vmem>>)
      %dma_wait3A_130 = arith.constant 0 : i32
      %dma_wait3A_131 = arith.constant 0 : i32
      %dma_wait3A_132 = tpu.memref_slice %arg7[%rem3A_115, %dma_wait3A_130, %dma_wait3A_131] : memref<3x80x128xf32, #tpu.memory_space<vmem>> -> memref<1x80x128xf32, #tpu.memory_space<vmem>>
      %dma_wait3A_133 = tpu.memref_squeeze %dma_wait3A_132 : memref<1x80x128xf32, #tpu.memory_space<vmem>> -> memref<80x128xf32, #tpu.memory_space<vmem>>
      %dma_wait3A_134 = arith.constant 0 : i32
      %dma_wait3A_135 = tpu.memref_slice %arg2[%mul3A_4, %dma_wait3A_134] : memref<74240x128xf32, #tpu.memory_space<hbm>> -> memref<80x128xf32, #tpu.memory_space<hbm>>
      %dma_wait3A_136 = tpu.memref_slice %arg10[%rem3A_115] : memref<3x!tpu.dma_semaphore, #tpu.memory_space<semaphore_mem>> -> memref<1x!tpu.dma_semaphore, #tpu.memory_space<semaphore_mem>>
      %dma_wait3A_137 = tpu.memref_squeeze %dma_wait3A_136 : memref<1x!tpu.dma_semaphore, #tpu.memory_space<semaphore_mem>> -> memref<!tpu.dma_semaphore, #tpu.memory_space<semaphore_mem>>
      %dma_wait3A_138 = arith.constant 0 : i32
      %dma_wait3A_139 = arith.constant 0 : i32
      %dma_wait3A_140 = tpu.memref_slice %arg7[%rem3A_115, %dma_wait3A_138, %dma_wait3A_139] : memref<3x80x128xf32, #tpu.memory_space<vmem>> -> memref<1x80x128xf32, #tpu.memory_space<vmem>>
      %dma_wait3A_141 = tpu.memref_squeeze %dma_wait3A_140 : memref<1x80x128xf32, #tpu.memory_space<vmem>> -> memref<80x128xf32, #tpu.memory_space<vmem>>
      %dma_wait3A_142 = arith.constant 0 : i32
      %dma_wait3A_143 = tpu.memref_slice %arg2[%mul3A_4, %dma_wait3A_142] : memref<74240x128xf32, #tpu.memory_space<hbm>> -> memref<80x128xf32, #tpu.memory_space<hbm>>
      tpu.wait_dma2 semaphore(%dma_wait3A_137 : memref<!tpu.dma_semaphore, #tpu.memory_space<semaphore_mem>>) src(%dma_wait3A_143 : memref<80x128xf32, #tpu.memory_space<hbm>>) dst(%dma_wait3A_141 : memref<80x128xf32, #tpu.memory_space<vmem>>)
      %dma_start3A_144 = arith.constant 0 : i32
      %dma_start3A_145 = arith.constant 0 : i32
      %dma_start3A_146 = tpu.memref_slice %arg7[%rem3A_115, %dma_start3A_144, %dma_start3A_145] : memref<3x80x128xf32, #tpu.memory_space<vmem>> -> memref<1x80x128xf32, #tpu.memory_space<vmem>>
      %dma_start3A_147 = tpu.memref_squeeze %dma_start3A_146 : memref<1x80x128xf32, #tpu.memory_space<vmem>> -> memref<80x128xf32, #tpu.memory_space<vmem>>
      %dma_start3A_148 = arith.constant 0 : i32
      %dma_start3A_149 = tpu.memref_slice %arg6[%rem3A_115, %dma_start3A_148] : memref<3x80xi32, #tpu.memory_space<vmem>> -> memref<1x80xi32, #tpu.memory_space<vmem>>
      %dma_start3A_150 = tpu.memref_squeeze %dma_start3A_149 : memref<1x80xi32, #tpu.memory_space<vmem>> -> memref<80xi32, #tpu.memory_space<vmem>>
      %dma_start3A_151 = arith.constant 0 : i32
      %dma_start3A_152 = arith.constant 0 : i32
      %dma_start3A_153 = tpu.memref_slice %arg8[%dma_start3A_151, %dma_start3A_152] : memref<10240x128xf32, #tpu.memory_space<vmem_shared>> -> memref<10240x128xf32, #tpu.memory_space<vmem_shared>>
      %dma_start3A_154 = tpu.memref_slice %arg11[%rem3A_115] : memref<3x!tpu.dma_semaphore, #tpu.memory_space<semaphore_mem>> -> memref<1x!tpu.dma_semaphore, #tpu.memory_space<semaphore_mem>>
      %dma_start3A_155 = tpu.memref_squeeze %dma_start3A_154 : memref<1x!tpu.dma_semaphore, #tpu.memory_space<semaphore_mem>> -> memref<!tpu.dma_semaphore, #tpu.memory_space<semaphore_mem>>
      tpu.enqueue_indirect_dma source(%dma_start3A_147 : memref<80x128xf32, #tpu.memory_space<vmem>>) target(%dma_start3A_153 : memref<10240x128xf32, #tpu.memory_space<vmem_shared>>) offsets(%dma_start3A_150 : memref<80xi32, #tpu.memory_space<vmem>>) semaphore(%dma_start3A_155 : memref<!tpu.dma_semaphore, #tpu.memory_space<semaphore_mem>>) {add = true}
      %add3A_156 = arith.constant 2 : i32
      %add3A_157 = arith.addi %scan3A_114, %add3A_156 : i32
      %lt3A = arith.constant 29 : i32
      %lt3A_158 = arith.cmpi slt, %add3A_157, %lt3A : i32
      %convert_element_type3A = arith.extui %lt3A_158 : i1 to i32
      %cond3A = arith.constant 0 : i32
      %cond3A_159 = arith.cmpi ne, %convert_element_type3A, %cond3A : i32
      scf.if %cond3A_159 {
        %ge3A = arith.constant 1 : i32
        %ge3A_160 = arith.cmpi sge, %scan3A_114, %ge3A : i32
        %convert_element_type3A_161 = arith.extui %ge3A_160 : i1 to i32
        %cond3A_162 = arith.constant 0 : i32
        %cond3A_163 = arith.cmpi ne, %convert_element_type3A_161, %cond3A_162 : i32
        scf.if %cond3A_163 {
          %dma_wait3A_193 = arith.constant 0 : i32
          %dma_wait3A_194 = arith.constant 0 : i32
          %dma_wait3A_195 = tpu.memref_slice %arg7[%rem3A_119, %dma_wait3A_193, %dma_wait3A_194] : memref<3x80x128xf32, #tpu.memory_space<vmem>> -> memref<1x80x128xf32, #tpu.memory_space<vmem>>
          %dma_wait3A_196 = tpu.memref_squeeze %dma_wait3A_195 : memref<1x80x128xf32, #tpu.memory_space<vmem>> -> memref<80x128xf32, #tpu.memory_space<vmem>>
          %dma_wait3A_197 = arith.constant 0 : i32
          %dma_wait3A_198 = tpu.memref_slice %arg6[%rem3A_119, %dma_wait3A_197] : memref<3x80xi32, #tpu.memory_space<vmem>> -> memref<1x80xi32, #tpu.memory_space<vmem>>
          %dma_wait3A_199 = tpu.memref_squeeze %dma_wait3A_198 : memref<1x80xi32, #tpu.memory_space<vmem>> -> memref<80xi32, #tpu.memory_space<vmem>>
          %dma_wait3A_200 = arith.constant 0 : i32
          %dma_wait3A_201 = arith.constant 0 : i32
          %dma_wait3A_202 = tpu.memref_slice %arg8[%dma_wait3A_200, %dma_wait3A_201] : memref<10240x128xf32, #tpu.memory_space<vmem_shared>> -> memref<10240x128xf32, #tpu.memory_space<vmem_shared>>
          %dma_wait3A_203 = tpu.memref_slice %arg11[%rem3A_119] : memref<3x!tpu.dma_semaphore, #tpu.memory_space<semaphore_mem>> -> memref<1x!tpu.dma_semaphore, #tpu.memory_space<semaphore_mem>>
          %dma_wait3A_204 = tpu.memref_squeeze %dma_wait3A_203 : memref<1x!tpu.dma_semaphore, #tpu.memory_space<semaphore_mem>> -> memref<!tpu.dma_semaphore, #tpu.memory_space<semaphore_mem>>
          tpu.wait_indirect_dma semaphore(%dma_wait3A_204 : memref<!tpu.dma_semaphore, #tpu.memory_space<semaphore_mem>>) src(%dma_wait3A_196 : memref<80x128xf32, #tpu.memory_space<vmem>>) dst(%dma_wait3A_202 : memref<10240x128xf32, #tpu.memory_space<vmem_shared>>)
        } else {
        }
        %add3A_164 = arith.constant 2 : i32
        %add3A_165 = arith.addi %scan3A_114, %add3A_164 : i32
        %mul3A_166 = arith.constant 80 : i32
        %mul3A_167 = arith.muli %add3A_165, %mul3A_166 : i32
        %add3A_168 = arith.addi %mul3A_4, %mul3A_167 : i32
        %dma_start3A_169 = arith.constant 0 : i32
        %dma_start3A_170 = tpu.memref_slice %arg6[%rem3A_119, %dma_start3A_169] : memref<3x80xi32, #tpu.memory_space<vmem>> -> memref<1x80xi32, #tpu.memory_space<vmem>>
        %dma_start3A_171 = tpu.memref_squeeze %dma_start3A_170 : memref<1x80xi32, #tpu.memory_space<vmem>> -> memref<80xi32, #tpu.memory_space<vmem>>
        %dma_start3A_172 = tpu.memref_slice %arg3[%add3A_168] : memref<74240xi32, #tpu.memory_space<hbm>> -> memref<80xi32, #tpu.memory_space<hbm>>
        %dma_start3A_173 = tpu.memref_slice %arg9[%rem3A_119] : memref<3x!tpu.dma_semaphore, #tpu.memory_space<semaphore_mem>> -> memref<1x!tpu.dma_semaphore, #tpu.memory_space<semaphore_mem>>
        %dma_start3A_174 = tpu.memref_squeeze %dma_start3A_173 : memref<1x!tpu.dma_semaphore, #tpu.memory_space<semaphore_mem>> -> memref<!tpu.dma_semaphore, #tpu.memory_space<semaphore_mem>>
        %dma_start3A_175 = arith.constant 0 : i32
        %dma_start3A_176 = tpu.memref_slice %arg6[%rem3A_119, %dma_start3A_175] : memref<3x80xi32, #tpu.memory_space<vmem>> -> memref<1x80xi32, #tpu.memory_space<vmem>>
        %dma_start3A_177 = tpu.memref_squeeze %dma_start3A_176 : memref<1x80xi32, #tpu.memory_space<vmem>> -> memref<80xi32, #tpu.memory_space<vmem>>
        %dma_start3A_178 = tpu.memref_slice %arg3[%add3A_168] : memref<74240xi32, #tpu.memory_space<hbm>> -> memref<80xi32, #tpu.memory_space<hbm>>
        tpu.enqueue_dma source(%dma_start3A_178 : memref<80xi32, #tpu.memory_space<hbm>>) target(%dma_start3A_177 : memref<80xi32, #tpu.memory_space<vmem>>) target_semaphore(%dma_start3A_174 : memref<!tpu.dma_semaphore, #tpu.memory_space<semaphore_mem>>)
        %dma_start3A_179 = arith.constant 0 : i32
        %dma_start3A_180 = arith.constant 0 : i32
        %dma_start3A_181 = tpu.memref_slice %arg7[%rem3A_119, %dma_start3A_179, %dma_start3A_180] : memref<3x80x128xf32, #tpu.memory_space<vmem>> -> memref<1x80x128xf32, #tpu.memory_space<vmem>>
        %dma_start3A_182 = tpu.memref_squeeze %dma_start3A_181 : memref<1x80x128xf32, #tpu.memory_space<vmem>> -> memref<80x128xf32, #tpu.memory_space<vmem>>
        %dma_start3A_183 = arith.constant 0 : i32
        %dma_start3A_184 = tpu.memref_slice %arg2[%add3A_168, %dma_start3A_183] : memref<74240x128xf32, #tpu.memory_space<hbm>> -> memref<80x128xf32, #tpu.memory_space<hbm>>
        %dma_start3A_185 = tpu.memref_slice %arg10[%rem3A_119] : memref<3x!tpu.dma_semaphore, #tpu.memory_space<semaphore_mem>> -> memref<1x!tpu.dma_semaphore, #tpu.memory_space<semaphore_mem>>
        %dma_start3A_186 = tpu.memref_squeeze %dma_start3A_185 : memref<1x!tpu.dma_semaphore, #tpu.memory_space<semaphore_mem>> -> memref<!tpu.dma_semaphore, #tpu.memory_space<semaphore_mem>>
        %dma_start3A_187 = arith.constant 0 : i32
        %dma_start3A_188 = arith.constant 0 : i32
        %dma_start3A_189 = tpu.memref_slice %arg7[%rem3A_119, %dma_start3A_187, %dma_start3A_188] : memref<3x80x128xf32, #tpu.memory_space<vmem>> -> memref<1x80x128xf32, #tpu.memory_space<vmem>>
        %dma_start3A_190 = tpu.memref_squeeze %dma_start3A_189 : memref<1x80x128xf32, #tpu.memory_space<vmem>> -> memref<80x128xf32, #tpu.memory_space<vmem>>
        %dma_start3A_191 = arith.constant 0 : i32
        %dma_start3A_192 = tpu.memref_slice %arg2[%add3A_168, %dma_start3A_191] : memref<74240x128xf32, #tpu.memory_space<hbm>> -> memref<80x128xf32, #tpu.memory_space<hbm>>
        tpu.enqueue_dma source(%dma_start3A_192 : memref<80x128xf32, #tpu.memory_space<hbm>>) target(%dma_start3A_190 : memref<80x128xf32, #tpu.memory_space<vmem>>) target_semaphore(%dma_start3A_186 : memref<!tpu.dma_semaphore, #tpu.memory_space<semaphore_mem>>)
      } else {
      }
    }
    %scan3A_68 = arith.constant 29 : i32
    %dma_wait3A = arith.constant 0 : i32
    %dma_wait3A_69 = arith.constant 0 : i32
    %dma_wait3A_70 = arith.constant 0 : i32
    %dma_wait3A_71 = arith.constant 0 : i32
    %dma_wait3A_72 = arith.constant 0 : i32
    %dma_wait3A_73 = tpu.memref_slice %arg7[%dma_wait3A, %dma_wait3A_71, %dma_wait3A_72] : memref<3x80x128xf32, #tpu.memory_space<vmem>> -> memref<1x80x128xf32, #tpu.memory_space<vmem>>
    %dma_wait3A_74 = tpu.memref_squeeze %dma_wait3A_73 : memref<1x80x128xf32, #tpu.memory_space<vmem>> -> memref<80x128xf32, #tpu.memory_space<vmem>>
    %dma_wait3A_75 = arith.constant 0 : i32
    %dma_wait3A_76 = tpu.memref_slice %arg6[%dma_wait3A_69, %dma_wait3A_75] : memref<3x80xi32, #tpu.memory_space<vmem>> -> memref<1x80xi32, #tpu.memory_space<vmem>>
    %dma_wait3A_77 = tpu.memref_squeeze %dma_wait3A_76 : memref<1x80xi32, #tpu.memory_space<vmem>> -> memref<80xi32, #tpu.memory_space<vmem>>
    %dma_wait3A_78 = arith.constant 0 : i32
    %dma_wait3A_79 = arith.constant 0 : i32
    %dma_wait3A_80 = tpu.memref_slice %arg8[%dma_wait3A_78, %dma_wait3A_79] : memref<10240x128xf32, #tpu.memory_space<vmem_shared>> -> memref<10240x128xf32, #tpu.memory_space<vmem_shared>>
    %dma_wait3A_81 = tpu.memref_slice %arg11[%dma_wait3A_70] : memref<3x!tpu.dma_semaphore, #tpu.memory_space<semaphore_mem>> -> memref<1x!tpu.dma_semaphore, #tpu.memory_space<semaphore_mem>>
    %dma_wait3A_82 = tpu.memref_squeeze %dma_wait3A_81 : memref<1x!tpu.dma_semaphore, #tpu.memory_space<semaphore_mem>> -> memref<!tpu.dma_semaphore, #tpu.memory_space<semaphore_mem>>
    tpu.wait_indirect_dma semaphore(%dma_wait3A_82 : memref<!tpu.dma_semaphore, #tpu.memory_space<semaphore_mem>>) src(%dma_wait3A_74 : memref<80x128xf32, #tpu.memory_space<vmem>>) dst(%dma_wait3A_80 : memref<10240x128xf32, #tpu.memory_space<vmem_shared>>)
    %dma_wait3A_83 = arith.constant 1 : i32
    %dma_wait3A_84 = arith.constant 1 : i32
    %dma_wait3A_85 = arith.constant 1 : i32
    %dma_wait3A_86 = arith.constant 0 : i32
    %dma_wait3A_87 = arith.constant 0 : i32
    %dma_wait3A_88 = tpu.memref_slice %arg7[%dma_wait3A_83, %dma_wait3A_86, %dma_wait3A_87] : memref<3x80x128xf32, #tpu.memory_space<vmem>> -> memref<1x80x128xf32, #tpu.memory_space<vmem>>
    %dma_wait3A_89 = tpu.memref_squeeze %dma_wait3A_88 : memref<1x80x128xf32, #tpu.memory_space<vmem>> -> memref<80x128xf32, #tpu.memory_space<vmem>>
    %dma_wait3A_90 = arith.constant 0 : i32
    %dma_wait3A_91 = tpu.memref_slice %arg6[%dma_wait3A_84, %dma_wait3A_90] : memref<3x80xi32, #tpu.memory_space<vmem>> -> memref<1x80xi32, #tpu.memory_space<vmem>>
    %dma_wait3A_92 = tpu.memref_squeeze %dma_wait3A_91 : memref<1x80xi32, #tpu.memory_space<vmem>> -> memref<80xi32, #tpu.memory_space<vmem>>
    %dma_wait3A_93 = arith.constant 0 : i32
    %dma_wait3A_94 = arith.constant 0 : i32
    %dma_wait3A_95 = tpu.memref_slice %arg8[%dma_wait3A_93, %dma_wait3A_94] : memref<10240x128xf32, #tpu.memory_space<vmem_shared>> -> memref<10240x128xf32, #tpu.memory_space<vmem_shared>>
    %dma_wait3A_96 = tpu.memref_slice %arg11[%dma_wait3A_85] : memref<3x!tpu.dma_semaphore, #tpu.memory_space<semaphore_mem>> -> memref<1x!tpu.dma_semaphore, #tpu.memory_space<semaphore_mem>>
    %dma_wait3A_97 = tpu.memref_squeeze %dma_wait3A_96 : memref<1x!tpu.dma_semaphore, #tpu.memory_space<semaphore_mem>> -> memref<!tpu.dma_semaphore, #tpu.memory_space<semaphore_mem>>
    tpu.wait_indirect_dma semaphore(%dma_wait3A_97 : memref<!tpu.dma_semaphore, #tpu.memory_space<semaphore_mem>>) src(%dma_wait3A_89 : memref<80x128xf32, #tpu.memory_space<vmem>>) dst(%dma_wait3A_95 : memref<10240x128xf32, #tpu.memory_space<vmem_shared>>)
    %dma_wait3A_98 = arith.constant 2 : i32
    %dma_wait3A_99 = arith.constant 2 : i32
    %dma_wait3A_100 = arith.constant 2 : i32
    %dma_wait3A_101 = arith.constant 0 : i32
    %dma_wait3A_102 = arith.constant 0 : i32
    %dma_wait3A_103 = tpu.memref_slice %arg7[%dma_wait3A_98, %dma_wait3A_101, %dma_wait3A_102] : memref<3x80x128xf32, #tpu.memory_space<vmem>> -> memref<1x80x128xf32, #tpu.memory_space<vmem>>
    %dma_wait3A_104 = tpu.memref_squeeze %dma_wait3A_103 : memref<1x80x128xf32, #tpu.memory_space<vmem>> -> memref<80x128xf32, #tpu.memory_space<vmem>>
    %dma_wait3A_105 = arith.constant 0 : i32
    %dma_wait3A_106 = tpu.memref_slice %arg6[%dma_wait3A_99, %dma_wait3A_105] : memref<3x80xi32, #tpu.memory_space<vmem>> -> memref<1x80xi32, #tpu.memory_space<vmem>>
    %dma_wait3A_107 = tpu.memref_squeeze %dma_wait3A_106 : memref<1x80xi32, #tpu.memory_space<vmem>> -> memref<80xi32, #tpu.memory_space<vmem>>
    %dma_wait3A_108 = arith.constant 0 : i32
    %dma_wait3A_109 = arith.constant 0 : i32
    %dma_wait3A_110 = tpu.memref_slice %arg8[%dma_wait3A_108, %dma_wait3A_109] : memref<10240x128xf32, #tpu.memory_space<vmem_shared>> -> memref<10240x128xf32, #tpu.memory_space<vmem_shared>>
    %dma_wait3A_111 = tpu.memref_slice %arg11[%dma_wait3A_100] : memref<3x!tpu.dma_semaphore, #tpu.memory_space<semaphore_mem>> -> memref<1x!tpu.dma_semaphore, #tpu.memory_space<semaphore_mem>>
    %dma_wait3A_112 = tpu.memref_squeeze %dma_wait3A_111 : memref<1x!tpu.dma_semaphore, #tpu.memory_space<semaphore_mem>> -> memref<!tpu.dma_semaphore, #tpu.memory_space<semaphore_mem>>
    tpu.wait_indirect_dma semaphore(%dma_wait3A_112 : memref<!tpu.dma_semaphore, #tpu.memory_space<semaphore_mem>>) src(%dma_wait3A_104 : memref<80x128xf32, #tpu.memory_space<vmem>>) dst(%dma_wait3A_110 : memref<10240x128xf32, #tpu.memory_space<vmem_shared>>)
    %barrier3A_113 = arith.constant 0 : index
    tpu.barrier barrier_id(%barrier3A_113)
    "tpu.region"() ({
      %run_scoped3A = tpu.sem_alloc : memref<!tpu.dma_semaphore, #tpu.memory_space<semaphore_mem>>
      %dma_start3A_114 = arith.constant 0 : i32
      %dma_start3A_115 = tpu.memref_slice %arg5[%arg0, %mul3A_0, %dma_start3A_114] : memref<2x10240x128xf32, #tpu.memory_space<hbm>> -> memref<1x640x128xf32, #tpu.memory_space<hbm>>
      %dma_start3A_116 = tpu.memref_squeeze %dma_start3A_115 : memref<1x640x128xf32, #tpu.memory_space<hbm>> -> memref<640x128xf32, #tpu.memory_space<hbm>>
      %dma_start3A_117 = arith.constant 0 : i32
      %dma_start3A_118 = tpu.memref_slice %arg8[%mul3A_0, %dma_start3A_117] : memref<10240x128xf32, #tpu.memory_space<vmem_shared>> -> memref<640x128xf32, #tpu.memory_space<vmem_shared>>
      tpu.enqueue_dma source(%dma_start3A_118 : memref<640x128xf32, #tpu.memory_space<vmem_shared>>) target(%dma_start3A_116 : memref<640x128xf32, #tpu.memory_space<hbm>>) target_semaphore(%run_scoped3A : memref<!tpu.dma_semaphore, #tpu.memory_space<semaphore_mem>>)
      %dma_wait3A_119 = arith.constant 0 : i32
      %dma_wait3A_120 = tpu.memref_slice %arg5[%arg0, %mul3A_0, %dma_wait3A_119] : memref<2x10240x128xf32, #tpu.memory_space<hbm>> -> memref<1x640x128xf32, #tpu.memory_space<hbm>>
      %dma_wait3A_121 = tpu.memref_squeeze %dma_wait3A_120 : memref<1x640x128xf32, #tpu.memory_space<hbm>> -> memref<640x128xf32, #tpu.memory_space<hbm>>
      %dma_wait3A_122 = arith.constant 0 : i32
      %dma_wait3A_123 = tpu.memref_slice %arg8[%mul3A_0, %dma_wait3A_122] : memref<10240x128xf32, #tpu.memory_space<vmem_shared>> -> memref<640x128xf32, #tpu.memory_space<vmem_shared>>
      tpu.wait_dma2 semaphore(%run_scoped3A : memref<!tpu.dma_semaphore, #tpu.memory_space<semaphore_mem>>) src(%dma_wait3A_123 : memref<640x128xf32, #tpu.memory_space<vmem_shared>>) dst(%dma_wait3A_121 : memref<640x128xf32, #tpu.memory_space<hbm>>)
      tpu.yield
    }) : () -> ()
    return
  }
}

#map = affine_map<(d0, d1) -> (0, 0)>
#map1 = affine_map<(d0, d1) -> (0)>
#map2 = affine_map<(d0, d1) -> (0, 0, 0)>
module attributes {stable_mosaic.version = 14 : i64} {
  func.func @_scatter_body(%arg0: i32, %arg1: i32, %arg2: memref<122880x128xf32, #tpu.memory_space<hbm>>, %arg3: memref<122880xi32, #tpu.memory_space<hbm>>, %arg4: memref<10240x128xf32, #tpu.memory_space<hbm>>, %arg5: memref<2x10240x128xf32, #tpu.memory_space<hbm>>, %arg6: memref<3x80xi32, #tpu.memory_space<vmem>>, %arg7: memref<3x80x128xf32, #tpu.memory_space<vmem>>, %arg8: memref<10240x128xf32, #tpu.memory_space<vmem_shared>>, %arg9: memref<3x!tpu.dma_semaphore, #tpu.memory_space<semaphore_mem>>, %arg10: memref<3x!tpu.dma_semaphore, #tpu.memory_space<semaphore_mem>>, %arg11: memref<3x!tpu.dma_semaphore, #tpu.memory_space<semaphore_mem>>) attributes {dimension_semantics = [#tpu.dimension_semantics<core_parallel>, #tpu.dimension_semantics<subcore_parallel>], iteration_bounds = array<i64: 2, 16>, scalar_prefetch = 0 : i64, scratch_operands = 6 : i64, tpu.core_type = #tpu.core_type<sc_vector_subcore>, window_params = [{transform_indices = #map}, {transform_indices = #map1}, {transform_indices = #map}, {transform_indices = #map2}]} {
    %mul3A = arith.constant 640 : i32
    %mul3A_0 = arith.muli %arg1, %mul3A : i32
    "tpu.region"() ({
      %run_scoped3A = tpu.sem_alloc : memref<!tpu.dma_semaphore, #tpu.memory_space<semaphore_mem>>
      %dma_start3A_114 = arith.constant 0 : i32
      %dma_start3A_115 = tpu.memref_slice %arg8[%mul3A_0, %dma_start3A_114] : memref<10240x128xf32, #tpu.memory_space<vmem_shared>> -> memref<640x128xf32, #tpu.memory_space<vmem_shared>>
      %dma_start3A_116 = arith.constant 0 : i32
      %dma_start3A_117 = tpu.memref_slice %arg4[%mul3A_0, %dma_start3A_116] : memref<10240x128xf32, #tpu.memory_space<hbm>> -> memref<640x128xf32, #tpu.memory_space<hbm>>
      tpu.enqueue_dma source(%dma_start3A_117 : memref<640x128xf32, #tpu.memory_space<hbm>>) target(%dma_start3A_115 : memref<640x128xf32, #tpu.memory_space<vmem_shared>>) target_semaphore(%run_scoped3A : memref<!tpu.dma_semaphore, #tpu.memory_space<semaphore_mem>>)
      %dma_wait3A_118 = arith.constant 0 : i32
      %dma_wait3A_119 = tpu.memref_slice %arg8[%mul3A_0, %dma_wait3A_118] : memref<10240x128xf32, #tpu.memory_space<vmem_shared>> -> memref<640x128xf32, #tpu.memory_space<vmem_shared>>
      %dma_wait3A_120 = arith.constant 0 : i32
      %dma_wait3A_121 = tpu.memref_slice %arg4[%mul3A_0, %dma_wait3A_120] : memref<10240x128xf32, #tpu.memory_space<hbm>> -> memref<640x128xf32, #tpu.memory_space<hbm>>
      tpu.wait_dma2 semaphore(%run_scoped3A : memref<!tpu.dma_semaphore, #tpu.memory_space<semaphore_mem>>) src(%dma_wait3A_121 : memref<640x128xf32, #tpu.memory_space<hbm>>) dst(%dma_wait3A_119 : memref<640x128xf32, #tpu.memory_space<vmem_shared>>)
      tpu.yield
    }) : () -> ()
    %barrier3A = arith.constant 0 : index
    tpu.barrier barrier_id(%barrier3A)
    %mul3A_1 = arith.constant 16 : i32
    %mul3A_2 = arith.muli %arg0, %mul3A_1 : i32
    %add3A = arith.addi %mul3A_2, %arg1 : i32
    %mul3A_3 = arith.constant 3840 : i32
    %mul3A_4 = arith.muli %add3A, %mul3A_3 : i32
    %add3A_5 = arith.constant 0 : i32
    %add3A_6 = arith.addi %mul3A_4, %add3A_5 : i32
    %dma_start3A = arith.constant 0 : i32
    %dma_start3A_7 = arith.constant 0 : i32
    %dma_start3A_8 = arith.constant 0 : i32
    %dma_start3A_9 = tpu.memref_slice %arg6[%dma_start3A, %dma_start3A_8] : memref<3x80xi32, #tpu.memory_space<vmem>> -> memref<1x80xi32, #tpu.memory_space<vmem>>
    %dma_start3A_10 = tpu.memref_squeeze %dma_start3A_9 : memref<1x80xi32, #tpu.memory_space<vmem>> -> memref<80xi32, #tpu.memory_space<vmem>>
    %dma_start3A_11 = tpu.memref_slice %arg3[%add3A_6] : memref<122880xi32, #tpu.memory_space<hbm>> -> memref<80xi32, #tpu.memory_space<hbm>>
    %dma_start3A_12 = tpu.memref_slice %arg9[%dma_start3A_7] : memref<3x!tpu.dma_semaphore, #tpu.memory_space<semaphore_mem>> -> memref<1x!tpu.dma_semaphore, #tpu.memory_space<semaphore_mem>>
    %dma_start3A_13 = tpu.memref_squeeze %dma_start3A_12 : memref<1x!tpu.dma_semaphore, #tpu.memory_space<semaphore_mem>> -> memref<!tpu.dma_semaphore, #tpu.memory_space<semaphore_mem>>
    %dma_start3A_14 = arith.constant 0 : i32
    %dma_start3A_15 = tpu.memref_slice %arg6[%dma_start3A, %dma_start3A_14] : memref<3x80xi32, #tpu.memory_space<vmem>> -> memref<1x80xi32, #tpu.memory_space<vmem>>
    %dma_start3A_16 = tpu.memref_squeeze %dma_start3A_15 : memref<1x80xi32, #tpu.memory_space<vmem>> -> memref<80xi32, #tpu.memory_space<vmem>>
    %dma_start3A_17 = tpu.memref_slice %arg3[%add3A_6] : memref<122880xi32, #tpu.memory_space<hbm>> -> memref<80xi32, #tpu.memory_space<hbm>>
    tpu.enqueue_dma source(%dma_start3A_17 : memref<80xi32, #tpu.memory_space<hbm>>) target(%dma_start3A_16 : memref<80xi32, #tpu.memory_space<vmem>>) target_semaphore(%dma_start3A_13 : memref<!tpu.dma_semaphore, #tpu.memory_space<semaphore_mem>>)
    %dma_start3A_18 = arith.constant 0 : i32
    %dma_start3A_19 = arith.constant 0 : i32
    %dma_start3A_20 = arith.constant 0 : i32
    %dma_start3A_21 = arith.constant 0 : i32
    %dma_start3A_22 = tpu.memref_slice %arg7[%dma_start3A_18, %dma_start3A_20, %dma_start3A_21] : memref<3x80x128xf32, #tpu.memory_space<vmem>> -> memref<1x80x128xf32, #tpu.memory_space<vmem>>
    %dma_start3A_23 = tpu.memref_squeeze %dma_start3A_22 : memref<1x80x128xf32, #tpu.memory_space<vmem>> -> memref<80x128xf32, #tpu.memory_space<vmem>>
    %dma_start3A_24 = arith.constant 0 : i32
    %dma_start3A_25 = tpu.memref_slice %arg2[%add3A_6, %dma_start3A_24] : memref<122880x128xf32, #tpu.memory_space<hbm>> -> memref<80x128xf32, #tpu.memory_space<hbm>>
    %dma_start3A_26 = tpu.memref_slice %arg10[%dma_start3A_19] : memref<3x!tpu.dma_semaphore, #tpu.memory_space<semaphore_mem>> -> memref<1x!tpu.dma_semaphore, #tpu.memory_space<semaphore_mem>>
    %dma_start3A_27 = tpu.memref_squeeze %dma_start3A_26 : memref<1x!tpu.dma_semaphore, #tpu.memory_space<semaphore_mem>> -> memref<!tpu.dma_semaphore, #tpu.memory_space<semaphore_mem>>
    %dma_start3A_28 = arith.constant 0 : i32
    %dma_start3A_29 = arith.constant 0 : i32
    %dma_start3A_30 = tpu.memref_slice %arg7[%dma_start3A_18, %dma_start3A_28, %dma_start3A_29] : memref<3x80x128xf32, #tpu.memory_space<vmem>> -> memref<1x80x128xf32, #tpu.memory_space<vmem>>
    %dma_start3A_31 = tpu.memref_squeeze %dma_start3A_30 : memref<1x80x128xf32, #tpu.memory_space<vmem>> -> memref<80x128xf32, #tpu.memory_space<vmem>>
    %dma_start3A_32 = arith.constant 0 : i32
    %dma_start3A_33 = tpu.memref_slice %arg2[%add3A_6, %dma_start3A_32] : memref<122880x128xf32, #tpu.memory_space<hbm>> -> memref<80x128xf32, #tpu.memory_space<hbm>>
    tpu.enqueue_dma source(%dma_start3A_33 : memref<80x128xf32, #tpu.memory_space<hbm>>) target(%dma_start3A_31 : memref<80x128xf32, #tpu.memory_space<vmem>>) target_semaphore(%dma_start3A_27 : memref<!tpu.dma_semaphore, #tpu.memory_space<semaphore_mem>>)
    %add3A_34 = arith.constant 80 : i32
    %add3A_35 = arith.addi %mul3A_4, %add3A_34 : i32
    %dma_start3A_36 = arith.constant 1 : i32
    %dma_start3A_37 = arith.constant 1 : i32
    %dma_start3A_38 = arith.constant 0 : i32
    %dma_start3A_39 = tpu.memref_slice %arg6[%dma_start3A_36, %dma_start3A_38] : memref<3x80xi32, #tpu.memory_space<vmem>> -> memref<1x80xi32, #tpu.memory_space<vmem>>
    %dma_start3A_40 = tpu.memref_squeeze %dma_start3A_39 : memref<1x80xi32, #tpu.memory_space<vmem>> -> memref<80xi32, #tpu.memory_space<vmem>>
    %dma_start3A_41 = tpu.memref_slice %arg3[%add3A_35] : memref<122880xi32, #tpu.memory_space<hbm>> -> memref<80xi32, #tpu.memory_space<hbm>>
    %dma_start3A_42 = tpu.memref_slice %arg9[%dma_start3A_37] : memref<3x!tpu.dma_semaphore, #tpu.memory_space<semaphore_mem>> -> memref<1x!tpu.dma_semaphore, #tpu.memory_space<semaphore_mem>>
    %dma_start3A_43 = tpu.memref_squeeze %dma_start3A_42 : memref<1x!tpu.dma_semaphore, #tpu.memory_space<semaphore_mem>> -> memref<!tpu.dma_semaphore, #tpu.memory_space<semaphore_mem>>
    %dma_start3A_44 = arith.constant 0 : i32
    %dma_start3A_45 = tpu.memref_slice %arg6[%dma_start3A_36, %dma_start3A_44] : memref<3x80xi32, #tpu.memory_space<vmem>> -> memref<1x80xi32, #tpu.memory_space<vmem>>
    %dma_start3A_46 = tpu.memref_squeeze %dma_start3A_45 : memref<1x80xi32, #tpu.memory_space<vmem>> -> memref<80xi32, #tpu.memory_space<vmem>>
    %dma_start3A_47 = tpu.memref_slice %arg3[%add3A_35] : memref<122880xi32, #tpu.memory_space<hbm>> -> memref<80xi32, #tpu.memory_space<hbm>>
    tpu.enqueue_dma source(%dma_start3A_47 : memref<80xi32, #tpu.memory_space<hbm>>) target(%dma_start3A_46 : memref<80xi32, #tpu.memory_space<vmem>>) target_semaphore(%dma_start3A_43 : memref<!tpu.dma_semaphore, #tpu.memory_space<semaphore_mem>>)
    %dma_start3A_48 = arith.constant 1 : i32
    %dma_start3A_49 = arith.constant 1 : i32
    %dma_start3A_50 = arith.constant 0 : i32
    %dma_start3A_51 = arith.constant 0 : i32
    %dma_start3A_52 = tpu.memref_slice %arg7[%dma_start3A_48, %dma_start3A_50, %dma_start3A_51] : memref<3x80x128xf32, #tpu.memory_space<vmem>> -> memref<1x80x128xf32, #tpu.memory_space<vmem>>
    %dma_start3A_53 = tpu.memref_squeeze %dma_start3A_52 : memref<1x80x128xf32, #tpu.memory_space<vmem>> -> memref<80x128xf32, #tpu.memory_space<vmem>>
    %dma_start3A_54 = arith.constant 0 : i32
    %dma_start3A_55 = tpu.memref_slice %arg2[%add3A_35, %dma_start3A_54] : memref<122880x128xf32, #tpu.memory_space<hbm>> -> memref<80x128xf32, #tpu.memory_space<hbm>>
    %dma_start3A_56 = tpu.memref_slice %arg10[%dma_start3A_49] : memref<3x!tpu.dma_semaphore, #tpu.memory_space<semaphore_mem>> -> memref<1x!tpu.dma_semaphore, #tpu.memory_space<semaphore_mem>>
    %dma_start3A_57 = tpu.memref_squeeze %dma_start3A_56 : memref<1x!tpu.dma_semaphore, #tpu.memory_space<semaphore_mem>> -> memref<!tpu.dma_semaphore, #tpu.memory_space<semaphore_mem>>
    %dma_start3A_58 = arith.constant 0 : i32
    %dma_start3A_59 = arith.constant 0 : i32
    %dma_start3A_60 = tpu.memref_slice %arg7[%dma_start3A_48, %dma_start3A_58, %dma_start3A_59] : memref<3x80x128xf32, #tpu.memory_space<vmem>> -> memref<1x80x128xf32, #tpu.memory_space<vmem>>
    %dma_start3A_61 = tpu.memref_squeeze %dma_start3A_60 : memref<1x80x128xf32, #tpu.memory_space<vmem>> -> memref<80x128xf32, #tpu.memory_space<vmem>>
    %dma_start3A_62 = arith.constant 0 : i32
    %dma_start3A_63 = tpu.memref_slice %arg2[%add3A_35, %dma_start3A_62] : memref<122880x128xf32, #tpu.memory_space<hbm>> -> memref<80x128xf32, #tpu.memory_space<hbm>>
    tpu.enqueue_dma source(%dma_start3A_63 : memref<80x128xf32, #tpu.memory_space<hbm>>) target(%dma_start3A_61 : memref<80x128xf32, #tpu.memory_space<vmem>>) target_semaphore(%dma_start3A_57 : memref<!tpu.dma_semaphore, #tpu.memory_space<semaphore_mem>>)
    %scan3A = arith.constant 0 : i32
    %scan3A_64 = arith.constant 0 : i32
    %scan3A_65 = arith.constant 48 : i32
    %scan3A_66 = arith.addi %scan3A_64, %scan3A_65 : i32
    %scan3A_67 = arith.constant 1 : i32
    scf.for %scan3A_114 = %scan3A_64 to %scan3A_66 step %scan3A_67  : i32 {
      %rem3A = arith.constant 3 : i32
      %rem3A_115 = arith.remsi %scan3A_114, %rem3A : i32
      %add3A_116 = arith.constant 2 : i32
      %add3A_117 = arith.addi %scan3A_114, %add3A_116 : i32
      %rem3A_118 = arith.constant 3 : i32
      %rem3A_119 = arith.remsi %add3A_117, %rem3A_118 : i32
      %dma_wait3A_120 = arith.constant 0 : i32
      %dma_wait3A_121 = tpu.memref_slice %arg6[%rem3A_115, %dma_wait3A_120] : memref<3x80xi32, #tpu.memory_space<vmem>> -> memref<1x80xi32, #tpu.memory_space<vmem>>
      %dma_wait3A_122 = tpu.memref_squeeze %dma_wait3A_121 : memref<1x80xi32, #tpu.memory_space<vmem>> -> memref<80xi32, #tpu.memory_space<vmem>>
      %dma_wait3A_123 = tpu.memref_slice %arg3[%mul3A_4] : memref<122880xi32, #tpu.memory_space<hbm>> -> memref<80xi32, #tpu.memory_space<hbm>>
      %dma_wait3A_124 = tpu.memref_slice %arg9[%rem3A_115] : memref<3x!tpu.dma_semaphore, #tpu.memory_space<semaphore_mem>> -> memref<1x!tpu.dma_semaphore, #tpu.memory_space<semaphore_mem>>
      %dma_wait3A_125 = tpu.memref_squeeze %dma_wait3A_124 : memref<1x!tpu.dma_semaphore, #tpu.memory_space<semaphore_mem>> -> memref<!tpu.dma_semaphore, #tpu.memory_space<semaphore_mem>>
      %dma_wait3A_126 = arith.constant 0 : i32
      %dma_wait3A_127 = tpu.memref_slice %arg6[%rem3A_115, %dma_wait3A_126] : memref<3x80xi32, #tpu.memory_space<vmem>> -> memref<1x80xi32, #tpu.memory_space<vmem>>
      %dma_wait3A_128 = tpu.memref_squeeze %dma_wait3A_127 : memref<1x80xi32, #tpu.memory_space<vmem>> -> memref<80xi32, #tpu.memory_space<vmem>>
      %dma_wait3A_129 = tpu.memref_slice %arg3[%mul3A_4] : memref<122880xi32, #tpu.memory_space<hbm>> -> memref<80xi32, #tpu.memory_space<hbm>>
      tpu.wait_dma2 semaphore(%dma_wait3A_125 : memref<!tpu.dma_semaphore, #tpu.memory_space<semaphore_mem>>) src(%dma_wait3A_129 : memref<80xi32, #tpu.memory_space<hbm>>) dst(%dma_wait3A_128 : memref<80xi32, #tpu.memory_space<vmem>>)
      %dma_wait3A_130 = arith.constant 0 : i32
      %dma_wait3A_131 = arith.constant 0 : i32
      %dma_wait3A_132 = tpu.memref_slice %arg7[%rem3A_115, %dma_wait3A_130, %dma_wait3A_131] : memref<3x80x128xf32, #tpu.memory_space<vmem>> -> memref<1x80x128xf32, #tpu.memory_space<vmem>>
      %dma_wait3A_133 = tpu.memref_squeeze %dma_wait3A_132 : memref<1x80x128xf32, #tpu.memory_space<vmem>> -> memref<80x128xf32, #tpu.memory_space<vmem>>
      %dma_wait3A_134 = arith.constant 0 : i32
      %dma_wait3A_135 = tpu.memref_slice %arg2[%mul3A_4, %dma_wait3A_134] : memref<122880x128xf32, #tpu.memory_space<hbm>> -> memref<80x128xf32, #tpu.memory_space<hbm>>
      %dma_wait3A_136 = tpu.memref_slice %arg10[%rem3A_115] : memref<3x!tpu.dma_semaphore, #tpu.memory_space<semaphore_mem>> -> memref<1x!tpu.dma_semaphore, #tpu.memory_space<semaphore_mem>>
      %dma_wait3A_137 = tpu.memref_squeeze %dma_wait3A_136 : memref<1x!tpu.dma_semaphore, #tpu.memory_space<semaphore_mem>> -> memref<!tpu.dma_semaphore, #tpu.memory_space<semaphore_mem>>
      %dma_wait3A_138 = arith.constant 0 : i32
      %dma_wait3A_139 = arith.constant 0 : i32
      %dma_wait3A_140 = tpu.memref_slice %arg7[%rem3A_115, %dma_wait3A_138, %dma_wait3A_139] : memref<3x80x128xf32, #tpu.memory_space<vmem>> -> memref<1x80x128xf32, #tpu.memory_space<vmem>>
      %dma_wait3A_141 = tpu.memref_squeeze %dma_wait3A_140 : memref<1x80x128xf32, #tpu.memory_space<vmem>> -> memref<80x128xf32, #tpu.memory_space<vmem>>
      %dma_wait3A_142 = arith.constant 0 : i32
      %dma_wait3A_143 = tpu.memref_slice %arg2[%mul3A_4, %dma_wait3A_142] : memref<122880x128xf32, #tpu.memory_space<hbm>> -> memref<80x128xf32, #tpu.memory_space<hbm>>
      tpu.wait_dma2 semaphore(%dma_wait3A_137 : memref<!tpu.dma_semaphore, #tpu.memory_space<semaphore_mem>>) src(%dma_wait3A_143 : memref<80x128xf32, #tpu.memory_space<hbm>>) dst(%dma_wait3A_141 : memref<80x128xf32, #tpu.memory_space<vmem>>)
      %dma_start3A_144 = arith.constant 0 : i32
      %dma_start3A_145 = arith.constant 0 : i32
      %dma_start3A_146 = tpu.memref_slice %arg7[%rem3A_115, %dma_start3A_144, %dma_start3A_145] : memref<3x80x128xf32, #tpu.memory_space<vmem>> -> memref<1x80x128xf32, #tpu.memory_space<vmem>>
      %dma_start3A_147 = tpu.memref_squeeze %dma_start3A_146 : memref<1x80x128xf32, #tpu.memory_space<vmem>> -> memref<80x128xf32, #tpu.memory_space<vmem>>
      %dma_start3A_148 = arith.constant 0 : i32
      %dma_start3A_149 = tpu.memref_slice %arg6[%rem3A_115, %dma_start3A_148] : memref<3x80xi32, #tpu.memory_space<vmem>> -> memref<1x80xi32, #tpu.memory_space<vmem>>
      %dma_start3A_150 = tpu.memref_squeeze %dma_start3A_149 : memref<1x80xi32, #tpu.memory_space<vmem>> -> memref<80xi32, #tpu.memory_space<vmem>>
      %dma_start3A_151 = arith.constant 0 : i32
      %dma_start3A_152 = arith.constant 0 : i32
      %dma_start3A_153 = tpu.memref_slice %arg8[%dma_start3A_151, %dma_start3A_152] : memref<10240x128xf32, #tpu.memory_space<vmem_shared>> -> memref<10240x128xf32, #tpu.memory_space<vmem_shared>>
      %dma_start3A_154 = tpu.memref_slice %arg11[%rem3A_115] : memref<3x!tpu.dma_semaphore, #tpu.memory_space<semaphore_mem>> -> memref<1x!tpu.dma_semaphore, #tpu.memory_space<semaphore_mem>>
      %dma_start3A_155 = tpu.memref_squeeze %dma_start3A_154 : memref<1x!tpu.dma_semaphore, #tpu.memory_space<semaphore_mem>> -> memref<!tpu.dma_semaphore, #tpu.memory_space<semaphore_mem>>
      tpu.enqueue_indirect_dma source(%dma_start3A_147 : memref<80x128xf32, #tpu.memory_space<vmem>>) target(%dma_start3A_153 : memref<10240x128xf32, #tpu.memory_space<vmem_shared>>) offsets(%dma_start3A_150 : memref<80xi32, #tpu.memory_space<vmem>>) semaphore(%dma_start3A_155 : memref<!tpu.dma_semaphore, #tpu.memory_space<semaphore_mem>>) {add = true}
      %add3A_156 = arith.constant 2 : i32
      %add3A_157 = arith.addi %scan3A_114, %add3A_156 : i32
      %lt3A = arith.constant 48 : i32
      %lt3A_158 = arith.cmpi slt, %add3A_157, %lt3A : i32
      %convert_element_type3A = arith.extui %lt3A_158 : i1 to i32
      %cond3A = arith.constant 0 : i32
      %cond3A_159 = arith.cmpi ne, %convert_element_type3A, %cond3A : i32
      scf.if %cond3A_159 {
        %ge3A = arith.constant 1 : i32
        %ge3A_160 = arith.cmpi sge, %scan3A_114, %ge3A : i32
        %convert_element_type3A_161 = arith.extui %ge3A_160 : i1 to i32
        %cond3A_162 = arith.constant 0 : i32
        %cond3A_163 = arith.cmpi ne, %convert_element_type3A_161, %cond3A_162 : i32
        scf.if %cond3A_163 {
          %dma_wait3A_193 = arith.constant 0 : i32
          %dma_wait3A_194 = arith.constant 0 : i32
          %dma_wait3A_195 = tpu.memref_slice %arg7[%rem3A_119, %dma_wait3A_193, %dma_wait3A_194] : memref<3x80x128xf32, #tpu.memory_space<vmem>> -> memref<1x80x128xf32, #tpu.memory_space<vmem>>
          %dma_wait3A_196 = tpu.memref_squeeze %dma_wait3A_195 : memref<1x80x128xf32, #tpu.memory_space<vmem>> -> memref<80x128xf32, #tpu.memory_space<vmem>>
          %dma_wait3A_197 = arith.constant 0 : i32
          %dma_wait3A_198 = tpu.memref_slice %arg6[%rem3A_119, %dma_wait3A_197] : memref<3x80xi32, #tpu.memory_space<vmem>> -> memref<1x80xi32, #tpu.memory_space<vmem>>
          %dma_wait3A_199 = tpu.memref_squeeze %dma_wait3A_198 : memref<1x80xi32, #tpu.memory_space<vmem>> -> memref<80xi32, #tpu.memory_space<vmem>>
          %dma_wait3A_200 = arith.constant 0 : i32
          %dma_wait3A_201 = arith.constant 0 : i32
          %dma_wait3A_202 = tpu.memref_slice %arg8[%dma_wait3A_200, %dma_wait3A_201] : memref<10240x128xf32, #tpu.memory_space<vmem_shared>> -> memref<10240x128xf32, #tpu.memory_space<vmem_shared>>
          %dma_wait3A_203 = tpu.memref_slice %arg11[%rem3A_119] : memref<3x!tpu.dma_semaphore, #tpu.memory_space<semaphore_mem>> -> memref<1x!tpu.dma_semaphore, #tpu.memory_space<semaphore_mem>>
          %dma_wait3A_204 = tpu.memref_squeeze %dma_wait3A_203 : memref<1x!tpu.dma_semaphore, #tpu.memory_space<semaphore_mem>> -> memref<!tpu.dma_semaphore, #tpu.memory_space<semaphore_mem>>
          tpu.wait_indirect_dma semaphore(%dma_wait3A_204 : memref<!tpu.dma_semaphore, #tpu.memory_space<semaphore_mem>>) src(%dma_wait3A_196 : memref<80x128xf32, #tpu.memory_space<vmem>>) dst(%dma_wait3A_202 : memref<10240x128xf32, #tpu.memory_space<vmem_shared>>)
        } else {
        }
        %add3A_164 = arith.constant 2 : i32
        %add3A_165 = arith.addi %scan3A_114, %add3A_164 : i32
        %mul3A_166 = arith.constant 80 : i32
        %mul3A_167 = arith.muli %add3A_165, %mul3A_166 : i32
        %add3A_168 = arith.addi %mul3A_4, %mul3A_167 : i32
        %dma_start3A_169 = arith.constant 0 : i32
        %dma_start3A_170 = tpu.memref_slice %arg6[%rem3A_119, %dma_start3A_169] : memref<3x80xi32, #tpu.memory_space<vmem>> -> memref<1x80xi32, #tpu.memory_space<vmem>>
        %dma_start3A_171 = tpu.memref_squeeze %dma_start3A_170 : memref<1x80xi32, #tpu.memory_space<vmem>> -> memref<80xi32, #tpu.memory_space<vmem>>
        %dma_start3A_172 = tpu.memref_slice %arg3[%add3A_168] : memref<122880xi32, #tpu.memory_space<hbm>> -> memref<80xi32, #tpu.memory_space<hbm>>
        %dma_start3A_173 = tpu.memref_slice %arg9[%rem3A_119] : memref<3x!tpu.dma_semaphore, #tpu.memory_space<semaphore_mem>> -> memref<1x!tpu.dma_semaphore, #tpu.memory_space<semaphore_mem>>
        %dma_start3A_174 = tpu.memref_squeeze %dma_start3A_173 : memref<1x!tpu.dma_semaphore, #tpu.memory_space<semaphore_mem>> -> memref<!tpu.dma_semaphore, #tpu.memory_space<semaphore_mem>>
        %dma_start3A_175 = arith.constant 0 : i32
        %dma_start3A_176 = tpu.memref_slice %arg6[%rem3A_119, %dma_start3A_175] : memref<3x80xi32, #tpu.memory_space<vmem>> -> memref<1x80xi32, #tpu.memory_space<vmem>>
        %dma_start3A_177 = tpu.memref_squeeze %dma_start3A_176 : memref<1x80xi32, #tpu.memory_space<vmem>> -> memref<80xi32, #tpu.memory_space<vmem>>
        %dma_start3A_178 = tpu.memref_slice %arg3[%add3A_168] : memref<122880xi32, #tpu.memory_space<hbm>> -> memref<80xi32, #tpu.memory_space<hbm>>
        tpu.enqueue_dma source(%dma_start3A_178 : memref<80xi32, #tpu.memory_space<hbm>>) target(%dma_start3A_177 : memref<80xi32, #tpu.memory_space<vmem>>) target_semaphore(%dma_start3A_174 : memref<!tpu.dma_semaphore, #tpu.memory_space<semaphore_mem>>)
        %dma_start3A_179 = arith.constant 0 : i32
        %dma_start3A_180 = arith.constant 0 : i32
        %dma_start3A_181 = tpu.memref_slice %arg7[%rem3A_119, %dma_start3A_179, %dma_start3A_180] : memref<3x80x128xf32, #tpu.memory_space<vmem>> -> memref<1x80x128xf32, #tpu.memory_space<vmem>>
        %dma_start3A_182 = tpu.memref_squeeze %dma_start3A_181 : memref<1x80x128xf32, #tpu.memory_space<vmem>> -> memref<80x128xf32, #tpu.memory_space<vmem>>
        %dma_start3A_183 = arith.constant 0 : i32
        %dma_start3A_184 = tpu.memref_slice %arg2[%add3A_168, %dma_start3A_183] : memref<122880x128xf32, #tpu.memory_space<hbm>> -> memref<80x128xf32, #tpu.memory_space<hbm>>
        %dma_start3A_185 = tpu.memref_slice %arg10[%rem3A_119] : memref<3x!tpu.dma_semaphore, #tpu.memory_space<semaphore_mem>> -> memref<1x!tpu.dma_semaphore, #tpu.memory_space<semaphore_mem>>
        %dma_start3A_186 = tpu.memref_squeeze %dma_start3A_185 : memref<1x!tpu.dma_semaphore, #tpu.memory_space<semaphore_mem>> -> memref<!tpu.dma_semaphore, #tpu.memory_space<semaphore_mem>>
        %dma_start3A_187 = arith.constant 0 : i32
        %dma_start3A_188 = arith.constant 0 : i32
        %dma_start3A_189 = tpu.memref_slice %arg7[%rem3A_119, %dma_start3A_187, %dma_start3A_188] : memref<3x80x128xf32, #tpu.memory_space<vmem>> -> memref<1x80x128xf32, #tpu.memory_space<vmem>>
        %dma_start3A_190 = tpu.memref_squeeze %dma_start3A_189 : memref<1x80x128xf32, #tpu.memory_space<vmem>> -> memref<80x128xf32, #tpu.memory_space<vmem>>
        %dma_start3A_191 = arith.constant 0 : i32
        %dma_start3A_192 = tpu.memref_slice %arg2[%add3A_168, %dma_start3A_191] : memref<122880x128xf32, #tpu.memory_space<hbm>> -> memref<80x128xf32, #tpu.memory_space<hbm>>
        tpu.enqueue_dma source(%dma_start3A_192 : memref<80x128xf32, #tpu.memory_space<hbm>>) target(%dma_start3A_190 : memref<80x128xf32, #tpu.memory_space<vmem>>) target_semaphore(%dma_start3A_186 : memref<!tpu.dma_semaphore, #tpu.memory_space<semaphore_mem>>)
      } else {
      }
    }
    %scan3A_68 = arith.constant 48 : i32
    %dma_wait3A = arith.constant 0 : i32
    %dma_wait3A_69 = arith.constant 0 : i32
    %dma_wait3A_70 = arith.constant 0 : i32
    %dma_wait3A_71 = arith.constant 0 : i32
    %dma_wait3A_72 = arith.constant 0 : i32
    %dma_wait3A_73 = tpu.memref_slice %arg7[%dma_wait3A, %dma_wait3A_71, %dma_wait3A_72] : memref<3x80x128xf32, #tpu.memory_space<vmem>> -> memref<1x80x128xf32, #tpu.memory_space<vmem>>
    %dma_wait3A_74 = tpu.memref_squeeze %dma_wait3A_73 : memref<1x80x128xf32, #tpu.memory_space<vmem>> -> memref<80x128xf32, #tpu.memory_space<vmem>>
    %dma_wait3A_75 = arith.constant 0 : i32
    %dma_wait3A_76 = tpu.memref_slice %arg6[%dma_wait3A_69, %dma_wait3A_75] : memref<3x80xi32, #tpu.memory_space<vmem>> -> memref<1x80xi32, #tpu.memory_space<vmem>>
    %dma_wait3A_77 = tpu.memref_squeeze %dma_wait3A_76 : memref<1x80xi32, #tpu.memory_space<vmem>> -> memref<80xi32, #tpu.memory_space<vmem>>
    %dma_wait3A_78 = arith.constant 0 : i32
    %dma_wait3A_79 = arith.constant 0 : i32
    %dma_wait3A_80 = tpu.memref_slice %arg8[%dma_wait3A_78, %dma_wait3A_79] : memref<10240x128xf32, #tpu.memory_space<vmem_shared>> -> memref<10240x128xf32, #tpu.memory_space<vmem_shared>>
    %dma_wait3A_81 = tpu.memref_slice %arg11[%dma_wait3A_70] : memref<3x!tpu.dma_semaphore, #tpu.memory_space<semaphore_mem>> -> memref<1x!tpu.dma_semaphore, #tpu.memory_space<semaphore_mem>>
    %dma_wait3A_82 = tpu.memref_squeeze %dma_wait3A_81 : memref<1x!tpu.dma_semaphore, #tpu.memory_space<semaphore_mem>> -> memref<!tpu.dma_semaphore, #tpu.memory_space<semaphore_mem>>
    tpu.wait_indirect_dma semaphore(%dma_wait3A_82 : memref<!tpu.dma_semaphore, #tpu.memory_space<semaphore_mem>>) src(%dma_wait3A_74 : memref<80x128xf32, #tpu.memory_space<vmem>>) dst(%dma_wait3A_80 : memref<10240x128xf32, #tpu.memory_space<vmem_shared>>)
    %dma_wait3A_83 = arith.constant 1 : i32
    %dma_wait3A_84 = arith.constant 1 : i32
    %dma_wait3A_85 = arith.constant 1 : i32
    %dma_wait3A_86 = arith.constant 0 : i32
    %dma_wait3A_87 = arith.constant 0 : i32
    %dma_wait3A_88 = tpu.memref_slice %arg7[%dma_wait3A_83, %dma_wait3A_86, %dma_wait3A_87] : memref<3x80x128xf32, #tpu.memory_space<vmem>> -> memref<1x80x128xf32, #tpu.memory_space<vmem>>
    %dma_wait3A_89 = tpu.memref_squeeze %dma_wait3A_88 : memref<1x80x128xf32, #tpu.memory_space<vmem>> -> memref<80x128xf32, #tpu.memory_space<vmem>>
    %dma_wait3A_90 = arith.constant 0 : i32
    %dma_wait3A_91 = tpu.memref_slice %arg6[%dma_wait3A_84, %dma_wait3A_90] : memref<3x80xi32, #tpu.memory_space<vmem>> -> memref<1x80xi32, #tpu.memory_space<vmem>>
    %dma_wait3A_92 = tpu.memref_squeeze %dma_wait3A_91 : memref<1x80xi32, #tpu.memory_space<vmem>> -> memref<80xi32, #tpu.memory_space<vmem>>
    %dma_wait3A_93 = arith.constant 0 : i32
    %dma_wait3A_94 = arith.constant 0 : i32
    %dma_wait3A_95 = tpu.memref_slice %arg8[%dma_wait3A_93, %dma_wait3A_94] : memref<10240x128xf32, #tpu.memory_space<vmem_shared>> -> memref<10240x128xf32, #tpu.memory_space<vmem_shared>>
    %dma_wait3A_96 = tpu.memref_slice %arg11[%dma_wait3A_85] : memref<3x!tpu.dma_semaphore, #tpu.memory_space<semaphore_mem>> -> memref<1x!tpu.dma_semaphore, #tpu.memory_space<semaphore_mem>>
    %dma_wait3A_97 = tpu.memref_squeeze %dma_wait3A_96 : memref<1x!tpu.dma_semaphore, #tpu.memory_space<semaphore_mem>> -> memref<!tpu.dma_semaphore, #tpu.memory_space<semaphore_mem>>
    tpu.wait_indirect_dma semaphore(%dma_wait3A_97 : memref<!tpu.dma_semaphore, #tpu.memory_space<semaphore_mem>>) src(%dma_wait3A_89 : memref<80x128xf32, #tpu.memory_space<vmem>>) dst(%dma_wait3A_95 : memref<10240x128xf32, #tpu.memory_space<vmem_shared>>)
    %dma_wait3A_98 = arith.constant 2 : i32
    %dma_wait3A_99 = arith.constant 2 : i32
    %dma_wait3A_100 = arith.constant 2 : i32
    %dma_wait3A_101 = arith.constant 0 : i32
    %dma_wait3A_102 = arith.constant 0 : i32
    %dma_wait3A_103 = tpu.memref_slice %arg7[%dma_wait3A_98, %dma_wait3A_101, %dma_wait3A_102] : memref<3x80x128xf32, #tpu.memory_space<vmem>> -> memref<1x80x128xf32, #tpu.memory_space<vmem>>
    %dma_wait3A_104 = tpu.memref_squeeze %dma_wait3A_103 : memref<1x80x128xf32, #tpu.memory_space<vmem>> -> memref<80x128xf32, #tpu.memory_space<vmem>>
    %dma_wait3A_105 = arith.constant 0 : i32
    %dma_wait3A_106 = tpu.memref_slice %arg6[%dma_wait3A_99, %dma_wait3A_105] : memref<3x80xi32, #tpu.memory_space<vmem>> -> memref<1x80xi32, #tpu.memory_space<vmem>>
    %dma_wait3A_107 = tpu.memref_squeeze %dma_wait3A_106 : memref<1x80xi32, #tpu.memory_space<vmem>> -> memref<80xi32, #tpu.memory_space<vmem>>
    %dma_wait3A_108 = arith.constant 0 : i32
    %dma_wait3A_109 = arith.constant 0 : i32
    %dma_wait3A_110 = tpu.memref_slice %arg8[%dma_wait3A_108, %dma_wait3A_109] : memref<10240x128xf32, #tpu.memory_space<vmem_shared>> -> memref<10240x128xf32, #tpu.memory_space<vmem_shared>>
    %dma_wait3A_111 = tpu.memref_slice %arg11[%dma_wait3A_100] : memref<3x!tpu.dma_semaphore, #tpu.memory_space<semaphore_mem>> -> memref<1x!tpu.dma_semaphore, #tpu.memory_space<semaphore_mem>>
    %dma_wait3A_112 = tpu.memref_squeeze %dma_wait3A_111 : memref<1x!tpu.dma_semaphore, #tpu.memory_space<semaphore_mem>> -> memref<!tpu.dma_semaphore, #tpu.memory_space<semaphore_mem>>
    tpu.wait_indirect_dma semaphore(%dma_wait3A_112 : memref<!tpu.dma_semaphore, #tpu.memory_space<semaphore_mem>>) src(%dma_wait3A_104 : memref<80x128xf32, #tpu.memory_space<vmem>>) dst(%dma_wait3A_110 : memref<10240x128xf32, #tpu.memory_space<vmem_shared>>)
    %barrier3A_113 = arith.constant 0 : index
    tpu.barrier barrier_id(%barrier3A_113)
    "tpu.region"() ({
      %run_scoped3A = tpu.sem_alloc : memref<!tpu.dma_semaphore, #tpu.memory_space<semaphore_mem>>
      %dma_start3A_114 = arith.constant 0 : i32
      %dma_start3A_115 = tpu.memref_slice %arg5[%arg0, %mul3A_0, %dma_start3A_114] : memref<2x10240x128xf32, #tpu.memory_space<hbm>> -> memref<1x640x128xf32, #tpu.memory_space<hbm>>
      %dma_start3A_116 = tpu.memref_squeeze %dma_start3A_115 : memref<1x640x128xf32, #tpu.memory_space<hbm>> -> memref<640x128xf32, #tpu.memory_space<hbm>>
      %dma_start3A_117 = arith.constant 0 : i32
      %dma_start3A_118 = tpu.memref_slice %arg8[%mul3A_0, %dma_start3A_117] : memref<10240x128xf32, #tpu.memory_space<vmem_shared>> -> memref<640x128xf32, #tpu.memory_space<vmem_shared>>
      tpu.enqueue_dma source(%dma_start3A_118 : memref<640x128xf32, #tpu.memory_space<vmem_shared>>) target(%dma_start3A_116 : memref<640x128xf32, #tpu.memory_space<hbm>>) target_semaphore(%run_scoped3A : memref<!tpu.dma_semaphore, #tpu.memory_space<semaphore_mem>>)
      %dma_wait3A_119 = arith.constant 0 : i32
      %dma_wait3A_120 = tpu.memref_slice %arg5[%arg0, %mul3A_0, %dma_wait3A_119] : memref<2x10240x128xf32, #tpu.memory_space<hbm>> -> memref<1x640x128xf32, #tpu.memory_space<hbm>>
      %dma_wait3A_121 = tpu.memref_squeeze %dma_wait3A_120 : memref<1x640x128xf32, #tpu.memory_space<hbm>> -> memref<640x128xf32, #tpu.memory_space<hbm>>
      %dma_wait3A_122 = arith.constant 0 : i32
      %dma_wait3A_123 = tpu.memref_slice %arg8[%mul3A_0, %dma_wait3A_122] : memref<10240x128xf32, #tpu.memory_space<vmem_shared>> -> memref<640x128xf32, #tpu.memory_space<vmem_shared>>
      tpu.wait_dma2 semaphore(%run_scoped3A : memref<!tpu.dma_semaphore, #tpu.memory_space<semaphore_mem>>) src(%dma_wait3A_123 : memref<640x128xf32, #tpu.memory_space<vmem_shared>>) dst(%dma_wait3A_121 : memref<640x128xf32, #tpu.memory_space<hbm>>)
      tpu.yield
    }) : () -> ()
    return
  }
}

module attributes {stable_mosaic.version = 14 : i64} {
  func.func @_proj_body(%arg0: i32, %arg1: memref<2x2000x128xf32, #tpu.memory_space<vmem>>, %arg2: memref<2x128x128xf32, #tpu.memory_space<vmem>>, %arg3: memref<2000x128xf32, #tpu.memory_space<vmem>>, %arg4: memref<2000x128xf32, #tpu.memory_space<vmem>>) attributes {dimension_semantics = [#tpu.dimension_semantics<arbitrary>], iteration_bounds = array<i64: 5>, scalar_prefetch = 0 : i64, scratch_operands = 0 : i64, tpu.core_type = #tpu.core_type<tc>, window_params = [{transform_indices = @transform_0, window_bounds = array<i64: 2, 2000, 128>}, {pipeline_mode = #tpu.pipeline_mode<synchronous>, transform_indices = @transform_1, window_bounds = array<i64: 2, 128, 128>}, {transform_indices = @transform_2, window_bounds = array<i64: 2000, 128>}, {transform_indices = @transform_3, window_bounds = array<i64: 2000, 128>}]} {
    %get3A = arith.constant 0 : index
    %get3A_0 = arith.constant 0 : index
    %get3A_1 = arith.constant 0 : index
    %get3A_2 = vector.load %arg1[%get3A, %get3A_0, %get3A_1] : memref<2x2000x128xf32, #tpu.memory_space<vmem>>, vector<1x2000x128xf32>
    %get3A_3 = vector.shape_cast %get3A_2 : vector<1x2000x128xf32> to vector<2000x128xf32>
    %get3A_4 = arith.constant 0 : index
    %get3A_5 = arith.constant 0 : index
    %get3A_6 = arith.constant 0 : index
    %get3A_7 = vector.load %arg2[%get3A_4, %get3A_5, %get3A_6] : memref<2x128x128xf32, #tpu.memory_space<vmem>>, vector<1x128x128xf32>
    %get3A_8 = vector.shape_cast %get3A_7 : vector<1x128x128xf32> to vector<128x128xf32>
    %dot_general3A = arith.constant dense<0.000000e+00> : vector<2000x128xf32>
    %dot_general3A_9 = tpu.matmul %get3A_3, %get3A_8, %dot_general3A {dimension_numbers = #tpu.dot_dimension_numbers<[1], [0], [0], [1], [0, 0, 1, 1], [], []>, transpose_lhs_hint = false} : vector<2000x128xf32>, vector<128x128xf32>, vector<2000x128xf32> -> vector<2000x128xf32>
    %swap3A = arith.constant 0 : index
    %swap3A_10 = arith.constant 0 : index
    %swap3A_11 = vector.load %arg3[%swap3A, %swap3A_10] : memref<2000x128xf32, #tpu.memory_space<vmem>>, vector<2000x128xf32>
    tpu.vector_store %arg3[%swap3A, %swap3A_10], %dot_general3A_9 {strides = array<i32>} : memref<2000x128xf32, #tpu.memory_space<vmem>>, vector<2000x128xf32>,
    %get3A_12 = arith.constant 1 : index
    %get3A_13 = arith.constant 0 : index
    %get3A_14 = arith.constant 0 : index
    %get3A_15 = vector.load %arg1[%get3A_12, %get3A_13, %get3A_14] : memref<2x2000x128xf32, #tpu.memory_space<vmem>>, vector<1x2000x128xf32>
    %get3A_16 = vector.shape_cast %get3A_15 : vector<1x2000x128xf32> to vector<2000x128xf32>
    %get3A_17 = arith.constant 1 : index
    %get3A_18 = arith.constant 0 : index
    %get3A_19 = arith.constant 0 : index
    %get3A_20 = vector.load %arg2[%get3A_17, %get3A_18, %get3A_19] : memref<2x128x128xf32, #tpu.memory_space<vmem>>, vector<1x128x128xf32>
    %get3A_21 = vector.shape_cast %get3A_20 : vector<1x128x128xf32> to vector<128x128xf32>
    %dot_general3A_22 = arith.constant dense<0.000000e+00> : vector<2000x128xf32>
    %dot_general3A_23 = tpu.matmul %get3A_16, %get3A_21, %dot_general3A_22 {dimension_numbers = #tpu.dot_dimension_numbers<[1], [0], [0], [1], [0, 0, 1, 1], [], []>, transpose_lhs_hint = false} : vector<2000x128xf32>, vector<128x128xf32>, vector<2000x128xf32> -> vector<2000x128xf32>
    %swap3A_24 = arith.constant 0 : index
    %swap3A_25 = arith.constant 0 : index
    %swap3A_26 = vector.load %arg4[%swap3A_24, %swap3A_25] : memref<2000x128xf32, #tpu.memory_space<vmem>>, vector<2000x128xf32>
    tpu.vector_store %arg4[%swap3A_24, %swap3A_25], %dot_general3A_23 {strides = array<i32>} : memref<2000x128xf32, #tpu.memory_space<vmem>>, vector<2000x128xf32>,
    return
  }
  func.func @transform_0(%arg0: i32) -> (i32, i32, i32) {
    %c0_i32 = arith.constant 0 : i32
    %c0_i32_0 = arith.constant 0 : i32
    %c0_i32_1 = arith.constant 0 : i32
    return %c0_i32, %arg0, %c0_i32_0 : i32, i32, i32
  }
  func.func @transform_1(%arg0: i32) -> (i32, i32, i32) {
    %c0_i32 = arith.constant 0 : i32
    %c0_i32_0 = arith.constant 0 : i32
    %c0_i32_1 = arith.constant 0 : i32
    %c0_i32_2 = arith.constant 0 : i32
    return %c0_i32, %c0_i32_0, %c0_i32_1 : i32, i32, i32
  }
  func.func @transform_2(%arg0: i32) -> (i32, i32) {
    %c0_i32 = arith.constant 0 : i32
    %c0_i32_0 = arith.constant 0 : i32
    return %arg0, %c0_i32 : i32, i32
  }
  func.func @transform_3(%arg0: i32) -> (i32, i32) {
    %c0_i32 = arith.constant 0 : i32
    %c0_i32_0 = arith.constant 0 : i32
    return %arg0, %c0_i32 : i32, i32
  }
}

module attributes {stable_mosaic.version = 14 : i64} {
  func.func @_mlp_body(%arg0: i32, %arg1: memref<8192x128xf32, #tpu.memory_space<vmem>>, %arg2: memref<16x8192xf32, #tpu.memory_space<vmem>>, %arg3: memref<16x128xf32, #tpu.memory_space<vmem>>, %arg4: memref<1x128xf32, #tpu.memory_space<vmem>>, %arg5: memref<128x128xf32, #tpu.memory_space<vmem>>, %arg6: memref<1x128xf32, #tpu.memory_space<vmem>>, %arg7: memref<1x128xf32, #tpu.memory_space<vmem>>, %arg8: memref<1x1xf32, #tpu.memory_space<vmem>>, %arg9: memref<8192x128xf32, #tpu.memory_space<vmem>>) attributes {dimension_semantics = [#tpu.dimension_semantics<arbitrary>], iteration_bounds = array<i64: 15>, scalar_prefetch = 0 : i64, scratch_operands = 0 : i64, tpu.core_type = #tpu.core_type<tc>, window_params = [{transform_indices = @transform_0, window_bounds = array<i64: 8192, 128>}, {transform_indices = @transform_1, window_bounds = array<i64: 16, 8192>}, {pipeline_mode = #tpu.pipeline_mode<synchronous>, transform_indices = @transform_2, window_bounds = array<i64: 16, 128>}, {pipeline_mode = #tpu.pipeline_mode<synchronous>, transform_indices = @transform_3, window_bounds = array<i64: 1, 128>}, {pipeline_mode = #tpu.pipeline_mode<synchronous>, transform_indices = @transform_4, window_bounds = array<i64: 128, 128>}, {pipeline_mode = #tpu.pipeline_mode<synchronous>, transform_indices = @transform_5, window_bounds = array<i64: 1, 128>}, {pipeline_mode = #tpu.pipeline_mode<synchronous>, transform_indices = @transform_6, window_bounds = array<i64: 1, 128>}, {pipeline_mode = #tpu.pipeline_mode<synchronous>, transform_indices = @transform_7, window_bounds = array<i64: 1, 1>}, {transform_indices = @transform_8, window_bounds = array<i64: 8192, 128>}]} {
    %get3A = arith.constant 0 : index
    %get3A_0 = arith.constant 0 : index
    %get3A_1 = vector.load %arg2[%get3A, %get3A_0] : memref<16x8192xf32, #tpu.memory_space<vmem>>, vector<16x8192xf32>
    %get3A_2 = arith.constant 0 : index
    %get3A_3 = arith.constant 0 : index
    %get3A_4 = vector.load %arg3[%get3A_2, %get3A_3] : memref<16x128xf32, #tpu.memory_space<vmem>>, vector<16x128xf32>
    %dot_general3A = arith.constant dense<0.000000e+00> : vector<8192x128xf32>
    %dot_general3A_5 = tpu.matmul %get3A_1, %get3A_4, %dot_general3A {dimension_numbers = #tpu.dot_dimension_numbers<[0], [0], [1], [1], [0, 1, 1, 1], [], []>, transpose_lhs_hint = false} : vector<16x8192xf32>, vector<16x128xf32>, vector<8192x128xf32> -> vector<8192x128xf32>
    %get3A_6 = arith.constant 0 : index
    %get3A_7 = arith.constant 0 : index
    %get3A_8 = vector.load %arg1[%get3A_6, %get3A_7] : memref<8192x128xf32, #tpu.memory_space<vmem>>, vector<8192x128xf32>
    %add3A = arith.addf %get3A_8, %dot_general3A_5 : vector<8192x128xf32>
    %get3A_9 = arith.constant 0 : index
    %get3A_10 = arith.constant 0 : index
    %get3A_11 = vector.load %arg4[%get3A_9, %get3A_10] : memref<1x128xf32, #tpu.memory_space<vmem>>, vector<1x128xf32>
    %add3A_12 = vector.broadcast %get3A_11 : vector<1x128xf32> to vector<8192x128xf32>
    %add3A_13 = arith.addf %add3A, %add3A_12 : vector<8192x128xf32>
    %mul3A = arith.constant 5.000000e-01 : f32
    %mul3A_14 = vector.broadcast %mul3A : f32 to vector<8192x128xf32>
    %mul3A_15 = arith.mulf %add3A_13, %mul3A_14 : vector<8192x128xf32>
    %tanh3A = math.tanh %mul3A_15 : vector<8192x128xf32>
    %add3A_16 = arith.constant 1.000000e+00 : f32
    %add3A_17 = vector.broadcast %add3A_16 : f32 to vector<8192x128xf32>
    %add3A_18 = arith.addf %add3A_17, %tanh3A : vector<8192x128xf32>
    %mul3A_19 = arith.mulf %mul3A_15, %add3A_18 : vector<8192x128xf32>
    %get3A_20 = arith.constant 0 : index
    %get3A_21 = arith.constant 0 : index
    %get3A_22 = vector.load %arg5[%get3A_20, %get3A_21] : memref<128x128xf32, #tpu.memory_space<vmem>>, vector<128x128xf32>
    %dot_general3A_23 = arith.constant dense<0.000000e+00> : vector<8192x128xf32>
    %dot_general3A_24 = tpu.matmul %mul3A_19, %get3A_22, %dot_general3A_23 {dimension_numbers = #tpu.dot_dimension_numbers<[1], [0], [0], [1], [0, 0, 1, 1], [], []>, transpose_lhs_hint = false} : vector<8192x128xf32>, vector<128x128xf32>, vector<8192x128xf32> -> vector<8192x128xf32>
    %get3A_25 = arith.constant 0 : index
    %get3A_26 = arith.constant 0 : index
    %get3A_27 = vector.load %arg6[%get3A_25, %get3A_26] : memref<1x128xf32, #tpu.memory_space<vmem>>, vector<1x128xf32>
    %add3A_28 = vector.broadcast %get3A_27 : vector<1x128xf32> to vector<8192x128xf32>
    %add3A_29 = arith.addf %dot_general3A_24, %add3A_28 : vector<8192x128xf32>
    %mul3A_30 = arith.constant 5.000000e-01 : f32
    %mul3A_31 = vector.broadcast %mul3A_30 : f32 to vector<8192x128xf32>
    %mul3A_32 = arith.mulf %add3A_29, %mul3A_31 : vector<8192x128xf32>
    %tanh3A_33 = math.tanh %mul3A_32 : vector<8192x128xf32>
    %add3A_34 = arith.constant 1.000000e+00 : f32
    %add3A_35 = vector.broadcast %add3A_34 : f32 to vector<8192x128xf32>
    %add3A_36 = arith.addf %add3A_35, %tanh3A_33 : vector<8192x128xf32>
    %mul3A_37 = arith.mulf %mul3A_32, %add3A_36 : vector<8192x128xf32>
    %get3A_38 = arith.constant 0 : index
    %get3A_39 = arith.constant 0 : index
    %get3A_40 = vector.load %arg7[%get3A_38, %get3A_39] : memref<1x128xf32, #tpu.memory_space<vmem>>, vector<1x128xf32>
    %mul3A_41 = vector.broadcast %get3A_40 : vector<1x128xf32> to vector<8192x128xf32>
    %mul3A_42 = arith.mulf %mul3A_37, %mul3A_41 : vector<8192x128xf32>
    %reduce_sum3A = arith.constant dense<0.000000e+00> : vector<8192xf32>
    %reduce_sum3A_43 = vector.multi_reduction <add>, %mul3A_42, %reduce_sum3A [1] : vector<8192x128xf32> to vector<8192xf32>
    %broadcast_in_dim3A = vector.shape_cast %reduce_sum3A_43 : vector<8192xf32> to vector<8192x1xf32>
    %get3A_44 = arith.constant 0 : index
    %get3A_45 = arith.constant 0 : index
    %get3A_46 = vector.load %arg8[%get3A_44, %get3A_45] : memref<1x1xf32, #tpu.memory_space<vmem>>, vector<1x1xf32>
    %add3A_47 = vector.broadcast %get3A_46 : vector<1x1xf32> to vector<8192x1xf32>
    %add3A_48 = arith.addf %broadcast_in_dim3A, %add3A_47 : vector<8192x1xf32>
    %mul3A_49 = arith.constant 5.000000e-01 : f32
    %mul3A_50 = vector.broadcast %mul3A_49 : f32 to vector<8192x1xf32>
    %mul3A_51 = arith.mulf %add3A_48, %mul3A_50 : vector<8192x1xf32>
    %tanh3A_52 = math.tanh %mul3A_51 : vector<8192x1xf32>
    %add3A_53 = arith.constant 1.000000e+00 : f32
    %add3A_54 = vector.broadcast %add3A_53 : f32 to vector<8192x1xf32>
    %add3A_55 = arith.addf %add3A_54, %tanh3A_52 : vector<8192x1xf32>
    %mul3A_56 = arith.constant 5.000000e-01 : f32
    %mul3A_57 = vector.broadcast %mul3A_56 : f32 to vector<8192x1xf32>
    %mul3A_58 = arith.mulf %mul3A_57, %add3A_55 : vector<8192x1xf32>
    %mul3A_59 = vector.broadcast %mul3A_58 : vector<8192x1xf32> to vector<8192x128xf32>
    %mul3A_60 = arith.mulf %mul3A_37, %mul3A_59 : vector<8192x128xf32>
    %swap3A = arith.constant 0 : index
    %swap3A_61 = arith.constant 0 : index
    %swap3A_62 = vector.load %arg9[%swap3A, %swap3A_61] : memref<8192x128xf32, #tpu.memory_space<vmem>>, vector<8192x128xf32>
    tpu.vector_store %arg9[%swap3A, %swap3A_61], %mul3A_60 {strides = array<i32>} : memref<8192x128xf32, #tpu.memory_space<vmem>>, vector<8192x128xf32>,
    return
  }
  func.func @transform_0(%arg0: i32) -> (i32, i32) {
    %c0_i32 = arith.constant 0 : i32
    %c0_i32_0 = arith.constant 0 : i32
    return %arg0, %c0_i32 : i32, i32
  }
  func.func @transform_1(%arg0: i32) -> (i32, i32) {
    %c0_i32 = arith.constant 0 : i32
    %c0_i32_0 = arith.constant 0 : i32
    return %c0_i32, %arg0 : i32, i32
  }
  func.func @transform_2(%arg0: i32) -> (i32, i32) {
    %c0_i32 = arith.constant 0 : i32
    %c0_i32_0 = arith.constant 0 : i32
    %c0_i32_1 = arith.constant 0 : i32
    return %c0_i32, %c0_i32_0 : i32, i32
  }
  func.func @transform_3(%arg0: i32) -> (i32, i32) {
    %c0_i32 = arith.constant 0 : i32
    %c0_i32_0 = arith.constant 0 : i32
    %c0_i32_1 = arith.constant 0 : i32
    return %c0_i32, %c0_i32_0 : i32, i32
  }
  func.func @transform_4(%arg0: i32) -> (i32, i32) {
    %c0_i32 = arith.constant 0 : i32
    %c0_i32_0 = arith.constant 0 : i32
    %c0_i32_1 = arith.constant 0 : i32
    return %c0_i32, %c0_i32_0 : i32, i32
  }
  func.func @transform_5(%arg0: i32) -> (i32, i32) {
    %c0_i32 = arith.constant 0 : i32
    %c0_i32_0 = arith.constant 0 : i32
    %c0_i32_1 = arith.constant 0 : i32
    return %c0_i32, %c0_i32_0 : i32, i32
  }
  func.func @transform_6(%arg0: i32) -> (i32, i32) {
    %c0_i32 = arith.constant 0 : i32
    %c0_i32_0 = arith.constant 0 : i32
    %c0_i32_1 = arith.constant 0 : i32
    return %c0_i32, %c0_i32_0 : i32, i32
  }
  func.func @transform_7(%arg0: i32) -> (i32, i32) {
    %c0_i32 = arith.constant 0 : i32
    %c0_i32_0 = arith.constant 0 : i32
    %c0_i32_1 = arith.constant 0 : i32
    return %c0_i32, %c0_i32_0 : i32, i32
  }
  func.func @transform_8(%arg0: i32) -> (i32, i32) {
    %c0_i32 = arith.constant 0 : i32
    %c0_i32_0 = arith.constant 0 : i32
    return %arg0, %c0_i32 : i32, i32
  }
}

module attributes {stable_mosaic.version = 14 : i64} {
  func.func @_mlp_body(%arg0: i32, %arg1: memref<7424x128xf32, #tpu.memory_space<vmem>>, %arg2: memref<16x7424xf32, #tpu.memory_space<vmem>>, %arg3: memref<16x128xf32, #tpu.memory_space<vmem>>, %arg4: memref<1x128xf32, #tpu.memory_space<vmem>>, %arg5: memref<128x128xf32, #tpu.memory_space<vmem>>, %arg6: memref<1x128xf32, #tpu.memory_space<vmem>>, %arg7: memref<1x128xf32, #tpu.memory_space<vmem>>, %arg8: memref<1x1xf32, #tpu.memory_space<vmem>>, %arg9: memref<7424x128xf32, #tpu.memory_space<vmem>>) attributes {dimension_semantics = [#tpu.dimension_semantics<arbitrary>], iteration_bounds = array<i64: 10>, scalar_prefetch = 0 : i64, scratch_operands = 0 : i64, tpu.core_type = #tpu.core_type<tc>, window_params = [{transform_indices = @transform_0, window_bounds = array<i64: 7424, 128>}, {transform_indices = @transform_1, window_bounds = array<i64: 16, 7424>}, {pipeline_mode = #tpu.pipeline_mode<synchronous>, transform_indices = @transform_2, window_bounds = array<i64: 16, 128>}, {pipeline_mode = #tpu.pipeline_mode<synchronous>, transform_indices = @transform_3, window_bounds = array<i64: 1, 128>}, {pipeline_mode = #tpu.pipeline_mode<synchronous>, transform_indices = @transform_4, window_bounds = array<i64: 128, 128>}, {pipeline_mode = #tpu.pipeline_mode<synchronous>, transform_indices = @transform_5, window_bounds = array<i64: 1, 128>}, {pipeline_mode = #tpu.pipeline_mode<synchronous>, transform_indices = @transform_6, window_bounds = array<i64: 1, 128>}, {pipeline_mode = #tpu.pipeline_mode<synchronous>, transform_indices = @transform_7, window_bounds = array<i64: 1, 1>}, {transform_indices = @transform_8, window_bounds = array<i64: 7424, 128>}]} {
    %get3A = arith.constant 0 : index
    %get3A_0 = arith.constant 0 : index
    %get3A_1 = vector.load %arg2[%get3A, %get3A_0] : memref<16x7424xf32, #tpu.memory_space<vmem>>, vector<16x7424xf32>
    %get3A_2 = arith.constant 0 : index
    %get3A_3 = arith.constant 0 : index
    %get3A_4 = vector.load %arg3[%get3A_2, %get3A_3] : memref<16x128xf32, #tpu.memory_space<vmem>>, vector<16x128xf32>
    %dot_general3A = arith.constant dense<0.000000e+00> : vector<7424x128xf32>
    %dot_general3A_5 = tpu.matmul %get3A_1, %get3A_4, %dot_general3A {dimension_numbers = #tpu.dot_dimension_numbers<[0], [0], [1], [1], [0, 1, 1, 1], [], []>, transpose_lhs_hint = false} : vector<16x7424xf32>, vector<16x128xf32>, vector<7424x128xf32> -> vector<7424x128xf32>
    %get3A_6 = arith.constant 0 : index
    %get3A_7 = arith.constant 0 : index
    %get3A_8 = vector.load %arg1[%get3A_6, %get3A_7] : memref<7424x128xf32, #tpu.memory_space<vmem>>, vector<7424x128xf32>
    %add3A = arith.addf %get3A_8, %dot_general3A_5 : vector<7424x128xf32>
    %get3A_9 = arith.constant 0 : index
    %get3A_10 = arith.constant 0 : index
    %get3A_11 = vector.load %arg4[%get3A_9, %get3A_10] : memref<1x128xf32, #tpu.memory_space<vmem>>, vector<1x128xf32>
    %add3A_12 = vector.broadcast %get3A_11 : vector<1x128xf32> to vector<7424x128xf32>
    %add3A_13 = arith.addf %add3A, %add3A_12 : vector<7424x128xf32>
    %mul3A = arith.constant 5.000000e-01 : f32
    %mul3A_14 = vector.broadcast %mul3A : f32 to vector<7424x128xf32>
    %mul3A_15 = arith.mulf %add3A_13, %mul3A_14 : vector<7424x128xf32>
    %tanh3A = math.tanh %mul3A_15 : vector<7424x128xf32>
    %add3A_16 = arith.constant 1.000000e+00 : f32
    %add3A_17 = vector.broadcast %add3A_16 : f32 to vector<7424x128xf32>
    %add3A_18 = arith.addf %add3A_17, %tanh3A : vector<7424x128xf32>
    %mul3A_19 = arith.mulf %mul3A_15, %add3A_18 : vector<7424x128xf32>
    %get3A_20 = arith.constant 0 : index
    %get3A_21 = arith.constant 0 : index
    %get3A_22 = vector.load %arg5[%get3A_20, %get3A_21] : memref<128x128xf32, #tpu.memory_space<vmem>>, vector<128x128xf32>
    %dot_general3A_23 = arith.constant dense<0.000000e+00> : vector<7424x128xf32>
    %dot_general3A_24 = tpu.matmul %mul3A_19, %get3A_22, %dot_general3A_23 {dimension_numbers = #tpu.dot_dimension_numbers<[1], [0], [0], [1], [0, 0, 1, 1], [], []>, transpose_lhs_hint = false} : vector<7424x128xf32>, vector<128x128xf32>, vector<7424x128xf32> -> vector<7424x128xf32>
    %get3A_25 = arith.constant 0 : index
    %get3A_26 = arith.constant 0 : index
    %get3A_27 = vector.load %arg6[%get3A_25, %get3A_26] : memref<1x128xf32, #tpu.memory_space<vmem>>, vector<1x128xf32>
    %add3A_28 = vector.broadcast %get3A_27 : vector<1x128xf32> to vector<7424x128xf32>
    %add3A_29 = arith.addf %dot_general3A_24, %add3A_28 : vector<7424x128xf32>
    %mul3A_30 = arith.constant 5.000000e-01 : f32
    %mul3A_31 = vector.broadcast %mul3A_30 : f32 to vector<7424x128xf32>
    %mul3A_32 = arith.mulf %add3A_29, %mul3A_31 : vector<7424x128xf32>
    %tanh3A_33 = math.tanh %mul3A_32 : vector<7424x128xf32>
    %add3A_34 = arith.constant 1.000000e+00 : f32
    %add3A_35 = vector.broadcast %add3A_34 : f32 to vector<7424x128xf32>
    %add3A_36 = arith.addf %add3A_35, %tanh3A_33 : vector<7424x128xf32>
    %mul3A_37 = arith.mulf %mul3A_32, %add3A_36 : vector<7424x128xf32>
    %get3A_38 = arith.constant 0 : index
    %get3A_39 = arith.constant 0 : index
    %get3A_40 = vector.load %arg7[%get3A_38, %get3A_39] : memref<1x128xf32, #tpu.memory_space<vmem>>, vector<1x128xf32>
    %mul3A_41 = vector.broadcast %get3A_40 : vector<1x128xf32> to vector<7424x128xf32>
    %mul3A_42 = arith.mulf %mul3A_37, %mul3A_41 : vector<7424x128xf32>
    %reduce_sum3A = arith.constant dense<0.000000e+00> : vector<7424xf32>
    %reduce_sum3A_43 = vector.multi_reduction <add>, %mul3A_42, %reduce_sum3A [1] : vector<7424x128xf32> to vector<7424xf32>
    %broadcast_in_dim3A = vector.shape_cast %reduce_sum3A_43 : vector<7424xf32> to vector<7424x1xf32>
    %get3A_44 = arith.constant 0 : index
    %get3A_45 = arith.constant 0 : index
    %get3A_46 = vector.load %arg8[%get3A_44, %get3A_45] : memref<1x1xf32, #tpu.memory_space<vmem>>, vector<1x1xf32>
    %add3A_47 = vector.broadcast %get3A_46 : vector<1x1xf32> to vector<7424x1xf32>
    %add3A_48 = arith.addf %broadcast_in_dim3A, %add3A_47 : vector<7424x1xf32>
    %mul3A_49 = arith.constant 5.000000e-01 : f32
    %mul3A_50 = vector.broadcast %mul3A_49 : f32 to vector<7424x1xf32>
    %mul3A_51 = arith.mulf %add3A_48, %mul3A_50 : vector<7424x1xf32>
    %tanh3A_52 = math.tanh %mul3A_51 : vector<7424x1xf32>
    %add3A_53 = arith.constant 1.000000e+00 : f32
    %add3A_54 = vector.broadcast %add3A_53 : f32 to vector<7424x1xf32>
    %add3A_55 = arith.addf %add3A_54, %tanh3A_52 : vector<7424x1xf32>
    %mul3A_56 = arith.constant 5.000000e-01 : f32
    %mul3A_57 = vector.broadcast %mul3A_56 : f32 to vector<7424x1xf32>
    %mul3A_58 = arith.mulf %mul3A_57, %add3A_55 : vector<7424x1xf32>
    %mul3A_59 = vector.broadcast %mul3A_58 : vector<7424x1xf32> to vector<7424x128xf32>
    %mul3A_60 = arith.mulf %mul3A_37, %mul3A_59 : vector<7424x128xf32>
    %swap3A = arith.constant 0 : index
    %swap3A_61 = arith.constant 0 : index
    %swap3A_62 = vector.load %arg9[%swap3A, %swap3A_61] : memref<7424x128xf32, #tpu.memory_space<vmem>>, vector<7424x128xf32>
    tpu.vector_store %arg9[%swap3A, %swap3A_61], %mul3A_60 {strides = array<i32>} : memref<7424x128xf32, #tpu.memory_space<vmem>>, vector<7424x128xf32>,
    return
  }
  func.func @transform_0(%arg0: i32) -> (i32, i32) {
    %c0_i32 = arith.constant 0 : i32
    %c0_i32_0 = arith.constant 0 : i32
    return %arg0, %c0_i32 : i32, i32
  }
  func.func @transform_1(%arg0: i32) -> (i32, i32) {
    %c0_i32 = arith.constant 0 : i32
    %c0_i32_0 = arith.constant 0 : i32
    return %c0_i32, %arg0 : i32, i32
  }
  func.func @transform_2(%arg0: i32) -> (i32, i32) {
    %c0_i32 = arith.constant 0 : i32
    %c0_i32_0 = arith.constant 0 : i32
    %c0_i32_1 = arith.constant 0 : i32
    return %c0_i32, %c0_i32_0 : i32, i32
  }
  func.func @transform_3(%arg0: i32) -> (i32, i32) {
    %c0_i32 = arith.constant 0 : i32
    %c0_i32_0 = arith.constant 0 : i32
    %c0_i32_1 = arith.constant 0 : i32
    return %c0_i32, %c0_i32_0 : i32, i32
  }
  func.func @transform_4(%arg0: i32) -> (i32, i32) {
    %c0_i32 = arith.constant 0 : i32
    %c0_i32_0 = arith.constant 0 : i32
    %c0_i32_1 = arith.constant 0 : i32
    return %c0_i32, %c0_i32_0 : i32, i32
  }
  func.func @transform_5(%arg0: i32) -> (i32, i32) {
    %c0_i32 = arith.constant 0 : i32
    %c0_i32_0 = arith.constant 0 : i32
    %c0_i32_1 = arith.constant 0 : i32
    return %c0_i32, %c0_i32_0 : i32, i32
  }
  func.func @transform_6(%arg0: i32) -> (i32, i32) {
    %c0_i32 = arith.constant 0 : i32
    %c0_i32_0 = arith.constant 0 : i32
    %c0_i32_1 = arith.constant 0 : i32
    return %c0_i32, %c0_i32_0 : i32, i32
  }
  func.func @transform_7(%arg0: i32) -> (i32, i32) {
    %c0_i32 = arith.constant 0 : i32
    %c0_i32_0 = arith.constant 0 : i32
    %c0_i32_1 = arith.constant 0 : i32
    return %c0_i32, %c0_i32_0 : i32, i32
  }
  func.func @transform_8(%arg0: i32) -> (i32, i32) {
    %c0_i32 = arith.constant 0 : i32
    %c0_i32_0 = arith.constant 0 : i32
    return %arg0, %c0_i32 : i32, i32
  }
}

module attributes {stable_mosaic.version = 14 : i64} {
  func.func @_add_body(%arg0: i32, %arg1: memref<2x2000x128xf32, #tpu.memory_space<vmem>>, %arg2: memref<2x2000x128xf32, #tpu.memory_space<vmem>>, %arg3: memref<2x2000x128xf32, #tpu.memory_space<vmem>>, %arg4: memref<2000x128xf32, #tpu.memory_space<vmem>>) attributes {dimension_semantics = [#tpu.dimension_semantics<arbitrary>], iteration_bounds = array<i64: 5>, scalar_prefetch = 0 : i64, scratch_operands = 0 : i64, tpu.core_type = #tpu.core_type<tc>, window_params = [{transform_indices = @transform_0, window_bounds = array<i64: 2, 2000, 128>}, {transform_indices = @transform_1, window_bounds = array<i64: 2, 2000, 128>}, {transform_indices = @transform_2, window_bounds = array<i64: 2, 2000, 128>}, {transform_indices = @transform_3, window_bounds = array<i64: 2000, 128>}]} {
    %get3A = arith.constant 0 : index
    %get3A_0 = arith.constant 0 : index
    %get3A_1 = arith.constant 0 : index
    %get3A_2 = vector.load %arg1[%get3A, %get3A_0, %get3A_1] : memref<2x2000x128xf32, #tpu.memory_space<vmem>>, vector<1x2000x128xf32>
    %get3A_3 = vector.shape_cast %get3A_2 : vector<1x2000x128xf32> to vector<2000x128xf32>
    %get3A_4 = arith.constant 1 : index
    %get3A_5 = arith.constant 0 : index
    %get3A_6 = arith.constant 0 : index
    %get3A_7 = vector.load %arg1[%get3A_4, %get3A_5, %get3A_6] : memref<2x2000x128xf32, #tpu.memory_space<vmem>>, vector<1x2000x128xf32>
    %get3A_8 = vector.shape_cast %get3A_7 : vector<1x2000x128xf32> to vector<2000x128xf32>
    %add3A = arith.addf %get3A_3, %get3A_8 : vector<2000x128xf32>
    %get3A_9 = arith.constant 0 : index
    %get3A_10 = arith.constant 0 : index
    %get3A_11 = arith.constant 0 : index
    %get3A_12 = vector.load %arg2[%get3A_9, %get3A_10, %get3A_11] : memref<2x2000x128xf32, #tpu.memory_space<vmem>>, vector<1x2000x128xf32>
    %get3A_13 = vector.shape_cast %get3A_12 : vector<1x2000x128xf32> to vector<2000x128xf32>
    %get3A_14 = arith.constant 1 : index
    %get3A_15 = arith.constant 0 : index
    %get3A_16 = arith.constant 0 : index
    %get3A_17 = vector.load %arg2[%get3A_14, %get3A_15, %get3A_16] : memref<2x2000x128xf32, #tpu.memory_space<vmem>>, vector<1x2000x128xf32>
    %get3A_18 = vector.shape_cast %get3A_17 : vector<1x2000x128xf32> to vector<2000x128xf32>
    %add3A_19 = arith.addf %get3A_13, %get3A_18 : vector<2000x128xf32>
    %add3A_20 = arith.addf %add3A, %add3A_19 : vector<2000x128xf32>
    %get3A_21 = arith.constant 0 : index
    %get3A_22 = arith.constant 0 : index
    %get3A_23 = arith.constant 0 : index
    %get3A_24 = vector.load %arg3[%get3A_21, %get3A_22, %get3A_23] : memref<2x2000x128xf32, #tpu.memory_space<vmem>>, vector<1x2000x128xf32>
    %get3A_25 = vector.shape_cast %get3A_24 : vector<1x2000x128xf32> to vector<2000x128xf32>
    %get3A_26 = arith.constant 1 : index
    %get3A_27 = arith.constant 0 : index
    %get3A_28 = arith.constant 0 : index
    %get3A_29 = vector.load %arg3[%get3A_26, %get3A_27, %get3A_28] : memref<2x2000x128xf32, #tpu.memory_space<vmem>>, vector<1x2000x128xf32>
    %get3A_30 = vector.shape_cast %get3A_29 : vector<1x2000x128xf32> to vector<2000x128xf32>
    %add3A_31 = arith.addf %get3A_25, %get3A_30 : vector<2000x128xf32>
    %add3A_32 = arith.addf %add3A_20, %add3A_31 : vector<2000x128xf32>
    %swap3A = arith.constant 0 : index
    %swap3A_33 = arith.constant 0 : index
    %swap3A_34 = vector.load %arg4[%swap3A, %swap3A_33] : memref<2000x128xf32, #tpu.memory_space<vmem>>, vector<2000x128xf32>
    tpu.vector_store %arg4[%swap3A, %swap3A_33], %add3A_32 {strides = array<i32>} : memref<2000x128xf32, #tpu.memory_space<vmem>>, vector<2000x128xf32>,
    return
  }
  func.func @transform_0(%arg0: i32) -> (i32, i32, i32) {
    %c0_i32 = arith.constant 0 : i32
    %c0_i32_0 = arith.constant 0 : i32
    %c0_i32_1 = arith.constant 0 : i32
    return %c0_i32, %arg0, %c0_i32_0 : i32, i32, i32
  }
  func.func @transform_1(%arg0: i32) -> (i32, i32, i32) {
    %c0_i32 = arith.constant 0 : i32
    %c0_i32_0 = arith.constant 0 : i32
    %c0_i32_1 = arith.constant 0 : i32
    return %c0_i32, %arg0, %c0_i32_0 : i32, i32, i32
  }
  func.func @transform_2(%arg0: i32) -> (i32, i32, i32) {
    %c0_i32 = arith.constant 0 : i32
    %c0_i32_0 = arith.constant 0 : i32
    %c0_i32_1 = arith.constant 0 : i32
    return %c0_i32, %arg0, %c0_i32_0 : i32, i32, i32
  }
  func.func @transform_3(%arg0: i32) -> (i32, i32) {
    %c0_i32 = arith.constant 0 : i32
    %c0_i32_0 = arith.constant 0 : i32
    return %arg0, %c0_i32 : i32, i32
  }
}

</mosaic_0001>

<sc_bundles>
// kernel: kernel.13.cloned.1.call-start
scs
__scs_entry_jumppad:
0x0: {  	(pc) =	sbr.rel $0x88, $3  }
0x1: {  	(tag) =	ssettag $0x0;
	lr =	simm.s32 $0x1  }
0x2: {  	[smem:$0x3F98] =	sst lr;
	_ =	strace $0xD0000000  }
0x3: {  	_ = 	snop  }
0x4: {  	_ = 	snop  }
0x5: {  	_ = 	snop  }
0x6: {  	_ = 	snop  }
0x7: {  	_ = 	snop  }
__scs_overlays_trampoline_lowered:
0x8: {  	[smem:$0x3FA7] =	sst s0  }
0x9: {  	[smem:$0x3FA8] =	sst s1  }
0xa: {  	[smem:$0x3FA9] =	sst s2  }
0xb: {  	[smem:$0x3FAA] =	sst s3  }
0xc: {  	[smem:$0x3FAB] =	sst s4  }
0xd: {  	[smem:$0x3FAC] =	sst s5  }
0xe: {  	[smem:$0x3FAD] =	sst s6  }
0xf: {  	[smem:$0x3FAE] =	sst s7  }
0x10: {  	[smem:$0x3FAF] =	sst s8  }
0x11: {  	[smem:$0x3FB0] =	sst s9;
	s0 =	simm.s32 @!p0 $0x0  }
0x12: {  	s1 =	sld [smem:$0x3F96];
	s0 =	simm.s32 @p0 $0x1  }
0x13: {  	[smem:$0x3FB1] =	sst s0;
	s0 =	simm.s32 @!p1 $0x0  }
0x14: {  	s2 =	sld [smem:$0x3F95];
	s0 =	simm.s32 @p1 $0x1  }
0x15: {  	[smem:$0x3FB2] =	sst s0;
	s0 =	simm.s32 @!p2 $0x0  }
0x16: {  	s3 =	sld [smem:$0x3FDB];
	s0 =	simm.s32 @p2 $0x1  }
0x17: {  	s4 =	simm.s32 $0x1BF5;
	[smem:$0x3FB4] =	sst s0  }
0x18: {  	s0 =	sld [smem:$0x3F97];
	_ =	swait.ge [sflag:s4], $0x0  }
0x19: {  	s7 =	sld [smem:$0x3F98]  }
0x1a: {  	s8 =	sadd.s32 $0xFFFFE003, lr  }
0x1b: {  	s9 =	sadd.s32 $0xFFFFFEF7, lr;
	s5 =	simm.s32 $0xFFFFFFFF;
	p2 =	slt.u32 s8, $0xFFFFF086  }
0x1c: {  	p1 =	slt.u32 s9, $0xF7A;
	s5 =	simm.s32 @!p2 $0x0  }
0x1d: {  	s5 =	simm.s32 @p1 $0x1;
	p0 =	seq.s32 s7, s2  }
0x1e: {  	s7 =	smul.u32 @!p0 $0xF7A, s2;
	p2 =	seq.s32 @!p0 s5, $0x0  }
0x1f: {  	s9 =	smul.u32 $0xF7A, s1;
	s8 =	simm.s32 @!p0 $0x1BF5;
	p2 =	por !p2, p0  }
0x20: {  	[sflag:s8] =	ssyncset.s32 @!p0 $0xFFFFF086;
	s6 =	sadd.s32 @!p0 s3, s7;
	s7 =	simm.s32 @!p0 $0x108  }
0x21: {  	s3 =	sadd.s32 s3, s9;
	s6 =	sadd.s32 @!p0 $0x88, s6;
	s7 =	simm.s32 @p2 $0x1082  }
0x22: {  	[simem:s7], [sflag:s8] =	dma.local @!p0 [hbm:s6], $0xF7A  }
0x23: {  	s9 =	sor.u32 $0xD0000000, s2;
	s6 =	simm.s32 $0x108;
	_ =	swait.ge @!p0 [sflag:s8], $0x0  }
0x24: {  	s3 =	sadd.s32 $0x88, s3;
	s6 =	simm.s32 @!p1 $0x1082;
	[sflag:s4] =	ssyncset.s32 $0xFFFFF086  }
0x25: {  	[simem:s6], [sflag:s4] =	dma.local [hbm:s3], $0xF7A  }
0x26: {  	[smem:$0x3F98] =	sst s1;
	(tag) =	ssettag s2;
	_ =	strace s9  }
0x27: {  	s1 =	sld [smem:$0x3FA8]  }
0x28: {  	s2 =	sld [smem:$0x3FA9]  }
0x29: {  	s4 =	sld [smem:$0x3FAB]  }
0x2a: {  	p0 =	seq.s32 s5, $0x0;
	s5 =	sld [smem:$0x3FAC]  }
0x2b: {  	s6 =	sld [smem:$0x3FAD]  }
0x2c: {  	s7 =	sld [smem:$0x3FAE]  }
0x2d: {  	s3 =	simm.s32 $0x108;
	s8 =	sld [smem:$0x3FAF]  }
0x2e: {  	s3 =	simm.s32 @!p0 $0x1082;
	s9 =	sld [smem:$0x3FB0]  }
0x2f: {  	lr =	sadd.s32 s0, s3;
	s0 =	sld [smem:$0x3FA7]  }
0x30: {  	s3 =	sld [smem:$0x3FAA]  }
0x31: {  	[smem:$0x3FB3] =	sst s10  }
0x32: {  	s10 =	sld [smem:$0x3FB1];
	_ =	sdelay $0x3  }
0x33: {  	p0 =	seq.s32 s10, $0x1;
	s10 =	sld [smem:$0x3FB3];
	_ =	sdelay $0x3  }
0x34: {  	[smem:$0x3FB3] =	sst s10  }
0x35: {  	s10 =	sld [smem:$0x3FB2];
	_ =	sdelay $0x3  }
0x36: {  	p1 =	seq.s32 s10, $0x1;
	s10 =	sld [smem:$0x3FB3];
	_ =	sdelay $0x3  }
0x37: {  	[smem:$0x3FB3] =	sst s10  }
0x38: {  	s10 =	sld [smem:$0x3FB4]  }
0x39: {  	_ = 	snop;
	(pc) =	sbr.ind lr, $3  }
0x3a: {  	_ = 	snop  }
0x3b: {  	_ = 	snop  }
0x3c: {  	p2 =	seq.s32 s10, $0x1;
	s10 =	sld [smem:$0x3FB3]  }
0x3d: {  	_ =	shalt  }
0x3e: {  	_ =	shalt  }
0x3f: {  	_ =	shalt  }
0x40: {  	_ =	shalt  }
0x41: {  	_ =	shalt  }
0x42: {  	_ =	shalt  }
0x43: {  	_ =	shalt  }
0x44: {  	_ =	shalt  }
0x45: {  	_ =	shalt  }
0x46: {  	_ =	shalt  }
0x47: {  	_ =	shalt  }
0x48: {  	_ =	shalt  }
0x49: {  	_ =	shalt  }
0x4a: {  	_ =	shalt  }
0x4b: {  	_ =	shalt  }
0x4c: {  	_ =	shalt  }
0x4d: {  	_ =	shalt  }
0x4e: {  	_ =	shalt  }
0x4f: {  	_ =	shalt  }
0x50: {  	_ =	shalt  }
0x51: {  	_ =	shalt  }
0x52: {  	_ =	shalt  }
0x53: {  	_ =	shalt  }
0x54: {  	_ =	shalt  }
0x55: {  	_ =	shalt  }
0x56: {  	_ =	shalt  }
0x57: {  	_ =	shalt  }
0x58: {  	_ =	shalt  }
0x59: {  	_ =	shalt  }
0x5a: {  	_ =	shalt  }
0x5b: {  	_ =	shalt  }
0x5c: {  	_ =	shalt  }
0x5d: {  	_ =	shalt  }
0x5e: {  	_ =	shalt  }
0x5f: {  	_ =	shalt  }
0x60: {  	_ =	shalt  }
0x61: {  	_ =	shalt  }
0x62: {  	_ =	shalt  }
0x63: {  	_ =	shalt  }
0x64: {  	_ =	shalt  }
0x65: {  	_ =	shalt  }
0x66: {  	_ =	shalt  }
0x67: {  	_ =	shalt  }
0x68: {  	_ =	shalt  }
0x69: {  	_ =	shalt  }
0x6a: {  	_ =	shalt  }
0x6b: {  	_ =	shalt  }
0x6c: {  	_ =	shalt  }
0x6d: {  	_ =	shalt  }
0x6e: {  	_ =	shalt  }
0x6f: {  	_ =	shalt  }
0x70: {  	_ =	shalt  }
0x71: {  	_ =	shalt  }
0x72: {  	_ =	shalt  }
0x73: {  	_ =	shalt  }
0x74: {  	_ =	shalt  }
0x75: {  	_ =	shalt  }
0x76: {  	_ =	shalt  }
0x77: {  	_ =	shalt  }
0x78: {  	_ =	shalt  }
0x79: {  	_ =	shalt  }
0x7a: {  	_ =	shalt  }
0x7b: {  	_ =	shalt  }
0x7c: {  	_ =	shalt  }
0x7d: {  	_ =	shalt  }
0x7e: {  	_ =	shalt  }
0x7f: {  	_ =	shalt  }
0x80: {  	_ =	shalt  }
0x81: {  	_ =	shalt  }
0x82: {  	_ =	shalt  }
0x83: {  	_ =	shalt  }
0x84: {  	_ =	shalt  }
0x85: {  	_ =	shalt  }
0x86: {  	_ =	shalt  }
0x87: {  	_ =	shalt  }
.Lfunc_end0:
.L_simem_size_0:
called_computation_lowered:
.L_overlay_start_0:
0x88: {  	s2 =	sld [smem:$0x3FD9]  }
0x89: {  	s3 =	sld [smem:$0x3FFE];
	_ =	sdelay $0x1  }
0x8a: {  	s1 =	srdreg.scid  }
0x8b: {  	s0 =	sand.u32 $0x1, s1  }
0x8c: {  	s17 =	sshll.u32 s0, $0xA;
	s2 =	sadd.s32 s3, s2  }
0x8d: {  	s2 =	sadd.s32 s2, s17  }
0x8e: {  	[smem:$0x3FBF] =	sst s2  }
0x8f: {  	_ = 	snop  }
0x90: {  	s18 =	sld [smem:$0x3FD0];
	(tm) =	ssettm $0x1  }
0x91: {  	s19 =	sld [smem:$0x3FFB];
	_ =	sdelay $0x3  }
0x92: {  	_ =	strace s19  }
0x93: {  	s2 =	sld [smem:$0x3FFC];
	_ =	sdelay $0x3  }
0x94: {  	_ =	strace s2  }
0x95: {  	s2 =	sld [smem:$0x3FFD];
	_ =	sdelay $0x3  }
0x96: {  	_ =	strace s2  }
0x97: {  	_ =	strace $0x8FFFFFFF  }
0x98: {  	s20 =	sld [smem:$0x3FDB];
	_ =	sdelay $0x1  }
0x99: {  	s4 =	simm.s32 $_scs_section_size  }
0x9a: {  	s5 =	simm.s32 $_size__tile_overlayer_lowered;
	s6 =	simm.s32 $_tile_overlayer_lowered  }
0x9b: {  	s7 =	simm.s32 $0x1BFF;
	s21 =	sshll.u32 s6, $0x1;
	s4 =	sadd.s32 s4, s20  }
0x9c: {  	s22 =	simm.s32 $0x0;
	s5 =	sshll.u32 s5, $0x1;
	s6 =	sadd.s32 s21, s4  }
0x9d: {  	[timem:s22], [sflag:s7] =	dma.local [hbm:s6], s5  }
0x9e: {  	_ =	swait.ge [sflag:s7], s5  }
0x9f: {  	s5 =	ssub.s32 $0x0, s5;
	[sflag:s7] =	ssyncset.done $0x0  }
0xa0: {  	[sflag:s7] =	ssyncadd.s32 s5;
	_ =	sdelay $0x1  }
0xa1: {  	s23 =	simm.s32 $0x1B8B  }
0xa2: {  	_ =	swait.ge [sflag:s23], $0x1  }
0xa3: {  	[sflag:s23] =	ssyncset.done $0x0  }
0xa4: {  	[sflag:s23] =	ssyncadd.s32 $0xFFFFFFFF  }
0xa5: {  	s5 =	sld [smem:$0x0]  }
0xa6: {  	s6 =	sand.u32 $0xFFFFFFFE, s1  }
0xa7: {  	p0 =	sne.s32 s1, s6  }
0xa8: {  	s6 =	sshll.u32 @p0 s6, $0xE  }
0xa9: {  	s6 =	sadd.s32 @p0 $0x11B8D, s6;
	s7 =	sshll.u32 @p0 s5, $0x11  }
0xaa: {  	s6 =	sor.u32 @p0 s7, s6  }
0xab: {  	[sflag:s6] =	ssyncadd.remote.s32 @p0 $0x1;
	_ =	sdelay $0x1  }
0xac: {  	s6 =	simm.s32 @p0 $0x1B8D  }
0xad: {  	_ =	swait.eq @p0 [sflag:s6], $0x1  }
0xae: {  	[sflag:s6] =	ssyncadd.s32 @p0 $0xFFFFFFFF  }
0xaf: {  	s7 =	sshll.u32 @!p0 s1, $0xE  }
0xb0: {  	s7 =	sor.u32 @!p0 $0x4000, s7;
	s6 =	simm.s32 @!p0 $0x1B8D  }
0xb1: {  	s5 =	sshll.u32 @!p0 s5, $0x11;
	s7 =	sadd.s32 @!p0 $0x11B8D, s7;
	_ =	swait.eq @!p0 [sflag:s6], $0x1  }
0xb2: {  	s5 =	sor.u32 @!p0 s5, s7;
	[sflag:s6] =	ssyncadd.s32 @!p0 $0xFFFFFFFF  }
0xb3: {  	s25 =	simm.s32 $0x1B8E;
	s24 =	sld [smem:$0x3FFE];
	[sflag:s5] =	ssyncadd.remote.s32 @!p0 $0x1  }
0xb4: {  	s26 =	simm.s32 $execute0_lowered;
	[smem:$0x3FD2] =	sst s25  }
0xb5: {  	s6 =	sshll.u32 s26, $0x1;
	_ =	strace $0x8000004C;
	[dreg:$0x1] =	wrdreg $0xFFFFFFFF  }
0xb6: {  	s28 =	simm.s32 $_size_execute0_lowered;
	s4 =	sadd.s32 s4, s6;
	[dreg:$0x0] =	wrdreg $0x0  }
0xb7: {  	s6 =	sshll.u32 s28, $0x1;
	[dreg:$0x2] =	wrdreg s4  }
0xb8: {  	[dreg:$0x3] =	wrdreg s6  }
0xb9: {  	[dreg:$0x4] =	wrdreg $0xC0  }
0xba: {  	_ =	task [dreg:s22], $0x5FFFF  }
0xbb: {  	[dreg:$0x1] =	wrdreg $0xFFFFFFFF  }
0xbc: {  	[dreg:$0x0] =	wrdreg $0x60  }
0xbd: {  	[dreg:$0x2] =	wrdreg s18  }
0xbe: {  	[dreg:$0x3] =	wrdreg s24  }
0xbf: {  	[dreg:$0x4] =	wrdreg $0x9  }
0xc0: {  	_ =	task.clear_ibuf [dreg:s22], $0x5FFFF;
	_ =	strace $0x9000004C  }
0xc1: {  	s29 =	simm.s32 $0x9;
	_ =	strace $0x8000004E  }
0xc2: {  	_ =	swait.ge [sflag:s29], $0x1  }
0xc3: {  	[sflag:s29] =	ssyncadd.s32 $0xFFFFFFFF  }
0xc4: {  	_ =	strace $0x9000004E  }
0xc5: {  	_ =	sfence  }
0xc6: {  	s30 =	sld [smem:$0x0];
	_ =	sdelay $0x2  }
0xc7: {  	s31 =	sshll.u32 s1, $0xD;
	s1 =	sshrl.u32 s1, $0x2  }
0xc8: {  	s4 =	sand.u32 $0x4000, s31;
	s1 =	sadd.s32 s1, s30  }
0xc9: {  	s0 =	sor.u32 s4, s0;
	s1 =	sshll.u32 s1, $0x11  }
0xca: {  	s0 =	sor.u32 s1, s0  }
0xcb: {  	s0 =	sadd.s32 $0x8F2B, s0  }
0xcc: {  	[sflag:s0] =	ssyncadd.remote.s32 $0x1  }
0xcd: {  	_ =	sfence.sel $0xFFFF  }
0xce: {  	[dreg:$0x0] =	wrdreg $0xFFFFFFFF;
	(pc) =	sbr.abs _section_cstart, $3  }
0xcf: {  	[dreg:$0x1] =	wrdreg $0xFFFFFFFF  }
0xd0: {  	_ =	task.clear_ibuf [dreg:s22], $0x2FFFF;
	_ =	strace $0x9FFFFFFF  }
0xd1: {  	(tm) =	ssettm $0x7FFFFFFF  }
tec
execute0_lowered:
.L_overlay_start_1:
0x0: {  	(tag) =	ssettag $0x1  }
0x1: {  	s1 =	rddreg [dreg:$0x0]  }
0x2: {  	s0 =	rddreg [dreg:$0x1];
	s2 =	srdreg.scid;
	s3 =	simm.s32 $0x0  }
0x3: {  	s12 =	stileid.u32;
	s29 =	simm.s32 $0xA;
	s30 =	simm.s32 $0x4400  }
0x4: {  	s31 =	simm.s32 $0xE;
	s2 =	sand.u32 $0x1, s2;
	s23 =	smul.u32 $0xF00, s12  }
0x5: {  	[smem:$0x7FF] =	sst s3;
	s7 =	sadd.s32 $0x339C00, s0;
	s25 =	smul.u32 $0x78000, s12  }
0x6: {  	s9 =	sadd.s32 $0x33D800, s0;
	s4 =	sshll.u32 s2, $0x4;
	s14 =	smul.u32 $0xF000, s2  }
0x7: {  	_ =	strace $0x8000004D;
	s8 =	ssub.s32 $0x2, s2;
	s2 =	smul.u32 $0x780000, s2  }
0x8: {  	s5 =	sor.u32 s12, s4;
	s4 =	sadd.s32 $0xBE00, s0;
	s10 =	sshrl.u32 s8, $0x1  }
0x9: {  	s0 =	sadd.s32 $0x341400, s0;
	s6 =	smul.u32 $0xF00, s5;
	s8 =	ssub.s32 s8, s10  }
0xa: {  	s5 =	smul.u32 $0x78000, s5;
	s26 =	sadd.s32 s23, s14;
	s2 =	sadd.s32 s25, s2  }
0xb: {  	s25 =	simm.s32 $0x1;
	s13 =	smax.u32 s8, $0x1;
	s8 =	sadd.s32 $0x200, s26  }
0xc: {  	s2 =	sshrl.u32 s2, $0x3;
	s26 =	simm.s32 $0x5;
	s6 =	sshrl.u32 s6, $0x3  }
0xd: {  	s5 =	sshrl.u32 s5, $0x3;
	s28 =	sshrl.u32 s8, $0x3;
	s17 =	sadd.s32 s2, s0  }
0xe: {  	s2 =	simm.s32 $0x12;
	s18 =	sadd.s32 s7, s6;
	s19 =	sadd.s32 s9, s6  }
0xf: {  	s20 =	sor.u32 $0x10, s6;
	s21 =	sadd.s32 $0x20, s6;
	s6 =	sadd.s32 $0x30, s6  }
0x10: {  	s5 =	sadd.s32 s0, s5;
	s16 =	sadd.s32 s28, s7;
	[dreg:$0x3] =	wrdreg s18  }
0x11: {  	s0 =	simm.s32 $0x11;
	[dreg:$0x4] =	wrdreg s19;
	s11 =	sadd.s32 s7, s20  }
0x12: {  	s10 =	sadd.s32 s9, s20;
	s22 =	sadd.s32 s7, s21;
	[dreg:$0x5] =	wrdreg s11  }
0x13: {  	s24 =	sadd.s32 s7, s6;
	s6 =	sadd.s32 s9, s6;
	[dreg:$0x6] =	wrdreg s10  }
0x14: {  	s14 =	sadd.s32 $0xE800, s5;
	s5 =	sadd.s32 s28, s9;
	[dreg:$0x7] =	wrdreg s22  }
0x15: {  	s19 =	simm.s32 $0x80;
	s20 =	simm.s32 $0x280;
	[dreg:$0x9] =	wrdreg s24  }
0x16: {  	s18 =	simm.s32 $0x13;
	s11 =	sadd.s32 s9, s21;
	[dreg:$0xa] =	wrdreg s6  }
0x17: {  	s21 =	simm.s32 $0x14;
	s22 =	simm.s32 $0x0;
	[dreg:$0x8] =	wrdreg s11  }
.LBB2_1:
0x18: {  	s6 =	rddreg [dreg:$0x3]  }
0x19: {  	[tilespmem:s3], [sflag:$0x1] =	stream.linear.gather [hbm4b:s6+s3], $0x80, $0x38;
	[tilespmem:$0x10400] =	vst v63  }
0x1a: {  	s24 =	rddreg [dreg:$0x4];
	s7 =	simm.s32 $0x200  }
0x1b: {  	[tilespmem:s7], [sflag:$0x5] =	stream.linear.gather [hbm4b:s24+s3], $0x80, $0x38;
	[tilespmem:$0x10400] =	vst v63  }
0x1c: {  	s8 =	rddreg [dreg:$0x5]  }
0x1d: {  	[tilespmem:s19], [sflag:$0x2] =	stream.linear.gather [hbm4b:s8+s3], $0x80, $0x38;
	[tilespmem:$0x10400] =	vst v63  }
0x1e: {  	s9 =	rddreg [dreg:$0x6]  }
0x1f: {  	[tilespmem:s20], [sflag:$0x6] =	stream.linear.gather [hbm4b:s9+s3], $0x80, $0x38;
	[tilespmem:$0x10400] =	vst v63  }
0x20: {  	s10 =	rddreg [dreg:$0x7];
	s11 =	simm.s32 $0x100  }
0x21: {  	[tilespmem:s11], [sflag:$0x3] =	stream.linear.gather [hbm4b:s10+s3], $0x80, $0x38;
	[tilespmem:$0x10400] =	vst v63  }
0x22: {  	s12 =	rddreg [dreg:$0x8];
	s15 =	simm.s32 $0x300  }
0x23: {  	[tilespmem:s15], [sflag:$0x7] =	stream.linear.gather [hbm4b:s12+s3], $0x80, $0x38;
	[tilespmem:$0x10400] =	vst v63  }
0x24: {  	s23 =	rddreg [dreg:$0x9];
	s24 =	simm.s32 $0x180  }
0x25: {  	[tilespmem:s24], [sflag:$0x4] =	stream.linear.gather [hbm4b:s23+s3], $0x80, $0x38;
	[tilespmem:$0x10400] =	vst v63  }
0x26: {  	s8 =	rddreg [dreg:$0xa];
	s9 =	simm.s32 $0x380  }
0x27: {  	[tilespmem:s9], [sflag:$0x8] =	stream.linear.gather [hbm4b:s8+s3], $0x80, $0x38;
	[tilespmem:$0x10400] =	vst v63  }
0x28: {  	_ =	swait.ge [sflag:s25], $0x80  }
0x29: {  	[sflag:s25] =	ssyncset.done $0x0  }
0x2a: {  	[sflag:s25] =	ssyncadd.s32 $0xFFFFFF80  }
0x2b: {  	s6 =	simm.s32 $0x1;
	_ =	swait.ge [sflag:s26], $0x80  }
0x2c: {  	p0 =	por $0x1, $0x1;
	s7 =	sand.u32 $0x3, s6;
	[sflag:s26] =	ssyncset.done $0x0  }
0x2d: {  	s10 =	simm.s32 $0x400;
	s8 =	sadd.s32 @!p0 $0x11, s7;
	[sflag:s26] =	ssyncadd.s32 $0xFFFFFF80  }
0x2e: {  	[tilespmem:s10], [sflag:$0x9] =	stream.indirect.gather [hbm4b:s1+s19], $0x80, s3, s19, $0xb8;
	[tilespmem:$0x10400] =	vst v63  }
0x2f: {  	_ =	swait.ge @!p0 [sflag:s8], $0x4000  }
0x30: {  	[sflag:s8] =	ssyncset.done @!p0 $0x0  }
0x31: {  	s11 =	sadd.s32 $0x1, s7;
	[sflag:s8] =	ssyncadd.s32 @!p0 $0xFFFFC000  }
0x32: {  	_ =	swait.ge [sflag:s11], $0x80  }
0x33: {  	[sflag:s11] =	ssyncset.done $0x0  }
0x34: {  	s12 =	sadd.s32 $0x5, s7;
	[sflag:s11] =	ssyncadd.s32 $0xFFFFFF80  }
0x35: {  	s15 =	sand.u32 $0x3, s3;
	s9 =	sshll.u32 s7, $0xE;
	_ =	swait.ge [sflag:s12], $0x80  }
0x36: {  	s24 =	sadd.s32 $0x9, s15;
	s23 =	sor.u32 $0x400, s9;
	[sflag:s12] =	ssyncset.done $0x0  }
0x37: {  	s10 =	sshll.u32 s7, $0x7;
	s7 =	sadd.s32 $0x9, s7;
	[sflag:s12] =	ssyncadd.s32 $0xFFFFFF80  }
0x38: {  	[tilespmem:s23], [sflag:s7] =	stream.indirect.gather [hbm4b:s1+s19], $0x80, s10, s19, $0xb8;
	[tilespmem:$0x10400] =	vst v63  }
0x39: {  	s8 =	sshll.u32 s15, $0x7;
	_ =	swait.ge [sflag:s24], $0x4000  }
0x3a: {  	s9 =	sor.u32 $0x200, s8;
	s11 =	sshll.u32 s15, $0xE;
	[sflag:s24] =	ssyncset.done $0x0  }
0x3b: {  	s12 =	sadd.s32 $0xD, s15;
	s7 =	sor.u32 $0x400, s11;
	[sflag:s24] =	ssyncadd.s32 $0xFFFFC000  }
0x3c: {  	[tilespmem:s7], [sflag:s12] =	stream.indirect.gather.add.f32 [hbm:s4], $0x80, s9, s19, $0xb8;
	[tilespmem:$0x10400] =	vst v63  }
0x3d: {  	_ =	swait.ge [sflag:s12], $0x4000  }
0x3e: {  	[sflag:s12] =	ssyncset.done $0x0  }
0x3f: {  	p0 =	por $0x0, $0x0;
	s23 =	sadd.s32 $0x11, s15;
	[sflag:s12] =	ssyncadd.s32 $0xFFFFC000  }
0x40: {  	[hbm4b:s17+s3] =	stream.linear.scatter [tilespmem:s7], [sflag:s23], $0x4000, $0x38;
	[tilespmem:$0x10400] =	vst v63  }
0x41: {  	s10 =	simm.s32 @!p0 $0x0;
	s7 =	sadd.s32 @!p0 $0x1, s15;
	s23 =	simm.s32 $0x2  }
0x42: {  	[tilespmem:s8], [sflag:s7] =	stream.linear.gather @!p0 [hbm4b:s16+s10], $0x80, $0x38;
	[tilespmem:$0x10400] =	vst v63  }
0x43: {  	p1 =	por $0x1, $0x1;
	s7 =	sand.u32 $0x3, s23  }
0x44: {  	s8 =	sadd.s32 @!p0 $0x5, s15;
	s15 =	sadd.s32 @!p1 $0x11, s7  }
0x45: {  	[tilespmem:s9], [sflag:s8] =	stream.linear.gather @!p0 [hbm4b:s5+s10], $0x80, $0x38;
	[tilespmem:$0x10400] =	vst v63  }
0x46: {  	_ =	swait.ge @!p1 [sflag:s15], $0x4000  }
0x47: {  	[sflag:s15] =	ssyncset.done @!p1 $0x0  }
0x48: {  	s24 =	sadd.s32 $0x1, s7;
	[sflag:s15] =	ssyncadd.s32 @!p1 $0xFFFFC000  }
0x49: {  	_ =	swait.ge [sflag:s24], $0x80  }
0x4a: {  	[sflag:s24] =	ssyncset.done $0x0  }
0x4b: {  	s9 =	sadd.s32 $0x5, s7;
	[sflag:s24] =	ssyncadd.s32 $0xFFFFFF80  }
0x4c: {  	s28 =	sand.u32 $0x3, s6;
	s11 =	sshll.u32 s7, $0x7;
	_ =	swait.ge [sflag:s9], $0x80  }
0x4d: {  	s12 =	sadd.s32 $0x9, s7;
	s10 =	sshll.u32 s7, $0xE;
	[sflag:s9] =	ssyncset.done $0x0  }
0x4e: {  	s15 =	sor.u32 $0x400, s10;
	s24 =	sadd.s32 $0x9, s28;
	[sflag:s9] =	ssyncadd.s32 $0xFFFFFF80  }
0x4f: {  	[tilespmem:s15], [sflag:s12] =	stream.indirect.gather [hbm4b:s1+s19], $0x80, s11, s19, $0xb8;
	[tilespmem:$0x10400] =	vst v63  }
0x50: {  	s8 =	sshll.u32 s28, $0x7;
	_ =	swait.ge [sflag:s24], $0x4000  }
0x51: {  	s7 =	sor.u32 $0x200, s8;
	s11 =	sshll.u32 s28, $0xE;
	[sflag:s24] =	ssyncset.done $0x0  }
0x52: {  	s12 =	sadd.s32 $0xD, s28;
	s6 =	sor.u32 $0x400, s11;
	[sflag:s24] =	ssyncadd.s32 $0xFFFFC000  }
0x53: {  	[tilespmem:s6], [sflag:s12] =	stream.indirect.gather.add.f32 [hbm:s4], $0x80, s7, s19, $0xb8;
	[tilespmem:$0x10400] =	vst v63  }
0x54: {  	p0 =	por $0x0, $0x0;
	_ =	swait.ge [sflag:s12], $0x4000  }
0x55: {  	s10 =	simm.s32 @!p0 $0x0;
	[sflag:s12] =	ssyncset.done $0x0  }
0x56: {  	s15 =	sadd.s32 $0x11, s28;
	s24 =	sadd.s32 $0x800, s17;
	[sflag:s12] =	ssyncadd.s32 $0xFFFFC000  }
0x57: {  	[hbm4b:s24+s3] =	stream.linear.scatter [tilespmem:s6], [sflag:s15], $0x4000, $0x38;
	[tilespmem:$0x10400] =	vst v63  }
0x58: {  	s9 =	sadd.s32 @!p0 $0x1, s28;
	s6 =	sadd.s32 $0x10, s16;
	s15 =	smov.u32 s5  }
.LBB2_2:
0x59: {  	s15 =	sadd.s32 $0x10, s15;
	s11 =	smov.u32 s23;
	s23 =	sadd.s32 $0x1, s23  }
0x5a: {  	[tilespmem:s8], [sflag:s9] =	stream.linear.gather @!p0 [hbm4b:s6+s10], $0x80, $0x38;
	[tilespmem:$0x10400] =	vst v63  }
0x5b: {  	s8 =	sand.u32 $0x3, s23;
	p2 =	slt.u32 s11, $0x3;
	s9 =	sadd.s32 @!p0 $0x5, s28  }
0x5c: {  	p1 =	sne.s32 s23, $0x1D;
	s28 =	sadd.s32 @!p2 $0x11, s8;
	s12 =	sshll.u32 s8, $0xE  }
0x5d: {  	[tilespmem:s7], [sflag:s9] =	stream.linear.gather @!p0 [hbm4b:s15+s10], $0x80, $0x38;
	[tilespmem:$0x10400] =	vst v63  }
0x5e: {  	_ =	swait.ge @!p2 [sflag:s28], $0x4000  }
0x5f: {  	[sflag:s28] =	ssyncset.done @!p2 $0x0  }
0x60: {  	s7 =	sadd.s32 $0x1, s8;
	[sflag:s28] =	ssyncadd.s32 @!p2 $0xFFFFC000  }
0x61: {  	_ =	swait.ge [sflag:s7], $0x80  }
0x62: {  	[sflag:s7] =	ssyncset.done $0x0  }
0x63: {  	[sflag:s7] =	ssyncadd.s32 $0xFFFFFF80;
	s7 =	sadd.s32 $0x5, s8  }
0x64: {  	s9 =	sshll.u32 s8, $0x7;
	p0 =	sgt.u32 s11, $0x19;
	_ =	swait.ge [sflag:s7], $0x80  }
0x65: {  	s28 =	sand.u32 $0x3, s11;
	s8 =	sadd.s32 $0x9, s8;
	[sflag:s7] =	ssyncset.done $0x0  }
0x66: {  	s10 =	sadd.s32 $0x9, s28;
	[sflag:s7] =	ssyncadd.s32 $0xFFFFFF80;
	s7 =	sor.u32 $0x400, s12  }
0x67: {  	[tilespmem:s7], [sflag:s8] =	stream.indirect.gather [hbm4b:s1+s19], $0x80, s9, s19, $0xb8;
	[tilespmem:$0x10400] =	vst v63  }
0x68: {  	s7 =	sshll.u32 s28, $0xE;
	s9 =	sadd.s32 @!p0 $0x1, s28;
	_ =	swait.ge [sflag:s10], $0x4000  }
0x69: {  	s11 =	sadd.s32 $0xD, s28;
	s8 =	sshll.u32 s28, $0x7;
	[sflag:s10] =	ssyncset.done $0x0  }
0x6a: {  	s12 =	sor.u32 $0x400, s7;
	s7 =	sor.u32 $0x200, s8;
	[sflag:s10] =	ssyncadd.s32 $0xFFFFC000  }
0x6b: {  	[tilespmem:s12], [sflag:s11] =	stream.indirect.gather.add.f32 [hbm:s4], $0x80, s7, s19, $0xb8;
	[tilespmem:$0x10400] =	vst v63  }
.Ltmp0:
0x6c: {  	_ = 	snop;
	(pc) =	sbr.rel @p1 .LBB2_2-.Ltmp0, $4  }
0x6d: {  	s24 =	sadd.s32 $0x800, s24;
	s10 =	simm.s32 @!p0 $0x0;
	_ =	swait.ge [sflag:s11], $0x4000  }
0x6e: {  	[sflag:s11] =	ssyncset.done $0x0  }
0x6f: {  	s6 =	sadd.s32 $0x10, s6;
	[sflag:s11] =	ssyncadd.s32 $0xFFFFC000;
	s11 =	sadd.s32 $0x11, s28  }
0x70: {  	[hbm4b:s24+s3] =	stream.linear.scatter [tilespmem:s12], [sflag:s11], $0x4000, $0x38;
	[tilespmem:$0x10400] =	vst v63  }
0x71: {  	[tilespmem:s8], [sflag:s9] =	stream.linear.gather @!p0 [hbm4b:s6+s10], $0x80, $0x38;
	[tilespmem:$0x10400] =	vst v63  }
0x72: {  	s6 =	sadd.s32 $0x10, s15;
	s8 =	sadd.s32 @!p0 $0x5, s28  }
0x73: {  	[tilespmem:s7], [sflag:s8] =	stream.linear.gather @!p0 [hbm4b:s6+s10], $0x80, $0x38;
	[tilespmem:$0x10400] =	vst v63  }
0x74: {  	_ =	swait.ge [sflag:s29], $0x4000  }
0x75: {  	[sflag:s29] =	ssyncset.done $0x0  }
0x76: {  	[sflag:s29] =	ssyncadd.s32 $0xFFFFC000  }
0x77: {  	[tilespmem:s30], [sflag:$0xE] =	stream.indirect.gather.add.f32 [hbm:s4], $0x80, s20, s19, $0xb8;
	[tilespmem:$0x10400] =	vst v63  }
0x78: {  	_ =	swait.ge [sflag:s31], $0x4000  }
0x79: {  	[sflag:s31] =	ssyncset.done $0x0  }
0x7a: {  	[sflag:s31] =	ssyncadd.s32 $0xFFFFC000  }
0x7b: {  	[hbm4b:s14+s3] =	stream.linear.scatter [tilespmem:s30], [sflag:$0x12], $0x4000, $0x38;
	[tilespmem:$0x10400] =	vst v63  }
0x7c: {  	_ =	swait.ge [sflag:s0], $0x4000  }
0x7d: {  	[sflag:s0] =	ssyncset.done $0x0  }
0x7e: {  	[sflag:s0] =	ssyncadd.s32 $0xFFFFC000  }
0x7f: {  	_ =	swait.ge [sflag:s2], $0x4000  }
0x80: {  	[sflag:s2] =	ssyncset.done $0x0  }
0x81: {  	s22 =	sadd.s32 $0x1, s22;
	[sflag:s2] =	ssyncadd.s32 $0xFFFFC000  }
0x82: {  	p0 =	sne.s32 s22, s13;
	_ =	swait.ge [sflag:s18], $0x4000  }
.Ltmp1:
0x83: {  	[sflag:s18] =	ssyncset.done $0x0;
	(pc) =	sbr.rel @p0 .LBB2_1-.Ltmp1, $4  }
0x84: {  	[sflag:s18] =	ssyncadd.s32 $0xFFFFC000  }
0x85: {  	_ =	swait.ge [sflag:s21], $0x4000  }
0x86: {  	[sflag:s21] =	ssyncset.done $0x0  }
0x87: {  	[sflag:s21] =	ssyncadd.s32 $0xFFFFC000  }
0x88: {  	_ =	sfence.sel $0x180000  }
0x89: {  	[bflag:$0x0] =	sbarrier.arrive $0xFFFF  }
0x8a: {  	_ =	strace $0x9000004D  }
0x8b: {  	s0 =	stileid.u32;
	[bflag:$0x2] =	sbarrier.arrive $0xFFFF  }
0x8c: {  	p0 =	sne.s32 s0, $0x0;
	s0 =	rddreg [dreg:$0x2]  }
0x8d: {  	s0 =	sadd.s32 @!p0 $0x100000, s0  }
0x8e: {  	[sflag:s0] =	ssyncadd.tile.s32 @!p0 $0x1;
	_ =	shalt  }
.Lfunc_end2:
_tile_overlayer_lowered:
.L_overlay_start_2:
0x8f: {  	(tag) =	ssettag $0x2  }
0x90: {  	s0 =	rddreg [dreg:$0x0];
	s2 =	stileid.u32  }
0x91: {  	s1 =	rddreg [dreg:$0x1];
	p0 =	sne.s32 s2, $0x0  }
0x92: {  	s3 =	rddreg [dreg:$0x2];
	[bflag:$0x3] =	sbarrier.arrive $0xFFFF;
	s2 =	simm.s32 @!p0 $0x1C15  }
0x93: {  	[timem:s3], [sflag:s2] =	dma.local @!p0 [hbm:s0], s1  }
0x94: {  	s0 =	simm.s32 @!p0 $0x15  }
0x95: {  	_ =	swait.ge @!p0 [sflag:s0], s1  }
0x96: {  	s1 =	ssub.s32 @!p0 $0x0, s1;
	[sflag:s0] =	ssyncset.done @!p0 $0x0  }
0x97: {  	[sflag:s0] =	ssyncadd.s32 @!p0 s1  }
0x98: {  	[bflag:$0x3] =	sbarrier.arrive $0xFFFF  }
0x99: {  	_ =	shalt  }

// kernel: kernel.16.cloned.1.call-start
scs
__scs_entry_jumppad:
0x0: {  	(pc) =	sbr.rel $0x88, $3  }
0x1: {  	(tag) =	ssettag $0x0;
	lr =	simm.s32 $0x1  }
0x2: {  	[smem:$0x3F98] =	sst lr;
	_ =	strace $0xD0000000  }
0x3: {  	_ = 	snop  }
0x4: {  	_ = 	snop  }
0x5: {  	_ = 	snop  }
0x6: {  	_ = 	snop  }
0x7: {  	_ = 	snop  }
__scs_overlays_trampoline_lowered:
0x8: {  	[smem:$0x3FA7] =	sst s0  }
0x9: {  	[smem:$0x3FA8] =	sst s1  }
0xa: {  	[smem:$0x3FA9] =	sst s2  }
0xb: {  	[smem:$0x3FAA] =	sst s3  }
0xc: {  	[smem:$0x3FAB] =	sst s4  }
0xd: {  	[smem:$0x3FAC] =	sst s5  }
0xe: {  	[smem:$0x3FAD] =	sst s6  }
0xf: {  	[smem:$0x3FAE] =	sst s7  }
0x10: {  	[smem:$0x3FAF] =	sst s8  }
0x11: {  	[smem:$0x3FB0] =	sst s9;
	s0 =	simm.s32 @!p0 $0x0  }
0x12: {  	s1 =	sld [smem:$0x3F96];
	s0 =	simm.s32 @p0 $0x1  }
0x13: {  	[smem:$0x3FB1] =	sst s0;
	s0 =	simm.s32 @!p1 $0x0  }
0x14: {  	s2 =	sld [smem:$0x3F95];
	s0 =	simm.s32 @p1 $0x1  }
0x15: {  	[smem:$0x3FB2] =	sst s0;
	s0 =	simm.s32 @!p2 $0x0  }
0x16: {  	s3 =	sld [smem:$0x3FDB];
	s0 =	simm.s32 @p2 $0x1  }
0x17: {  	s4 =	simm.s32 $0x1BF5;
	[smem:$0x3FB4] =	sst s0  }
0x18: {  	s0 =	sld [smem:$0x3F97];
	_ =	swait.ge [sflag:s4], $0x0  }
0x19: {  	s7 =	sld [smem:$0x3F98]  }
0x1a: {  	s8 =	sadd.s32 $0xFFFFE003, lr  }
0x1b: {  	s9 =	sadd.s32 $0xFFFFFEF7, lr;
	s5 =	simm.s32 $0xFFFFFFFF;
	p2 =	slt.u32 s8, $0xFFFFF086  }
0x1c: {  	p1 =	slt.u32 s9, $0xF7A;
	s5 =	simm.s32 @!p2 $0x0  }
0x1d: {  	s5 =	simm.s32 @p1 $0x1;
	p0 =	seq.s32 s7, s2  }
0x1e: {  	s7 =	smul.u32 @!p0 $0xF7A, s2;
	p2 =	seq.s32 @!p0 s5, $0x0  }
0x1f: {  	s9 =	smul.u32 $0xF7A, s1;
	s8 =	simm.s32 @!p0 $0x1BF5;
	p2 =	por !p2, p0  }
0x20: {  	[sflag:s8] =	ssyncset.s32 @!p0 $0xFFFFF086;
	s6 =	sadd.s32 @!p0 s3, s7;
	s7 =	simm.s32 @!p0 $0x108  }
0x21: {  	s3 =	sadd.s32 s3, s9;
	s6 =	sadd.s32 @!p0 $0x88, s6;
	s7 =	simm.s32 @p2 $0x1082  }
0x22: {  	[simem:s7], [sflag:s8] =	dma.local @!p0 [hbm:s6], $0xF7A  }
0x23: {  	s9 =	sor.u32 $0xD0000000, s2;
	s6 =	simm.s32 $0x108;
	_ =	swait.ge @!p0 [sflag:s8], $0x0  }
0x24: {  	s3 =	sadd.s32 $0x88, s3;
	s6 =	simm.s32 @!p1 $0x1082;
	[sflag:s4] =	ssyncset.s32 $0xFFFFF086  }
0x25: {  	[simem:s6], [sflag:s4] =	dma.local [hbm:s3], $0xF7A  }
0x26: {  	[smem:$0x3F98] =	sst s1;
	(tag) =	ssettag s2;
	_ =	strace s9  }
0x27: {  	s1 =	sld [smem:$0x3FA8]  }
0x28: {  	s2 =	sld [smem:$0x3FA9]  }
0x29: {  	s4 =	sld [smem:$0x3FAB]  }
0x2a: {  	p0 =	seq.s32 s5, $0x0;
	s5 =	sld [smem:$0x3FAC]  }
0x2b: {  	s6 =	sld [smem:$0x3FAD]  }
0x2c: {  	s7 =	sld [smem:$0x3FAE]  }
0x2d: {  	s3 =	simm.s32 $0x108;
	s8 =	sld [smem:$0x3FAF]  }
0x2e: {  	s3 =	simm.s32 @!p0 $0x1082;
	s9 =	sld [smem:$0x3FB0]  }
0x2f: {  	lr =	sadd.s32 s0, s3;
	s0 =	sld [smem:$0x3FA7]  }
0x30: {  	s3 =	sld [smem:$0x3FAA]  }
0x31: {  	[smem:$0x3FB3] =	sst s10  }
0x32: {  	s10 =	sld [smem:$0x3FB1];
	_ =	sdelay $0x3  }
0x33: {  	p0 =	seq.s32 s10, $0x1;
	s10 =	sld [smem:$0x3FB3];
	_ =	sdelay $0x3  }
0x34: {  	[smem:$0x3FB3] =	sst s10  }
0x35: {  	s10 =	sld [smem:$0x3FB2];
	_ =	sdelay $0x3  }
0x36: {  	p1 =	seq.s32 s10, $0x1;
	s10 =	sld [smem:$0x3FB3];
	_ =	sdelay $0x3  }
0x37: {  	[smem:$0x3FB3] =	sst s10  }
0x38: {  	s10 =	sld [smem:$0x3FB4]  }
0x39: {  	_ = 	snop;
	(pc) =	sbr.ind lr, $3  }
0x3a: {  	_ = 	snop  }
0x3b: {  	_ = 	snop  }
0x3c: {  	p2 =	seq.s32 s10, $0x1;
	s10 =	sld [smem:$0x3FB3]  }
0x3d: {  	_ =	shalt  }
0x3e: {  	_ =	shalt  }
0x3f: {  	_ =	shalt  }
0x40: {  	_ =	shalt  }
0x41: {  	_ =	shalt  }
0x42: {  	_ =	shalt  }
0x43: {  	_ =	shalt  }
0x44: {  	_ =	shalt  }
0x45: {  	_ =	shalt  }
0x46: {  	_ =	shalt  }
0x47: {  	_ =	shalt  }
0x48: {  	_ =	shalt  }
0x49: {  	_ =	shalt  }
0x4a: {  	_ =	shalt  }
0x4b: {  	_ =	shalt  }
0x4c: {  	_ =	shalt  }
0x4d: {  	_ =	shalt  }
0x4e: {  	_ =	shalt  }
0x4f: {  	_ =	shalt  }
0x50: {  	_ =	shalt  }
0x51: {  	_ =	shalt  }
0x52: {  	_ =	shalt  }
0x53: {  	_ =	shalt  }
0x54: {  	_ =	shalt  }
0x55: {  	_ =	shalt  }
0x56: {  	_ =	shalt  }
0x57: {  	_ =	shalt  }
0x58: {  	_ =	shalt  }
0x59: {  	_ =	shalt  }
0x5a: {  	_ =	shalt  }
0x5b: {  	_ =	shalt  }
0x5c: {  	_ =	shalt  }
0x5d: {  	_ =	shalt  }
0x5e: {  	_ =	shalt  }
0x5f: {  	_ =	shalt  }
0x60: {  	_ =	shalt  }
0x61: {  	_ =	shalt  }
0x62: {  	_ =	shalt  }
0x63: {  	_ =	shalt  }
0x64: {  	_ =	shalt  }
0x65: {  	_ =	shalt  }
0x66: {  	_ =	shalt  }
0x67: {  	_ =	shalt  }
0x68: {  	_ =	shalt  }
0x69: {  	_ =	shalt  }
0x6a: {  	_ =	shalt  }
0x6b: {  	_ =	shalt  }
0x6c: {  	_ =	shalt  }
0x6d: {  	_ =	shalt  }
0x6e: {  	_ =	shalt  }
0x6f: {  	_ =	shalt  }
0x70: {  	_ =	shalt  }
0x71: {  	_ =	shalt  }
0x72: {  	_ =	shalt  }
0x73: {  	_ =	shalt  }
0x74: {  	_ =	shalt  }
0x75: {  	_ =	shalt  }
0x76: {  	_ =	shalt  }
0x77: {  	_ =	shalt  }
0x78: {  	_ =	shalt  }
0x79: {  	_ =	shalt  }
0x7a: {  	_ =	shalt  }
0x7b: {  	_ =	shalt  }
0x7c: {  	_ =	shalt  }
0x7d: {  	_ =	shalt  }
0x7e: {  	_ =	shalt  }
0x7f: {  	_ =	shalt  }
0x80: {  	_ =	shalt  }
0x81: {  	_ =	shalt  }
0x82: {  	_ =	shalt  }
0x83: {  	_ =	shalt  }
0x84: {  	_ =	shalt  }
0x85: {  	_ =	shalt  }
0x86: {  	_ =	shalt  }
0x87: {  	_ =	shalt  }
.Lfunc_end0:
.L_simem_size_0:
called_computation.1_lowered:
.L_overlay_start_0:
0x88: {  	s2 =	sld [smem:$0x3FD9]  }
0x89: {  	s3 =	sld [smem:$0x3FFE];
	_ =	sdelay $0x1  }
0x8a: {  	s1 =	srdreg.scid  }
0x8b: {  	s0 =	sand.u32 $0x1, s1  }
0x8c: {  	s17 =	sshll.u32 s0, $0xA;
	s2 =	sadd.s32 s3, s2  }
0x8d: {  	s2 =	sadd.s32 s2, s17  }
0x8e: {  	[smem:$0x3FBF] =	sst s2  }
0x8f: {  	_ = 	snop  }
0x90: {  	s2 =	sld [smem:$0x3FD0];
	(tm) =	ssettm $0x1  }
0x91: {  	s18 =	sld [smem:$0x3FFB];
	_ =	sdelay $0x3  }
0x92: {  	_ =	strace s18  }
0x93: {  	s3 =	sld [smem:$0x3FFC];
	_ =	sdelay $0x3  }
0x94: {  	_ =	strace s3  }
0x95: {  	s3 =	sld [smem:$0x3FFD];
	_ =	sdelay $0x3  }
0x96: {  	_ =	strace s3  }
0x97: {  	_ =	strace $0x8FFFFFFF  }
0x98: {  	s19 =	sld [smem:$0x3FDB];
	_ =	sdelay $0x1  }
0x99: {  	s4 =	simm.s32 $_scs_section_size  }
0x9a: {  	s5 =	simm.s32 $_size__tile_overlayer_lowered;
	s6 =	simm.s32 $_tile_overlayer_lowered  }
0x9b: {  	s22 =	simm.s32 $0x1BFF;
	s21 =	sshll.u32 s6, $0x1;
	s3 =	sadd.s32 s4, s19  }
0x9c: {  	s7 =	simm.s32 $0x0;
	s20 =	sshll.u32 s5, $0x1;
	s5 =	sadd.s32 s21, s3  }
0x9d: {  	[timem:s7], [sflag:s22] =	dma.local [hbm:s5], s20  }
0x9e: {  	_ =	swait.ge [sflag:s22], s20  }
0x9f: {  	s4 =	ssub.s32 $0x0, s20;
	[sflag:s22] =	ssyncset.done $0x0  }
0xa0: {  	[sflag:s22] =	ssyncadd.s32 s4;
	_ =	sdelay $0x1  }
0xa1: {  	s23 =	simm.s32 $0x1B8B  }
0xa2: {  	_ =	swait.ge [sflag:s23], $0x1  }
0xa3: {  	[sflag:s23] =	ssyncset.done $0x0  }
0xa4: {  	s25 =	simm.s32 $0x1B8E;
	s24 =	sld [smem:$0x3FFE];
	[sflag:s23] =	ssyncadd.s32 $0xFFFFFFFF  }
0xa5: {  	s26 =	simm.s32 $execute0_lowered;
	[smem:$0x3FD2] =	sst s25  }
0xa6: {  	s5 =	sshll.u32 s26, $0x1;
	_ =	strace $0x80000046;
	[dreg:$0x1] =	wrdreg $0xFFFFFFFF  }
0xa7: {  	s28 =	simm.s32 $_size_execute0_lowered;
	s3 =	sadd.s32 s3, s5;
	[dreg:$0x0] =	wrdreg $0x0  }
0xa8: {  	s5 =	sshll.u32 s28, $0x1;
	[dreg:$0x2] =	wrdreg s3  }
0xa9: {  	[dreg:$0x3] =	wrdreg s5  }
0xaa: {  	[dreg:$0x4] =	wrdreg $0xC0  }
0xab: {  	_ =	task [dreg:s7], $0x5FFFF  }
0xac: {  	[dreg:$0x1] =	wrdreg $0xFFFFFFFF  }
0xad: {  	[dreg:$0x0] =	wrdreg $0x60  }
0xae: {  	[dreg:$0x2] =	wrdreg s2  }
0xaf: {  	[dreg:$0x3] =	wrdreg s24  }
0xb0: {  	[dreg:$0x4] =	wrdreg $0xA  }
0xb1: {  	_ =	task.clear_ibuf [dreg:s7], $0x5FFFF;
	_ =	strace $0x90000046  }
0xb2: {  	s29 =	simm.s32 $0xA;
	_ =	strace $0x80000048  }
0xb3: {  	_ =	swait.ge [sflag:s29], $0x1  }
0xb4: {  	[sflag:s29] =	ssyncadd.s32 $0xFFFFFFFF  }
0xb5: {  	_ =	strace $0x90000048  }
0xb6: {  	_ =	sfence  }
0xb7: {  	s30 =	sld [smem:$0x0];
	_ =	sdelay $0x2  }
0xb8: {  	s31 =	sshll.u32 s1, $0xD;
	s1 =	sshrl.u32 s1, $0x2  }
0xb9: {  	s3 =	sand.u32 $0x4000, s31;
	s1 =	sadd.s32 s1, s30  }
0xba: {  	s0 =	sor.u32 s3, s0;
	s1 =	sshll.u32 s1, $0x11  }
0xbb: {  	s0 =	sor.u32 s1, s0  }
0xbc: {  	s0 =	sadd.s32 $0x8F2B, s0  }
0xbd: {  	[sflag:s0] =	ssyncadd.remote.s32 $0x1  }
0xbe: {  	_ =	sfence.sel $0xFFFF  }
0xbf: {  	[dreg:$0x0] =	wrdreg $0xFFFFFFFF;
	(pc) =	sbr.abs _section_cstart, $3  }
0xc0: {  	[dreg:$0x1] =	wrdreg $0xFFFFFFFF  }
0xc1: {  	_ =	task.clear_ibuf [dreg:s7], $0x2FFFF;
	_ =	strace $0x9FFFFFFF  }
0xc2: {  	(tm) =	ssettm $0x7FFFFFFF  }
0xc3: {  	_ =	shalt  }
tec
execute0_lowered:
.L_overlay_start_1:
0x0: {  	(tag) =	ssettag $0x1  }
0x1: {  	s1 =	rddreg [dreg:$0x0]  }
0x2: {  	s0 =	rddreg [dreg:$0x1];
	s2 =	srdreg.scid;
	s3 =	simm.s32 $0x0  }
0x3: {  	s12 =	stileid.u32;
	s29 =	simm.s32 $0xA;
	s30 =	simm.s32 $0x4400  }
0x4: {  	s31 =	simm.s32 $0xE;
	s2 =	sand.u32 $0x1, s2;
	s23 =	smul.u32 $0xF00, s12  }
0x5: {  	[smem:$0x7FF] =	sst s3;
	s7 =	sadd.s32 $0x8200, s0;
	s25 =	smul.u32 $0x78000, s12  }
0x6: {  	s9 =	sadd.s32 $0x4600, s0;
	s4 =	sshll.u32 s2, $0x4;
	s14 =	smul.u32 $0xF000, s2  }
0x7: {  	_ =	strace $0x80000047;
	s8 =	ssub.s32 $0x2, s2;
	s2 =	smul.u32 $0x780000, s2  }
0x8: {  	s5 =	sor.u32 s12, s4;
	s4 =	sadd.s32 $0xBE00, s0;
	s10 =	sshrl.u32 s8, $0x1  }
0x9: {  	s0 =	sadd.s32 $0x33000, s0;
	s6 =	smul.u32 $0xF00, s5;
	s8 =	ssub.s32 s8, s10  }
0xa: {  	s5 =	smul.u32 $0x78000, s5;
	s26 =	sadd.s32 s23, s14;
	s2 =	sadd.s32 s25, s2  }
0xb: {  	s25 =	simm.s32 $0x1;
	s13 =	smax.u32 s8, $0x1;
	s8 =	sadd.s32 $0x200, s26  }
0xc: {  	s2 =	sshrl.u32 s2, $0x3;
	s26 =	simm.s32 $0x5;
	s6 =	sshrl.u32 s6, $0x3  }
0xd: {  	s5 =	sshrl.u32 s5, $0x3;
	s28 =	sshrl.u32 s8, $0x3;
	s17 =	sadd.s32 s2, s0  }
0xe: {  	s2 =	simm.s32 $0x12;
	s18 =	sadd.s32 s7, s6;
	s19 =	sadd.s32 s9, s6  }
0xf: {  	s20 =	sor.u32 $0x10, s6;
	s21 =	sadd.s32 $0x20, s6;
	s6 =	sadd.s32 $0x30, s6  }
0x10: {  	s5 =	sadd.s32 s0, s5;
	s16 =	sadd.s32 s28, s7;
	[dreg:$0x3] =	wrdreg s18  }
0x11: {  	s0 =	simm.s32 $0x11;
	[dreg:$0x4] =	wrdreg s19;
	s11 =	sadd.s32 s7, s20  }
0x12: {  	s10 =	sadd.s32 s9, s20;
	s22 =	sadd.s32 s7, s21;
	[dreg:$0x5] =	wrdreg s11  }
0x13: {  	s24 =	sadd.s32 s7, s6;
	s6 =	sadd.s32 s9, s6;
	[dreg:$0x6] =	wrdreg s10  }
0x14: {  	s14 =	sadd.s32 $0xE800, s5;
	s5 =	sadd.s32 s28, s9;
	[dreg:$0x7] =	wrdreg s22  }
0x15: {  	s19 =	simm.s32 $0x80;
	s20 =	simm.s32 $0x280;
	[dreg:$0x9] =	wrdreg s24  }
0x16: {  	s18 =	simm.s32 $0x13;
	s11 =	sadd.s32 s9, s21;
	[dreg:$0xa] =	wrdreg s6  }
0x17: {  	s21 =	simm.s32 $0x14;
	s22 =	simm.s32 $0x0;
	[dreg:$0x8] =	wrdreg s11  }
.LBB2_1:
0x18: {  	s6 =	rddreg [dreg:$0x3]  }
0x19: {  	[tilespmem:s3], [sflag:$0x1] =	stream.linear.gather [hbm4b:s6+s3], $0x80, $0x38;
	[tilespmem:$0x10400] =	vst v63  }
0x1a: {  	s24 =	rddreg [dreg:$0x4];
	s7 =	simm.s32 $0x200  }
0x1b: {  	[tilespmem:s7], [sflag:$0x5] =	stream.linear.gather [hbm4b:s24+s3], $0x80, $0x38;
	[tilespmem:$0x10400] =	vst v63  }
0x1c: {  	s8 =	rddreg [dreg:$0x5]  }
0x1d: {  	[tilespmem:s19], [sflag:$0x2] =	stream.linear.gather [hbm4b:s8+s3], $0x80, $0x38;
	[tilespmem:$0x10400] =	vst v63  }
0x1e: {  	s9 =	rddreg [dreg:$0x6]  }
0x1f: {  	[tilespmem:s20], [sflag:$0x6] =	stream.linear.gather [hbm4b:s9+s3], $0x80, $0x38;
	[tilespmem:$0x10400] =	vst v63  }
0x20: {  	s10 =	rddreg [dreg:$0x7];
	s11 =	simm.s32 $0x100  }
0x21: {  	[tilespmem:s11], [sflag:$0x3] =	stream.linear.gather [hbm4b:s10+s3], $0x80, $0x38;
	[tilespmem:$0x10400] =	vst v63  }
0x22: {  	s12 =	rddreg [dreg:$0x8];
	s15 =	simm.s32 $0x300  }
0x23: {  	[tilespmem:s15], [sflag:$0x7] =	stream.linear.gather [hbm4b:s12+s3], $0x80, $0x38;
	[tilespmem:$0x10400] =	vst v63  }
0x24: {  	s23 =	rddreg [dreg:$0x9];
	s24 =	simm.s32 $0x180  }
0x25: {  	[tilespmem:s24], [sflag:$0x4] =	stream.linear.gather [hbm4b:s23+s3], $0x80, $0x38;
	[tilespmem:$0x10400] =	vst v63  }
0x26: {  	s8 =	rddreg [dreg:$0xa];
	s9 =	simm.s32 $0x380  }
0x27: {  	[tilespmem:s9], [sflag:$0x8] =	stream.linear.gather [hbm4b:s8+s3], $0x80, $0x38;
	[tilespmem:$0x10400] =	vst v63  }
0x28: {  	_ =	swait.ge [sflag:s25], $0x80  }
0x29: {  	[sflag:s25] =	ssyncset.done $0x0  }
0x2a: {  	[sflag:s25] =	ssyncadd.s32 $0xFFFFFF80  }
0x2b: {  	s6 =	simm.s32 $0x1;
	_ =	swait.ge [sflag:s26], $0x80  }
0x2c: {  	p0 =	por $0x1, $0x1;
	s7 =	sand.u32 $0x3, s6;
	[sflag:s26] =	ssyncset.done $0x0  }
0x2d: {  	s10 =	simm.s32 $0x400;
	s8 =	sadd.s32 @!p0 $0x11, s7;
	[sflag:s26] =	ssyncadd.s32 $0xFFFFFF80  }
0x2e: {  	[tilespmem:s10], [sflag:$0x9] =	stream.indirect.gather [hbm4b:s1+s19], $0x80, s3, s19, $0xb8;
	[tilespmem:$0x10400] =	vst v63  }
0x2f: {  	_ =	swait.ge @!p0 [sflag:s8], $0x4000  }
0x30: {  	[sflag:s8] =	ssyncset.done @!p0 $0x0  }
0x31: {  	s11 =	sadd.s32 $0x1, s7;
	[sflag:s8] =	ssyncadd.s32 @!p0 $0xFFFFC000  }
0x32: {  	_ =	swait.ge [sflag:s11], $0x80  }
0x33: {  	[sflag:s11] =	ssyncset.done $0x0  }
0x34: {  	s12 =	sadd.s32 $0x5, s7;
	[sflag:s11] =	ssyncadd.s32 $0xFFFFFF80  }
0x35: {  	s15 =	sand.u32 $0x3, s3;
	s9 =	sshll.u32 s7, $0xE;
	_ =	swait.ge [sflag:s12], $0x80  }
0x36: {  	s24 =	sadd.s32 $0x9, s15;
	s23 =	sor.u32 $0x400, s9;
	[sflag:s12] =	ssyncset.done $0x0  }
0x37: {  	s10 =	sshll.u32 s7, $0x7;
	s7 =	sadd.s32 $0x9, s7;
	[sflag:s12] =	ssyncadd.s32 $0xFFFFFF80  }
0x38: {  	[tilespmem:s23], [sflag:s7] =	stream.indirect.gather [hbm4b:s1+s19], $0x80, s10, s19, $0xb8;
	[tilespmem:$0x10400] =	vst v63  }
0x39: {  	s8 =	sshll.u32 s15, $0x7;
	_ =	swait.ge [sflag:s24], $0x4000  }
0x3a: {  	s9 =	sor.u32 $0x200, s8;
	s11 =	sshll.u32 s15, $0xE;
	[sflag:s24] =	ssyncset.done $0x0  }
0x3b: {  	s12 =	sadd.s32 $0xD, s15;
	s7 =	sor.u32 $0x400, s11;
	[sflag:s24] =	ssyncadd.s32 $0xFFFFC000  }
0x3c: {  	[tilespmem:s7], [sflag:s12] =	stream.indirect.gather.add.f32 [hbm:s4], $0x80, s9, s19, $0xb8;
	[tilespmem:$0x10400] =	vst v63  }
0x3d: {  	_ =	swait.ge [sflag:s12], $0x4000  }
0x3e: {  	[sflag:s12] =	ssyncset.done $0x0  }
0x3f: {  	p0 =	por $0x0, $0x0;
	s23 =	sadd.s32 $0x11, s15;
	[sflag:s12] =	ssyncadd.s32 $0xFFFFC000  }
0x40: {  	[hbm4b:s17+s3] =	stream.linear.scatter [tilespmem:s7], [sflag:s23], $0x4000, $0x38;
	[tilespmem:$0x10400] =	vst v63  }
0x41: {  	s10 =	simm.s32 @!p0 $0x0;
	s7 =	sadd.s32 @!p0 $0x1, s15;
	s23 =	simm.s32 $0x2  }
0x42: {  	[tilespmem:s8], [sflag:s7] =	stream.linear.gather @!p0 [hbm4b:s16+s10], $0x80, $0x38;
	[tilespmem:$0x10400] =	vst v63  }
0x43: {  	p1 =	por $0x1, $0x1;
	s7 =	sand.u32 $0x3, s23  }
0x44: {  	s8 =	sadd.s32 @!p0 $0x5, s15;
	s15 =	sadd.s32 @!p1 $0x11, s7  }
0x45: {  	[tilespmem:s9], [sflag:s8] =	stream.linear.gather @!p0 [hbm4b:s5+s10], $0x80, $0x38;
	[tilespmem:$0x10400] =	vst v63  }
0x46: {  	_ =	swait.ge @!p1 [sflag:s15], $0x4000  }
0x47: {  	[sflag:s15] =	ssyncset.done @!p1 $0x0  }
0x48: {  	s24 =	sadd.s32 $0x1, s7;
	[sflag:s15] =	ssyncadd.s32 @!p1 $0xFFFFC000  }
0x49: {  	_ =	swait.ge [sflag:s24], $0x80  }
0x4a: {  	[sflag:s24] =	ssyncset.done $0x0  }
0x4b: {  	s9 =	sadd.s32 $0x5, s7;
	[sflag:s24] =	ssyncadd.s32 $0xFFFFFF80  }
0x4c: {  	s28 =	sand.u32 $0x3, s6;
	s11 =	sshll.u32 s7, $0x7;
	_ =	swait.ge [sflag:s9], $0x80  }
0x4d: {  	s12 =	sadd.s32 $0x9, s7;
	s10 =	sshll.u32 s7, $0xE;
	[sflag:s9] =	ssyncset.done $0x0  }
0x4e: {  	s15 =	sor.u32 $0x400, s10;
	s24 =	sadd.s32 $0x9, s28;
	[sflag:s9] =	ssyncadd.s32 $0xFFFFFF80  }
0x4f: {  	[tilespmem:s15], [sflag:s12] =	stream.indirect.gather [hbm4b:s1+s19], $0x80, s11, s19, $0xb8;
	[tilespmem:$0x10400] =	vst v63  }
0x50: {  	s8 =	sshll.u32 s28, $0x7;
	_ =	swait.ge [sflag:s24], $0x4000  }
0x51: {  	s7 =	sor.u32 $0x200, s8;
	s11 =	sshll.u32 s28, $0xE;
	[sflag:s24] =	ssyncset.done $0x0  }
0x52: {  	s12 =	sadd.s32 $0xD, s28;
	s6 =	sor.u32 $0x400, s11;
	[sflag:s24] =	ssyncadd.s32 $0xFFFFC000  }
0x53: {  	[tilespmem:s6], [sflag:s12] =	stream.indirect.gather.add.f32 [hbm:s4], $0x80, s7, s19, $0xb8;
	[tilespmem:$0x10400] =	vst v63  }
0x54: {  	p0 =	por $0x0, $0x0;
	_ =	swait.ge [sflag:s12], $0x4000  }
0x55: {  	s10 =	simm.s32 @!p0 $0x0;
	[sflag:s12] =	ssyncset.done $0x0  }
0x56: {  	s15 =	sadd.s32 $0x11, s28;
	s24 =	sadd.s32 $0x800, s17;
	[sflag:s12] =	ssyncadd.s32 $0xFFFFC000  }
0x57: {  	[hbm4b:s24+s3] =	stream.linear.scatter [tilespmem:s6], [sflag:s15], $0x4000, $0x38;
	[tilespmem:$0x10400] =	vst v63  }
0x58: {  	s9 =	sadd.s32 @!p0 $0x1, s28;
	s6 =	sadd.s32 $0x10, s16;
	s15 =	smov.u32 s5  }
.LBB2_2:
0x59: {  	s15 =	sadd.s32 $0x10, s15;
	s11 =	smov.u32 s23;
	s23 =	sadd.s32 $0x1, s23  }
0x5a: {  	[tilespmem:s8], [sflag:s9] =	stream.linear.gather @!p0 [hbm4b:s6+s10], $0x80, $0x38;
	[tilespmem:$0x10400] =	vst v63  }
0x5b: {  	s8 =	sand.u32 $0x3, s23;
	p2 =	slt.u32 s11, $0x3;
	s9 =	sadd.s32 @!p0 $0x5, s28  }
0x5c: {  	p1 =	sne.s32 s23, $0x1D;
	s28 =	sadd.s32 @!p2 $0x11, s8;
	s12 =	sshll.u32 s8, $0xE  }
0x5d: {  	[tilespmem:s7], [sflag:s9] =	stream.linear.gather @!p0 [hbm4b:s15+s10], $0x80, $0x38;
	[tilespmem:$0x10400] =	vst v63  }
0x5e: {  	_ =	swait.ge @!p2 [sflag:s28], $0x4000  }
0x5f: {  	[sflag:s28] =	ssyncset.done @!p2 $0x0  }
0x60: {  	s7 =	sadd.s32 $0x1, s8;
	[sflag:s28] =	ssyncadd.s32 @!p2 $0xFFFFC000  }
0x61: {  	_ =	swait.ge [sflag:s7], $0x80  }
0x62: {  	[sflag:s7] =	ssyncset.done $0x0  }
0x63: {  	[sflag:s7] =	ssyncadd.s32 $0xFFFFFF80;
	s7 =	sadd.s32 $0x5, s8  }
0x64: {  	s9 =	sshll.u32 s8, $0x7;
	p0 =	sgt.u32 s11, $0x19;
	_ =	swait.ge [sflag:s7], $0x80  }
0x65: {  	s28 =	sand.u32 $0x3, s11;
	s8 =	sadd.s32 $0x9, s8;
	[sflag:s7] =	ssyncset.done $0x0  }
0x66: {  	s10 =	sadd.s32 $0x9, s28;
	[sflag:s7] =	ssyncadd.s32 $0xFFFFFF80;
	s7 =	sor.u32 $0x400, s12  }
0x67: {  	[tilespmem:s7], [sflag:s8] =	stream.indirect.gather [hbm4b:s1+s19], $0x80, s9, s19, $0xb8;
	[tilespmem:$0x10400] =	vst v63  }
0x68: {  	s7 =	sshll.u32 s28, $0xE;
	s9 =	sadd.s32 @!p0 $0x1, s28;
	_ =	swait.ge [sflag:s10], $0x4000  }
0x69: {  	s11 =	sadd.s32 $0xD, s28;
	s8 =	sshll.u32 s28, $0x7;
	[sflag:s10] =	ssyncset.done $0x0  }
0x6a: {  	s12 =	sor.u32 $0x400, s7;
	s7 =	sor.u32 $0x200, s8;
	[sflag:s10] =	ssyncadd.s32 $0xFFFFC000  }
0x6b: {  	[tilespmem:s12], [sflag:s11] =	stream.indirect.gather.add.f32 [hbm:s4], $0x80, s7, s19, $0xb8;
	[tilespmem:$0x10400] =	vst v63  }
.Ltmp0:
0x6c: {  	_ = 	snop;
	(pc) =	sbr.rel @p1 .LBB2_2-.Ltmp0, $4  }
0x6d: {  	s24 =	sadd.s32 $0x800, s24;
	s10 =	simm.s32 @!p0 $0x0;
	_ =	swait.ge [sflag:s11], $0x4000  }
0x6e: {  	[sflag:s11] =	ssyncset.done $0x0  }
0x6f: {  	s6 =	sadd.s32 $0x10, s6;
	[sflag:s11] =	ssyncadd.s32 $0xFFFFC000;
	s11 =	sadd.s32 $0x11, s28  }
0x70: {  	[hbm4b:s24+s3] =	stream.linear.scatter [tilespmem:s12], [sflag:s11], $0x4000, $0x38;
	[tilespmem:$0x10400] =	vst v63  }
0x71: {  	[tilespmem:s8], [sflag:s9] =	stream.linear.gather @!p0 [hbm4b:s6+s10], $0x80, $0x38;
	[tilespmem:$0x10400] =	vst v63  }
0x72: {  	s6 =	sadd.s32 $0x10, s15;
	s8 =	sadd.s32 @!p0 $0x5, s28  }
0x73: {  	[tilespmem:s7], [sflag:s8] =	stream.linear.gather @!p0 [hbm4b:s6+s10], $0x80, $0x38;
	[tilespmem:$0x10400] =	vst v63  }
0x74: {  	_ =	swait.ge [sflag:s29], $0x4000  }
0x75: {  	[sflag:s29] =	ssyncset.done $0x0  }
0x76: {  	[sflag:s29] =	ssyncadd.s32 $0xFFFFC000  }
0x77: {  	[tilespmem:s30], [sflag:$0xE] =	stream.indirect.gather.add.f32 [hbm:s4], $0x80, s20, s19, $0xb8;
	[tilespmem:$0x10400] =	vst v63  }
0x78: {  	_ =	swait.ge [sflag:s31], $0x4000  }
0x79: {  	[sflag:s31] =	ssyncset.done $0x0  }
0x7a: {  	[sflag:s31] =	ssyncadd.s32 $0xFFFFC000  }
0x7b: {  	[hbm4b:s14+s3] =	stream.linear.scatter [tilespmem:s30], [sflag:$0x12], $0x4000, $0x38;
	[tilespmem:$0x10400] =	vst v63  }
0x7c: {  	_ =	swait.ge [sflag:s0], $0x4000  }
0x7d: {  	[sflag:s0] =	ssyncset.done $0x0  }
0x7e: {  	[sflag:s0] =	ssyncadd.s32 $0xFFFFC000  }
0x7f: {  	_ =	swait.ge [sflag:s2], $0x4000  }
0x80: {  	[sflag:s2] =	ssyncset.done $0x0  }
0x81: {  	s22 =	sadd.s32 $0x1, s22;
	[sflag:s2] =	ssyncadd.s32 $0xFFFFC000  }
0x82: {  	p0 =	sne.s32 s22, s13;
	_ =	swait.ge [sflag:s18], $0x4000  }
.Ltmp1:
0x83: {  	[sflag:s18] =	ssyncset.done $0x0;
	(pc) =	sbr.rel @p0 .LBB2_1-.Ltmp1, $4  }
0x84: {  	[sflag:s18] =	ssyncadd.s32 $0xFFFFC000  }
0x85: {  	_ =	swait.ge [sflag:s21], $0x4000  }
0x86: {  	[sflag:s21] =	ssyncset.done $0x0  }
0x87: {  	[sflag:s21] =	ssyncadd.s32 $0xFFFFC000  }
0x88: {  	_ =	sfence.sel $0x180000  }
0x89: {  	[bflag:$0x0] =	sbarrier.arrive $0xFFFF  }
0x8a: {  	_ =	strace $0x90000047  }
0x8b: {  	s0 =	stileid.u32;
	[bflag:$0x2] =	sbarrier.arrive $0xFFFF  }
0x8c: {  	p0 =	sne.s32 s0, $0x0;
	s0 =	rddreg [dreg:$0x2]  }
0x8d: {  	s0 =	sadd.s32 @!p0 $0x100000, s0  }
0x8e: {  	[sflag:s0] =	ssyncadd.tile.s32 @!p0 $0x1;
	_ =	shalt  }
.Lfunc_end2:
_tile_overlayer_lowered:
.L_overlay_start_2:
0x8f: {  	(tag) =	ssettag $0x2  }
0x90: {  	s0 =	rddreg [dreg:$0x0];
	s2 =	stileid.u32  }
0x91: {  	s1 =	rddreg [dreg:$0x1];
	p0 =	sne.s32 s2, $0x0  }
0x92: {  	s3 =	rddreg [dreg:$0x2];
	[bflag:$0x3] =	sbarrier.arrive $0xFFFF;
	s2 =	simm.s32 @!p0 $0x1C15  }
0x93: {  	[timem:s3], [sflag:s2] =	dma.local @!p0 [hbm:s0], s1  }
0x94: {  	s0 =	simm.s32 @!p0 $0x15  }
0x95: {  	_ =	swait.ge @!p0 [sflag:s0], s1  }
0x96: {  	s1 =	ssub.s32 @!p0 $0x0, s1;
	[sflag:s0] =	ssyncset.done @!p0 $0x0  }
0x97: {  	[sflag:s0] =	ssyncadd.s32 @!p0 s1  }
0x98: {  	[bflag:$0x3] =	sbarrier.arrive $0xFFFF  }
0x99: {  	_ =	shalt  }

// kernel: kernel.19.cloned.1.call-start
scs
__scs_entry_jumppad:
0x0: {  	(pc) =	sbr.rel $0x88, $3  }
0x1: {  	(tag) =	ssettag $0x0;
	lr =	simm.s32 $0x1  }
0x2: {  	[smem:$0x3F98] =	sst lr;
	_ =	strace $0xD0000000  }
0x3: {  	_ = 	snop  }
0x4: {  	_ = 	snop  }
0x5: {  	_ = 	snop  }
0x6: {  	_ = 	snop  }
0x7: {  	_ = 	snop  }
__scs_overlays_trampoline_lowered:
0x8: {  	[smem:$0x3FA7] =	sst s0  }
0x9: {  	[smem:$0x3FA8] =	sst s1  }
0xa: {  	[smem:$0x3FA9] =	sst s2  }
0xb: {  	[smem:$0x3FAA] =	sst s3  }
0xc: {  	[smem:$0x3FAB] =	sst s4  }
0xd: {  	[smem:$0x3FAC] =	sst s5  }
0xe: {  	[smem:$0x3FAD] =	sst s6  }
0xf: {  	[smem:$0x3FAE] =	sst s7  }
0x10: {  	[smem:$0x3FAF] =	sst s8  }
0x11: {  	[smem:$0x3FB0] =	sst s9;
	s0 =	simm.s32 @!p0 $0x0  }
0x12: {  	s1 =	sld [smem:$0x3F96];
	s0 =	simm.s32 @p0 $0x1  }
0x13: {  	[smem:$0x3FB1] =	sst s0;
	s0 =	simm.s32 @!p1 $0x0  }
0x14: {  	s2 =	sld [smem:$0x3F95];
	s0 =	simm.s32 @p1 $0x1  }
0x15: {  	[smem:$0x3FB2] =	sst s0;
	s0 =	simm.s32 @!p2 $0x0  }
0x16: {  	s3 =	sld [smem:$0x3FDB];
	s0 =	simm.s32 @p2 $0x1  }
0x17: {  	s4 =	simm.s32 $0x1BF5;
	[smem:$0x3FB4] =	sst s0  }
0x18: {  	s0 =	sld [smem:$0x3F97];
	_ =	swait.ge [sflag:s4], $0x0  }
0x19: {  	s7 =	sld [smem:$0x3F98]  }
0x1a: {  	s8 =	sadd.s32 $0xFFFFE003, lr  }
0x1b: {  	s9 =	sadd.s32 $0xFFFFFEF7, lr;
	s5 =	simm.s32 $0xFFFFFFFF;
	p2 =	slt.u32 s8, $0xFFFFF086  }
0x1c: {  	p1 =	slt.u32 s9, $0xF7A;
	s5 =	simm.s32 @!p2 $0x0  }
0x1d: {  	s5 =	simm.s32 @p1 $0x1;
	p0 =	seq.s32 s7, s2  }
0x1e: {  	s7 =	smul.u32 @!p0 $0xF7A, s2;
	p2 =	seq.s32 @!p0 s5, $0x0  }
0x1f: {  	s9 =	smul.u32 $0xF7A, s1;
	s8 =	simm.s32 @!p0 $0x1BF5;
	p2 =	por !p2, p0  }
0x20: {  	[sflag:s8] =	ssyncset.s32 @!p0 $0xFFFFF086;
	s6 =	sadd.s32 @!p0 s3, s7;
	s7 =	simm.s32 @!p0 $0x108  }
0x21: {  	s3 =	sadd.s32 s3, s9;
	s6 =	sadd.s32 @!p0 $0x88, s6;
	s7 =	simm.s32 @p2 $0x1082  }
0x22: {  	[simem:s7], [sflag:s8] =	dma.local @!p0 [hbm:s6], $0xF7A  }
0x23: {  	s9 =	sor.u32 $0xD0000000, s2;
	s6 =	simm.s32 $0x108;
	_ =	swait.ge @!p0 [sflag:s8], $0x0  }
0x24: {  	s3 =	sadd.s32 $0x88, s3;
	s6 =	simm.s32 @!p1 $0x1082;
	[sflag:s4] =	ssyncset.s32 $0xFFFFF086  }
0x25: {  	[simem:s6], [sflag:s4] =	dma.local [hbm:s3], $0xF7A  }
0x26: {  	[smem:$0x3F98] =	sst s1;
	(tag) =	ssettag s2;
	_ =	strace s9  }
0x27: {  	s1 =	sld [smem:$0x3FA8]  }
0x28: {  	s2 =	sld [smem:$0x3FA9]  }
0x29: {  	s4 =	sld [smem:$0x3FAB]  }
0x2a: {  	p0 =	seq.s32 s5, $0x0;
	s5 =	sld [smem:$0x3FAC]  }
0x2b: {  	s6 =	sld [smem:$0x3FAD]  }
0x2c: {  	s7 =	sld [smem:$0x3FAE]  }
0x2d: {  	s3 =	simm.s32 $0x108;
	s8 =	sld [smem:$0x3FAF]  }
0x2e: {  	s3 =	simm.s32 @!p0 $0x1082;
	s9 =	sld [smem:$0x3FB0]  }
0x2f: {  	lr =	sadd.s32 s0, s3;
	s0 =	sld [smem:$0x3FA7]  }
0x30: {  	s3 =	sld [smem:$0x3FAA]  }
0x31: {  	[smem:$0x3FB3] =	sst s10  }
0x32: {  	s10 =	sld [smem:$0x3FB1];
	_ =	sdelay $0x3  }
0x33: {  	p0 =	seq.s32 s10, $0x1;
	s10 =	sld [smem:$0x3FB3];
	_ =	sdelay $0x3  }
0x34: {  	[smem:$0x3FB3] =	sst s10  }
0x35: {  	s10 =	sld [smem:$0x3FB2];
	_ =	sdelay $0x3  }
0x36: {  	p1 =	seq.s32 s10, $0x1;
	s10 =	sld [smem:$0x3FB3];
	_ =	sdelay $0x3  }
0x37: {  	[smem:$0x3FB3] =	sst s10  }
0x38: {  	s10 =	sld [smem:$0x3FB4]  }
0x39: {  	_ = 	snop;
	(pc) =	sbr.ind lr, $3  }
0x3a: {  	_ = 	snop  }
0x3b: {  	_ = 	snop  }
0x3c: {  	p2 =	seq.s32 s10, $0x1;
	s10 =	sld [smem:$0x3FB3]  }
0x3d: {  	_ =	shalt  }
0x3e: {  	_ =	shalt  }
0x3f: {  	_ =	shalt  }
0x40: {  	_ =	shalt  }
0x41: {  	_ =	shalt  }
0x42: {  	_ =	shalt  }
0x43: {  	_ =	shalt  }
0x44: {  	_ =	shalt  }
0x45: {  	_ =	shalt  }
0x46: {  	_ =	shalt  }
0x47: {  	_ =	shalt  }
0x48: {  	_ =	shalt  }
0x49: {  	_ =	shalt  }
0x4a: {  	_ =	shalt  }
0x4b: {  	_ =	shalt  }
0x4c: {  	_ =	shalt  }
0x4d: {  	_ =	shalt  }
0x4e: {  	_ =	shalt  }
0x4f: {  	_ =	shalt  }
0x50: {  	_ =	shalt  }
0x51: {  	_ =	shalt  }
0x52: {  	_ =	shalt  }
0x53: {  	_ =	shalt  }
0x54: {  	_ =	shalt  }
0x55: {  	_ =	shalt  }
0x56: {  	_ =	shalt  }
0x57: {  	_ =	shalt  }
0x58: {  	_ =	shalt  }
0x59: {  	_ =	shalt  }
0x5a: {  	_ =	shalt  }
0x5b: {  	_ =	shalt  }
0x5c: {  	_ =	shalt  }
0x5d: {  	_ =	shalt  }
0x5e: {  	_ =	shalt  }
0x5f: {  	_ =	shalt  }
0x60: {  	_ =	shalt  }
0x61: {  	_ =	shalt  }
0x62: {  	_ =	shalt  }
0x63: {  	_ =	shalt  }
0x64: {  	_ =	shalt  }
0x65: {  	_ =	shalt  }
0x66: {  	_ =	shalt  }
0x67: {  	_ =	shalt  }
0x68: {  	_ =	shalt  }
0x69: {  	_ =	shalt  }
0x6a: {  	_ =	shalt  }
0x6b: {  	_ =	shalt  }
0x6c: {  	_ =	shalt  }
0x6d: {  	_ =	shalt  }
0x6e: {  	_ =	shalt  }
0x6f: {  	_ =	shalt  }
0x70: {  	_ =	shalt  }
0x71: {  	_ =	shalt  }
0x72: {  	_ =	shalt  }
0x73: {  	_ =	shalt  }
0x74: {  	_ =	shalt  }
0x75: {  	_ =	shalt  }
0x76: {  	_ =	shalt  }
0x77: {  	_ =	shalt  }
0x78: {  	_ =	shalt  }
0x79: {  	_ =	shalt  }
0x7a: {  	_ =	shalt  }
0x7b: {  	_ =	shalt  }
0x7c: {  	_ =	shalt  }
0x7d: {  	_ =	shalt  }
0x7e: {  	_ =	shalt  }
0x7f: {  	_ =	shalt  }
0x80: {  	_ =	shalt  }
0x81: {  	_ =	shalt  }
0x82: {  	_ =	shalt  }
0x83: {  	_ =	shalt  }
0x84: {  	_ =	shalt  }
0x85: {  	_ =	shalt  }
0x86: {  	_ =	shalt  }
0x87: {  	_ =	shalt  }
.Lfunc_end0:
.L_simem_size_0:
called_computation.2_lowered:
.L_overlay_start_0:
0x88: {  	s2 =	sld [smem:$0x3FD9]  }
0x89: {  	s3 =	sld [smem:$0x3FFE];
	_ =	sdelay $0x1  }
0x8a: {  	s1 =	srdreg.scid  }
0x8b: {  	s0 =	sand.u32 $0x1, s1  }
0x8c: {  	s17 =	sshll.u32 s0, $0xA;
	s2 =	sadd.s32 s3, s2  }
0x8d: {  	s2 =	sadd.s32 s2, s17  }
0x8e: {  	[smem:$0x3FBF] =	sst s2  }
0x8f: {  	_ = 	snop  }
0x90: {  	s18 =	sld [smem:$0x3FD0];
	(tm) =	ssettm $0x1  }
0x91: {  	s19 =	sld [smem:$0x3FFB];
	_ =	sdelay $0x3  }
0x92: {  	_ =	strace s19  }
0x93: {  	s2 =	sld [smem:$0x3FFC];
	_ =	sdelay $0x3  }
0x94: {  	_ =	strace s2  }
0x95: {  	s2 =	sld [smem:$0x3FFD];
	_ =	sdelay $0x3  }
0x96: {  	_ =	strace s2  }
0x97: {  	_ =	strace $0x8FFFFFFF  }
0x98: {  	s20 =	sld [smem:$0x3FDB];
	_ =	sdelay $0x1  }
0x99: {  	s4 =	simm.s32 $_scs_section_size  }
0x9a: {  	s5 =	simm.s32 $_size__tile_overlayer_lowered;
	s6 =	simm.s32 $_tile_overlayer_lowered  }
0x9b: {  	s7 =	simm.s32 $0x1BFF;
	s21 =	sshll.u32 s6, $0x1;
	s4 =	sadd.s32 s4, s20  }
0x9c: {  	s22 =	simm.s32 $0x0;
	s5 =	sshll.u32 s5, $0x1;
	s6 =	sadd.s32 s21, s4  }
0x9d: {  	[timem:s22], [sflag:s7] =	dma.local [hbm:s6], s5  }
0x9e: {  	_ =	swait.ge [sflag:s7], s5  }
0x9f: {  	s5 =	ssub.s32 $0x0, s5;
	[sflag:s7] =	ssyncset.done $0x0  }
0xa0: {  	[sflag:s7] =	ssyncadd.s32 s5;
	_ =	sdelay $0x1  }
0xa1: {  	s23 =	simm.s32 $0x1B8B  }
0xa2: {  	_ =	swait.ge [sflag:s23], $0x1  }
0xa3: {  	[sflag:s23] =	ssyncset.done $0x0  }
0xa4: {  	[sflag:s23] =	ssyncadd.s32 $0xFFFFFFFF  }
0xa5: {  	s5 =	sld [smem:$0x0]  }
0xa6: {  	s6 =	sand.u32 $0xFFFFFFFE, s1  }
0xa7: {  	p0 =	sne.s32 s1, s6  }
0xa8: {  	s6 =	sshll.u32 @p0 s6, $0xE  }
0xa9: {  	s6 =	sadd.s32 @p0 $0x11B8D, s6;
	s7 =	sshll.u32 @p0 s5, $0x11  }
0xaa: {  	s6 =	sor.u32 @p0 s7, s6  }
0xab: {  	[sflag:s6] =	ssyncadd.remote.s32 @p0 $0x1;
	_ =	sdelay $0x1  }
0xac: {  	s6 =	simm.s32 @p0 $0x1B8D  }
0xad: {  	_ =	swait.eq @p0 [sflag:s6], $0x1  }
0xae: {  	[sflag:s6] =	ssyncadd.s32 @p0 $0xFFFFFFFF  }
0xaf: {  	s7 =	sshll.u32 @!p0 s1, $0xE  }
0xb0: {  	s7 =	sor.u32 @!p0 $0x4000, s7;
	s6 =	simm.s32 @!p0 $0x1B8D  }
0xb1: {  	s5 =	sshll.u32 @!p0 s5, $0x11;
	s7 =	sadd.s32 @!p0 $0x11B8D, s7;
	_ =	swait.eq @!p0 [sflag:s6], $0x1  }
0xb2: {  	s5 =	sor.u32 @!p0 s5, s7;
	[sflag:s6] =	ssyncadd.s32 @!p0 $0xFFFFFFFF  }
0xb3: {  	s25 =	simm.s32 $0x1B8E;
	s24 =	sld [smem:$0x3FFE];
	[sflag:s5] =	ssyncadd.remote.s32 @!p0 $0x1  }
0xb4: {  	s26 =	simm.s32 $execute0_lowered;
	[smem:$0x3FD2] =	sst s25  }
0xb5: {  	s6 =	sshll.u32 s26, $0x1;
	_ =	strace $0x80000049;
	[dreg:$0x1] =	wrdreg $0xFFFFFFFF  }
0xb6: {  	s28 =	simm.s32 $_size_execute0_lowered;
	s4 =	sadd.s32 s4, s6;
	[dreg:$0x0] =	wrdreg $0x0  }
0xb7: {  	s6 =	sshll.u32 s28, $0x1;
	[dreg:$0x2] =	wrdreg s4  }
0xb8: {  	[dreg:$0x3] =	wrdreg s6  }
0xb9: {  	[dreg:$0x4] =	wrdreg $0xC0  }
0xba: {  	_ =	task [dreg:s22], $0x5FFFF  }
0xbb: {  	[dreg:$0x1] =	wrdreg $0xFFFFFFFF  }
0xbc: {  	[dreg:$0x0] =	wrdreg $0x60  }
0xbd: {  	[dreg:$0x2] =	wrdreg s18  }
0xbe: {  	[dreg:$0x3] =	wrdreg s24  }
0xbf: {  	[dreg:$0x4] =	wrdreg $0xB  }
0xc0: {  	_ =	task.clear_ibuf [dreg:s22], $0x5FFFF;
	_ =	strace $0x90000049  }
0xc1: {  	s29 =	simm.s32 $0xB;
	_ =	strace $0x8000004B  }
0xc2: {  	_ =	swait.ge [sflag:s29], $0x1  }
0xc3: {  	[sflag:s29] =	ssyncadd.s32 $0xFFFFFFFF  }
0xc4: {  	_ =	strace $0x9000004B  }
0xc5: {  	_ =	sfence  }
0xc6: {  	s30 =	sld [smem:$0x0];
	_ =	sdelay $0x2  }
0xc7: {  	s31 =	sshll.u32 s1, $0xD;
	s1 =	sshrl.u32 s1, $0x2  }
0xc8: {  	s4 =	sand.u32 $0x4000, s31;
	s1 =	sadd.s32 s1, s30  }
0xc9: {  	s0 =	sor.u32 s4, s0;
	s1 =	sshll.u32 s1, $0x11  }
0xca: {  	s0 =	sor.u32 s1, s0  }
0xcb: {  	s0 =	sadd.s32 $0x8F2B, s0  }
0xcc: {  	[sflag:s0] =	ssyncadd.remote.s32 $0x1  }
0xcd: {  	_ =	sfence.sel $0xFFFF  }
0xce: {  	[dreg:$0x0] =	wrdreg $0xFFFFFFFF;
	(pc) =	sbr.abs _section_cstart, $3  }
0xcf: {  	[dreg:$0x1] =	wrdreg $0xFFFFFFFF  }
0xd0: {  	_ =	task.clear_ibuf [dreg:s22], $0x2FFFF;
	_ =	strace $0x9FFFFFFF  }
0xd1: {  	(tm) =	ssettm $0x7FFFFFFF  }
tec
execute0_lowered:
.L_overlay_start_1:
0x0: {  	(tag) =	ssettag $0x1  }
0x1: {  	s1 =	rddreg [dreg:$0x0]  }
0x2: {  	s0 =	rddreg [dreg:$0x1]  }
0x3: {  	s2 =	srdreg.scid;
	s3 =	simm.s32 $0x0;
	s12 =	stileid.u32  }
0x4: {  	s28 =	simm.s32 $0x50;
	s30 =	simm.s32 $0x9;
	s31 =	simm.s32 $0xD  }
0x5: {  	s2 =	sand.u32 $0x1, s2;
	[smem:$0x7FF] =	sst s3;
	s7 =	sadd.s32 $0x215600, s0  }
0x6: {  	s8 =	sadd.s32 $0x213000, s0;
	s23 =	smul.u32 $0x910, s12;
	s4 =	sshll.u32 s2, $0x4  }
0x7: {  	s26 =	smul.u32 $0x9100, s12;
	s9 =	ssub.s32 $0x2, s2;
	s5 =	sor.u32 s12, s4  }
0x8: {  	_ =	strace $0x8000004A;
	s10 =	sshrl.u32 s9, $0x1;
	s6 =	smul.u32 $0x910, s5  }
0x9: {  	s22 =	smul.u32 $0x9100, s2;
	s4 =	sadd.s32 $0xBE00, s0;
	s9 =	ssub.s32 s9, s10  }
0xa: {  	s5 =	smul.u32 $0x9100, s5;
	s24 =	smax.u32 s9, $0x1;
	s6 =	sshrl.u32 s6, $0x3  }
0xb: {  	s0 =	sadd.s32 $0x217C00, s0;
	[dreg:$0xb] =	wrdreg s24;
	s17 =	sadd.s32 s7, s6  }
0xc: {  	s5 =	sadd.s32 s0, s5;
	s11 =	sadd.s32 s8, s6;
	[dreg:$0x3] =	wrdreg s17  }
0xd: {  	s18 =	sadd.s32 $0xA, s6;
	s5 =	sadd.s32 $0x8C00, s5;
	[dreg:$0x4] =	wrdreg s11  }
0xe: {  	s2 =	smul.u32 $0x91000, s2;
	s19 =	sadd.s32 s7, s18;
	[dreg:$0xc] =	wrdreg s5  }
0xf: {  	s20 =	sadd.s32 $0x14, s6;
	s10 =	sadd.s32 s8, s18;
	[dreg:$0x5] =	wrdreg s19  }
0x10: {  	s25 =	sadd.s32 s23, s22;
	s21 =	sadd.s32 s7, s20;
	[dreg:$0x6] =	wrdreg s10  }
0x11: {  	s6 =	sadd.s32 $0x1E, s6;
	s11 =	sadd.s32 s8, s20;
	[dreg:$0x7] =	wrdreg s21  }
0x12: {  	s0 =	sadd.s32 s2, s0;
	s13 =	sadd.s32 s7, s6;
	[dreg:$0x8] =	wrdreg s11  }
0x13: {  	s2 =	simm.s32 $0x12;
	s6 =	sadd.s32 s8, s6;
	[dreg:$0x9] =	wrdreg s13  }
0x14: {  	s20 =	simm.s32 $0x14;
	[dreg:$0xa] =	wrdreg s6;
	s6 =	sadd.s32 $0x140, s25  }
0x15: {  	s19 =	simm.s32 $0x13;
	s21 =	simm.s32 $0x0;
	s29 =	sshrl.u32 s6, $0x3  }
0x16: {  	s6 =	simm.s32 $0x200;
	s9 =	sadd.s32 s29, s8;
	s10 =	sadd.s32 s29, s7  }
0x17: {  	s7 =	sadd.s32 s26, s0;
	s8 =	simm.s32 $0x400;
	s0 =	simm.s32 $0x11  }
.LBB2_1:
0x18: {  	s5 =	rddreg [dreg:$0x3]  }
0x19: {  	[tilespmem:s3], [sflag:$0x1] =	stream.linear.gather [hbm4b:s5+s3], $0x50, $0x38;
	[tilespmem:$0xA400] =	vst v63  }
0x1a: {  	s25 =	rddreg [dreg:$0x4]  }
0x1b: {  	[tilespmem:s6], [sflag:$0x5] =	stream.linear.gather [hbm4b:s25+s3], $0x50, $0x38;
	[tilespmem:$0xA400] =	vst v63  }
0x1c: {  	s26 =	rddreg [dreg:$0x5];
	s29 =	simm.s32 $0x80  }
0x1d: {  	[tilespmem:s29], [sflag:$0x2] =	stream.linear.gather [hbm4b:s26+s3], $0x50, $0x38;
	[tilespmem:$0xA400] =	vst v63  }
0x1e: {  	s11 =	simm.s32 $0x280;
	s6 =	rddreg [dreg:$0x6]  }
0x1f: {  	[tilespmem:s11], [sflag:$0x6] =	stream.linear.gather [hbm4b:s6+s3], $0x50, $0x38;
	[tilespmem:$0xA400] =	vst v63  }
0x20: {  	s12 =	rddreg [dreg:$0x7];
	s13 =	simm.s32 $0x100  }
0x21: {  	[tilespmem:s13], [sflag:$0x3] =	stream.linear.gather [hbm4b:s12+s3], $0x50, $0x38;
	[tilespmem:$0xA400] =	vst v63  }
0x22: {  	s14 =	rddreg [dreg:$0x8];
	s15 =	simm.s32 $0x300  }
0x23: {  	[tilespmem:s15], [sflag:$0x7] =	stream.linear.gather [hbm4b:s14+s3], $0x50, $0x38;
	[tilespmem:$0xA400] =	vst v63  }
0x24: {  	s16 =	rddreg [dreg:$0x9];
	s17 =	simm.s32 $0x180  }
0x25: {  	[tilespmem:s17], [sflag:$0x4] =	stream.linear.gather [hbm4b:s16+s3], $0x50, $0x38;
	[tilespmem:$0xA400] =	vst v63  }
0x26: {  	s18 =	rddreg [dreg:$0xa];
	s22 =	simm.s32 $0x380;
	s23 =	simm.s32 $0x1  }
0x27: {  	[tilespmem:s22], [sflag:$0x8] =	stream.linear.gather [hbm4b:s18+s3], $0x50, $0x38;
	[tilespmem:$0xA400] =	vst v63  }
0x28: {  	_ =	swait.ge [sflag:s23], $0x50  }
0x29: {  	[sflag:s23] =	ssyncset.done $0x0  }
0x2a: {  	s24 =	simm.s32 $0x5;
	[sflag:s23] =	ssyncadd.s32 $0xFFFFFFB0  }
0x2b: {  	s22 =	simm.s32 $0x1;
	_ =	swait.ge [sflag:s24], $0x50  }
0x2c: {  	p0 =	por $0x1, $0x1;
	s5 =	sand.u32 $0x3, s22;
	[sflag:s24] =	ssyncset.done $0x0  }
0x2d: {  	s6 =	sadd.s32 @!p0 $0x11, s5;
	[sflag:s24] =	ssyncadd.s32 $0xFFFFFFB0  }
0x2e: {  	[tilespmem:s8], [sflag:$0x9] =	stream.indirect.gather [hbm4b:s1+s28], $0x80, s3, s28, $0xb8;
	[tilespmem:$0xA400] =	vst v63  }
0x2f: {  	_ =	swait.ge @!p0 [sflag:s6], $0x2800  }
0x30: {  	s15 =	sand.u32 $0x3, s3;
	[sflag:s6] =	ssyncset.done @!p0 $0x0  }
0x31: {  	s13 =	smul.u32 $0xA000, s15;
	s11 =	sadd.s32 $0x1, s5;
	[sflag:s6] =	ssyncadd.s32 @!p0 $0xFFFFD800  }
0x32: {  	s16 =	sadd.s32 $0x9, s15;
	s17 =	sadd.s32 $0xD, s15;
	_ =	swait.ge [sflag:s11], $0x50  }
0x33: {  	s29 =	sshrl.u32 s13, $0x2;
	s13 =	sshll.u32 s15, $0x7;
	[sflag:s11] =	ssyncset.done $0x0  }
0x34: {  	s25 =	smul.u32 $0xA000, s5;
	s12 =	sadd.s32 $0x5, s5;
	[sflag:s11] =	ssyncadd.s32 $0xFFFFFFB0  }
0x35: {  	s14 =	sor.u32 $0x400, s29;
	s26 =	sadd.s32 $0x9, s5;
	_ =	swait.ge [sflag:s12], $0x50  }
0x36: {  	s5 =	sshll.u32 s5, $0x7;
	s8 =	sshrl.u32 s25, $0x2;
	[sflag:s12] =	ssyncset.done $0x0  }
0x37: {  	s23 =	sadd.s32 $0xA, s10;
	s8 =	sor.u32 $0x400, s8;
	[sflag:s12] =	ssyncadd.s32 $0xFFFFFFB0  }
0x38: {  	[tilespmem:s8], [sflag:s26] =	stream.indirect.gather [hbm4b:s1+s28], $0x80, s5, s28, $0xb8;
	[tilespmem:$0xA400] =	vst v63  }
0x39: {  	s24 =	sadd.s32 $0xA, s9;
	s25 =	sadd.s32 $0x11, s15;
	_ =	swait.ge [sflag:s16], $0x2800  }
0x3a: {  	s6 =	simm.s32 $0x2;
	p0 =	por $0x0, $0x0;
	[sflag:s16] =	ssyncset.done $0x0  }
0x3b: {  	s18 =	sadd.s32 @!p0 $0x1, s15;
	s12 =	sor.u32 $0x200, s13;
	[sflag:s16] =	ssyncadd.s32 $0xFFFFD800  }
0x3c: {  	[tilespmem:s14], [sflag:s17] =	stream.indirect.gather.add.f32 [hbm:s4], $0x80, s12, s28, $0xb8;
	[tilespmem:$0xA400] =	vst v63  }
0x3d: {  	s11 =	simm.s32 @!p0 $0x0;
	s8 =	sadd.s32 @!p0 $0x5, s15;
	_ =	swait.ge [sflag:s17], $0x2800  }
0x3e: {  	s5 =	sadd.s32 $0x500, s7;
	s15 =	smov.u32 s9;
	[sflag:s17] =	ssyncset.done $0x0  }
0x3f: {  	s16 =	smov.u32 s10;
	[sflag:s17] =	ssyncadd.s32 $0xFFFFD800;
	s17 =	smov.u32 s7  }
.LBB2_2:
0x40: {  	[hbm4b:s17+s3] =	stream.linear.scatter [tilespmem:s14], [sflag:s25], $0x2800, $0x38;
	[tilespmem:$0xA400] =	vst v63  }
0x41: {  	s14 =	smov.u32 s6;
	s17 =	smov.u32 s5  }
0x42: {  	s25 =	sand.u32 $0x3, s6;
	s6 =	sadd.s32 $0x1, s6;
	p2 =	slt.u32 s22, $0x3  }
0x43: {  	[tilespmem:s13], [sflag:s18] =	stream.linear.gather @!p0 [hbm4b:s16+s11], $0x50, $0x38;
	[tilespmem:$0xA400] =	vst v63  }
0x44: {  	p1 =	sne.s32 s6, $0x1C;
	s13 =	sadd.s32 @!p2 $0x11, s25;
	s16 =	smul.u32 $0xA000, s25  }
0x45: {  	[tilespmem:s12], [sflag:s8] =	stream.linear.gather @!p0 [hbm4b:s15+s11], $0x50, $0x38;
	[tilespmem:$0xA400] =	vst v63  }
0x46: {  	s11 =	sshrl.u32 s16, $0x2;
	s16 =	smov.u32 s23;
	_ =	swait.ge @!p2 [sflag:s13], $0x2800  }
0x47: {  	s15 =	smov.u32 s24;
	[sflag:s13] =	ssyncset.done @!p2 $0x0  }
0x48: {  	s8 =	sadd.s32 $0x1, s25;
	s12 =	sadd.s32 $0x5, s25;
	[sflag:s13] =	ssyncadd.s32 @!p2 $0xFFFFD800  }
0x49: {  	p0 =	sgt.u32 s22, $0x18;
	_ =	swait.ge [sflag:s8], $0x50  }
0x4a: {  	s26 =	sand.u32 $0x3, s22;
	s13 =	sadd.s32 $0x9, s25;
	[sflag:s8] =	ssyncset.done $0x0  }
0x4b: {  	s18 =	sshll.u32 s25, $0x7;
	s25 =	sadd.s32 $0x9, s26;
	[sflag:s8] =	ssyncadd.s32 $0xFFFFFFB0  }
0x4c: {  	s22 =	smul.u32 $0xA000, s26;
	s8 =	sadd.s32 @!p0 $0x5, s26;
	_ =	swait.ge [sflag:s12], $0x50  }
0x4d: {  	s29 =	sor.u32 $0x400, s11;
	s11 =	simm.s32 @!p0 $0x0;
	[sflag:s12] =	ssyncset.done $0x0  }
0x4e: {  	[sflag:s12] =	ssyncadd.s32 $0xFFFFFFB0;
	s12 =	sshrl.u32 s22, $0x2;
	s22 =	smov.u32 s14  }
0x4f: {  	[tilespmem:s29], [sflag:s13] =	stream.indirect.gather [hbm4b:s1+s28], $0x80, s18, s28, $0xb8;
	[tilespmem:$0xA400] =	vst v63  }
0x50: {  	s14 =	sor.u32 $0x400, s12;
	s13 =	sshll.u32 s26, $0x7;
	_ =	swait.ge [sflag:s25], $0x2800  }
0x51: {  	s29 =	sadd.s32 $0xD, s26;
	s12 =	sor.u32 $0x200, s13;
	[sflag:s25] =	ssyncset.done $0x0  }
.Ltmp0:
0x52: {  	[sflag:s25] =	ssyncadd.s32 $0xFFFFD800;
	(pc) =	sbr.rel @p1 .LBB2_2-.Ltmp0, $4  }
0x53: {  	[tilespmem:s14], [sflag:s29] =	stream.indirect.gather.add.f32 [hbm:s4], $0x80, s12, s28, $0xb8;
	[tilespmem:$0xA400] =	vst v63  }
0x54: {  	s18 =	sadd.s32 @!p0 $0x1, s26;
	_ =	swait.ge [sflag:s29], $0x2800  }
0x55: {  	s5 =	sadd.s32 $0x500, s5;
	s23 =	sadd.s32 $0xA, s23;
	[sflag:s29] =	ssyncset.done $0x0  }
0x56: {  	s24 =	sadd.s32 $0xA, s24;
	s25 =	sadd.s32 $0x11, s26;
	[sflag:s29] =	ssyncadd.s32 $0xFFFFD800  }
0x57: {  	[hbm4b:s17+s3] =	stream.linear.scatter [tilespmem:s14], [sflag:s25], $0x2800, $0x38;
	[tilespmem:$0xA400] =	vst v63  }
0x58: {  	_ = 	snop  }
0x59: {  	[tilespmem:s13], [sflag:s18] =	stream.linear.gather @!p0 [hbm4b:s16+s11], $0x50, $0x38;
	[tilespmem:$0xA400] =	vst v63  }
0x5a: {  	s6 =	sand.u32 $0x3, s6;
	p1 =	slt.u32 s22, $0x3  }
0x5b: {  	[tilespmem:s12], [sflag:s8] =	stream.linear.gather @!p0 [hbm4b:s15+s11], $0x50, $0x38;
	[tilespmem:$0xA400] =	vst v63  }
0x5c: {  	s8 =	sadd.s32 @!p1 $0x11, s6  }
0x5d: {  	_ =	swait.ge @!p1 [sflag:s8], $0x2800  }
0x5e: {  	[sflag:s8] =	ssyncset.done @!p1 $0x0  }
0x5f: {  	s25 =	sadd.s32 $0x1, s6;
	[sflag:s8] =	ssyncadd.s32 @!p1 $0xFFFFD800  }
0x60: {  	_ =	swait.ge [sflag:s25], $0x50  }
0x61: {  	s26 =	smul.u32 $0xA000, s6;
	[sflag:s25] =	ssyncset.done $0x0  }
0x62: {  	s29 =	sadd.s32 $0x5, s6;
	s14 =	sadd.s32 $0x9, s6;
	[sflag:s25] =	ssyncadd.s32 $0xFFFFFFB0  }
0x63: {  	s13 =	sshrl.u32 s26, $0x2;
	s11 =	sand.u32 $0x3, s22;
	_ =	swait.ge [sflag:s29], $0x50  }
0x64: {  	s6 =	sshll.u32 s6, $0x7;
	s15 =	smul.u32 $0xA000, s11;
	[sflag:s29] =	ssyncset.done $0x0  }
0x65: {  	s16 =	sadd.s32 $0x9, s11;
	s8 =	sor.u32 $0x400, s13;
	[sflag:s29] =	ssyncadd.s32 $0xFFFFFFB0  }
0x66: {  	[tilespmem:s8], [sflag:s14] =	stream.indirect.gather [hbm4b:s1+s28], $0x80, s6, s28, $0xb8;
	[tilespmem:$0xA400] =	vst v63  }
0x67: {  	s12 =	sshll.u32 s11, $0x7;
	_ =	swait.ge [sflag:s16], $0x2800  }
0x68: {  	s18 =	sadd.s32 $0xD, s11;
	s17 =	sshrl.u32 s15, $0x2;
	[sflag:s16] =	ssyncset.done $0x0  }
0x69: {  	s13 =	sor.u32 $0x200, s12;
	s8 =	sor.u32 $0x400, s17;
	[sflag:s16] =	ssyncadd.s32 $0xFFFFD800  }
0x6a: {  	[tilespmem:s8], [sflag:s18] =	stream.indirect.gather.add.f32 [hbm:s4], $0x80, s13, s28, $0xb8;
	[tilespmem:$0xA400] =	vst v63  }
0x6b: {  	_ =	swait.ge [sflag:s18], $0x2800  }
0x6c: {  	[sflag:s18] =	ssyncset.done $0x0  }
0x6d: {  	p0 =	sgt.u32 s22, $0x18;
	s25 =	sadd.s32 $0x11, s11;
	[sflag:s18] =	ssyncadd.s32 $0xFFFFD800  }
0x6e: {  	[hbm4b:s5+s3] =	stream.linear.scatter [tilespmem:s8], [sflag:s25], $0x2800, $0x38;
	[tilespmem:$0xA400] =	vst v63  }
0x6f: {  	s6 =	sadd.s32 @!p0 $0x1, s11;
	s5 =	simm.s32 @!p0 $0x0  }
0x70: {  	[tilespmem:s12], [sflag:s6] =	stream.linear.gather @!p0 [hbm4b:s23+s5], $0x50, $0x38;
	[tilespmem:$0xA400] =	vst v63  }
0x71: {  	s6 =	sadd.s32 @!p0 $0x5, s11  }
0x72: {  	[tilespmem:s13], [sflag:s6] =	stream.linear.gather @!p0 [hbm4b:s24+s5], $0x50, $0x38;
	[tilespmem:$0xA400] =	vst v63  }
0x73: {  	_ =	swait.ge [sflag:s30], $0x2800  }
0x74: {  	[sflag:s30] =	ssyncset.done $0x0  }
0x75: {  	s8 =	simm.s32 $0x400;
	s6 =	simm.s32 $0x200;
	[sflag:s30] =	ssyncadd.s32 $0xFFFFD800  }
0x76: {  	[tilespmem:s8], [sflag:$0xD] =	stream.indirect.gather.add.f32 [hbm:s4], $0x80, s6, s28, $0xb8;
	[tilespmem:$0xA400] =	vst v63  }
0x77: {  	_ =	swait.ge [sflag:s31], $0x2800  }
0x78: {  	[sflag:s31] =	ssyncset.done $0x0  }
0x79: {  	s26 =	rddreg [dreg:$0xc];
	[sflag:s31] =	ssyncadd.s32 $0xFFFFD800  }
0x7a: {  	[hbm4b:s26+s3] =	stream.linear.scatter [tilespmem:s8], [sflag:$0x11], $0x2800, $0x38;
	[tilespmem:$0xA400] =	vst v63  }
0x7b: {  	_ =	swait.ge [sflag:s0], $0x2800  }
0x7c: {  	[sflag:s0] =	ssyncset.done $0x0  }
0x7d: {  	[sflag:s0] =	ssyncadd.s32 $0xFFFFD800  }
0x7e: {  	_ =	swait.ge [sflag:s2], $0x2800  }
0x7f: {  	[sflag:s2] =	ssyncset.done $0x0  }
0x80: {  	[sflag:s2] =	ssyncadd.s32 $0xFFFFD800  }
0x81: {  	_ =	swait.ge [sflag:s19], $0x2800  }
0x82: {  	[sflag:s19] =	ssyncset.done $0x0  }
0x83: {  	[sflag:s19] =	ssyncadd.s32 $0xFFFFD800  }
0x84: {  	_ =	swait.ge [sflag:s20], $0x2800  }
0x85: {  	s21 =	sadd.s32 $0x1, s21;
	s29 =	rddreg [dreg:$0xb]  }
0x86: {  	p0 =	sne.s32 s21, s29  }
.Ltmp1:
0x87: {  	_ = 	snop;
	(pc) =	sbr.rel @p0 .LBB2_1-.Ltmp1, $3  }
0x88: {  	_ =	sdelay $0x1  }
0x89: {  	[sflag:s20] =	ssyncset.done $0x0  }
0x8a: {  	[sflag:s20] =	ssyncadd.s32 $0xFFFFD800  }
0x8b: {  	_ =	sfence.sel $0x180000  }
0x8c: {  	[bflag:$0x0] =	sbarrier.arrive $0xFFFF  }
0x8d: {  	_ =	strace $0x9000004A  }
0x8e: {  	s0 =	stileid.u32;
	[bflag:$0x2] =	sbarrier.arrive $0xFFFF  }
0x8f: {  	p0 =	sne.s32 s0, $0x0;
	s0 =	rddreg [dreg:$0x2]  }
0x90: {  	s0 =	sadd.s32 @!p0 $0x100000, s0  }
0x91: {  	[sflag:s0] =	ssyncadd.tile.s32 @!p0 $0x1;
	_ =	shalt  }
.Lfunc_end2:
_tile_overlayer_lowered:
.L_overlay_start_2:
0x92: {  	(tag) =	ssettag $0x2  }
0x93: {  	s0 =	rddreg [dreg:$0x0];
	s2 =	stileid.u32  }
0x94: {  	s1 =	rddreg [dreg:$0x1];
	p0 =	sne.s32 s2, $0x0  }
0x95: {  	s3 =	rddreg [dreg:$0x2];
	[bflag:$0x3] =	sbarrier.arrive $0xFFFF;
	s2 =	simm.s32 @!p0 $0x1C15  }
0x96: {  	[timem:s3], [sflag:s2] =	dma.local @!p0 [hbm:s0], s1  }
0x97: {  	s0 =	simm.s32 @!p0 $0x15  }
0x98: {  	_ =	swait.ge @!p0 [sflag:s0], s1  }
0x99: {  	s1 =	ssub.s32 @!p0 $0x0, s1;
	[sflag:s0] =	ssyncset.done @!p0 $0x0  }
0x9a: {  	[sflag:s0] =	ssyncadd.s32 @!p0 s1  }
0x9b: {  	[bflag:$0x3] =	sbarrier.arrive $0xFFFF  }
0x9c: {  	_ =	shalt  }

// kernel: kernel.22.cloned.1.call-start
scs
__scs_entry_jumppad:
0x0: {  	(pc) =	sbr.rel $0x88, $3  }
0x1: {  	(tag) =	ssettag $0x0;
	lr =	simm.s32 $0x1  }
0x2: {  	[smem:$0x3F98] =	sst lr;
	_ =	strace $0xD0000000  }
0x3: {  	_ = 	snop  }
0x4: {  	_ = 	snop  }
0x5: {  	_ = 	snop  }
0x6: {  	_ = 	snop  }
0x7: {  	_ = 	snop  }
__scs_overlays_trampoline_lowered:
0x8: {  	[smem:$0x3FA7] =	sst s0  }
0x9: {  	[smem:$0x3FA8] =	sst s1  }
0xa: {  	[smem:$0x3FA9] =	sst s2  }
0xb: {  	[smem:$0x3FAA] =	sst s3  }
0xc: {  	[smem:$0x3FAB] =	sst s4  }
0xd: {  	[smem:$0x3FAC] =	sst s5  }
0xe: {  	[smem:$0x3FAD] =	sst s6  }
0xf: {  	[smem:$0x3FAE] =	sst s7  }
0x10: {  	[smem:$0x3FAF] =	sst s8  }
0x11: {  	[smem:$0x3FB0] =	sst s9;
	s0 =	simm.s32 @!p0 $0x0  }
0x12: {  	s1 =	sld [smem:$0x3F96];
	s0 =	simm.s32 @p0 $0x1  }
0x13: {  	[smem:$0x3FB1] =	sst s0;
	s0 =	simm.s32 @!p1 $0x0  }
0x14: {  	s2 =	sld [smem:$0x3F95];
	s0 =	simm.s32 @p1 $0x1  }
0x15: {  	[smem:$0x3FB2] =	sst s0;
	s0 =	simm.s32 @!p2 $0x0  }
0x16: {  	s3 =	sld [smem:$0x3FDB];
	s0 =	simm.s32 @p2 $0x1  }
0x17: {  	s4 =	simm.s32 $0x1BF5;
	[smem:$0x3FB4] =	sst s0  }
0x18: {  	s0 =	sld [smem:$0x3F97];
	_ =	swait.ge [sflag:s4], $0x0  }
0x19: {  	s7 =	sld [smem:$0x3F98]  }
0x1a: {  	s8 =	sadd.s32 $0xFFFFE003, lr  }
0x1b: {  	s9 =	sadd.s32 $0xFFFFFEF7, lr;
	s5 =	simm.s32 $0xFFFFFFFF;
	p2 =	slt.u32 s8, $0xFFFFF086  }
0x1c: {  	p1 =	slt.u32 s9, $0xF7A;
	s5 =	simm.s32 @!p2 $0x0  }
0x1d: {  	s5 =	simm.s32 @p1 $0x1;
	p0 =	seq.s32 s7, s2  }
0x1e: {  	s7 =	smul.u32 @!p0 $0xF7A, s2;
	p2 =	seq.s32 @!p0 s5, $0x0  }
0x1f: {  	s9 =	smul.u32 $0xF7A, s1;
	s8 =	simm.s32 @!p0 $0x1BF5;
	p2 =	por !p2, p0  }
0x20: {  	[sflag:s8] =	ssyncset.s32 @!p0 $0xFFFFF086;
	s6 =	sadd.s32 @!p0 s3, s7;
	s7 =	simm.s32 @!p0 $0x108  }
0x21: {  	s3 =	sadd.s32 s3, s9;
	s6 =	sadd.s32 @!p0 $0x88, s6;
	s7 =	simm.s32 @p2 $0x1082  }
0x22: {  	[simem:s7], [sflag:s8] =	dma.local @!p0 [hbm:s6], $0xF7A  }
0x23: {  	s9 =	sor.u32 $0xD0000000, s2;
	s6 =	simm.s32 $0x108;
	_ =	swait.ge @!p0 [sflag:s8], $0x0  }
0x24: {  	s3 =	sadd.s32 $0x88, s3;
	s6 =	simm.s32 @!p1 $0x1082;
	[sflag:s4] =	ssyncset.s32 $0xFFFFF086  }
0x25: {  	[simem:s6], [sflag:s4] =	dma.local [hbm:s3], $0xF7A  }
0x26: {  	[smem:$0x3F98] =	sst s1;
	(tag) =	ssettag s2;
	_ =	strace s9  }
0x27: {  	s1 =	sld [smem:$0x3FA8]  }
0x28: {  	s2 =	sld [smem:$0x3FA9]  }
0x29: {  	s4 =	sld [smem:$0x3FAB]  }
0x2a: {  	p0 =	seq.s32 s5, $0x0;
	s5 =	sld [smem:$0x3FAC]  }
0x2b: {  	s6 =	sld [smem:$0x3FAD]  }
0x2c: {  	s7 =	sld [smem:$0x3FAE]  }
0x2d: {  	s3 =	simm.s32 $0x108;
	s8 =	sld [smem:$0x3FAF]  }
0x2e: {  	s3 =	simm.s32 @!p0 $0x1082;
	s9 =	sld [smem:$0x3FB0]  }
0x2f: {  	lr =	sadd.s32 s0, s3;
	s0 =	sld [smem:$0x3FA7]  }
0x30: {  	s3 =	sld [smem:$0x3FAA]  }
0x31: {  	[smem:$0x3FB3] =	sst s10  }
0x32: {  	s10 =	sld [smem:$0x3FB1];
	_ =	sdelay $0x3  }
0x33: {  	p0 =	seq.s32 s10, $0x1;
	s10 =	sld [smem:$0x3FB3];
	_ =	sdelay $0x3  }
0x34: {  	[smem:$0x3FB3] =	sst s10  }
0x35: {  	s10 =	sld [smem:$0x3FB2];
	_ =	sdelay $0x3  }
0x36: {  	p1 =	seq.s32 s10, $0x1;
	s10 =	sld [smem:$0x3FB3];
	_ =	sdelay $0x3  }
0x37: {  	[smem:$0x3FB3] =	sst s10  }
0x38: {  	s10 =	sld [smem:$0x3FB4]  }
0x39: {  	_ = 	snop;
	(pc) =	sbr.ind lr, $3  }
0x3a: {  	_ = 	snop  }
0x3b: {  	_ = 	snop  }
0x3c: {  	p2 =	seq.s32 s10, $0x1;
	s10 =	sld [smem:$0x3FB3]  }
0x3d: {  	_ =	shalt  }
0x3e: {  	_ =	shalt  }
0x3f: {  	_ =	shalt  }
0x40: {  	_ =	shalt  }
0x41: {  	_ =	shalt  }
0x42: {  	_ =	shalt  }
0x43: {  	_ =	shalt  }
0x44: {  	_ =	shalt  }
0x45: {  	_ =	shalt  }
0x46: {  	_ =	shalt  }
0x47: {  	_ =	shalt  }
0x48: {  	_ =	shalt  }
0x49: {  	_ =	shalt  }
0x4a: {  	_ =	shalt  }
0x4b: {  	_ =	shalt  }
0x4c: {  	_ =	shalt  }
0x4d: {  	_ =	shalt  }
0x4e: {  	_ =	shalt  }
0x4f: {  	_ =	shalt  }
0x50: {  	_ =	shalt  }
0x51: {  	_ =	shalt  }
0x52: {  	_ =	shalt  }
0x53: {  	_ =	shalt  }
0x54: {  	_ =	shalt  }
0x55: {  	_ =	shalt  }
0x56: {  	_ =	shalt  }
0x57: {  	_ =	shalt  }
0x58: {  	_ =	shalt  }
0x59: {  	_ =	shalt  }
0x5a: {  	_ =	shalt  }
0x5b: {  	_ =	shalt  }
0x5c: {  	_ =	shalt  }
0x5d: {  	_ =	shalt  }
0x5e: {  	_ =	shalt  }
0x5f: {  	_ =	shalt  }
0x60: {  	_ =	shalt  }
0x61: {  	_ =	shalt  }
0x62: {  	_ =	shalt  }
0x63: {  	_ =	shalt  }
0x64: {  	_ =	shalt  }
0x65: {  	_ =	shalt  }
0x66: {  	_ =	shalt  }
0x67: {  	_ =	shalt  }
0x68: {  	_ =	shalt  }
0x69: {  	_ =	shalt  }
0x6a: {  	_ =	shalt  }
0x6b: {  	_ =	shalt  }
0x6c: {  	_ =	shalt  }
0x6d: {  	_ =	shalt  }
0x6e: {  	_ =	shalt  }
0x6f: {  	_ =	shalt  }
0x70: {  	_ =	shalt  }
0x71: {  	_ =	shalt  }
0x72: {  	_ =	shalt  }
0x73: {  	_ =	shalt  }
0x74: {  	_ =	shalt  }
0x75: {  	_ =	shalt  }
0x76: {  	_ =	shalt  }
0x77: {  	_ =	shalt  }
0x78: {  	_ =	shalt  }
0x79: {  	_ =	shalt  }
0x7a: {  	_ =	shalt  }
0x7b: {  	_ =	shalt  }
0x7c: {  	_ =	shalt  }
0x7d: {  	_ =	shalt  }
0x7e: {  	_ =	shalt  }
0x7f: {  	_ =	shalt  }
0x80: {  	_ =	shalt  }
0x81: {  	_ =	shalt  }
0x82: {  	_ =	shalt  }
0x83: {  	_ =	shalt  }
0x84: {  	_ =	shalt  }
0x85: {  	_ =	shalt  }
0x86: {  	_ =	shalt  }
0x87: {  	_ =	shalt  }
.Lfunc_end0:
.L_simem_size_0:
called_computation.3_lowered:
.L_overlay_start_0:
0x88: {  	s2 =	sld [smem:$0x3FD9]  }
0x89: {  	s3 =	sld [smem:$0x3FFE];
	_ =	sdelay $0x1  }
0x8a: {  	s1 =	srdreg.scid  }
0x8b: {  	s0 =	sand.u32 $0x1, s1  }
0x8c: {  	s17 =	sshll.u32 s0, $0xA;
	s2 =	sadd.s32 s3, s2  }
0x8d: {  	s2 =	sadd.s32 s2, s17  }
0x8e: {  	[smem:$0x3FBF] =	sst s2  }
0x8f: {  	_ = 	snop  }
0x90: {  	(tm) =	ssettm $0x1  }
0x91: {  	s18 =	sld [smem:$0x3FFB];
	_ =	sdelay $0x3  }
0x92: {  	_ =	strace s18  }
0x93: {  	s2 =	sld [smem:$0x3FFC];
	_ =	sdelay $0x3  }
0x94: {  	_ =	strace s2  }
0x95: {  	s2 =	sld [smem:$0x3FFD];
	_ =	sdelay $0x3  }
0x96: {  	_ =	strace s2  }
0x97: {  	_ =	strace $0x8FFFFFFF  }
0x98: {  	s19 =	sld [smem:$0x3FDB];
	_ =	sdelay $0x1  }
0x99: {  	s20 =	simm.s32 $_scs_section_size  }
0x9a: {  	s4 =	simm.s32 $_size__tile_overlayer_lowered;
	s5 =	simm.s32 $_tile_overlayer_lowered  }
0x9b: {  	s6 =	simm.s32 $0x1BFF;
	s21 =	sshll.u32 s5, $0x1;
	s3 =	sadd.s32 s20, s19  }
0x9c: {  	s22 =	simm.s32 $0x0;
	s4 =	sshll.u32 s4, $0x1;
	s5 =	sadd.s32 s21, s3  }
0x9d: {  	[timem:s22], [sflag:s6] =	dma.local [hbm:s5], s4  }
0x9e: {  	_ =	swait.ge [sflag:s6], s4  }
0x9f: {  	s4 =	ssub.s32 $0x0, s4;
	[sflag:s6] =	ssyncset.done $0x0  }
0xa0: {  	[sflag:s6] =	ssyncadd.s32 s4;
	_ =	sdelay $0x1  }
0xa1: {  	s23 =	simm.s32 $0x1B8B  }
0xa2: {  	_ =	swait.ge [sflag:s23], $0x1  }
0xa3: {  	[sflag:s23] =	ssyncset.done $0x0  }
0xa4: {  	[sflag:s23] =	ssyncadd.s32 $0xFFFFFFFF  }
0xa5: {  	s4 =	sld [smem:$0x0]  }
0xa6: {  	s5 =	sand.u32 $0xFFFFFFFE, s1  }
0xa7: {  	p0 =	sne.s32 s1, s5  }
0xa8: {  	s5 =	sshll.u32 @p0 s5, $0xE  }
0xa9: {  	s5 =	sadd.s32 @p0 $0x11B8D, s5;
	s6 =	sshll.u32 @p0 s4, $0x11  }
0xaa: {  	s5 =	sor.u32 @p0 s6, s5  }
0xab: {  	[sflag:s5] =	ssyncadd.remote.s32 @p0 $0x1;
	_ =	sdelay $0x1  }
0xac: {  	s5 =	simm.s32 @p0 $0x1B8D  }
0xad: {  	_ =	swait.eq @p0 [sflag:s5], $0x1  }
0xae: {  	[sflag:s5] =	ssyncadd.s32 @p0 $0xFFFFFFFF  }
0xaf: {  	s6 =	sshll.u32 @!p0 s1, $0xE  }
0xb0: {  	s6 =	sor.u32 @!p0 $0x4000, s6;
	s5 =	simm.s32 @!p0 $0x1B8D  }
0xb1: {  	s4 =	sshll.u32 @!p0 s4, $0x11;
	s6 =	sadd.s32 @!p0 $0x11B8D, s6;
	_ =	swait.eq @!p0 [sflag:s5], $0x1  }
0xb2: {  	s4 =	sor.u32 @!p0 s4, s6;
	[sflag:s5] =	ssyncadd.s32 @!p0 $0xFFFFFFFF  }
0xb3: {  	s25 =	simm.s32 $0x1B8E;
	s24 =	sld [smem:$0x3FFE];
	[sflag:s4] =	ssyncadd.remote.s32 @!p0 $0x1  }
0xb4: {  	s26 =	simm.s32 $execute0_lowered;
	[smem:$0x3FD2] =	sst s25  }
0xb5: {  	s5 =	sshll.u32 s26, $0x1;
	_ =	strace $0x80000055;
	[dreg:$0x1] =	wrdreg $0xFFFFFFFF  }
0xb6: {  	s28 =	simm.s32 $_size_execute0_lowered;
	s3 =	sadd.s32 s3, s5;
	[dreg:$0x0] =	wrdreg $0x0  }
0xb7: {  	s5 =	sshll.u32 s28, $0x1;
	[dreg:$0x2] =	wrdreg s3  }
0xb8: {  	[dreg:$0x3] =	wrdreg s5  }
0xb9: {  	[dreg:$0x4] =	wrdreg $0xC0  }
0xba: {  	_ =	task [dreg:s22], $0x5FFFF  }
0xbb: {  	[dreg:$0x1] =	wrdreg $0xFFFFFFFF  }
0xbc: {  	[dreg:$0x0] =	wrdreg $0x60  }
0xbd: {  	[dreg:$0x2] =	wrdreg s24  }
0xbe: {  	[dreg:$0x3] =	wrdreg $0x7A000  }
0xbf: {  	[dreg:$0x4] =	wrdreg $0x9  }
0xc0: {  	_ =	task.clear_ibuf [dreg:s22], $0x5FFFF;
	_ =	strace $0x90000055  }
0xc1: {  	s29 =	simm.s32 $0x9;
	_ =	strace $0x80000057  }
0xc2: {  	_ =	swait.ge [sflag:s29], $0x1  }
0xc3: {  	[sflag:s29] =	ssyncadd.s32 $0xFFFFFFFF  }
0xc4: {  	_ =	strace $0x90000057  }
0xc5: {  	_ =	sfence  }
0xc6: {  	s30 =	sld [smem:$0x0];
	_ =	sdelay $0x2  }
0xc7: {  	s31 =	sshll.u32 s1, $0xD;
	s1 =	sshrl.u32 s1, $0x2  }
0xc8: {  	s4 =	sand.u32 $0x4000, s31;
	s1 =	sadd.s32 s1, s30  }
0xc9: {  	s0 =	sor.u32 s4, s0;
	s1 =	sshll.u32 s1, $0x11  }
0xca: {  	s0 =	sor.u32 s1, s0  }
0xcb: {  	s0 =	sadd.s32 $0x8F2B, s0  }
0xcc: {  	[sflag:s0] =	ssyncadd.remote.s32 $0x1  }
0xcd: {  	_ =	sfence.sel $0xFFFF  }
0xce: {  	[dreg:$0x0] =	wrdreg $0xFFFFFFFF;
	(pc) =	sbr.abs _section_cstart, $3  }
0xcf: {  	[dreg:$0x1] =	wrdreg $0xFFFFFFFF  }
0xd0: {  	_ =	task.clear_ibuf [dreg:s22], $0x2FFFF;
	_ =	strace $0x9FFFFFFF  }
0xd1: {  	(tm) =	ssettm $0x7FFFFFFF  }
tec
execute0_lowered:
.L_overlay_start_1:
0x0: {  	(tag) =	ssettag $0x1  }
0x1: {  	s0 =	rddreg [dreg:$0x0]  }
0x2: {  	s2 =	rddreg [dreg:$0x1]  }
0x3: {  	s16 =	stileid.u32;
	s1 =	srdreg.scid  }
0x4: {  	s3 =	simm.s32 $0x0;
	s19 =	simm.s32 $0x50;
	s4 =	smul.u32 $0x14000, s16  }
0x5: {  	s20 =	simm.s32 $0x7;
	s1 =	sand.u32 $0x1, s1;
	s7 =	smul.u32 $0x50000, s16  }
0x6: {  	[smem:$0x7FF] =	sst s3;
	s11 =	sadd.s32 $0x73D600, s0;
	s15 =	smul.u32 $0xF00, s16  }
0x7: {  	s13 =	sadd.s32 $0x33D800, s0;
	s26 =	sshll.u32 s16, $0x6;
	s5 =	smul.u32 $0x140000, s1  }
0x8: {  	_ =	strace $0x80000056;
	s22 =	ssub.s32 $0x2, s1;
	s10 =	smul.u32 $0xF000, s1  }
0x9: {  	s8 =	sshll.u32 s1, $0x4;
	s1 =	smul.u32 $0xF0000, s1;
	s6 =	sshrl.u32 s4, $0x3  }
0xa: {  	s23 =	sshrl.u32 s22, $0x1;
	s8 =	sor.u32 s16, s8;
	s24 =	sshrl.u32 s7, $0x2  }
0xb: {  	s16 =	smul.u32 $0xF000, s16;
	s4 =	sadd.s32 s4, s5;
	s21 =	sadd.s32 s6, s0  }
0xc: {  	s12 =	ssub.s32 s22, s23;
	s25 =	smul.u32 $0xF00, s8;
	s14 =	sadd.s32 s24, s2  }
0xd: {  	s5 =	sor.u32 $0x1C0A, s26;
	s8 =	smul.u32 $0xF000, s8;
	s15 =	sadd.s32 s15, s10  }
0xe: {  	s30 =	sadd.s32 s1, s11;
	s22 =	simm.s32 $0x9;
	s23 =	simm.s32 $0x0  }
0xf: {  	s4 =	sshrl.u32 s4, $0x3;
	s31 =	sor.u32 $0xA0, s15;
	s14 =	sshrl.u32 s14, $0x3  }
0x10: {  	s15 =	simm.s32 $0xA;
	s0 =	sadd.s32 s4, s0;
	s4 =	sadd.s32 $0x33000, s21  }
0x11: {  	s28 =	sshrl.u32 s25, $0x3;
	s9 =	sor.u32 $0x50, s25;
	s7 =	sadd.s32 s11, s8  }
0x12: {  	s1 =	sshrl.u32 s31, $0x3;
	s21 =	simm.s32 $0x8;
	s6 =	sadd.s32 s13, s28  }
0x13: {  	s29 =	sshrl.u32 s9, $0x3;
	s9 =	sshll.u32 s9, $0x4;
	s10 =	sadd.s32 $0x265600, s0  }
0x14: {  	s0 =	sadd.s32 s16, s30;
	s8 =	sadd.s32 s13, s29;
	s9 =	sadd.s32 s11, s9  }
0x15: {  	s11 =	smax.u32 s12, $0x1;
	s12 =	sadd.s32 $0xA00, s0;
	s13 =	sadd.s32 s1, s13  }
.LBB2_1:
0x16: {  	[spmem:s14], [sflag:s5] =	dma.local [hbm:s4], $0x2800  }
0x17: {  	_ =	swait.ge [sflag:s15], $0x2800  }
0x18: {  	[sflag:s15] =	ssyncset.done $0x0  }
0x19: {  	[sflag:s15] =	ssyncadd.s32 $0xFFFFD800  }
0x1a: {  	[bflag:$0x0] =	sbarrier.arrive $0xFFFF  }
0x1b: {  	[tilespmem:s3], [sflag:$0x1] =	stream.linear.gather [hbm4b:s6+s3], $0x50, $0x38;
	[tilespmem:$0x1BA00] =	vst v63  }
0x1c: {  	s0 =	simm.s32 $0x200  }
0x1d: {  	[tilespmem:s0], [sflag:$0x4] =	stream.linear.gather [hbm4b:s7+s3], $0x2800, $0x38;
	[tilespmem:$0x1BA00] =	vst v63  }
0x1e: {  	s18 =	simm.s32 $0x80;
	s24 =	smul.u32 $0xAB, s3  }
0x1f: {  	[tilespmem:s18], [sflag:$0x2] =	stream.linear.gather [hbm4b:s8+s3], $0x50, $0x38;
	[tilespmem:$0x1BA00] =	vst v63  }
0x20: {  	s1 =	simm.s32 $0x2A00;
	s25 =	sshrl.u32 s24, $0x9;
	s0 =	sadd.s32 $0x156, s24  }
0x21: {  	[tilespmem:s1], [sflag:$0x5] =	stream.linear.gather [hbm4b:s9+s3], $0x2800, $0x38;
	[tilespmem:$0x1BA00] =	vst v63  }
0x22: {  	s0 =	sshrl.u32 s0, $0x9;
	s1 =	sand.u32 $0x7F, s25  }
0x23: {  	p0 =	por $0x0, $0x0;
	s0 =	sand.u32 $0x7F, s0;
	s1 =	smul.u32 $0x3, s1  }
0x24: {  	p3 =	por $0x0, $0x0;
	s28 =	simm.s32 $0x2;
	s0 =	smul.u32 $0x3, s0  }
0x25: {  	p1 =	por @!p0 $0x1, $0x1;
	p0 =	por p0, p0;
	s1 =	ssub.s32 $0x0, s1  }
0x26: {  	p1 =	por p1, p1;
	s0 =	ssub.s32 $0x0, s0;
	s1 =	sand.u32 $0xFF, s1  }
0x27: {  	p0 =	por p0, p0;
	s0 =	sadd.s32 $0x2, s0;
	s16 =	sadd.s32 $0x1, s1  }
0x28: {  	p1 =	por p1, p0;
	s31 =	sand.u32 $0xFF, s0;
	_ =	swait.ge [sflag:s16], $0x50  }
0x29: {  	p2 =	por @!p3 $0x0, $0x0;
	s0 =	sadd.s32 @!p1 $0x7, s31;
	[sflag:s16] =	ssyncset.done $0x0  }
0x2a: {  	s24 =	smul.u32 $0xA000, s1;
	s26 =	sor.u32 $0x4, s1;
	[sflag:s16] =	ssyncadd.s32 $0xFFFFFFB0  }
0x2b: {  	s29 =	smul.u32 @!p0 $0xA000, s31;
	s25 =	sshll.u32 s1, $0x7;
	_ =	swait.ge [sflag:s26], $0x2800  }
0x2c: {  	s1 =	sadd.s32 $0x7, s1;
	s24 =	sshrl.u32 s24, $0x2;
	[sflag:s26] =	ssyncset.done $0x0  }
0x2d: {  	s30 =	sor.u32 $0x200, s24;
	s16 =	sadd.s32 @!p0 $0x1, s31;
	[sflag:s26] =	ssyncadd.s32 $0xFFFFD800  }
0x2e: {  	[spmem:s2] =	stream.indirect.scatter.add.f32 [tilespmem:s30], [sflag:s1], $0x80, s25, s19, $0xb8;
	[tilespmem:$0x1BA00] =	vst v63  }
0x2f: {  	s24 =	sshll.u32 @!p0 s31, $0x7;
	s26 =	simm.s32 $0x1;
	_ =	swait.ge @!p1 [sflag:s0], $0x2800  }
0x30: {  	s1 =	simm.s32 @!p0 $0x0;
	s25 =	sadd.s32 $0xA, s13;
	[sflag:s0] =	ssyncset.done @!p1 $0x0  }
0x31: {  	[sflag:s0] =	ssyncadd.s32 @!p1 $0xFFFFD800;
	p1 =	por p3, p3;
	s0 =	smul.u32 $0xAB, s26  }
0x32: {  	[tilespmem:s24], [sflag:s16] =	stream.linear.gather @!p0 [hbm4b:s13+s1], $0x50, $0x38;
	[tilespmem:$0x1BA00] =	vst v63  }
0x33: {  	s24 =	sadd.s32 $0x500, s12;
	s16 =	sshrl.u32 @!p0 s29, $0x2;
	s29 =	smov.u32 s12  }
.LBB2_2:
0x34: {  	p5 =	sgt.u32 s28, $0x2D  }
0x35: {  	s17 =	sshrl.u32 s0, $0x9;
	s18 =	smov.u32 s26;
	s26 =	smov.u32 s28  }
0x36: {  	s28 =	sadd.s32 $0x1, s28;
	s30 =	smov.u32 s25;
	p4 =	por p2, p2  }
0x37: {  	s16 =	sor.u32 @!p0 $0x200, s16;
	s31 =	sadd.s32 @!p0 $0x4, s31;
	s17 =	sand.u32 $0x7F, s17  }
0x38: {  	p2 =	seq.s32 @!p5 s26, $0x0;
	p3 =	sne.s32 s28, $0x30;
	s17 =	smul.u32 $0x3, s17  }
0x39: {  	[tilespmem:s16], [sflag:s31] =	stream.linear.gather @!p0 [hbm4b:s29+s1], $0x2800, $0x38;
	[tilespmem:$0x1BA00] =	vst v63  }
0x3a: {  	s29 =	smov.u32 s24;
	p0 =	por p1, p1;
	s1 =	ssub.s32 s18, s17  }
0x3b: {  	s0 =	sadd.s32 $0x156, s0;
	p1 =	por p5, p5;
	s1 =	sand.u32 $0xFF, s1  }
0x3c: {  	s0 =	sshrl.u32 s0, $0x9;
	s16 =	sadd.s32 $0x1, s1;
	s17 =	smul.u32 $0xA000, s1  }
0x3d: {  	s25 =	sadd.s32 $0xA, s25;
	s0 =	sand.u32 $0x7F, s0;
	_ =	swait.ge [sflag:s16], $0x50  }
0x3e: {  	s0 =	smul.u32 $0x3, s0;
	[sflag:s16] =	ssyncset.done $0x0;
	s17 =	sshrl.u32 s17, $0x2  }
0x3f: {  	p4 =	por p4, p0;
	[sflag:s16] =	ssyncadd.s32 $0xFFFFFFB0;
	s16 =	sor.u32 $0x4, s1  }
0x40: {  	s0 =	ssub.s32 s18, s0;
	s18 =	sshll.u32 s1, $0x7;
	_ =	swait.ge [sflag:s16], $0x2800  }
0x41: {  	s0 =	sadd.s32 $0x2, s0;
	s1 =	sadd.s32 $0x7, s1;
	[sflag:s16] =	ssyncset.done $0x0  }
0x42: {  	s31 =	sand.u32 $0xFF, s0;
	s0 =	sor.u32 $0x200, s17;
	[sflag:s16] =	ssyncadd.s32 $0xFFFFD800  }
0x43: {  	[spmem:s2] =	stream.indirect.scatter.add.f32 [tilespmem:s0], [sflag:s1], $0x80, s18, s19, $0xb8;
	[tilespmem:$0x1BA00] =	vst v63  }
.Ltmp0:
0x44: {  	s24 =	sadd.s32 $0x500, s24;
	s1 =	sadd.s32 @!p4 $0x7, s31;
	(pc) =	sbr.rel @p3 .LBB2_2-.Ltmp0, $4  }
0x45: {  	s17 =	sadd.s32 @!p0 $0x1, s31;
	s16 =	smul.u32 @!p0 $0xA000, s31;
	_ =	swait.ge @!p4 [sflag:s1], $0x2800  }
0x46: {  	s0 =	smul.u32 $0xAB, s26;
	s18 =	sshll.u32 @!p0 s31, $0x7;
	[sflag:s1] =	ssyncset.done @!p4 $0x0  }
0x47: {  	s16 =	sshrl.u32 @!p0 s16, $0x2;
	[sflag:s1] =	ssyncadd.s32 @!p4 $0xFFFFD800;
	s1 =	simm.s32 @!p0 $0x0  }
0x48: {  	[tilespmem:s18], [sflag:s17] =	stream.linear.gather @!p0 [hbm4b:s30+s1], $0x50, $0x38;
	[tilespmem:$0x1BA00] =	vst v63  }
0x49: {  	s17 =	sshrl.u32 s0, $0x9  }
0x4a: {  	s17 =	sand.u32 $0x7F, s17  }
0x4b: {  	s16 =	sor.u32 @!p0 $0x200, s16;
	s18 =	sadd.s32 @!p0 $0x4, s31;
	s17 =	smul.u32 $0x3, s17  }
0x4c: {  	[tilespmem:s16], [sflag:s18] =	stream.linear.gather @!p0 [hbm4b:s29+s1], $0x2800, $0x38;
	[tilespmem:$0x1BA00] =	vst v63  }
0x4d: {  	s18 =	sadd.s32 $0x156, s0;
	s17 =	ssub.s32 s26, s17  }
0x4e: {  	s0 =	sshrl.u32 s18, $0x9;
	s1 =	sand.u32 $0xFF, s17  }
0x4f: {  	p2 =	por p2, p2;
	s0 =	sand.u32 $0x7F, s0;
	s28 =	sadd.s32 $0x1, s1  }
0x50: {  	p0 =	por p1, p1;
	s0 =	smul.u32 $0x3, s0;
	_ =	swait.ge [sflag:s28], $0x50  }
0x51: {  	p1 =	por p2, p0;
	s29 =	smul.u32 $0xA000, s1;
	[sflag:s28] =	ssyncset.done $0x0  }
0x52: {  	s30 =	sor.u32 $0x4, s1;
	s0 =	ssub.s32 s26, s0;
	[sflag:s28] =	ssyncadd.s32 $0xFFFFFFB0  }
0x53: {  	s31 =	sshll.u32 s1, $0x7;
	s1 =	sadd.s32 $0x7, s1;
	_ =	swait.ge [sflag:s30], $0x2800  }
0x54: {  	s0 =	sadd.s32 $0x2, s0;
	s17 =	sshrl.u32 s29, $0x2;
	[sflag:s30] =	ssyncset.done $0x0  }
0x55: {  	s0 =	sand.u32 $0xFF, s0;
	s17 =	sor.u32 $0x200, s17;
	[sflag:s30] =	ssyncadd.s32 $0xFFFFD800  }
0x56: {  	[spmem:s2] =	stream.indirect.scatter.add.f32 [tilespmem:s17], [sflag:s1], $0x80, s31, s19, $0xb8;
	[tilespmem:$0x1BA00] =	vst v63  }
0x57: {  	s16 =	smul.u32 @!p0 $0xA000, s0;
	s1 =	sadd.s32 @!p1 $0x7, s0  }
0x58: {  	_ =	swait.ge @!p1 [sflag:s1], $0x2800  }
0x59: {  	s18 =	sshll.u32 @!p0 s0, $0x7;
	s16 =	sshrl.u32 @!p0 s16, $0x2;
	[sflag:s1] =	ssyncset.done @!p1 $0x0  }
0x5a: {  	s17 =	sadd.s32 @!p0 $0x1, s0;
	[sflag:s1] =	ssyncadd.s32 @!p1 $0xFFFFD800;
	s1 =	simm.s32 @!p0 $0x0  }
0x5b: {  	[tilespmem:s18], [sflag:s17] =	stream.linear.gather @!p0 [hbm4b:s25+s1], $0x50, $0x38;
	[tilespmem:$0x1BA00] =	vst v63  }
0x5c: {  	s16 =	sor.u32 @!p0 $0x200, s16;
	s0 =	sadd.s32 @!p0 $0x4, s0  }
0x5d: {  	[tilespmem:s16], [sflag:s0] =	stream.linear.gather @!p0 [hbm4b:s24+s1], $0x2800, $0x38;
	[tilespmem:$0x1BA00] =	vst v63  }
0x5e: {  	_ =	swait.ge [sflag:s20], $0x2800  }
0x5f: {  	[sflag:s20] =	ssyncset.done $0x0  }
0x60: {  	[sflag:s20] =	ssyncadd.s32 $0xFFFFD800  }
0x61: {  	_ =	swait.ge [sflag:s21], $0x2800  }
0x62: {  	[sflag:s21] =	ssyncset.done $0x0  }
0x63: {  	[sflag:s21] =	ssyncadd.s32 $0xFFFFD800  }
0x64: {  	_ =	swait.ge [sflag:s22], $0x2800  }
0x65: {  	s23 =	sadd.s32 $0x1, s23;
	[sflag:s22] =	ssyncset.done $0x0  }
0x66: {  	p0 =	sne.s32 s23, s11;
	[sflag:s22] =	ssyncadd.s32 $0xFFFFD800  }
.Ltmp1:
0x67: {  	[bflag:$0x0] =	sbarrier.arrive $0xFFFF;
	(pc) =	sbr.rel @p0 .LBB2_1-.Ltmp1, $4  }
0x68: {  	[hbm:s10], [sflag:s5] =	dma.local [spmem:s14], $0x2800  }
0x69: {  	_ =	swait.ge [sflag:s15], $0x2800  }
0x6a: {  	[sflag:s15] =	ssyncset.done $0x0  }
0x6b: {  	[sflag:s15] =	ssyncadd.s32 $0xFFFFD800  }
0x6c: {  	_ =	sfence.sel $0x180000  }
0x6d: {  	[bflag:$0x0] =	sbarrier.arrive $0xFFFF  }
0x6e: {  	_ =	strace $0x90000056  }
0x6f: {  	s0 =	stileid.u32;
	[bflag:$0x2] =	sbarrier.arrive $0xFFFF  }
0x70: {  	p0 =	sne.s32 s0, $0x0;
	s0 =	rddreg [dreg:$0x2]  }
0x71: {  	s0 =	sadd.s32 @!p0 $0x100000, s0  }
0x72: {  	[sflag:s0] =	ssyncadd.tile.s32 @!p0 $0x1;
	_ =	shalt  }
.Lfunc_end2:
_tile_overlayer_lowered:
.L_overlay_start_2:
0x73: {  	(tag) =	ssettag $0x2  }
0x74: {  	s0 =	rddreg [dreg:$0x0];
	s2 =	stileid.u32  }
0x75: {  	s1 =	rddreg [dreg:$0x1];
	p0 =	sne.s32 s2, $0x0  }
0x76: {  	s3 =	rddreg [dreg:$0x2];
	[bflag:$0x3] =	sbarrier.arrive $0xFFFF;
	s2 =	simm.s32 @!p0 $0x1C0A  }
0x77: {  	[timem:s3], [sflag:s2] =	dma.local @!p0 [hbm:s0], s1  }
0x78: {  	s0 =	simm.s32 @!p0 $0xA  }
0x79: {  	_ =	swait.ge @!p0 [sflag:s0], s1  }
0x7a: {  	s1 =	ssub.s32 @!p0 $0x0, s1;
	[sflag:s0] =	ssyncset.done @!p0 $0x0  }
0x7b: {  	[sflag:s0] =	ssyncadd.s32 @!p0 s1  }
0x7c: {  	[bflag:$0x3] =	sbarrier.arrive $0xFFFF  }
0x7d: {  	_ =	shalt  }

// kernel: kernel.25.cloned.1.call-start
scs
__scs_entry_jumppad:
0x0: {  	(pc) =	sbr.rel $0x88, $3  }
0x1: {  	(tag) =	ssettag $0x0;
	lr =	simm.s32 $0x1  }
0x2: {  	[smem:$0x3F98] =	sst lr;
	_ =	strace $0xD0000000  }
0x3: {  	_ = 	snop  }
0x4: {  	_ = 	snop  }
0x5: {  	_ = 	snop  }
0x6: {  	_ = 	snop  }
0x7: {  	_ = 	snop  }
__scs_overlays_trampoline_lowered:
0x8: {  	[smem:$0x3FA7] =	sst s0  }
0x9: {  	[smem:$0x3FA8] =	sst s1  }
0xa: {  	[smem:$0x3FA9] =	sst s2  }
0xb: {  	[smem:$0x3FAA] =	sst s3  }
0xc: {  	[smem:$0x3FAB] =	sst s4  }
0xd: {  	[smem:$0x3FAC] =	sst s5  }
0xe: {  	[smem:$0x3FAD] =	sst s6  }
0xf: {  	[smem:$0x3FAE] =	sst s7  }
0x10: {  	[smem:$0x3FAF] =	sst s8  }
0x11: {  	[smem:$0x3FB0] =	sst s9;
	s0 =	simm.s32 @!p0 $0x0  }
0x12: {  	s1 =	sld [smem:$0x3F96];
	s0 =	simm.s32 @p0 $0x1  }
0x13: {  	[smem:$0x3FB1] =	sst s0;
	s0 =	simm.s32 @!p1 $0x0  }
0x14: {  	s2 =	sld [smem:$0x3F95];
	s0 =	simm.s32 @p1 $0x1  }
0x15: {  	[smem:$0x3FB2] =	sst s0;
	s0 =	simm.s32 @!p2 $0x0  }
0x16: {  	s3 =	sld [smem:$0x3FDB];
	s0 =	simm.s32 @p2 $0x1  }
0x17: {  	s4 =	simm.s32 $0x1BF5;
	[smem:$0x3FB4] =	sst s0  }
0x18: {  	s0 =	sld [smem:$0x3F97];
	_ =	swait.ge [sflag:s4], $0x0  }
0x19: {  	s7 =	sld [smem:$0x3F98]  }
0x1a: {  	s8 =	sadd.s32 $0xFFFFE003, lr  }
0x1b: {  	s9 =	sadd.s32 $0xFFFFFEF7, lr;
	s5 =	simm.s32 $0xFFFFFFFF;
	p2 =	slt.u32 s8, $0xFFFFF086  }
0x1c: {  	p1 =	slt.u32 s9, $0xF7A;
	s5 =	simm.s32 @!p2 $0x0  }
0x1d: {  	s5 =	simm.s32 @p1 $0x1;
	p0 =	seq.s32 s7, s2  }
0x1e: {  	s7 =	smul.u32 @!p0 $0xF7A, s2;
	p2 =	seq.s32 @!p0 s5, $0x0  }
0x1f: {  	s9 =	smul.u32 $0xF7A, s1;
	s8 =	simm.s32 @!p0 $0x1BF5;
	p2 =	por !p2, p0  }
0x20: {  	[sflag:s8] =	ssyncset.s32 @!p0 $0xFFFFF086;
	s6 =	sadd.s32 @!p0 s3, s7;
	s7 =	simm.s32 @!p0 $0x108  }
0x21: {  	s3 =	sadd.s32 s3, s9;
	s6 =	sadd.s32 @!p0 $0x88, s6;
	s7 =	simm.s32 @p2 $0x1082  }
0x22: {  	[simem:s7], [sflag:s8] =	dma.local @!p0 [hbm:s6], $0xF7A  }
0x23: {  	s9 =	sor.u32 $0xD0000000, s2;
	s6 =	simm.s32 $0x108;
	_ =	swait.ge @!p0 [sflag:s8], $0x0  }
0x24: {  	s3 =	sadd.s32 $0x88, s3;
	s6 =	simm.s32 @!p1 $0x1082;
	[sflag:s4] =	ssyncset.s32 $0xFFFFF086  }
0x25: {  	[simem:s6], [sflag:s4] =	dma.local [hbm:s3], $0xF7A  }
0x26: {  	[smem:$0x3F98] =	sst s1;
	(tag) =	ssettag s2;
	_ =	strace s9  }
0x27: {  	s1 =	sld [smem:$0x3FA8]  }
0x28: {  	s2 =	sld [smem:$0x3FA9]  }
0x29: {  	s4 =	sld [smem:$0x3FAB]  }
0x2a: {  	p0 =	seq.s32 s5, $0x0;
	s5 =	sld [smem:$0x3FAC]  }
0x2b: {  	s6 =	sld [smem:$0x3FAD]  }
0x2c: {  	s7 =	sld [smem:$0x3FAE]  }
0x2d: {  	s3 =	simm.s32 $0x108;
	s8 =	sld [smem:$0x3FAF]  }
0x2e: {  	s3 =	simm.s32 @!p0 $0x1082;
	s9 =	sld [smem:$0x3FB0]  }
0x2f: {  	lr =	sadd.s32 s0, s3;
	s0 =	sld [smem:$0x3FA7]  }
0x30: {  	s3 =	sld [smem:$0x3FAA]  }
0x31: {  	[smem:$0x3FB3] =	sst s10  }
0x32: {  	s10 =	sld [smem:$0x3FB1];
	_ =	sdelay $0x3  }
0x33: {  	p0 =	seq.s32 s10, $0x1;
	s10 =	sld [smem:$0x3FB3];
	_ =	sdelay $0x3  }
0x34: {  	[smem:$0x3FB3] =	sst s10  }
0x35: {  	s10 =	sld [smem:$0x3FB2];
	_ =	sdelay $0x3  }
0x36: {  	p1 =	seq.s32 s10, $0x1;
	s10 =	sld [smem:$0x3FB3];
	_ =	sdelay $0x3  }
0x37: {  	[smem:$0x3FB3] =	sst s10  }
0x38: {  	s10 =	sld [smem:$0x3FB4]  }
0x39: {  	_ = 	snop;
	(pc) =	sbr.ind lr, $3  }
0x3a: {  	_ = 	snop  }
0x3b: {  	_ = 	snop  }
0x3c: {  	p2 =	seq.s32 s10, $0x1;
	s10 =	sld [smem:$0x3FB3]  }
0x3d: {  	_ =	shalt  }
0x3e: {  	_ =	shalt  }
0x3f: {  	_ =	shalt  }
0x40: {  	_ =	shalt  }
0x41: {  	_ =	shalt  }
0x42: {  	_ =	shalt  }
0x43: {  	_ =	shalt  }
0x44: {  	_ =	shalt  }
0x45: {  	_ =	shalt  }
0x46: {  	_ =	shalt  }
0x47: {  	_ =	shalt  }
0x48: {  	_ =	shalt  }
0x49: {  	_ =	shalt  }
0x4a: {  	_ =	shalt  }
0x4b: {  	_ =	shalt  }
0x4c: {  	_ =	shalt  }
0x4d: {  	_ =	shalt  }
0x4e: {  	_ =	shalt  }
0x4f: {  	_ =	shalt  }
0x50: {  	_ =	shalt  }
0x51: {  	_ =	shalt  }
0x52: {  	_ =	shalt  }
0x53: {  	_ =	shalt  }
0x54: {  	_ =	shalt  }
0x55: {  	_ =	shalt  }
0x56: {  	_ =	shalt  }
0x57: {  	_ =	shalt  }
0x58: {  	_ =	shalt  }
0x59: {  	_ =	shalt  }
0x5a: {  	_ =	shalt  }
0x5b: {  	_ =	shalt  }
0x5c: {  	_ =	shalt  }
0x5d: {  	_ =	shalt  }
0x5e: {  	_ =	shalt  }
0x5f: {  	_ =	shalt  }
0x60: {  	_ =	shalt  }
0x61: {  	_ =	shalt  }
0x62: {  	_ =	shalt  }
0x63: {  	_ =	shalt  }
0x64: {  	_ =	shalt  }
0x65: {  	_ =	shalt  }
0x66: {  	_ =	shalt  }
0x67: {  	_ =	shalt  }
0x68: {  	_ =	shalt  }
0x69: {  	_ =	shalt  }
0x6a: {  	_ =	shalt  }
0x6b: {  	_ =	shalt  }
0x6c: {  	_ =	shalt  }
0x6d: {  	_ =	shalt  }
0x6e: {  	_ =	shalt  }
0x6f: {  	_ =	shalt  }
0x70: {  	_ =	shalt  }
0x71: {  	_ =	shalt  }
0x72: {  	_ =	shalt  }
0x73: {  	_ =	shalt  }
0x74: {  	_ =	shalt  }
0x75: {  	_ =	shalt  }
0x76: {  	_ =	shalt  }
0x77: {  	_ =	shalt  }
0x78: {  	_ =	shalt  }
0x79: {  	_ =	shalt  }
0x7a: {  	_ =	shalt  }
0x7b: {  	_ =	shalt  }
0x7c: {  	_ =	shalt  }
0x7d: {  	_ =	shalt  }
0x7e: {  	_ =	shalt  }
0x7f: {  	_ =	shalt  }
0x80: {  	_ =	shalt  }
0x81: {  	_ =	shalt  }
0x82: {  	_ =	shalt  }
0x83: {  	_ =	shalt  }
0x84: {  	_ =	shalt  }
0x85: {  	_ =	shalt  }
0x86: {  	_ =	shalt  }
0x87: {  	_ =	shalt  }
.Lfunc_end0:
.L_simem_size_0:
called_computation.4_lowered:
.L_overlay_start_0:
0x88: {  	s2 =	sld [smem:$0x3FD9]  }
0x89: {  	s3 =	sld [smem:$0x3FFE];
	_ =	sdelay $0x1  }
0x8a: {  	s1 =	srdreg.scid  }
0x8b: {  	s0 =	sand.u32 $0x1, s1  }
0x8c: {  	s17 =	sshll.u32 s0, $0xA;
	s2 =	sadd.s32 s3, s2  }
0x8d: {  	s2 =	sadd.s32 s2, s17  }
0x8e: {  	[smem:$0x3FBF] =	sst s2  }
0x8f: {  	_ = 	snop  }
0x90: {  	(tm) =	ssettm $0x1  }
0x91: {  	s18 =	sld [smem:$0x3FFB];
	_ =	sdelay $0x3  }
0x92: {  	_ =	strace s18  }
0x93: {  	s2 =	sld [smem:$0x3FFC];
	_ =	sdelay $0x3  }
0x94: {  	_ =	strace s2  }
0x95: {  	s2 =	sld [smem:$0x3FFD];
	_ =	sdelay $0x3  }
0x96: {  	_ =	strace s2  }
0x97: {  	_ =	strace $0x8FFFFFFF  }
0x98: {  	s19 =	sld [smem:$0x3FDB];
	_ =	sdelay $0x1  }
0x99: {  	s20 =	simm.s32 $_scs_section_size  }
0x9a: {  	s4 =	simm.s32 $_size__tile_overlayer_lowered;
	s5 =	simm.s32 $_tile_overlayer_lowered  }
0x9b: {  	s6 =	simm.s32 $0x1BFF;
	s21 =	sshll.u32 s5, $0x1;
	s3 =	sadd.s32 s20, s19  }
0x9c: {  	s22 =	simm.s32 $0x0;
	s4 =	sshll.u32 s4, $0x1;
	s5 =	sadd.s32 s21, s3  }
0x9d: {  	[timem:s22], [sflag:s6] =	dma.local [hbm:s5], s4  }
0x9e: {  	_ =	swait.ge [sflag:s6], s4  }
0x9f: {  	s4 =	ssub.s32 $0x0, s4;
	[sflag:s6] =	ssyncset.done $0x0  }
0xa0: {  	[sflag:s6] =	ssyncadd.s32 s4;
	_ =	sdelay $0x1  }
0xa1: {  	s23 =	simm.s32 $0x1B8B  }
0xa2: {  	_ =	swait.ge [sflag:s23], $0x1  }
0xa3: {  	[sflag:s23] =	ssyncset.done $0x0  }
0xa4: {  	[sflag:s23] =	ssyncadd.s32 $0xFFFFFFFF  }
0xa5: {  	s4 =	sld [smem:$0x0]  }
0xa6: {  	s5 =	sand.u32 $0xFFFFFFFE, s1  }
0xa7: {  	p0 =	sne.s32 s1, s5  }
0xa8: {  	s5 =	sshll.u32 @p0 s5, $0xE  }
0xa9: {  	s5 =	sadd.s32 @p0 $0x11B8D, s5;
	s6 =	sshll.u32 @p0 s4, $0x11  }
0xaa: {  	s5 =	sor.u32 @p0 s6, s5  }
0xab: {  	[sflag:s5] =	ssyncadd.remote.s32 @p0 $0x1;
	_ =	sdelay $0x1  }
0xac: {  	s5 =	simm.s32 @p0 $0x1B8D  }
0xad: {  	_ =	swait.eq @p0 [sflag:s5], $0x1  }
0xae: {  	[sflag:s5] =	ssyncadd.s32 @p0 $0xFFFFFFFF  }
0xaf: {  	s6 =	sshll.u32 @!p0 s1, $0xE  }
0xb0: {  	s6 =	sor.u32 @!p0 $0x4000, s6;
	s5 =	simm.s32 @!p0 $0x1B8D  }
0xb1: {  	s4 =	sshll.u32 @!p0 s4, $0x11;
	s6 =	sadd.s32 @!p0 $0x11B8D, s6;
	_ =	swait.eq @!p0 [sflag:s5], $0x1  }
0xb2: {  	s4 =	sor.u32 @!p0 s4, s6;
	[sflag:s5] =	ssyncadd.s32 @!p0 $0xFFFFFFFF  }
0xb3: {  	s25 =	simm.s32 $0x1B8E;
	s24 =	sld [smem:$0x3FFE];
	[sflag:s4] =	ssyncadd.remote.s32 @!p0 $0x1  }
0xb4: {  	s26 =	simm.s32 $execute0_lowered;
	[smem:$0x3FD2] =	sst s25  }
0xb5: {  	s5 =	sshll.u32 s26, $0x1;
	_ =	strace $0x8000004F;
	[dreg:$0x1] =	wrdreg $0xFFFFFFFF  }
0xb6: {  	s28 =	simm.s32 $_size_execute0_lowered;
	s3 =	sadd.s32 s3, s5;
	[dreg:$0x0] =	wrdreg $0x0  }
0xb7: {  	s5 =	sshll.u32 s28, $0x1;
	[dreg:$0x2] =	wrdreg s3  }
0xb8: {  	[dreg:$0x3] =	wrdreg s5  }
0xb9: {  	[dreg:$0x4] =	wrdreg $0xC0  }
0xba: {  	_ =	task [dreg:s22], $0x5FFFF  }
0xbb: {  	[dreg:$0x1] =	wrdreg $0xFFFFFFFF  }
0xbc: {  	[dreg:$0x0] =	wrdreg $0x60  }
0xbd: {  	[dreg:$0x2] =	wrdreg s24  }
0xbe: {  	[dreg:$0x3] =	wrdreg $0x7A000  }
0xbf: {  	[dreg:$0x4] =	wrdreg $0xA  }
0xc0: {  	_ =	task.clear_ibuf [dreg:s22], $0x5FFFF;
	_ =	strace $0x9000004F  }
0xc1: {  	s29 =	simm.s32 $0xA;
	_ =	strace $0x80000051  }
0xc2: {  	_ =	swait.ge [sflag:s29], $0x1  }
0xc3: {  	[sflag:s29] =	ssyncadd.s32 $0xFFFFFFFF  }
0xc4: {  	_ =	strace $0x90000051  }
0xc5: {  	_ =	sfence  }
0xc6: {  	s30 =	sld [smem:$0x0];
	_ =	sdelay $0x2  }
0xc7: {  	s31 =	sshll.u32 s1, $0xD;
	s1 =	sshrl.u32 s1, $0x2  }
0xc8: {  	s4 =	sand.u32 $0x4000, s31;
	s1 =	sadd.s32 s1, s30  }
0xc9: {  	s0 =	sor.u32 s4, s0;
	s1 =	sshll.u32 s1, $0x11  }
0xca: {  	s0 =	sor.u32 s1, s0  }
0xcb: {  	s0 =	sadd.s32 $0x8F2B, s0  }
0xcc: {  	[sflag:s0] =	ssyncadd.remote.s32 $0x1  }
0xcd: {  	_ =	sfence.sel $0xFFFF  }
0xce: {  	[dreg:$0x0] =	wrdreg $0xFFFFFFFF;
	(pc) =	sbr.abs _section_cstart, $3  }
0xcf: {  	[dreg:$0x1] =	wrdreg $0xFFFFFFFF  }
0xd0: {  	_ =	task.clear_ibuf [dreg:s22], $0x2FFFF;
	_ =	strace $0x9FFFFFFF  }
0xd1: {  	(tm) =	ssettm $0x7FFFFFFF  }
tec
execute0_lowered:
.L_overlay_start_1:
0x0: {  	(tag) =	ssettag $0x1  }
0x1: {  	s0 =	rddreg [dreg:$0x0]  }
0x2: {  	s2 =	rddreg [dreg:$0x1]  }
0x3: {  	s16 =	stileid.u32;
	s1 =	srdreg.scid  }
0x4: {  	s3 =	simm.s32 $0x0;
	s19 =	simm.s32 $0x50;
	s4 =	smul.u32 $0x14000, s16  }
0x5: {  	s20 =	simm.s32 $0x7;
	s1 =	sand.u32 $0x1, s1;
	s7 =	smul.u32 $0x50000, s16  }
0x6: {  	[smem:$0x7FF] =	sst s3;
	s11 =	sadd.s32 $0x55D600, s0;
	s15 =	smul.u32 $0xF00, s16  }
0x7: {  	s13 =	sadd.s32 $0x4600, s0;
	s26 =	sshll.u32 s16, $0x6;
	s5 =	smul.u32 $0x140000, s1  }
0x8: {  	_ =	strace $0x80000050;
	s22 =	ssub.s32 $0x2, s1;
	s10 =	smul.u32 $0xF000, s1  }
0x9: {  	s8 =	sshll.u32 s1, $0x4;
	s1 =	smul.u32 $0xF0000, s1;
	s6 =	sshrl.u32 s4, $0x3  }
0xa: {  	s23 =	sshrl.u32 s22, $0x1;
	s8 =	sor.u32 s16, s8;
	s24 =	sshrl.u32 s7, $0x2  }
0xb: {  	s16 =	smul.u32 $0xF000, s16;
	s4 =	sadd.s32 s4, s5;
	s21 =	sadd.s32 s6, s0  }
0xc: {  	s12 =	ssub.s32 s22, s23;
	s25 =	smul.u32 $0xF00, s8;
	s14 =	sadd.s32 s24, s2  }
0xd: {  	s5 =	sor.u32 $0x1C0A, s26;
	s8 =	smul.u32 $0xF000, s8;
	s15 =	sadd.s32 s15, s10  }
0xe: {  	s30 =	sadd.s32 s1, s11;
	s22 =	simm.s32 $0x9;
	s23 =	simm.s32 $0x0  }
0xf: {  	s4 =	sshrl.u32 s4, $0x3;
	s31 =	sor.u32 $0xA0, s15;
	s14 =	sshrl.u32 s14, $0x3  }
0x10: {  	s15 =	simm.s32 $0xA;
	s0 =	sadd.s32 s4, s0;
	s4 =	sadd.s32 $0x33000, s21  }
0x11: {  	s28 =	sshrl.u32 s25, $0x3;
	s9 =	sor.u32 $0x50, s25;
	s7 =	sadd.s32 s11, s8  }
0x12: {  	s1 =	sshrl.u32 s31, $0x3;
	s21 =	simm.s32 $0x8;
	s6 =	sadd.s32 s13, s28  }
0x13: {  	s29 =	sshrl.u32 s9, $0x3;
	s9 =	sshll.u32 s9, $0x4;
	s10 =	sadd.s32 $0x5B000, s0  }
0x14: {  	s0 =	sadd.s32 s16, s30;
	s8 =	sadd.s32 s13, s29;
	s9 =	sadd.s32 s11, s9  }
0x15: {  	s11 =	smax.u32 s12, $0x1;
	s12 =	sadd.s32 $0xA00, s0;
	s13 =	sadd.s32 s1, s13  }
.LBB2_1:
0x16: {  	[spmem:s14], [sflag:s5] =	dma.local [hbm:s4], $0x2800  }
0x17: {  	_ =	swait.ge [sflag:s15], $0x2800  }
0x18: {  	[sflag:s15] =	ssyncset.done $0x0  }
0x19: {  	[sflag:s15] =	ssyncadd.s32 $0xFFFFD800  }
0x1a: {  	[bflag:$0x0] =	sbarrier.arrive $0xFFFF  }
0x1b: {  	[tilespmem:s3], [sflag:$0x1] =	stream.linear.gather [hbm4b:s6+s3], $0x50, $0x38;
	[tilespmem:$0x1BA00] =	vst v63  }
0x1c: {  	s0 =	simm.s32 $0x200  }
0x1d: {  	[tilespmem:s0], [sflag:$0x4] =	stream.linear.gather [hbm4b:s7+s3], $0x2800, $0x38;
	[tilespmem:$0x1BA00] =	vst v63  }
0x1e: {  	s18 =	simm.s32 $0x80;
	s24 =	smul.u32 $0xAB, s3  }
0x1f: {  	[tilespmem:s18], [sflag:$0x2] =	stream.linear.gather [hbm4b:s8+s3], $0x50, $0x38;
	[tilespmem:$0x1BA00] =	vst v63  }
0x20: {  	s1 =	simm.s32 $0x2A00;
	s25 =	sshrl.u32 s24, $0x9;
	s0 =	sadd.s32 $0x156, s24  }
0x21: {  	[tilespmem:s1], [sflag:$0x5] =	stream.linear.gather [hbm4b:s9+s3], $0x2800, $0x38;
	[tilespmem:$0x1BA00] =	vst v63  }
0x22: {  	s0 =	sshrl.u32 s0, $0x9;
	s1 =	sand.u32 $0x7F, s25  }
0x23: {  	p0 =	por $0x0, $0x0;
	s0 =	sand.u32 $0x7F, s0;
	s1 =	smul.u32 $0x3, s1  }
0x24: {  	p3 =	por $0x0, $0x0;
	s28 =	simm.s32 $0x2;
	s0 =	smul.u32 $0x3, s0  }
0x25: {  	p1 =	por @!p0 $0x1, $0x1;
	p0 =	por p0, p0;
	s1 =	ssub.s32 $0x0, s1  }
0x26: {  	p1 =	por p1, p1;
	s0 =	ssub.s32 $0x0, s0;
	s1 =	sand.u32 $0xFF, s1  }
0x27: {  	p0 =	por p0, p0;
	s0 =	sadd.s32 $0x2, s0;
	s16 =	sadd.s32 $0x1, s1  }
0x28: {  	p1 =	por p1, p0;
	s31 =	sand.u32 $0xFF, s0;
	_ =	swait.ge [sflag:s16], $0x50  }
0x29: {  	p2 =	por @!p3 $0x0, $0x0;
	s0 =	sadd.s32 @!p1 $0x7, s31;
	[sflag:s16] =	ssyncset.done $0x0  }
0x2a: {  	s24 =	smul.u32 $0xA000, s1;
	s26 =	sor.u32 $0x4, s1;
	[sflag:s16] =	ssyncadd.s32 $0xFFFFFFB0  }
0x2b: {  	s29 =	smul.u32 @!p0 $0xA000, s31;
	s25 =	sshll.u32 s1, $0x7;
	_ =	swait.ge [sflag:s26], $0x2800  }
0x2c: {  	s1 =	sadd.s32 $0x7, s1;
	s24 =	sshrl.u32 s24, $0x2;
	[sflag:s26] =	ssyncset.done $0x0  }
0x2d: {  	s30 =	sor.u32 $0x200, s24;
	s16 =	sadd.s32 @!p0 $0x1, s31;
	[sflag:s26] =	ssyncadd.s32 $0xFFFFD800  }
0x2e: {  	[spmem:s2] =	stream.indirect.scatter.add.f32 [tilespmem:s30], [sflag:s1], $0x80, s25, s19, $0xb8;
	[tilespmem:$0x1BA00] =	vst v63  }
0x2f: {  	s24 =	sshll.u32 @!p0 s31, $0x7;
	s26 =	simm.s32 $0x1;
	_ =	swait.ge @!p1 [sflag:s0], $0x2800  }
0x30: {  	s1 =	simm.s32 @!p0 $0x0;
	s25 =	sadd.s32 $0xA, s13;
	[sflag:s0] =	ssyncset.done @!p1 $0x0  }
0x31: {  	[sflag:s0] =	ssyncadd.s32 @!p1 $0xFFFFD800;
	p1 =	por p3, p3;
	s0 =	smul.u32 $0xAB, s26  }
0x32: {  	[tilespmem:s24], [sflag:s16] =	stream.linear.gather @!p0 [hbm4b:s13+s1], $0x50, $0x38;
	[tilespmem:$0x1BA00] =	vst v63  }
0x33: {  	s24 =	sadd.s32 $0x500, s12;
	s16 =	sshrl.u32 @!p0 s29, $0x2;
	s29 =	smov.u32 s12  }
.LBB2_2:
0x34: {  	p5 =	sgt.u32 s28, $0x2D  }
0x35: {  	s17 =	sshrl.u32 s0, $0x9;
	s18 =	smov.u32 s26;
	s26 =	smov.u32 s28  }
0x36: {  	s28 =	sadd.s32 $0x1, s28;
	s30 =	smov.u32 s25;
	p4 =	por p2, p2  }
0x37: {  	s16 =	sor.u32 @!p0 $0x200, s16;
	s31 =	sadd.s32 @!p0 $0x4, s31;
	s17 =	sand.u32 $0x7F, s17  }
0x38: {  	p2 =	seq.s32 @!p5 s26, $0x0;
	p3 =	sne.s32 s28, $0x30;
	s17 =	smul.u32 $0x3, s17  }
0x39: {  	[tilespmem:s16], [sflag:s31] =	stream.linear.gather @!p0 [hbm4b:s29+s1], $0x2800, $0x38;
	[tilespmem:$0x1BA00] =	vst v63  }
0x3a: {  	s29 =	smov.u32 s24;
	p0 =	por p1, p1;
	s1 =	ssub.s32 s18, s17  }
0x3b: {  	s0 =	sadd.s32 $0x156, s0;
	p1 =	por p5, p5;
	s1 =	sand.u32 $0xFF, s1  }
0x3c: {  	s0 =	sshrl.u32 s0, $0x9;
	s16 =	sadd.s32 $0x1, s1;
	s17 =	smul.u32 $0xA000, s1  }
0x3d: {  	s25 =	sadd.s32 $0xA, s25;
	s0 =	sand.u32 $0x7F, s0;
	_ =	swait.ge [sflag:s16], $0x50  }
0x3e: {  	s0 =	smul.u32 $0x3, s0;
	[sflag:s16] =	ssyncset.done $0x0;
	s17 =	sshrl.u32 s17, $0x2  }
0x3f: {  	p4 =	por p4, p0;
	[sflag:s16] =	ssyncadd.s32 $0xFFFFFFB0;
	s16 =	sor.u32 $0x4, s1  }
0x40: {  	s0 =	ssub.s32 s18, s0;
	s18 =	sshll.u32 s1, $0x7;
	_ =	swait.ge [sflag:s16], $0x2800  }
0x41: {  	s0 =	sadd.s32 $0x2, s0;
	s1 =	sadd.s32 $0x7, s1;
	[sflag:s16] =	ssyncset.done $0x0  }
0x42: {  	s31 =	sand.u32 $0xFF, s0;
	s0 =	sor.u32 $0x200, s17;
	[sflag:s16] =	ssyncadd.s32 $0xFFFFD800  }
0x43: {  	[spmem:s2] =	stream.indirect.scatter.add.f32 [tilespmem:s0], [sflag:s1], $0x80, s18, s19, $0xb8;
	[tilespmem:$0x1BA00] =	vst v63  }
.Ltmp0:
0x44: {  	s24 =	sadd.s32 $0x500, s24;
	s1 =	sadd.s32 @!p4 $0x7, s31;
	(pc) =	sbr.rel @p3 .LBB2_2-.Ltmp0, $4  }
0x45: {  	s17 =	sadd.s32 @!p0 $0x1, s31;
	s16 =	smul.u32 @!p0 $0xA000, s31;
	_ =	swait.ge @!p4 [sflag:s1], $0x2800  }
0x46: {  	s0 =	smul.u32 $0xAB, s26;
	s18 =	sshll.u32 @!p0 s31, $0x7;
	[sflag:s1] =	ssyncset.done @!p4 $0x0  }
0x47: {  	s16 =	sshrl.u32 @!p0 s16, $0x2;
	[sflag:s1] =	ssyncadd.s32 @!p4 $0xFFFFD800;
	s1 =	simm.s32 @!p0 $0x0  }
0x48: {  	[tilespmem:s18], [sflag:s17] =	stream.linear.gather @!p0 [hbm4b:s30+s1], $0x50, $0x38;
	[tilespmem:$0x1BA00] =	vst v63  }
0x49: {  	s17 =	sshrl.u32 s0, $0x9  }
0x4a: {  	s17 =	sand.u32 $0x7F, s17  }
0x4b: {  	s16 =	sor.u32 @!p0 $0x200, s16;
	s18 =	sadd.s32 @!p0 $0x4, s31;
	s17 =	smul.u32 $0x3, s17  }
0x4c: {  	[tilespmem:s16], [sflag:s18] =	stream.linear.gather @!p0 [hbm4b:s29+s1], $0x2800, $0x38;
	[tilespmem:$0x1BA00] =	vst v63  }
0x4d: {  	s18 =	sadd.s32 $0x156, s0;
	s17 =	ssub.s32 s26, s17  }
0x4e: {  	s0 =	sshrl.u32 s18, $0x9;
	s1 =	sand.u32 $0xFF, s17  }
0x4f: {  	p2 =	por p2, p2;
	s0 =	sand.u32 $0x7F, s0;
	s28 =	sadd.s32 $0x1, s1  }
0x50: {  	p0 =	por p1, p1;
	s0 =	smul.u32 $0x3, s0;
	_ =	swait.ge [sflag:s28], $0x50  }
0x51: {  	p1 =	por p2, p0;
	s29 =	smul.u32 $0xA000, s1;
	[sflag:s28] =	ssyncset.done $0x0  }
0x52: {  	s30 =	sor.u32 $0x4, s1;
	s0 =	ssub.s32 s26, s0;
	[sflag:s28] =	ssyncadd.s32 $0xFFFFFFB0  }
0x53: {  	s31 =	sshll.u32 s1, $0x7;
	s1 =	sadd.s32 $0x7, s1;
	_ =	swait.ge [sflag:s30], $0x2800  }
0x54: {  	s0 =	sadd.s32 $0x2, s0;
	s17 =	sshrl.u32 s29, $0x2;
	[sflag:s30] =	ssyncset.done $0x0  }
0x55: {  	s0 =	sand.u32 $0xFF, s0;
	s17 =	sor.u32 $0x200, s17;
	[sflag:s30] =	ssyncadd.s32 $0xFFFFD800  }
0x56: {  	[spmem:s2] =	stream.indirect.scatter.add.f32 [tilespmem:s17], [sflag:s1], $0x80, s31, s19, $0xb8;
	[tilespmem:$0x1BA00] =	vst v63  }
0x57: {  	s16 =	smul.u32 @!p0 $0xA000, s0;
	s1 =	sadd.s32 @!p1 $0x7, s0  }
0x58: {  	_ =	swait.ge @!p1 [sflag:s1], $0x2800  }
0x59: {  	s18 =	sshll.u32 @!p0 s0, $0x7;
	s16 =	sshrl.u32 @!p0 s16, $0x2;
	[sflag:s1] =	ssyncset.done @!p1 $0x0  }
0x5a: {  	s17 =	sadd.s32 @!p0 $0x1, s0;
	[sflag:s1] =	ssyncadd.s32 @!p1 $0xFFFFD800;
	s1 =	simm.s32 @!p0 $0x0  }
0x5b: {  	[tilespmem:s18], [sflag:s17] =	stream.linear.gather @!p0 [hbm4b:s25+s1], $0x50, $0x38;
	[tilespmem:$0x1BA00] =	vst v63  }
0x5c: {  	s16 =	sor.u32 @!p0 $0x200, s16;
	s0 =	sadd.s32 @!p0 $0x4, s0  }
0x5d: {  	[tilespmem:s16], [sflag:s0] =	stream.linear.gather @!p0 [hbm4b:s24+s1], $0x2800, $0x38;
	[tilespmem:$0x1BA00] =	vst v63  }
0x5e: {  	_ =	swait.ge [sflag:s20], $0x2800  }
0x5f: {  	[sflag:s20] =	ssyncset.done $0x0  }
0x60: {  	[sflag:s20] =	ssyncadd.s32 $0xFFFFD800  }
0x61: {  	_ =	swait.ge [sflag:s21], $0x2800  }
0x62: {  	[sflag:s21] =	ssyncset.done $0x0  }
0x63: {  	[sflag:s21] =	ssyncadd.s32 $0xFFFFD800  }
0x64: {  	_ =	swait.ge [sflag:s22], $0x2800  }
0x65: {  	s23 =	sadd.s32 $0x1, s23;
	[sflag:s22] =	ssyncset.done $0x0  }
0x66: {  	p0 =	sne.s32 s23, s11;
	[sflag:s22] =	ssyncadd.s32 $0xFFFFD800  }
.Ltmp1:
0x67: {  	[bflag:$0x0] =	sbarrier.arrive $0xFFFF;
	(pc) =	sbr.rel @p0 .LBB2_1-.Ltmp1, $4  }
0x68: {  	[hbm:s10], [sflag:s5] =	dma.local [spmem:s14], $0x2800  }
0x69: {  	_ =	swait.ge [sflag:s15], $0x2800  }
0x6a: {  	[sflag:s15] =	ssyncset.done $0x0  }
0x6b: {  	[sflag:s15] =	ssyncadd.s32 $0xFFFFD800  }
0x6c: {  	_ =	sfence.sel $0x180000  }
0x6d: {  	[bflag:$0x0] =	sbarrier.arrive $0xFFFF  }
0x6e: {  	_ =	strace $0x90000050  }
0x6f: {  	s0 =	stileid.u32;
	[bflag:$0x2] =	sbarrier.arrive $0xFFFF  }
0x70: {  	p0 =	sne.s32 s0, $0x0;
	s0 =	rddreg [dreg:$0x2]  }
0x71: {  	s0 =	sadd.s32 @!p0 $0x100000, s0  }
0x72: {  	[sflag:s0] =	ssyncadd.tile.s32 @!p0 $0x1;
	_ =	shalt  }
.Lfunc_end2:
_tile_overlayer_lowered:
.L_overlay_start_2:
0x73: {  	(tag) =	ssettag $0x2  }
0x74: {  	s0 =	rddreg [dreg:$0x0];
	s2 =	stileid.u32  }
0x75: {  	s1 =	rddreg [dreg:$0x1];
	p0 =	sne.s32 s2, $0x0  }
0x76: {  	s3 =	rddreg [dreg:$0x2];
	[bflag:$0x3] =	sbarrier.arrive $0xFFFF;
	s2 =	simm.s32 @!p0 $0x1C0A  }
0x77: {  	[timem:s3], [sflag:s2] =	dma.local @!p0 [hbm:s0], s1  }
0x78: {  	s0 =	simm.s32 @!p0 $0xA  }
0x79: {  	_ =	swait.ge @!p0 [sflag:s0], s1  }
0x7a: {  	s1 =	ssub.s32 @!p0 $0x0, s1;
	[sflag:s0] =	ssyncset.done @!p0 $0x0  }
0x7b: {  	[sflag:s0] =	ssyncadd.s32 @!p0 s1  }
0x7c: {  	[bflag:$0x3] =	sbarrier.arrive $0xFFFF  }
0x7d: {  	_ =	shalt  }

// kernel: kernel.28.cloned.1.call-start
scs
__scs_entry_jumppad:
0x0: {  	(pc) =	sbr.rel $0x88, $3  }
0x1: {  	(tag) =	ssettag $0x0;
	lr =	simm.s32 $0x1  }
0x2: {  	[smem:$0x3F98] =	sst lr;
	_ =	strace $0xD0000000  }
0x3: {  	_ = 	snop  }
0x4: {  	_ = 	snop  }
0x5: {  	_ = 	snop  }
0x6: {  	_ = 	snop  }
0x7: {  	_ = 	snop  }
__scs_overlays_trampoline_lowered:
0x8: {  	[smem:$0x3FA7] =	sst s0  }
0x9: {  	[smem:$0x3FA8] =	sst s1  }
0xa: {  	[smem:$0x3FA9] =	sst s2  }
0xb: {  	[smem:$0x3FAA] =	sst s3  }
0xc: {  	[smem:$0x3FAB] =	sst s4  }
0xd: {  	[smem:$0x3FAC] =	sst s5  }
0xe: {  	[smem:$0x3FAD] =	sst s6  }
0xf: {  	[smem:$0x3FAE] =	sst s7  }
0x10: {  	[smem:$0x3FAF] =	sst s8  }
0x11: {  	[smem:$0x3FB0] =	sst s9;
	s0 =	simm.s32 @!p0 $0x0  }
0x12: {  	s1 =	sld [smem:$0x3F96];
	s0 =	simm.s32 @p0 $0x1  }
0x13: {  	[smem:$0x3FB1] =	sst s0;
	s0 =	simm.s32 @!p1 $0x0  }
0x14: {  	s2 =	sld [smem:$0x3F95];
	s0 =	simm.s32 @p1 $0x1  }
0x15: {  	[smem:$0x3FB2] =	sst s0;
	s0 =	simm.s32 @!p2 $0x0  }
0x16: {  	s3 =	sld [smem:$0x3FDB];
	s0 =	simm.s32 @p2 $0x1  }
0x17: {  	s4 =	simm.s32 $0x1BF5;
	[smem:$0x3FB4] =	sst s0  }
0x18: {  	s0 =	sld [smem:$0x3F97];
	_ =	swait.ge [sflag:s4], $0x0  }
0x19: {  	s7 =	sld [smem:$0x3F98]  }
0x1a: {  	s8 =	sadd.s32 $0xFFFFE003, lr  }
0x1b: {  	s9 =	sadd.s32 $0xFFFFFEF7, lr;
	s5 =	simm.s32 $0xFFFFFFFF;
	p2 =	slt.u32 s8, $0xFFFFF086  }
0x1c: {  	p1 =	slt.u32 s9, $0xF7A;
	s5 =	simm.s32 @!p2 $0x0  }
0x1d: {  	s5 =	simm.s32 @p1 $0x1;
	p0 =	seq.s32 s7, s2  }
0x1e: {  	s7 =	smul.u32 @!p0 $0xF7A, s2;
	p2 =	seq.s32 @!p0 s5, $0x0  }
0x1f: {  	s9 =	smul.u32 $0xF7A, s1;
	s8 =	simm.s32 @!p0 $0x1BF5;
	p2 =	por !p2, p0  }
0x20: {  	[sflag:s8] =	ssyncset.s32 @!p0 $0xFFFFF086;
	s6 =	sadd.s32 @!p0 s3, s7;
	s7 =	simm.s32 @!p0 $0x108  }
0x21: {  	s3 =	sadd.s32 s3, s9;
	s6 =	sadd.s32 @!p0 $0x88, s6;
	s7 =	simm.s32 @p2 $0x1082  }
0x22: {  	[simem:s7], [sflag:s8] =	dma.local @!p0 [hbm:s6], $0xF7A  }
0x23: {  	s9 =	sor.u32 $0xD0000000, s2;
	s6 =	simm.s32 $0x108;
	_ =	swait.ge @!p0 [sflag:s8], $0x0  }
0x24: {  	s3 =	sadd.s32 $0x88, s3;
	s6 =	simm.s32 @!p1 $0x1082;
	[sflag:s4] =	ssyncset.s32 $0xFFFFF086  }
0x25: {  	[simem:s6], [sflag:s4] =	dma.local [hbm:s3], $0xF7A  }
0x26: {  	[smem:$0x3F98] =	sst s1;
	(tag) =	ssettag s2;
	_ =	strace s9  }
0x27: {  	s1 =	sld [smem:$0x3FA8]  }
0x28: {  	s2 =	sld [smem:$0x3FA9]  }
0x29: {  	s4 =	sld [smem:$0x3FAB]  }
0x2a: {  	p0 =	seq.s32 s5, $0x0;
	s5 =	sld [smem:$0x3FAC]  }
0x2b: {  	s6 =	sld [smem:$0x3FAD]  }
0x2c: {  	s7 =	sld [smem:$0x3FAE]  }
0x2d: {  	s3 =	simm.s32 $0x108;
	s8 =	sld [smem:$0x3FAF]  }
0x2e: {  	s3 =	simm.s32 @!p0 $0x1082;
	s9 =	sld [smem:$0x3FB0]  }
0x2f: {  	lr =	sadd.s32 s0, s3;
	s0 =	sld [smem:$0x3FA7]  }
0x30: {  	s3 =	sld [smem:$0x3FAA]  }
0x31: {  	[smem:$0x3FB3] =	sst s10  }
0x32: {  	s10 =	sld [smem:$0x3FB1];
	_ =	sdelay $0x3  }
0x33: {  	p0 =	seq.s32 s10, $0x1;
	s10 =	sld [smem:$0x3FB3];
	_ =	sdelay $0x3  }
0x34: {  	[smem:$0x3FB3] =	sst s10  }
0x35: {  	s10 =	sld [smem:$0x3FB2];
	_ =	sdelay $0x3  }
0x36: {  	p1 =	seq.s32 s10, $0x1;
	s10 =	sld [smem:$0x3FB3];
	_ =	sdelay $0x3  }
0x37: {  	[smem:$0x3FB3] =	sst s10  }
0x38: {  	s10 =	sld [smem:$0x3FB4]  }
0x39: {  	_ = 	snop;
	(pc) =	sbr.ind lr, $3  }
0x3a: {  	_ = 	snop  }
0x3b: {  	_ = 	snop  }
0x3c: {  	p2 =	seq.s32 s10, $0x1;
	s10 =	sld [smem:$0x3FB3]  }
0x3d: {  	_ =	shalt  }
0x3e: {  	_ =	shalt  }
0x3f: {  	_ =	shalt  }
0x40: {  	_ =	shalt  }
0x41: {  	_ =	shalt  }
0x42: {  	_ =	shalt  }
0x43: {  	_ =	shalt  }
0x44: {  	_ =	shalt  }
0x45: {  	_ =	shalt  }
0x46: {  	_ =	shalt  }
0x47: {  	_ =	shalt  }
0x48: {  	_ =	shalt  }
0x49: {  	_ =	shalt  }
0x4a: {  	_ =	shalt  }
0x4b: {  	_ =	shalt  }
0x4c: {  	_ =	shalt  }
0x4d: {  	_ =	shalt  }
0x4e: {  	_ =	shalt  }
0x4f: {  	_ =	shalt  }
0x50: {  	_ =	shalt  }
0x51: {  	_ =	shalt  }
0x52: {  	_ =	shalt  }
0x53: {  	_ =	shalt  }
0x54: {  	_ =	shalt  }
0x55: {  	_ =	shalt  }
0x56: {  	_ =	shalt  }
0x57: {  	_ =	shalt  }
0x58: {  	_ =	shalt  }
0x59: {  	_ =	shalt  }
0x5a: {  	_ =	shalt  }
0x5b: {  	_ =	shalt  }
0x5c: {  	_ =	shalt  }
0x5d: {  	_ =	shalt  }
0x5e: {  	_ =	shalt  }
0x5f: {  	_ =	shalt  }
0x60: {  	_ =	shalt  }
0x61: {  	_ =	shalt  }
0x62: {  	_ =	shalt  }
0x63: {  	_ =	shalt  }
0x64: {  	_ =	shalt  }
0x65: {  	_ =	shalt  }
0x66: {  	_ =	shalt  }
0x67: {  	_ =	shalt  }
0x68: {  	_ =	shalt  }
0x69: {  	_ =	shalt  }
0x6a: {  	_ =	shalt  }
0x6b: {  	_ =	shalt  }
0x6c: {  	_ =	shalt  }
0x6d: {  	_ =	shalt  }
0x6e: {  	_ =	shalt  }
0x6f: {  	_ =	shalt  }
0x70: {  	_ =	shalt  }
0x71: {  	_ =	shalt  }
0x72: {  	_ =	shalt  }
0x73: {  	_ =	shalt  }
0x74: {  	_ =	shalt  }
0x75: {  	_ =	shalt  }
0x76: {  	_ =	shalt  }
0x77: {  	_ =	shalt  }
0x78: {  	_ =	shalt  }
0x79: {  	_ =	shalt  }
0x7a: {  	_ =	shalt  }
0x7b: {  	_ =	shalt  }
0x7c: {  	_ =	shalt  }
0x7d: {  	_ =	shalt  }
0x7e: {  	_ =	shalt  }
0x7f: {  	_ =	shalt  }
0x80: {  	_ =	shalt  }
0x81: {  	_ =	shalt  }
0x82: {  	_ =	shalt  }
0x83: {  	_ =	shalt  }
0x84: {  	_ =	shalt  }
0x85: {  	_ =	shalt  }
0x86: {  	_ =	shalt  }
0x87: {  	_ =	shalt  }
.Lfunc_end0:
.L_simem_size_0:
called_computation.5_lowered:
.L_overlay_start_0:
0x88: {  	s2 =	sld [smem:$0x3FD9]  }
0x89: {  	s3 =	sld [smem:$0x3FFE];
	_ =	sdelay $0x1  }
0x8a: {  	s1 =	srdreg.scid  }
0x8b: {  	s0 =	sand.u32 $0x1, s1  }
0x8c: {  	s17 =	sshll.u32 s0, $0xA;
	s2 =	sadd.s32 s3, s2  }
0x8d: {  	s2 =	sadd.s32 s2, s17  }
0x8e: {  	[smem:$0x3FBF] =	sst s2  }
0x8f: {  	_ = 	snop  }
0x90: {  	(tm) =	ssettm $0x1  }
0x91: {  	s18 =	sld [smem:$0x3FFB];
	_ =	sdelay $0x3  }
0x92: {  	_ =	strace s18  }
0x93: {  	s2 =	sld [smem:$0x3FFC];
	_ =	sdelay $0x3  }
0x94: {  	_ =	strace s2  }
0x95: {  	s2 =	sld [smem:$0x3FFD];
	_ =	sdelay $0x3  }
0x96: {  	_ =	strace s2  }
0x97: {  	_ =	strace $0x8FFFFFFF  }
0x98: {  	s19 =	sld [smem:$0x3FDB];
	_ =	sdelay $0x1  }
0x99: {  	s20 =	simm.s32 $_scs_section_size  }
0x9a: {  	s4 =	simm.s32 $_size__tile_overlayer_lowered;
	s5 =	simm.s32 $_tile_overlayer_lowered  }
0x9b: {  	s6 =	simm.s32 $0x1BFF;
	s21 =	sshll.u32 s5, $0x1;
	s3 =	sadd.s32 s20, s19  }
0x9c: {  	s22 =	simm.s32 $0x0;
	s4 =	sshll.u32 s4, $0x1;
	s5 =	sadd.s32 s21, s3  }
0x9d: {  	[timem:s22], [sflag:s6] =	dma.local [hbm:s5], s4  }
0x9e: {  	_ =	swait.ge [sflag:s6], s4  }
0x9f: {  	s4 =	ssub.s32 $0x0, s4;
	[sflag:s6] =	ssyncset.done $0x0  }
0xa0: {  	[sflag:s6] =	ssyncadd.s32 s4;
	_ =	sdelay $0x1  }
0xa1: {  	s23 =	simm.s32 $0x1B8B  }
0xa2: {  	_ =	swait.ge [sflag:s23], $0x1  }
0xa3: {  	[sflag:s23] =	ssyncset.done $0x0  }
0xa4: {  	[sflag:s23] =	ssyncadd.s32 $0xFFFFFFFF  }
0xa5: {  	s4 =	sld [smem:$0x0]  }
0xa6: {  	s5 =	sand.u32 $0xFFFFFFFE, s1  }
0xa7: {  	p0 =	sne.s32 s1, s5  }
0xa8: {  	s5 =	sshll.u32 @p0 s5, $0xE  }
0xa9: {  	s5 =	sadd.s32 @p0 $0x11B8D, s5;
	s6 =	sshll.u32 @p0 s4, $0x11  }
0xaa: {  	s5 =	sor.u32 @p0 s6, s5  }
0xab: {  	[sflag:s5] =	ssyncadd.remote.s32 @p0 $0x1;
	_ =	sdelay $0x1  }
0xac: {  	s5 =	simm.s32 @p0 $0x1B8D  }
0xad: {  	_ =	swait.eq @p0 [sflag:s5], $0x1  }
0xae: {  	[sflag:s5] =	ssyncadd.s32 @p0 $0xFFFFFFFF  }
0xaf: {  	s6 =	sshll.u32 @!p0 s1, $0xE  }
0xb0: {  	s6 =	sor.u32 @!p0 $0x4000, s6;
	s5 =	simm.s32 @!p0 $0x1B8D  }
0xb1: {  	s4 =	sshll.u32 @!p0 s4, $0x11;
	s6 =	sadd.s32 @!p0 $0x11B8D, s6;
	_ =	swait.eq @!p0 [sflag:s5], $0x1  }
0xb2: {  	s4 =	sor.u32 @!p0 s4, s6;
	[sflag:s5] =	ssyncadd.s32 @!p0 $0xFFFFFFFF  }
0xb3: {  	s25 =	simm.s32 $0x1B8E;
	s24 =	sld [smem:$0x3FFE];
	[sflag:s4] =	ssyncadd.remote.s32 @!p0 $0x1  }
0xb4: {  	s26 =	simm.s32 $execute0_lowered;
	[smem:$0x3FD2] =	sst s25  }
0xb5: {  	s5 =	sshll.u32 s26, $0x1;
	_ =	strace $0x80000052;
	[dreg:$0x1] =	wrdreg $0xFFFFFFFF  }
0xb6: {  	s28 =	simm.s32 $_size_execute0_lowered;
	s3 =	sadd.s32 s3, s5;
	[dreg:$0x0] =	wrdreg $0x0  }
0xb7: {  	s5 =	sshll.u32 s28, $0x1;
	[dreg:$0x2] =	wrdreg s3  }
0xb8: {  	[dreg:$0x3] =	wrdreg s5  }
0xb9: {  	[dreg:$0x4] =	wrdreg $0xC0  }
0xba: {  	_ =	task [dreg:s22], $0x5FFFF  }
0xbb: {  	[dreg:$0x1] =	wrdreg $0xFFFFFFFF  }
0xbc: {  	[dreg:$0x0] =	wrdreg $0x60  }
0xbd: {  	[dreg:$0x2] =	wrdreg s24  }
0xbe: {  	[dreg:$0x3] =	wrdreg $0x7A000  }
0xbf: {  	[dreg:$0x4] =	wrdreg $0xB  }
0xc0: {  	_ =	task.clear_ibuf [dreg:s22], $0x5FFFF;
	_ =	strace $0x90000052  }
0xc1: {  	s29 =	simm.s32 $0xB;
	_ =	strace $0x80000054  }
0xc2: {  	_ =	swait.ge [sflag:s29], $0x1  }
0xc3: {  	[sflag:s29] =	ssyncadd.s32 $0xFFFFFFFF  }
0xc4: {  	_ =	strace $0x90000054  }
0xc5: {  	_ =	sfence  }
0xc6: {  	s30 =	sld [smem:$0x0];
	_ =	sdelay $0x2  }
0xc7: {  	s31 =	sshll.u32 s1, $0xD;
	s1 =	sshrl.u32 s1, $0x2  }
0xc8: {  	s4 =	sand.u32 $0x4000, s31;
	s1 =	sadd.s32 s1, s30  }
0xc9: {  	s0 =	sor.u32 s4, s0;
	s1 =	sshll.u32 s1, $0x11  }
0xca: {  	s0 =	sor.u32 s1, s0  }
0xcb: {  	s0 =	sadd.s32 $0x8F2B, s0  }
0xcc: {  	[sflag:s0] =	ssyncadd.remote.s32 $0x1  }
0xcd: {  	_ =	sfence.sel $0xFFFF  }
0xce: {  	[dreg:$0x0] =	wrdreg $0xFFFFFFFF;
	(pc) =	sbr.abs _section_cstart, $3  }
0xcf: {  	[dreg:$0x1] =	wrdreg $0xFFFFFFFF  }
0xd0: {  	_ =	task.clear_ibuf [dreg:s22], $0x2FFFF;
	_ =	strace $0x9FFFFFFF  }
0xd1: {  	(tm) =	ssettm $0x7FFFFFFF  }
tec
execute0_lowered:
.L_overlay_start_1:
0x0: {  	(tag) =	ssettag $0x1  }
0x1: {  	s0 =	rddreg [dreg:$0x0]  }
0x2: {  	s2 =	rddreg [dreg:$0x1]  }
0x3: {  	s16 =	stileid.u32;
	s1 =	srdreg.scid  }
0x4: {  	s3 =	simm.s32 $0x0;
	s19 =	simm.s32 $0x50;
	s4 =	smul.u32 $0x14000, s16  }
0x5: {  	s20 =	simm.s32 $0x7;
	s1 =	sand.u32 $0x1, s1;
	s7 =	smul.u32 $0x50000, s16  }
0x6: {  	[smem:$0x7FF] =	sst s3;
	s11 =	sadd.s32 $0xAB000, s0;
	s15 =	smul.u32 $0x910, s16  }
0x7: {  	s13 =	sadd.s32 $0x213000, s0;
	s26 =	sshll.u32 s16, $0x6;
	s5 =	smul.u32 $0x140000, s1  }
0x8: {  	_ =	strace $0x80000053;
	s22 =	ssub.s32 $0x2, s1;
	s10 =	smul.u32 $0x9100, s1  }
0x9: {  	s8 =	sshll.u32 s1, $0x4;
	s1 =	smul.u32 $0x91000, s1;
	s6 =	sshrl.u32 s4, $0x3  }
0xa: {  	s23 =	sshrl.u32 s22, $0x1;
	s8 =	sor.u32 s16, s8;
	s24 =	sshrl.u32 s7, $0x2  }
0xb: {  	s16 =	smul.u32 $0x9100, s16;
	s4 =	sadd.s32 s4, s5;
	s21 =	sadd.s32 s6, s0  }
0xc: {  	s12 =	ssub.s32 s22, s23;
	s25 =	smul.u32 $0x910, s8;
	s14 =	sadd.s32 s24, s2  }
0xd: {  	s5 =	sor.u32 $0x1C0A, s26;
	s8 =	smul.u32 $0x9100, s8;
	s15 =	sadd.s32 s15, s10  }
0xe: {  	s30 =	sadd.s32 s1, s11;
	s22 =	simm.s32 $0x9;
	s23 =	simm.s32 $0x0  }
0xf: {  	s4 =	sshrl.u32 s4, $0x3;
	s31 =	sadd.s32 $0xA0, s15;
	s14 =	sshrl.u32 s14, $0x3  }
0x10: {  	s15 =	simm.s32 $0xA;
	s0 =	sadd.s32 s4, s0;
	s4 =	sadd.s32 $0x33000, s21  }
0x11: {  	s28 =	sshrl.u32 s25, $0x3;
	s9 =	sadd.s32 $0x50, s25;
	s7 =	sadd.s32 s11, s8  }
0x12: {  	s1 =	sshrl.u32 s31, $0x3;
	s21 =	simm.s32 $0x8;
	s6 =	sadd.s32 s13, s28  }
0x13: {  	s29 =	sshrl.u32 s9, $0x3;
	s9 =	sshll.u32 s9, $0x4;
	s10 =	sadd.s32 $0x215600, s0  }
0x14: {  	s0 =	sadd.s32 s16, s30;
	s8 =	sadd.s32 s13, s29;
	s9 =	sadd.s32 s11, s9  }
0x15: {  	s11 =	smax.u32 s12, $0x1;
	s12 =	sadd.s32 $0xA00, s0;
	s13 =	sadd.s32 s1, s13  }
.LBB2_1:
0x16: {  	[spmem:s14], [sflag:s5] =	dma.local [hbm:s4], $0x2800  }
0x17: {  	_ =	swait.ge [sflag:s15], $0x2800  }
0x18: {  	[sflag:s15] =	ssyncset.done $0x0  }
0x19: {  	[sflag:s15] =	ssyncadd.s32 $0xFFFFD800  }
0x1a: {  	[bflag:$0x0] =	sbarrier.arrive $0xFFFF  }
0x1b: {  	[tilespmem:s3], [sflag:$0x1] =	stream.linear.gather [hbm4b:s6+s3], $0x50, $0x38;
	[tilespmem:$0x1BA00] =	vst v63  }
0x1c: {  	s0 =	simm.s32 $0x200  }
0x1d: {  	[tilespmem:s0], [sflag:$0x4] =	stream.linear.gather [hbm4b:s7+s3], $0x2800, $0x38;
	[tilespmem:$0x1BA00] =	vst v63  }
0x1e: {  	s18 =	simm.s32 $0x80;
	s24 =	smul.u32 $0xAB, s3  }
0x1f: {  	[tilespmem:s18], [sflag:$0x2] =	stream.linear.gather [hbm4b:s8+s3], $0x50, $0x38;
	[tilespmem:$0x1BA00] =	vst v63  }
0x20: {  	s1 =	simm.s32 $0x2A00;
	s25 =	sshrl.u32 s24, $0x9;
	s0 =	sadd.s32 $0x156, s24  }
0x21: {  	[tilespmem:s1], [sflag:$0x5] =	stream.linear.gather [hbm4b:s9+s3], $0x2800, $0x38;
	[tilespmem:$0x1BA00] =	vst v63  }
0x22: {  	s0 =	sshrl.u32 s0, $0x9;
	s1 =	sand.u32 $0x7F, s25  }
0x23: {  	p0 =	por $0x0, $0x0;
	s0 =	sand.u32 $0x7F, s0;
	s1 =	smul.u32 $0x3, s1  }
0x24: {  	p3 =	por $0x0, $0x0;
	s28 =	simm.s32 $0x2;
	s0 =	smul.u32 $0x3, s0  }
0x25: {  	p1 =	por @!p0 $0x1, $0x1;
	p0 =	por p0, p0;
	s1 =	ssub.s32 $0x0, s1  }
0x26: {  	p1 =	por p1, p1;
	s0 =	ssub.s32 $0x0, s0;
	s1 =	sand.u32 $0xFF, s1  }
0x27: {  	p0 =	por p0, p0;
	s0 =	sadd.s32 $0x2, s0;
	s16 =	sadd.s32 $0x1, s1  }
0x28: {  	p1 =	por p1, p0;
	s31 =	sand.u32 $0xFF, s0;
	_ =	swait.ge [sflag:s16], $0x50  }
0x29: {  	p2 =	por @!p3 $0x0, $0x0;
	s0 =	sadd.s32 @!p1 $0x7, s31;
	[sflag:s16] =	ssyncset.done $0x0  }
0x2a: {  	s24 =	smul.u32 $0xA000, s1;
	s26 =	sor.u32 $0x4, s1;
	[sflag:s16] =	ssyncadd.s32 $0xFFFFFFB0  }
0x2b: {  	s29 =	smul.u32 @!p0 $0xA000, s31;
	s25 =	sshll.u32 s1, $0x7;
	_ =	swait.ge [sflag:s26], $0x2800  }
0x2c: {  	s1 =	sadd.s32 $0x7, s1;
	s24 =	sshrl.u32 s24, $0x2;
	[sflag:s26] =	ssyncset.done $0x0  }
0x2d: {  	s30 =	sor.u32 $0x200, s24;
	s16 =	sadd.s32 @!p0 $0x1, s31;
	[sflag:s26] =	ssyncadd.s32 $0xFFFFD800  }
0x2e: {  	[spmem:s2] =	stream.indirect.scatter.add.f32 [tilespmem:s30], [sflag:s1], $0x80, s25, s19, $0xb8;
	[tilespmem:$0x1BA00] =	vst v63  }
0x2f: {  	s24 =	sshll.u32 @!p0 s31, $0x7;
	s26 =	simm.s32 $0x1;
	_ =	swait.ge @!p1 [sflag:s0], $0x2800  }
0x30: {  	s1 =	simm.s32 @!p0 $0x0;
	s25 =	sadd.s32 $0xA, s13;
	[sflag:s0] =	ssyncset.done @!p1 $0x0  }
0x31: {  	[sflag:s0] =	ssyncadd.s32 @!p1 $0xFFFFD800;
	p1 =	por p3, p3;
	s0 =	smul.u32 $0xAB, s26  }
0x32: {  	[tilespmem:s24], [sflag:s16] =	stream.linear.gather @!p0 [hbm4b:s13+s1], $0x50, $0x38;
	[tilespmem:$0x1BA00] =	vst v63  }
0x33: {  	s24 =	sadd.s32 $0x500, s12;
	s16 =	sshrl.u32 @!p0 s29, $0x2;
	s29 =	smov.u32 s12  }
.LBB2_2:
0x34: {  	p5 =	sgt.u32 s28, $0x1A  }
0x35: {  	s17 =	sshrl.u32 s0, $0x9;
	s18 =	smov.u32 s26;
	s26 =	smov.u32 s28  }
0x36: {  	s28 =	sadd.s32 $0x1, s28;
	s30 =	smov.u32 s25;
	p4 =	por p2, p2  }
0x37: {  	s16 =	sor.u32 @!p0 $0x200, s16;
	s31 =	sadd.s32 @!p0 $0x4, s31;
	s17 =	sand.u32 $0x7F, s17  }
0x38: {  	p2 =	seq.s32 @!p5 s26, $0x0;
	p3 =	sne.s32 s28, $0x1D;
	s17 =	smul.u32 $0x3, s17  }
0x39: {  	[tilespmem:s16], [sflag:s31] =	stream.linear.gather @!p0 [hbm4b:s29+s1], $0x2800, $0x38;
	[tilespmem:$0x1BA00] =	vst v63  }
0x3a: {  	s29 =	smov.u32 s24;
	p0 =	por p1, p1;
	s1 =	ssub.s32 s18, s17  }
0x3b: {  	s0 =	sadd.s32 $0x156, s0;
	p1 =	por p5, p5;
	s1 =	sand.u32 $0xFF, s1  }
0x3c: {  	s0 =	sshrl.u32 s0, $0x9;
	s16 =	sadd.s32 $0x1, s1;
	s17 =	smul.u32 $0xA000, s1  }
0x3d: {  	s25 =	sadd.s32 $0xA, s25;
	s0 =	sand.u32 $0x7F, s0;
	_ =	swait.ge [sflag:s16], $0x50  }
0x3e: {  	s0 =	smul.u32 $0x3, s0;
	[sflag:s16] =	ssyncset.done $0x0;
	s17 =	sshrl.u32 s17, $0x2  }
0x3f: {  	p4 =	por p4, p0;
	[sflag:s16] =	ssyncadd.s32 $0xFFFFFFB0;
	s16 =	sor.u32 $0x4, s1  }
0x40: {  	s0 =	ssub.s32 s18, s0;
	s18 =	sshll.u32 s1, $0x7;
	_ =	swait.ge [sflag:s16], $0x2800  }
0x41: {  	s0 =	sadd.s32 $0x2, s0;
	s1 =	sadd.s32 $0x7, s1;
	[sflag:s16] =	ssyncset.done $0x0  }
0x42: {  	s31 =	sand.u32 $0xFF, s0;
	s0 =	sor.u32 $0x200, s17;
	[sflag:s16] =	ssyncadd.s32 $0xFFFFD800  }
0x43: {  	[spmem:s2] =	stream.indirect.scatter.add.f32 [tilespmem:s0], [sflag:s1], $0x80, s18, s19, $0xb8;
	[tilespmem:$0x1BA00] =	vst v63  }
.Ltmp0:
0x44: {  	s24 =	sadd.s32 $0x500, s24;
	s1 =	sadd.s32 @!p4 $0x7, s31;
	(pc) =	sbr.rel @p3 .LBB2_2-.Ltmp0, $4  }
0x45: {  	s17 =	sadd.s32 @!p0 $0x1, s31;
	s16 =	smul.u32 @!p0 $0xA000, s31;
	_ =	swait.ge @!p4 [sflag:s1], $0x2800  }
0x46: {  	s0 =	smul.u32 $0xAB, s26;
	s18 =	sshll.u32 @!p0 s31, $0x7;
	[sflag:s1] =	ssyncset.done @!p4 $0x0  }
0x47: {  	s16 =	sshrl.u32 @!p0 s16, $0x2;
	[sflag:s1] =	ssyncadd.s32 @!p4 $0xFFFFD800;
	s1 =	simm.s32 @!p0 $0x0  }
0x48: {  	[tilespmem:s18], [sflag:s17] =	stream.linear.gather @!p0 [hbm4b:s30+s1], $0x50, $0x38;
	[tilespmem:$0x1BA00] =	vst v63  }
0x49: {  	s17 =	sshrl.u32 s0, $0x9  }
0x4a: {  	s17 =	sand.u32 $0x7F, s17  }
0x4b: {  	s16 =	sor.u32 @!p0 $0x200, s16;
	s18 =	sadd.s32 @!p0 $0x4, s31;
	s17 =	smul.u32 $0x3, s17  }
0x4c: {  	[tilespmem:s16], [sflag:s18] =	stream.linear.gather @!p0 [hbm4b:s29+s1], $0x2800, $0x38;
	[tilespmem:$0x1BA00] =	vst v63  }
0x4d: {  	s18 =	sadd.s32 $0x156, s0;
	s17 =	ssub.s32 s26, s17  }
0x4e: {  	s0 =	sshrl.u32 s18, $0x9;
	s1 =	sand.u32 $0xFF, s17  }
0x4f: {  	p2 =	por p2, p2;
	s0 =	sand.u32 $0x7F, s0;
	s28 =	sadd.s32 $0x1, s1  }
0x50: {  	p0 =	por p1, p1;
	s0 =	smul.u32 $0x3, s0;
	_ =	swait.ge [sflag:s28], $0x50  }
0x51: {  	p1 =	por p2, p0;
	s29 =	smul.u32 $0xA000, s1;
	[sflag:s28] =	ssyncset.done $0x0  }
0x52: {  	s30 =	sor.u32 $0x4, s1;
	s0 =	ssub.s32 s26, s0;
	[sflag:s28] =	ssyncadd.s32 $0xFFFFFFB0  }
0x53: {  	s31 =	sshll.u32 s1, $0x7;
	s1 =	sadd.s32 $0x7, s1;
	_ =	swait.ge [sflag:s30], $0x2800  }
0x54: {  	s0 =	sadd.s32 $0x2, s0;
	s17 =	sshrl.u32 s29, $0x2;
	[sflag:s30] =	ssyncset.done $0x0  }
0x55: {  	s0 =	sand.u32 $0xFF, s0;
	s17 =	sor.u32 $0x200, s17;
	[sflag:s30] =	ssyncadd.s32 $0xFFFFD800  }
0x56: {  	[spmem:s2] =	stream.indirect.scatter.add.f32 [tilespmem:s17], [sflag:s1], $0x80, s31, s19, $0xb8;
	[tilespmem:$0x1BA00] =	vst v63  }
0x57: {  	s16 =	smul.u32 @!p0 $0xA000, s0;
	s1 =	sadd.s32 @!p1 $0x7, s0  }
0x58: {  	_ =	swait.ge @!p1 [sflag:s1], $0x2800  }
0x59: {  	s18 =	sshll.u32 @!p0 s0, $0x7;
	s16 =	sshrl.u32 @!p0 s16, $0x2;
	[sflag:s1] =	ssyncset.done @!p1 $0x0  }
0x5a: {  	s17 =	sadd.s32 @!p0 $0x1, s0;
	[sflag:s1] =	ssyncadd.s32 @!p1 $0xFFFFD800;
	s1 =	simm.s32 @!p0 $0x0  }
0x5b: {  	[tilespmem:s18], [sflag:s17] =	stream.linear.gather @!p0 [hbm4b:s25+s1], $0x50, $0x38;
	[tilespmem:$0x1BA00] =	vst v63  }
0x5c: {  	s16 =	sor.u32 @!p0 $0x200, s16;
	s0 =	sadd.s32 @!p0 $0x4, s0  }
0x5d: {  	[tilespmem:s16], [sflag:s0] =	stream.linear.gather @!p0 [hbm4b:s24+s1], $0x2800, $0x38;
	[tilespmem:$0x1BA00] =	vst v63  }
0x5e: {  	_ =	swait.ge [sflag:s20], $0x2800  }
0x5f: {  	[sflag:s20] =	ssyncset.done $0x0  }
0x60: {  	[sflag:s20] =	ssyncadd.s32 $0xFFFFD800  }
0x61: {  	_ =	swait.ge [sflag:s21], $0x2800  }
0x62: {  	[sflag:s21] =	ssyncset.done $0x0  }
0x63: {  	[sflag:s21] =	ssyncadd.s32 $0xFFFFD800  }
0x64: {  	_ =	swait.ge [sflag:s22], $0x2800  }
0x65: {  	s23 =	sadd.s32 $0x1, s23;
	[sflag:s22] =	ssyncset.done $0x0  }
0x66: {  	p0 =	sne.s32 s23, s11;
	[sflag:s22] =	ssyncadd.s32 $0xFFFFD800  }
.Ltmp1:
0x67: {  	[bflag:$0x0] =	sbarrier.arrive $0xFFFF;
	(pc) =	sbr.rel @p0 .LBB2_1-.Ltmp1, $4  }
0x68: {  	[hbm:s10], [sflag:s5] =	dma.local [spmem:s14], $0x2800  }
0x69: {  	_ =	swait.ge [sflag:s15], $0x2800  }
0x6a: {  	[sflag:s15] =	ssyncset.done $0x0  }
0x6b: {  	[sflag:s15] =	ssyncadd.s32 $0xFFFFD800  }
0x6c: {  	_ =	sfence.sel $0x180000  }
0x6d: {  	[bflag:$0x0] =	sbarrier.arrive $0xFFFF  }
0x6e: {  	_ =	strace $0x90000053  }
0x6f: {  	s0 =	stileid.u32;
	[bflag:$0x2] =	sbarrier.arrive $0xFFFF  }
0x70: {  	p0 =	sne.s32 s0, $0x0;
	s0 =	rddreg [dreg:$0x2]  }
0x71: {  	s0 =	sadd.s32 @!p0 $0x100000, s0  }
0x72: {  	[sflag:s0] =	ssyncadd.tile.s32 @!p0 $0x1;
	_ =	shalt  }
.Lfunc_end2:
_tile_overlayer_lowered:
.L_overlay_start_2:
0x73: {  	(tag) =	ssettag $0x2  }
0x74: {  	s0 =	rddreg [dreg:$0x0];
	s2 =	stileid.u32  }
0x75: {  	s1 =	rddreg [dreg:$0x1];
	p0 =	sne.s32 s2, $0x0  }
0x76: {  	s3 =	rddreg [dreg:$0x2];
	[bflag:$0x3] =	sbarrier.arrive $0xFFFF;
	s2 =	simm.s32 @!p0 $0x1C0A  }
0x77: {  	[timem:s3], [sflag:s2] =	dma.local @!p0 [hbm:s0], s1  }
0x78: {  	s0 =	simm.s32 @!p0 $0xA  }
0x79: {  	_ =	swait.ge @!p0 [sflag:s0], s1  }
0x7a: {  	s1 =	ssub.s32 @!p0 $0x0, s1;
	[sflag:s0] =	ssyncset.done @!p0 $0x0  }
0x7b: {  	[sflag:s0] =	ssyncadd.s32 @!p0 s1  }
0x7c: {  	[bflag:$0x3] =	sbarrier.arrive $0xFFFF  }
0x7d: {  	_ =	shalt  }

</sc_bundles>
